<compile_context>
chip_gen: v7x
topology: tpu7x:2x2x1
jax: 0.10.2.dev20260603
libtpu: 0.0.44.dev20260713+nightly
codegen_flags: <defaults>
</compile_context>

<pallas_src>
import functools

import jax
import jax.numpy as jnp
from jax import lax
from jax.experimental import pallas as pl
from jax.experimental.pallas import tpu as pltpu
from jax.experimental.pallas import tpu_sc as plsc

DIM = 1024
INTER = 512
SHARED_INTER = 2048
NUM_EXPERTS = 64
T = 32
N_SHARED_CHUNKS = SHARED_INTER // INTER
NBUF = 4
LOOKAHEAD = 3
VLEN = 2 * NUM_EXPERTS
GCHUNK = 256


def _vmax16(v):
    m = v[0]
    for j in range(1, 16):
        m = jnp.maximum(m, v[j])
    return m


def _vmin16(v):
    m = v[0]
    for j in range(1, 16):
        m = jnp.minimum(m, v[j])
    return m


def _sc_router(gate_t_hbm, x_hbm, coef_hbm, gbuf, xbuf, cbuf):
    cid = lax.axis_index("c")
    sid = lax.axis_index("s")
    wid = sid * 2 + cid
    pltpu.sync_copy(x_hbm.at[wid], xbuf)

    z = jnp.zeros((16,), jnp.float32)
    scores = (z, z, z, z)
    for r in range(DIM // GCHUNK):
        pltpu.sync_copy(gate_t_hbm.at[pl.ds(r * GCHUNK, GCHUNK)], gbuf)

        def k_step(kk, accs, r=r):
            xv = xbuf[pl.ds(r * GCHUNK + 16 * kk, 16)]
            a = list(accs)
            for j in range(16):
                xj = xv[j]
                row = 16 * kk + j
                for c in range(4):
                    a[c] = a[c] + xj * gbuf[row, pl.ds(16 * c, 16)]
            return tuple(a)

        scores = lax.fori_loop(0, GCHUNK // 16, k_step, scores)

    idx = [lax.iota(jnp.int32, 16) + 16 * c for c in range(4)]
    m1 = _vmax16(jnp.maximum(jnp.maximum(scores[0], scores[1]),
                             jnp.maximum(scores[2], scores[3])))
    a1 = _vmin16(jnp.minimum(
        jnp.minimum(jnp.where(scores[0] == m1, idx[0], NUM_EXPERTS),
                    jnp.where(scores[1] == m1, idx[1], NUM_EXPERTS)),
        jnp.minimum(jnp.where(scores[2] == m1, idx[2], NUM_EXPERTS),
                    jnp.where(scores[3] == m1, idx[3], NUM_EXPERTS))))
    masked = [jnp.where(idx[c] == a1, jnp.float32(-jnp.inf), scores[c])
              for c in range(4)]
    m2 = _vmax16(jnp.maximum(jnp.maximum(masked[0], masked[1]),
                             jnp.maximum(masked[2], masked[3])))
    a2 = _vmin16(jnp.minimum(
        jnp.minimum(jnp.where(masked[0] == m2, idx[0], NUM_EXPERTS),
                    jnp.where(masked[1] == m2, idx[1], NUM_EXPERTS)),
        jnp.minimum(jnp.where(masked[2] == m2, idx[2], NUM_EXPERTS),
                    jnp.where(masked[3] == m2, idx[3], NUM_EXPERTS))))
    cbuf[pl.ds(0, 16)] = z + (m2 - m1)
    e2v = jnp.exp(cbuf[pl.ds(0, 16)])
    denom = 1.0 + e2v
    s1v = (1.0 + z) / denom
    s2v = e2v / denom
    for c in range(4):
        cbuf[pl.ds(16 * c, 16)] = (jnp.where(idx[c] == a1, s1v, z)
                                   + jnp.where(idx[c] == a2, s2v, z))
    pltpu.sync_copy(cbuf, coef_hbm.at[wid])



def _shared_body(x_ref, sg_ref, su_ref, sd_ref, out_ref):
    i = pl.program_id(0)

    @pl.when(i == 0)
    def _init():
        out_ref[...] = jnp.zeros_like(out_ref)

    xb = x_ref[...].astype(jnp.bfloat16)
    hg = jnp.dot(xb, sg_ref[...].astype(jnp.bfloat16).T,
                 preferred_element_type=jnp.float32)
    hu = jnp.dot(xb, su_ref[...].astype(jnp.bfloat16).T,
                 preferred_element_type=jnp.float32)
    h = (hg * jax.lax.logistic(hg) * hu).astype(jnp.bfloat16)
    out_ref[...] += jax.lax.dot_general(
        h, sd_ref[...].astype(jnp.bfloat16), (((1,), (1,)), ((), ())),
        preferred_element_type=jnp.float32)


def _expert_body(x_ref, coef_ref, shared_ref, w1_hbm, w3_hbm, w2_hbm,
                 out_ref, xb_ref, visv_ref, viss_ref, w1b, w3b, w2b,
                 sems, sem_vs):
    def issue(j, slot):
        e = viss_ref[0, j]
        pltpu.make_async_copy(w1_hbm.at[e], w1b.at[slot],
                              sems.at[slot, 0]).start()
        pltpu.make_async_copy(w3_hbm.at[e], w3b.at[slot],
                              sems.at[slot, 1]).start()
        pltpu.make_async_copy(w2_hbm.at[e], w2b.at[slot],
                              sems.at[slot, 2]).start()

    coef = coef_ref[...]
    out_ref[...] = shared_ref[...]
    xb_ref[...] = x_ref[...].astype(jnp.bfloat16)

    act_row = (jnp.max(coef, axis=0, keepdims=True) > 0.0
               ).astype(jnp.float32)
    r64 = jax.lax.broadcasted_iota(jnp.int32, (NUM_EXPERTS, NUM_EXPERTS), 0)
    c64 = jax.lax.broadcasted_iota(jnp.int32, (NUM_EXPERTS, NUM_EXPERTS), 1)
    ident = (r64 == c64).astype(jnp.float32)
    act_col = jax.lax.dot_general(
        ident, act_row, (((1,), (1,)), ((), ())),
        preferred_element_type=jnp.float32)
    j_ge_e = (r64 >= c64).astype(jnp.float32)
    pos_col = jnp.dot(j_ge_e, act_col, preferred_element_type=jnp.float32)
    n_active = jnp.max(pos_col)
    rw = jax.lax.broadcasted_iota(jnp.int32, (NUM_EXPERTS, VLEN), 0)
    cw = jax.lax.broadcasted_iota(jnp.int32, (NUM_EXPERTS, VLEN), 1)
    slot_hit = (pos_col - 1.0) == cw.astype(jnp.float32)
    visit_raw = jnp.sum(rw.astype(jnp.float32) * act_col * slot_hit,
                        axis=0, keepdims=True)
    e_col = jax.lax.broadcasted_iota(
        jnp.int32, (NUM_EXPERTS, 1), 0).astype(jnp.float32)
    last_active = jnp.max(e_col * act_col)
    j_row = jax.lax.broadcasted_iota(jnp.int32, (1, VLEN), 1)
    vis = jnp.where(j_row.astype(jnp.float32) < n_active, visit_raw,
                    last_active)
    vis = jnp.where(j_row == NUM_EXPERTS, n_active, vis)
    visv_ref[...] = vis.astype(jnp.int32)
    cp = pltpu.make_async_copy(visv_ref, viss_ref, sem_vs)
    cp.start()
    cp.wait()
    issue(0, 0)
    issue(1, 1)
    n_act = viss_ref[0, NUM_EXPERTS]

    @pl.when(n_act > 2)
    def _issue2():
        issue(2, 2)

    xb = xb_ref[...]

    def loop(j, carry):
        slot = jax.lax.rem(j, NBUF)
        e = viss_ref[0, j]
        pltpu.make_async_copy(w1_hbm.at[e], w1b.at[slot],
                              sems.at[slot, 0]).wait()

        @pl.when(j + LOOKAHEAD < n_act)
        def _prefetch():
            issue(j + LOOKAHEAD, jax.lax.rem(j + LOOKAHEAD, NBUF))

        h1 = jnp.dot(xb, w1b[slot].astype(jnp.bfloat16).T,
                     preferred_element_type=jnp.float32)
        pltpu.make_async_copy(w3_hbm.at[e], w3b.at[slot],
                              sems.at[slot, 1]).wait()
        h3 = jnp.dot(xb, w3b[slot].astype(jnp.bfloat16).T,
                     preferred_element_type=jnp.float32)
        pltpu.make_async_copy(w2_hbm.at[e], w2b.at[slot],
                              sems.at[slot, 2]).wait()
        g = h1 * jax.lax.logistic(h1) * h3
        e_ids = jax.lax.broadcasted_iota(jnp.int32, (T, NUM_EXPERTS), 1)
        c = jnp.sum(jnp.where(e_ids == e, coef_ref[...], 0.0), axis=1,
                    keepdims=True)
        out_ref[...] += jnp.dot((g * c).astype(jnp.bfloat16),
                                w2b[slot].astype(jnp.bfloat16),
                                preferred_element_type=jnp.float32)
        return carry

    jax.lax.fori_loop(0, n_act, loop, 0)


@jax.jit
def kernel(x, gate_w, w1, w2, w3, shared_gate_w, shared_up_w, shared_down_w):
    orig_shape = x.shape
    x_flat = x.reshape(-1, DIM)
    gate_t = gate_w.T

    mesh = plsc.VectorSubcoreMesh(core_axis_name="c", subcore_axis_name="s")
    coef = pl.kernel(
        _sc_router,
        out_type=jax.ShapeDtypeStruct((T, NUM_EXPERTS), jnp.float32),
        mesh=mesh,
        scratch_types=[
            pltpu.VMEM((GCHUNK, NUM_EXPERTS), jnp.float32),
            pltpu.VMEM((DIM,), jnp.float32),
            pltpu.VMEM((NUM_EXPERTS,), jnp.float32),
        ],
    )(gate_t, x_flat)

    shared_out = pl.pallas_call(
        _shared_body,
        grid=(N_SHARED_CHUNKS,),
        in_specs=[
            pl.BlockSpec((T, DIM), lambda i: (0, 0)),
            pl.BlockSpec((INTER, DIM), lambda i: (i, 0)),
            pl.BlockSpec((INTER, DIM), lambda i: (i, 0)),
            pl.BlockSpec((DIM, INTER), lambda i: (0, i)),
        ],
        out_specs=pl.BlockSpec((T, DIM), lambda i: (0, 0)),
        out_shape=jax.ShapeDtypeStruct((T, DIM), jnp.float32),
        compiler_params=pltpu.CompilerParams(
            dimension_semantics=("arbitrary",)),
    )(x_flat, shared_gate_w, shared_up_w, shared_down_w)

    out = pl.pallas_call(
        _expert_body,
        in_specs=[
            pl.BlockSpec((T, DIM), lambda: (0, 0)),
            pl.BlockSpec((T, NUM_EXPERTS), lambda: (0, 0)),
            pl.BlockSpec((T, DIM), lambda: (0, 0)),
            pl.BlockSpec(memory_space=pl.ANY),
            pl.BlockSpec(memory_space=pl.ANY),
            pl.BlockSpec(memory_space=pl.ANY),
        ],
        out_specs=pl.BlockSpec((T, DIM), lambda: (0, 0)),
        out_shape=jax.ShapeDtypeStruct((T, DIM), jnp.float32),
        scratch_shapes=[
            pltpu.VMEM((T, DIM), jnp.bfloat16),
            pltpu.VMEM((1, VLEN), jnp.int32),
            pltpu.SMEM((1, VLEN), jnp.int32),
            pltpu.VMEM((NBUF, INTER, DIM), jnp.float32),
            pltpu.VMEM((NBUF, INTER, DIM), jnp.float32),
            pltpu.VMEM((NBUF, INTER, DIM), jnp.float32),
            pltpu.SemaphoreType.DMA((NBUF, 3)),
            pltpu.SemaphoreType.DMA,
        ],
    )(x_flat, coef, shared_out, w1, w3, w2)

    return out.reshape(orig_shape)

# --- scband reference (transcript-rebuilt; emitter-appended) ---
"""Pipeline reference for scband-granite-mo-efeed-forward-67774583931210 (READ-ONLY COPY).

The authoritative reference and input builder live on the scoring server;
editing this copy changes nothing except your own understanding.
"""

import jax, jax.numpy as jnp
import numpy as np

DIM = 1024
INTER = 512
SHARED_INTER = 2048
NUM_EXPERTS = 64
TOP_K = 2


def setup_inputs(seed: int = 0) -> dict:
    key = jax.random.key(seed)
    ks = jax.random.split(key, 8)
    x = jax.random.normal(ks[0], (32, 1, DIM), dtype=jnp.float32)
    gate_w = jax.random.normal(ks[1], (NUM_EXPERTS, DIM), dtype=jnp.float32) * 0.02
    w1 = jax.random.normal(ks[2], (NUM_EXPERTS, INTER, DIM), dtype=jnp.float32) * 0.02
    w2 = jax.random.normal(ks[3], (NUM_EXPERTS, INTER, DIM), dtype=jnp.float32) * 0.02
    w3 = jax.random.normal(ks[4], (NUM_EXPERTS, INTER, DIM), dtype=jnp.float32) * 0.02
    shared_gate_w = jax.random.normal(ks[5], (SHARED_INTER, DIM), dtype=jnp.float32) * 0.02
    shared_up_w = jax.random.normal(ks[6], (SHARED_INTER, DIM), dtype=jnp.float32) * 0.02
    shared_down_w = jax.random.normal(ks[7], (DIM, SHARED_INTER), dtype=jnp.float32) * 0.02
    return {"x": x, "gate_w": gate_w, "w1": w1, "w2": w2, "w3": w3,
            "shared_gate_w": shared_gate_w, "shared_up_w": shared_up_w,
            "shared_down_w": shared_down_w}


def reference(x, gate_w, w1, w2, w3, shared_gate_w, shared_up_w, shared_down_w):
    orig_shape = x.shape
    x_flat = x.reshape(-1, DIM)
    # router
    scores = x_flat @ gate_w.T  # [T, E]
    expert_weights, expert_indices = jax.lax.top_k(scores, TOP_K)  # [T, k]
    expert_weights = jax.nn.softmax(expert_weights, axis=-1)
    # gather per-token expert weights (SparseCore gather)
    w1_sel = jnp.take(w1, expert_indices, axis=0)  # [T, k, I, D]
    w3_sel = jnp.take(w3, expert_indices, axis=0)
    w2_sel = jnp.take(w2, expert_indices, axis=0)
    x1 = jax.nn.silu(jnp.einsum('td,tkid->tki', x_flat, w1_sel))
    x3 = jnp.einsum('td,tkid->tki', x_flat, w3_sel)
    expert_out = jnp.einsum('tki,tkid->tkd', x1 * x3, w2_sel)
    routed_out = jnp.einsum('tkd,tk->td', expert_out, expert_weights)
    # shared expert (SwiGLU)
    shared_hidden = jax.nn.silu(x_flat @ shared_gate_w.T) * (x_flat @ shared_up_w.T)
    shared_out = shared_hidden @ shared_down_w.T
    output = routed_out + shared_out
    return output.reshape(orig_shape)

if __name__ == "__main__":
    import jax
    _d = setup_inputs()
    print(jax.jit(kernel)(*tuple(_d.values())))

</pallas_src>

<mosaic_0001>
#map = affine_map<(d0, d1) -> (0, 0)>
module attributes {stable_mosaic.version = 14 : i64} {
  func.func @_sc_router(%arg0: i32, %arg1: i32, %arg2: memref<1024x64xf32, #tpu.memory_space<hbm>>, %arg3: memref<32x1024xf32, #tpu.memory_space<hbm>>, %arg4: memref<32x64xf32, #tpu.memory_space<hbm>>, %arg5: memref<256x64xf32, #tpu.memory_space<vmem>>, %arg6: memref<1024xf32, #tpu.memory_space<vmem>>, %arg7: memref<64xf32, #tpu.memory_space<vmem>>) attributes {dimension_semantics = [#tpu.dimension_semantics<core_parallel>, #tpu.dimension_semantics<subcore_parallel>], iteration_bounds = array<i64: 2, 16>, scalar_prefetch = 0 : i64, scratch_operands = 3 : i64, tpu.core_type = #tpu.core_type<sc_vector_subcore>, window_params = [{transform_indices = #map}, {transform_indices = #map}, {transform_indices = #map}]} {
    %mul3A = arith.constant 2 : i32
    %mul3A_0 = arith.muli %arg1, %mul3A : i32
    %add3A = arith.addi %mul3A_0, %arg0 : i32
    "tpu.region"() ({
      %run_scoped3A = tpu.sem_alloc : memref<!tpu.dma_semaphore, #tpu.memory_space<semaphore_mem>>
      %dma_start3A = arith.constant 0 : i32
      %dma_start3A_351 = tpu.memref_slice %arg3[%add3A, %dma_start3A] : memref<32x1024xf32, #tpu.memory_space<hbm>> -> memref<1x1024xf32, #tpu.memory_space<hbm>>
      %dma_start3A_352 = tpu.memref_squeeze %dma_start3A_351 : memref<1x1024xf32, #tpu.memory_space<hbm>> -> memref<1024xf32, #tpu.memory_space<hbm>>
      %dma_start3A_353 = arith.constant 0 : i32
      %dma_start3A_354 = tpu.memref_slice %arg3[%add3A, %dma_start3A_353] : memref<32x1024xf32, #tpu.memory_space<hbm>> -> memref<1x1024xf32, #tpu.memory_space<hbm>>
      %dma_start3A_355 = tpu.memref_squeeze %dma_start3A_354 : memref<1x1024xf32, #tpu.memory_space<hbm>> -> memref<1024xf32, #tpu.memory_space<hbm>>
      tpu.enqueue_dma source(%dma_start3A_355 : memref<1024xf32, #tpu.memory_space<hbm>>) target(%arg6 : memref<1024xf32, #tpu.memory_space<vmem>>) target_semaphore(%run_scoped3A : memref<!tpu.dma_semaphore, #tpu.memory_space<semaphore_mem>>)
      %dma_wait3A = arith.constant 0 : i32
      %dma_wait3A_356 = tpu.memref_slice %arg3[%add3A, %dma_wait3A] : memref<32x1024xf32, #tpu.memory_space<hbm>> -> memref<1x1024xf32, #tpu.memory_space<hbm>>
      %dma_wait3A_357 = tpu.memref_squeeze %dma_wait3A_356 : memref<1x1024xf32, #tpu.memory_space<hbm>> -> memref<1024xf32, #tpu.memory_space<hbm>>
      %dma_wait3A_358 = arith.constant 0 : i32
      %dma_wait3A_359 = tpu.memref_slice %arg3[%add3A, %dma_wait3A_358] : memref<32x1024xf32, #tpu.memory_space<hbm>> -> memref<1x1024xf32, #tpu.memory_space<hbm>>
      %dma_wait3A_360 = tpu.memref_squeeze %dma_wait3A_359 : memref<1x1024xf32, #tpu.memory_space<hbm>> -> memref<1024xf32, #tpu.memory_space<hbm>>
      tpu.wait_dma2 semaphore(%run_scoped3A : memref<!tpu.dma_semaphore, #tpu.memory_space<semaphore_mem>>) src(%dma_wait3A_360 : memref<1024xf32, #tpu.memory_space<hbm>>) dst(%arg6 : memref<1024xf32, #tpu.memory_space<vmem>>)
      tpu.yield
    }) : () -> ()
    %broadcast_in_dim3A = arith.constant 0.000000e+00 : f32
    %broadcast_in_dim3A_1 = vector.broadcast %broadcast_in_dim3A : f32 to vector<16xf32>
    "tpu.region"() ({
      %run_scoped3A = tpu.sem_alloc : memref<!tpu.dma_semaphore, #tpu.memory_space<semaphore_mem>>
      %dma_start3A = arith.constant 0 : i32
      %dma_start3A_351 = arith.constant 0 : i32
      %dma_start3A_352 = tpu.memref_slice %arg2[%dma_start3A, %dma_start3A_351] : memref<1024x64xf32, #tpu.memory_space<hbm>> -> memref<256x64xf32, #tpu.memory_space<hbm>>
      %dma_start3A_353 = arith.constant 0 : i32
      %dma_start3A_354 = arith.constant 0 : i32
      %dma_start3A_355 = tpu.memref_slice %arg2[%dma_start3A_353, %dma_start3A_354] : memref<1024x64xf32, #tpu.memory_space<hbm>> -> memref<256x64xf32, #tpu.memory_space<hbm>>
      tpu.enqueue_dma source(%dma_start3A_355 : memref<256x64xf32, #tpu.memory_space<hbm>>) target(%arg5 : memref<256x64xf32, #tpu.memory_space<vmem>>) target_semaphore(%run_scoped3A : memref<!tpu.dma_semaphore, #tpu.memory_space<semaphore_mem>>)
      %dma_wait3A = arith.constant 0 : i32
      %dma_wait3A_356 = arith.constant 0 : i32
      %dma_wait3A_357 = tpu.memref_slice %arg2[%dma_wait3A, %dma_wait3A_356] : memref<1024x64xf32, #tpu.memory_space<hbm>> -> memref<256x64xf32, #tpu.memory_space<hbm>>
      %dma_wait3A_358 = arith.constant 0 : i32
      %dma_wait3A_359 = arith.constant 0 : i32
      %dma_wait3A_360 = tpu.memref_slice %arg2[%dma_wait3A_358, %dma_wait3A_359] : memref<1024x64xf32, #tpu.memory_space<hbm>> -> memref<256x64xf32, #tpu.memory_space<hbm>>
      tpu.wait_dma2 semaphore(%run_scoped3A : memref<!tpu.dma_semaphore, #tpu.memory_space<semaphore_mem>>) src(%dma_wait3A_360 : memref<256x64xf32, #tpu.memory_space<hbm>>) dst(%arg5 : memref<256x64xf32, #tpu.memory_space<vmem>>)
      tpu.yield
    }) : () -> ()
    %scan3A = arith.constant 0 : i32
    %scan3A_2 = arith.constant 16 : i32
    %scan3A_3 = arith.addi %scan3A, %scan3A_2 : i32
    %scan3A_4 = arith.constant 1 : i32
    %scan3A_5:4 = scf.for %scan3A_351 = %scan3A to %scan3A_3 step %scan3A_4 iter_args(%scan3A_352 = %broadcast_in_dim3A_1, %scan3A_353 = %broadcast_in_dim3A_1, %scan3A_354 = %broadcast_in_dim3A_1, %scan3A_355 = %broadcast_in_dim3A_1) -> (vector<16xf32>, vector<16xf32>, vector<16xf32>, vector<16xf32>)  : i32 {
      %mul3A_356 = arith.constant 16 : i32
      %mul3A_357 = arith.muli %mul3A_356, %scan3A_351 : i32
      %add3A_358 = arith.constant 0 : i32
      %add3A_359 = arith.addi %add3A_358, %mul3A_357 : i32
      %get3A_360 = arith.index_cast %add3A_359 : i32 to index
      %get3A_361 = tpu.vector_load %arg6[%get3A_360] {strides = array<i32>} : memref<1024xf32, #tpu.memory_space<vmem>>, vector<16xf32>,
      %get3A_362 = vector.shape_cast %get3A_361 : vector<16xf32> to vector<16xf32>
      %slice3A_363 = vector.extract_strided_slice %get3A_362 {offsets = [0], sizes = [1], strides = [1]} : vector<16xf32> to vector<1xf32>
      %squeeze3A_364 = vector.extract %slice3A_363[0] : f32 from vector<1xf32>
      %mul3A_365 = arith.constant 16 : i32
      %mul3A_366 = arith.muli %mul3A_365, %scan3A_351 : i32
      %add3A_367 = arith.constant 0 : i32
      %add3A_368 = arith.addi %mul3A_366, %add3A_367 : i32
      %get3A_369 = arith.index_cast %add3A_368 : i32 to index
      %get3A_370 = arith.constant 0 : index
      %get3A_371 = tpu.vector_load %arg5[%get3A_369, %get3A_370] {strides = array<i32>} : memref<256x64xf32, #tpu.memory_space<vmem>>, vector<1x16xf32>,
      %get3A_372 = vector.shape_cast %get3A_371 : vector<1x16xf32> to vector<16xf32>
      %mul3A_373 = vector.broadcast %squeeze3A_364 : f32 to vector<16xf32>
      %mul3A_374 = arith.mulf %mul3A_373, %get3A_372 : vector<16xf32>
      %add3A_375 = arith.addf %scan3A_352, %mul3A_374 : vector<16xf32>
      %get3A_376 = arith.index_cast %add3A_368 : i32 to index
      %get3A_377 = arith.constant 16 : index
      %get3A_378 = tpu.vector_load %arg5[%get3A_376, %get3A_377] {strides = array<i32>} : memref<256x64xf32, #tpu.memory_space<vmem>>, vector<1x16xf32>,
      %get3A_379 = vector.shape_cast %get3A_378 : vector<1x16xf32> to vector<16xf32>
      %mul3A_380 = vector.broadcast %squeeze3A_364 : f32 to vector<16xf32>
      %mul3A_381 = arith.mulf %mul3A_380, %get3A_379 : vector<16xf32>
      %add3A_382 = arith.addf %scan3A_353, %mul3A_381 : vector<16xf32>
      %get3A_383 = arith.index_cast %add3A_368 : i32 to index
      %get3A_384 = arith.constant 32 : index
      %get3A_385 = tpu.vector_load %arg5[%get3A_383, %get3A_384] {strides = array<i32>} : memref<256x64xf32, #tpu.memory_space<vmem>>, vector<1x16xf32>,
      %get3A_386 = vector.shape_cast %get3A_385 : vector<1x16xf32> to vector<16xf32>
      %mul3A_387 = vector.broadcast %squeeze3A_364 : f32 to vector<16xf32>
      %mul3A_388 = arith.mulf %mul3A_387, %get3A_386 : vector<16xf32>
      %add3A_389 = arith.addf %scan3A_354, %mul3A_388 : vector<16xf32>
      %get3A_390 = arith.index_cast %add3A_368 : i32 to index
      %get3A_391 = arith.constant 48 : index
      %get3A_392 = tpu.vector_load %arg5[%get3A_390, %get3A_391] {strides = array<i32>} : memref<256x64xf32, #tpu.memory_space<vmem>>, vector<1x16xf32>,
      %get3A_393 = vector.shape_cast %get3A_392 : vector<1x16xf32> to vector<16xf32>
      %mul3A_394 = vector.broadcast %squeeze3A_364 : f32 to vector<16xf32>
      %mul3A_395 = arith.mulf %mul3A_394, %get3A_393 : vector<16xf32>
      %add3A_396 = arith.addf %scan3A_355, %mul3A_395 : vector<16xf32>
      %slice3A_397 = vector.extract_strided_slice %get3A_362 {offsets = [1], sizes = [1], strides = [1]} : vector<16xf32> to vector<1xf32>
      %squeeze3A_398 = vector.extract %slice3A_397[0] : f32 from vector<1xf32>
      %mul3A_399 = arith.constant 16 : i32
      %mul3A_400 = arith.muli %mul3A_399, %scan3A_351 : i32
      %add3A_401 = arith.constant 1 : i32
      %add3A_402 = arith.addi %mul3A_400, %add3A_401 : i32
      %get3A_403 = arith.index_cast %add3A_402 : i32 to index
      %get3A_404 = arith.constant 0 : index
      %get3A_405 = tpu.vector_load %arg5[%get3A_403, %get3A_404] {strides = array<i32>} : memref<256x64xf32, #tpu.memory_space<vmem>>, vector<1x16xf32>,
      %get3A_406 = vector.shape_cast %get3A_405 : vector<1x16xf32> to vector<16xf32>
      %mul3A_407 = vector.broadcast %squeeze3A_398 : f32 to vector<16xf32>
      %mul3A_408 = arith.mulf %mul3A_407, %get3A_406 : vector<16xf32>
      %add3A_409 = arith.addf %add3A_375, %mul3A_408 : vector<16xf32>
      %get3A_410 = arith.index_cast %add3A_402 : i32 to index
      %get3A_411 = arith.constant 16 : index
      %get3A_412 = tpu.vector_load %arg5[%get3A_410, %get3A_411] {strides = array<i32>} : memref<256x64xf32, #tpu.memory_space<vmem>>, vector<1x16xf32>,
      %get3A_413 = vector.shape_cast %get3A_412 : vector<1x16xf32> to vector<16xf32>
      %mul3A_414 = vector.broadcast %squeeze3A_398 : f32 to vector<16xf32>
      %mul3A_415 = arith.mulf %mul3A_414, %get3A_413 : vector<16xf32>
      %add3A_416 = arith.addf %add3A_382, %mul3A_415 : vector<16xf32>
      %get3A_417 = arith.index_cast %add3A_402 : i32 to index
      %get3A_418 = arith.constant 32 : index
      %get3A_419 = tpu.vector_load %arg5[%get3A_417, %get3A_418] {strides = array<i32>} : memref<256x64xf32, #tpu.memory_space<vmem>>, vector<1x16xf32>,
      %get3A_420 = vector.shape_cast %get3A_419 : vector<1x16xf32> to vector<16xf32>
      %mul3A_421 = vector.broadcast %squeeze3A_398 : f32 to vector<16xf32>
      %mul3A_422 = arith.mulf %mul3A_421, %get3A_420 : vector<16xf32>
      %add3A_423 = arith.addf %add3A_389, %mul3A_422 : vector<16xf32>
      %get3A_424 = arith.index_cast %add3A_402 : i32 to index
      %get3A_425 = arith.constant 48 : index
      %get3A_426 = tpu.vector_load %arg5[%get3A_424, %get3A_425] {strides = array<i32>} : memref<256x64xf32, #tpu.memory_space<vmem>>, vector<1x16xf32>,
      %get3A_427 = vector.shape_cast %get3A_426 : vector<1x16xf32> to vector<16xf32>
      %mul3A_428 = vector.broadcast %squeeze3A_398 : f32 to vector<16xf32>
      %mul3A_429 = arith.mulf %mul3A_428, %get3A_427 : vector<16xf32>
      %add3A_430 = arith.addf %add3A_396, %mul3A_429 : vector<16xf32>
      %slice3A_431 = vector.extract_strided_slice %get3A_362 {offsets = [2], sizes = [1], strides = [1]} : vector<16xf32> to vector<1xf32>
      %squeeze3A_432 = vector.extract %slice3A_431[0] : f32 from vector<1xf32>
      %mul3A_433 = arith.constant 16 : i32
      %mul3A_434 = arith.muli %mul3A_433, %scan3A_351 : i32
      %add3A_435 = arith.constant 2 : i32
      %add3A_436 = arith.addi %mul3A_434, %add3A_435 : i32
      %get3A_437 = arith.index_cast %add3A_436 : i32 to index
      %get3A_438 = arith.constant 0 : index
      %get3A_439 = tpu.vector_load %arg5[%get3A_437, %get3A_438] {strides = array<i32>} : memref<256x64xf32, #tpu.memory_space<vmem>>, vector<1x16xf32>,
      %get3A_440 = vector.shape_cast %get3A_439 : vector<1x16xf32> to vector<16xf32>
      %mul3A_441 = vector.broadcast %squeeze3A_432 : f32 to vector<16xf32>
      %mul3A_442 = arith.mulf %mul3A_441, %get3A_440 : vector<16xf32>
      %add3A_443 = arith.addf %add3A_409, %mul3A_442 : vector<16xf32>
      %get3A_444 = arith.index_cast %add3A_436 : i32 to index
      %get3A_445 = arith.constant 16 : index
      %get3A_446 = tpu.vector_load %arg5[%get3A_444, %get3A_445] {strides = array<i32>} : memref<256x64xf32, #tpu.memory_space<vmem>>, vector<1x16xf32>,
      %get3A_447 = vector.shape_cast %get3A_446 : vector<1x16xf32> to vector<16xf32>
      %mul3A_448 = vector.broadcast %squeeze3A_432 : f32 to vector<16xf32>
      %mul3A_449 = arith.mulf %mul3A_448, %get3A_447 : vector<16xf32>
      %add3A_450 = arith.addf %add3A_416, %mul3A_449 : vector<16xf32>
      %get3A_451 = arith.index_cast %add3A_436 : i32 to index
      %get3A_452 = arith.constant 32 : index
      %get3A_453 = tpu.vector_load %arg5[%get3A_451, %get3A_452] {strides = array<i32>} : memref<256x64xf32, #tpu.memory_space<vmem>>, vector<1x16xf32>,
      %get3A_454 = vector.shape_cast %get3A_453 : vector<1x16xf32> to vector<16xf32>
      %mul3A_455 = vector.broadcast %squeeze3A_432 : f32 to vector<16xf32>
      %mul3A_456 = arith.mulf %mul3A_455, %get3A_454 : vector<16xf32>
      %add3A_457 = arith.addf %add3A_423, %mul3A_456 : vector<16xf32>
      %get3A_458 = arith.index_cast %add3A_436 : i32 to index
      %get3A_459 = arith.constant 48 : index
      %get3A_460 = tpu.vector_load %arg5[%get3A_458, %get3A_459] {strides = array<i32>} : memref<256x64xf32, #tpu.memory_space<vmem>>, vector<1x16xf32>,
      %get3A_461 = vector.shape_cast %get3A_460 : vector<1x16xf32> to vector<16xf32>
      %mul3A_462 = vector.broadcast %squeeze3A_432 : f32 to vector<16xf32>
      %mul3A_463 = arith.mulf %mul3A_462, %get3A_461 : vector<16xf32>
      %add3A_464 = arith.addf %add3A_430, %mul3A_463 : vector<16xf32>
      %slice3A_465 = vector.extract_strided_slice %get3A_362 {offsets = [3], sizes = [1], strides = [1]} : vector<16xf32> to vector<1xf32>
      %squeeze3A_466 = vector.extract %slice3A_465[0] : f32 from vector<1xf32>
      %mul3A_467 = arith.constant 16 : i32
      %mul3A_468 = arith.muli %mul3A_467, %scan3A_351 : i32
      %add3A_469 = arith.constant 3 : i32
      %add3A_470 = arith.addi %mul3A_468, %add3A_469 : i32
      %get3A_471 = arith.index_cast %add3A_470 : i32 to index
      %get3A_472 = arith.constant 0 : index
      %get3A_473 = tpu.vector_load %arg5[%get3A_471, %get3A_472] {strides = array<i32>} : memref<256x64xf32, #tpu.memory_space<vmem>>, vector<1x16xf32>,
      %get3A_474 = vector.shape_cast %get3A_473 : vector<1x16xf32> to vector<16xf32>
      %mul3A_475 = vector.broadcast %squeeze3A_466 : f32 to vector<16xf32>
      %mul3A_476 = arith.mulf %mul3A_475, %get3A_474 : vector<16xf32>
      %add3A_477 = arith.addf %add3A_443, %mul3A_476 : vector<16xf32>
      %get3A_478 = arith.index_cast %add3A_470 : i32 to index
      %get3A_479 = arith.constant 16 : index
      %get3A_480 = tpu.vector_load %arg5[%get3A_478, %get3A_479] {strides = array<i32>} : memref<256x64xf32, #tpu.memory_space<vmem>>, vector<1x16xf32>,
      %get3A_481 = vector.shape_cast %get3A_480 : vector<1x16xf32> to vector<16xf32>
      %mul3A_482 = vector.broadcast %squeeze3A_466 : f32 to vector<16xf32>
      %mul3A_483 = arith.mulf %mul3A_482, %get3A_481 : vector<16xf32>
      %add3A_484 = arith.addf %add3A_450, %mul3A_483 : vector<16xf32>
      %get3A_485 = arith.index_cast %add3A_470 : i32 to index
      %get3A_486 = arith.constant 32 : index
      %get3A_487 = tpu.vector_load %arg5[%get3A_485, %get3A_486] {strides = array<i32>} : memref<256x64xf32, #tpu.memory_space<vmem>>, vector<1x16xf32>,
      %get3A_488 = vector.shape_cast %get3A_487 : vector<1x16xf32> to vector<16xf32>
      %mul3A_489 = vector.broadcast %squeeze3A_466 : f32 to vector<16xf32>
      %mul3A_490 = arith.mulf %mul3A_489, %get3A_488 : vector<16xf32>
      %add3A_491 = arith.addf %add3A_457, %mul3A_490 : vector<16xf32>
      %get3A_492 = arith.index_cast %add3A_470 : i32 to index
      %get3A_493 = arith.constant 48 : index
      %get3A_494 = tpu.vector_load %arg5[%get3A_492, %get3A_493] {strides = array<i32>} : memref<256x64xf32, #tpu.memory_space<vmem>>, vector<1x16xf32>,
      %get3A_495 = vector.shape_cast %get3A_494 : vector<1x16xf32> to vector<16xf32>
      %mul3A_496 = vector.broadcast %squeeze3A_466 : f32 to vector<16xf32>
      %mul3A_497 = arith.mulf %mul3A_496, %get3A_495 : vector<16xf32>
      %add3A_498 = arith.addf %add3A_464, %mul3A_497 : vector<16xf32>
      %slice3A_499 = vector.extract_strided_slice %get3A_362 {offsets = [4], sizes = [1], strides = [1]} : vector<16xf32> to vector<1xf32>
      %squeeze3A_500 = vector.extract %slice3A_499[0] : f32 from vector<1xf32>
      %mul3A_501 = arith.constant 16 : i32
      %mul3A_502 = arith.muli %mul3A_501, %scan3A_351 : i32
      %add3A_503 = arith.constant 4 : i32
      %add3A_504 = arith.addi %mul3A_502, %add3A_503 : i32
      %get3A_505 = arith.index_cast %add3A_504 : i32 to index
      %get3A_506 = arith.constant 0 : index
      %get3A_507 = tpu.vector_load %arg5[%get3A_505, %get3A_506] {strides = array<i32>} : memref<256x64xf32, #tpu.memory_space<vmem>>, vector<1x16xf32>,
      %get3A_508 = vector.shape_cast %get3A_507 : vector<1x16xf32> to vector<16xf32>
      %mul3A_509 = vector.broadcast %squeeze3A_500 : f32 to vector<16xf32>
      %mul3A_510 = arith.mulf %mul3A_509, %get3A_508 : vector<16xf32>
      %add3A_511 = arith.addf %add3A_477, %mul3A_510 : vector<16xf32>
      %get3A_512 = arith.index_cast %add3A_504 : i32 to index
      %get3A_513 = arith.constant 16 : index
      %get3A_514 = tpu.vector_load %arg5[%get3A_512, %get3A_513] {strides = array<i32>} : memref<256x64xf32, #tpu.memory_space<vmem>>, vector<1x16xf32>,
      %get3A_515 = vector.shape_cast %get3A_514 : vector<1x16xf32> to vector<16xf32>
      %mul3A_516 = vector.broadcast %squeeze3A_500 : f32 to vector<16xf32>
      %mul3A_517 = arith.mulf %mul3A_516, %get3A_515 : vector<16xf32>
      %add3A_518 = arith.addf %add3A_484, %mul3A_517 : vector<16xf32>
      %get3A_519 = arith.index_cast %add3A_504 : i32 to index
      %get3A_520 = arith.constant 32 : index
      %get3A_521 = tpu.vector_load %arg5[%get3A_519, %get3A_520] {strides = array<i32>} : memref<256x64xf32, #tpu.memory_space<vmem>>, vector<1x16xf32>,
      %get3A_522 = vector.shape_cast %get3A_521 : vector<1x16xf32> to vector<16xf32>
      %mul3A_523 = vector.broadcast %squeeze3A_500 : f32 to vector<16xf32>
      %mul3A_524 = arith.mulf %mul3A_523, %get3A_522 : vector<16xf32>
      %add3A_525 = arith.addf %add3A_491, %mul3A_524 : vector<16xf32>
      %get3A_526 = arith.index_cast %add3A_504 : i32 to index
      %get3A_527 = arith.constant 48 : index
      %get3A_528 = tpu.vector_load %arg5[%get3A_526, %get3A_527] {strides = array<i32>} : memref<256x64xf32, #tpu.memory_space<vmem>>, vector<1x16xf32>,
      %get3A_529 = vector.shape_cast %get3A_528 : vector<1x16xf32> to vector<16xf32>
      %mul3A_530 = vector.broadcast %squeeze3A_500 : f32 to vector<16xf32>
      %mul3A_531 = arith.mulf %mul3A_530, %get3A_529 : vector<16xf32>
      %add3A_532 = arith.addf %add3A_498, %mul3A_531 : vector<16xf32>
      %slice3A_533 = vector.extract_strided_slice %get3A_362 {offsets = [5], sizes = [1], strides = [1]} : vector<16xf32> to vector<1xf32>
      %squeeze3A_534 = vector.extract %slice3A_533[0] : f32 from vector<1xf32>
      %mul3A_535 = arith.constant 16 : i32
      %mul3A_536 = arith.muli %mul3A_535, %scan3A_351 : i32
      %add3A_537 = arith.constant 5 : i32
      %add3A_538 = arith.addi %mul3A_536, %add3A_537 : i32
      %get3A_539 = arith.index_cast %add3A_538 : i32 to index
      %get3A_540 = arith.constant 0 : index
      %get3A_541 = tpu.vector_load %arg5[%get3A_539, %get3A_540] {strides = array<i32>} : memref<256x64xf32, #tpu.memory_space<vmem>>, vector<1x16xf32>,
      %get3A_542 = vector.shape_cast %get3A_541 : vector<1x16xf32> to vector<16xf32>
      %mul3A_543 = vector.broadcast %squeeze3A_534 : f32 to vector<16xf32>
      %mul3A_544 = arith.mulf %mul3A_543, %get3A_542 : vector<16xf32>
      %add3A_545 = arith.addf %add3A_511, %mul3A_544 : vector<16xf32>
      %get3A_546 = arith.index_cast %add3A_538 : i32 to index
      %get3A_547 = arith.constant 16 : index
      %get3A_548 = tpu.vector_load %arg5[%get3A_546, %get3A_547] {strides = array<i32>} : memref<256x64xf32, #tpu.memory_space<vmem>>, vector<1x16xf32>,
      %get3A_549 = vector.shape_cast %get3A_548 : vector<1x16xf32> to vector<16xf32>
      %mul3A_550 = vector.broadcast %squeeze3A_534 : f32 to vector<16xf32>
      %mul3A_551 = arith.mulf %mul3A_550, %get3A_549 : vector<16xf32>
      %add3A_552 = arith.addf %add3A_518, %mul3A_551 : vector<16xf32>
      %get3A_553 = arith.index_cast %add3A_538 : i32 to index
      %get3A_554 = arith.constant 32 : index
      %get3A_555 = tpu.vector_load %arg5[%get3A_553, %get3A_554] {strides = array<i32>} : memref<256x64xf32, #tpu.memory_space<vmem>>, vector<1x16xf32>,
      %get3A_556 = vector.shape_cast %get3A_555 : vector<1x16xf32> to vector<16xf32>
      %mul3A_557 = vector.broadcast %squeeze3A_534 : f32 to vector<16xf32>
      %mul3A_558 = arith.mulf %mul3A_557, %get3A_556 : vector<16xf32>
      %add3A_559 = arith.addf %add3A_525, %mul3A_558 : vector<16xf32>
      %get3A_560 = arith.index_cast %add3A_538 : i32 to index
      %get3A_561 = arith.constant 48 : index
      %get3A_562 = tpu.vector_load %arg5[%get3A_560, %get3A_561] {strides = array<i32>} : memref<256x64xf32, #tpu.memory_space<vmem>>, vector<1x16xf32>,
      %get3A_563 = vector.shape_cast %get3A_562 : vector<1x16xf32> to vector<16xf32>
      %mul3A_564 = vector.broadcast %squeeze3A_534 : f32 to vector<16xf32>
      %mul3A_565 = arith.mulf %mul3A_564, %get3A_563 : vector<16xf32>
      %add3A_566 = arith.addf %add3A_532, %mul3A_565 : vector<16xf32>
      %slice3A_567 = vector.extract_strided_slice %get3A_362 {offsets = [6], sizes = [1], strides = [1]} : vector<16xf32> to vector<1xf32>
      %squeeze3A_568 = vector.extract %slice3A_567[0] : f32 from vector<1xf32>
      %mul3A_569 = arith.constant 16 : i32
      %mul3A_570 = arith.muli %mul3A_569, %scan3A_351 : i32
      %add3A_571 = arith.constant 6 : i32
      %add3A_572 = arith.addi %mul3A_570, %add3A_571 : i32
      %get3A_573 = arith.index_cast %add3A_572 : i32 to index
      %get3A_574 = arith.constant 0 : index
      %get3A_575 = tpu.vector_load %arg5[%get3A_573, %get3A_574] {strides = array<i32>} : memref<256x64xf32, #tpu.memory_space<vmem>>, vector<1x16xf32>,
      %get3A_576 = vector.shape_cast %get3A_575 : vector<1x16xf32> to vector<16xf32>
      %mul3A_577 = vector.broadcast %squeeze3A_568 : f32 to vector<16xf32>
      %mul3A_578 = arith.mulf %mul3A_577, %get3A_576 : vector<16xf32>
      %add3A_579 = arith.addf %add3A_545, %mul3A_578 : vector<16xf32>
      %get3A_580 = arith.index_cast %add3A_572 : i32 to index
      %get3A_581 = arith.constant 16 : index
      %get3A_582 = tpu.vector_load %arg5[%get3A_580, %get3A_581] {strides = array<i32>} : memref<256x64xf32, #tpu.memory_space<vmem>>, vector<1x16xf32>,
      %get3A_583 = vector.shape_cast %get3A_582 : vector<1x16xf32> to vector<16xf32>
      %mul3A_584 = vector.broadcast %squeeze3A_568 : f32 to vector<16xf32>
      %mul3A_585 = arith.mulf %mul3A_584, %get3A_583 : vector<16xf32>
      %add3A_586 = arith.addf %add3A_552, %mul3A_585 : vector<16xf32>
      %get3A_587 = arith.index_cast %add3A_572 : i32 to index
      %get3A_588 = arith.constant 32 : index
      %get3A_589 = tpu.vector_load %arg5[%get3A_587, %get3A_588] {strides = array<i32>} : memref<256x64xf32, #tpu.memory_space<vmem>>, vector<1x16xf32>,
      %get3A_590 = vector.shape_cast %get3A_589 : vector<1x16xf32> to vector<16xf32>
      %mul3A_591 = vector.broadcast %squeeze3A_568 : f32 to vector<16xf32>
      %mul3A_592 = arith.mulf %mul3A_591, %get3A_590 : vector<16xf32>
      %add3A_593 = arith.addf %add3A_559, %mul3A_592 : vector<16xf32>
      %get3A_594 = arith.index_cast %add3A_572 : i32 to index
      %get3A_595 = arith.constant 48 : index
      %get3A_596 = tpu.vector_load %arg5[%get3A_594, %get3A_595] {strides = array<i32>} : memref<256x64xf32, #tpu.memory_space<vmem>>, vector<1x16xf32>,
      %get3A_597 = vector.shape_cast %get3A_596 : vector<1x16xf32> to vector<16xf32>
      %mul3A_598 = vector.broadcast %squeeze3A_568 : f32 to vector<16xf32>
      %mul3A_599 = arith.mulf %mul3A_598, %get3A_597 : vector<16xf32>
      %add3A_600 = arith.addf %add3A_566, %mul3A_599 : vector<16xf32>
      %slice3A_601 = vector.extract_strided_slice %get3A_362 {offsets = [7], sizes = [1], strides = [1]} : vector<16xf32> to vector<1xf32>
      %squeeze3A_602 = vector.extract %slice3A_601[0] : f32 from vector<1xf32>
      %mul3A_603 = arith.constant 16 : i32
      %mul3A_604 = arith.muli %mul3A_603, %scan3A_351 : i32
      %add3A_605 = arith.constant 7 : i32
      %add3A_606 = arith.addi %mul3A_604, %add3A_605 : i32
      %get3A_607 = arith.index_cast %add3A_606 : i32 to index
      %get3A_608 = arith.constant 0 : index
      %get3A_609 = tpu.vector_load %arg5[%get3A_607, %get3A_608] {strides = array<i32>} : memref<256x64xf32, #tpu.memory_space<vmem>>, vector<1x16xf32>,
      %get3A_610 = vector.shape_cast %get3A_609 : vector<1x16xf32> to vector<16xf32>
      %mul3A_611 = vector.broadcast %squeeze3A_602 : f32 to vector<16xf32>
      %mul3A_612 = arith.mulf %mul3A_611, %get3A_610 : vector<16xf32>
      %add3A_613 = arith.addf %add3A_579, %mul3A_612 : vector<16xf32>
      %get3A_614 = arith.index_cast %add3A_606 : i32 to index
      %get3A_615 = arith.constant 16 : index
      %get3A_616 = tpu.vector_load %arg5[%get3A_614, %get3A_615] {strides = array<i32>} : memref<256x64xf32, #tpu.memory_space<vmem>>, vector<1x16xf32>,
      %get3A_617 = vector.shape_cast %get3A_616 : vector<1x16xf32> to vector<16xf32>
      %mul3A_618 = vector.broadcast %squeeze3A_602 : f32 to vector<16xf32>
      %mul3A_619 = arith.mulf %mul3A_618, %get3A_617 : vector<16xf32>
      %add3A_620 = arith.addf %add3A_586, %mul3A_619 : vector<16xf32>
      %get3A_621 = arith.index_cast %add3A_606 : i32 to index
      %get3A_622 = arith.constant 32 : index
      %get3A_623 = tpu.vector_load %arg5[%get3A_621, %get3A_622] {strides = array<i32>} : memref<256x64xf32, #tpu.memory_space<vmem>>, vector<1x16xf32>,
      %get3A_624 = vector.shape_cast %get3A_623 : vector<1x16xf32> to vector<16xf32>
      %mul3A_625 = vector.broadcast %squeeze3A_602 : f32 to vector<16xf32>
      %mul3A_626 = arith.mulf %mul3A_625, %get3A_624 : vector<16xf32>
      %add3A_627 = arith.addf %add3A_593, %mul3A_626 : vector<16xf32>
      %get3A_628 = arith.index_cast %add3A_606 : i32 to index
      %get3A_629 = arith.constant 48 : index
      %get3A_630 = tpu.vector_load %arg5[%get3A_628, %get3A_629] {strides = array<i32>} : memref<256x64xf32, #tpu.memory_space<vmem>>, vector<1x16xf32>,
      %get3A_631 = vector.shape_cast %get3A_630 : vector<1x16xf32> to vector<16xf32>
      %mul3A_632 = vector.broadcast %squeeze3A_602 : f32 to vector<16xf32>
      %mul3A_633 = arith.mulf %mul3A_632, %get3A_631 : vector<16xf32>
      %add3A_634 = arith.addf %add3A_600, %mul3A_633 : vector<16xf32>
      %slice3A_635 = vector.extract_strided_slice %get3A_362 {offsets = [8], sizes = [1], strides = [1]} : vector<16xf32> to vector<1xf32>
      %squeeze3A_636 = vector.extract %slice3A_635[0] : f32 from vector<1xf32>
      %mul3A_637 = arith.constant 16 : i32
      %mul3A_638 = arith.muli %mul3A_637, %scan3A_351 : i32
      %add3A_639 = arith.constant 8 : i32
      %add3A_640 = arith.addi %mul3A_638, %add3A_639 : i32
      %get3A_641 = arith.index_cast %add3A_640 : i32 to index
      %get3A_642 = arith.constant 0 : index
      %get3A_643 = tpu.vector_load %arg5[%get3A_641, %get3A_642] {strides = array<i32>} : memref<256x64xf32, #tpu.memory_space<vmem>>, vector<1x16xf32>,
      %get3A_644 = vector.shape_cast %get3A_643 : vector<1x16xf32> to vector<16xf32>
      %mul3A_645 = vector.broadcast %squeeze3A_636 : f32 to vector<16xf32>
      %mul3A_646 = arith.mulf %mul3A_645, %get3A_644 : vector<16xf32>
      %add3A_647 = arith.addf %add3A_613, %mul3A_646 : vector<16xf32>
      %get3A_648 = arith.index_cast %add3A_640 : i32 to index
      %get3A_649 = arith.constant 16 : index
      %get3A_650 = tpu.vector_load %arg5[%get3A_648, %get3A_649] {strides = array<i32>} : memref<256x64xf32, #tpu.memory_space<vmem>>, vector<1x16xf32>,
      %get3A_651 = vector.shape_cast %get3A_650 : vector<1x16xf32> to vector<16xf32>
      %mul3A_652 = vector.broadcast %squeeze3A_636 : f32 to vector<16xf32>
      %mul3A_653 = arith.mulf %mul3A_652, %get3A_651 : vector<16xf32>
      %add3A_654 = arith.addf %add3A_620, %mul3A_653 : vector<16xf32>
      %get3A_655 = arith.index_cast %add3A_640 : i32 to index
      %get3A_656 = arith.constant 32 : index
      %get3A_657 = tpu.vector_load %arg5[%get3A_655, %get3A_656] {strides = array<i32>} : memref<256x64xf32, #tpu.memory_space<vmem>>, vector<1x16xf32>,
      %get3A_658 = vector.shape_cast %get3A_657 : vector<1x16xf32> to vector<16xf32>
      %mul3A_659 = vector.broadcast %squeeze3A_636 : f32 to vector<16xf32>
      %mul3A_660 = arith.mulf %mul3A_659, %get3A_658 : vector<16xf32>
      %add3A_661 = arith.addf %add3A_627, %mul3A_660 : vector<16xf32>
      %get3A_662 = arith.index_cast %add3A_640 : i32 to index
      %get3A_663 = arith.constant 48 : index
      %get3A_664 = tpu.vector_load %arg5[%get3A_662, %get3A_663] {strides = array<i32>} : memref<256x64xf32, #tpu.memory_space<vmem>>, vector<1x16xf32>,
      %get3A_665 = vector.shape_cast %get3A_664 : vector<1x16xf32> to vector<16xf32>
      %mul3A_666 = vector.broadcast %squeeze3A_636 : f32 to vector<16xf32>
      %mul3A_667 = arith.mulf %mul3A_666, %get3A_665 : vector<16xf32>
      %add3A_668 = arith.addf %add3A_634, %mul3A_667 : vector<16xf32>
      %slice3A_669 = vector.extract_strided_slice %get3A_362 {offsets = [9], sizes = [1], strides = [1]} : vector<16xf32> to vector<1xf32>
      %squeeze3A_670 = vector.extract %slice3A_669[0] : f32 from vector<1xf32>
      %mul3A_671 = arith.constant 16 : i32
      %mul3A_672 = arith.muli %mul3A_671, %scan3A_351 : i32
      %add3A_673 = arith.constant 9 : i32
      %add3A_674 = arith.addi %mul3A_672, %add3A_673 : i32
      %get3A_675 = arith.index_cast %add3A_674 : i32 to index
      %get3A_676 = arith.constant 0 : index
      %get3A_677 = tpu.vector_load %arg5[%get3A_675, %get3A_676] {strides = array<i32>} : memref<256x64xf32, #tpu.memory_space<vmem>>, vector<1x16xf32>,
      %get3A_678 = vector.shape_cast %get3A_677 : vector<1x16xf32> to vector<16xf32>
      %mul3A_679 = vector.broadcast %squeeze3A_670 : f32 to vector<16xf32>
      %mul3A_680 = arith.mulf %mul3A_679, %get3A_678 : vector<16xf32>
      %add3A_681 = arith.addf %add3A_647, %mul3A_680 : vector<16xf32>
      %get3A_682 = arith.index_cast %add3A_674 : i32 to index
      %get3A_683 = arith.constant 16 : index
      %get3A_684 = tpu.vector_load %arg5[%get3A_682, %get3A_683] {strides = array<i32>} : memref<256x64xf32, #tpu.memory_space<vmem>>, vector<1x16xf32>,
      %get3A_685 = vector.shape_cast %get3A_684 : vector<1x16xf32> to vector<16xf32>
      %mul3A_686 = vector.broadcast %squeeze3A_670 : f32 to vector<16xf32>
      %mul3A_687 = arith.mulf %mul3A_686, %get3A_685 : vector<16xf32>
      %add3A_688 = arith.addf %add3A_654, %mul3A_687 : vector<16xf32>
      %get3A_689 = arith.index_cast %add3A_674 : i32 to index
      %get3A_690 = arith.constant 32 : index
      %get3A_691 = tpu.vector_load %arg5[%get3A_689, %get3A_690] {strides = array<i32>} : memref<256x64xf32, #tpu.memory_space<vmem>>, vector<1x16xf32>,
      %get3A_692 = vector.shape_cast %get3A_691 : vector<1x16xf32> to vector<16xf32>
      %mul3A_693 = vector.broadcast %squeeze3A_670 : f32 to vector<16xf32>
      %mul3A_694 = arith.mulf %mul3A_693, %get3A_692 : vector<16xf32>
      %add3A_695 = arith.addf %add3A_661, %mul3A_694 : vector<16xf32>
      %get3A_696 = arith.index_cast %add3A_674 : i32 to index
      %get3A_697 = arith.constant 48 : index
      %get3A_698 = tpu.vector_load %arg5[%get3A_696, %get3A_697] {strides = array<i32>} : memref<256x64xf32, #tpu.memory_space<vmem>>, vector<1x16xf32>,
      %get3A_699 = vector.shape_cast %get3A_698 : vector<1x16xf32> to vector<16xf32>
      %mul3A_700 = vector.broadcast %squeeze3A_670 : f32 to vector<16xf32>
      %mul3A_701 = arith.mulf %mul3A_700, %get3A_699 : vector<16xf32>
      %add3A_702 = arith.addf %add3A_668, %mul3A_701 : vector<16xf32>
      %slice3A_703 = vector.extract_strided_slice %get3A_362 {offsets = [10], sizes = [1], strides = [1]} : vector<16xf32> to vector<1xf32>
      %squeeze3A_704 = vector.extract %slice3A_703[0] : f32 from vector<1xf32>
      %mul3A_705 = arith.constant 16 : i32
      %mul3A_706 = arith.muli %mul3A_705, %scan3A_351 : i32
      %add3A_707 = arith.constant 10 : i32
      %add3A_708 = arith.addi %mul3A_706, %add3A_707 : i32
      %get3A_709 = arith.index_cast %add3A_708 : i32 to index
      %get3A_710 = arith.constant 0 : index
      %get3A_711 = tpu.vector_load %arg5[%get3A_709, %get3A_710] {strides = array<i32>} : memref<256x64xf32, #tpu.memory_space<vmem>>, vector<1x16xf32>,
      %get3A_712 = vector.shape_cast %get3A_711 : vector<1x16xf32> to vector<16xf32>
      %mul3A_713 = vector.broadcast %squeeze3A_704 : f32 to vector<16xf32>
      %mul3A_714 = arith.mulf %mul3A_713, %get3A_712 : vector<16xf32>
      %add3A_715 = arith.addf %add3A_681, %mul3A_714 : vector<16xf32>
      %get3A_716 = arith.index_cast %add3A_708 : i32 to index
      %get3A_717 = arith.constant 16 : index
      %get3A_718 = tpu.vector_load %arg5[%get3A_716, %get3A_717] {strides = array<i32>} : memref<256x64xf32, #tpu.memory_space<vmem>>, vector<1x16xf32>,
      %get3A_719 = vector.shape_cast %get3A_718 : vector<1x16xf32> to vector<16xf32>
      %mul3A_720 = vector.broadcast %squeeze3A_704 : f32 to vector<16xf32>
      %mul3A_721 = arith.mulf %mul3A_720, %get3A_719 : vector<16xf32>
      %add3A_722 = arith.addf %add3A_688, %mul3A_721 : vector<16xf32>
      %get3A_723 = arith.index_cast %add3A_708 : i32 to index
      %get3A_724 = arith.constant 32 : index
      %get3A_725 = tpu.vector_load %arg5[%get3A_723, %get3A_724] {strides = array<i32>} : memref<256x64xf32, #tpu.memory_space<vmem>>, vector<1x16xf32>,
      %get3A_726 = vector.shape_cast %get3A_725 : vector<1x16xf32> to vector<16xf32>
      %mul3A_727 = vector.broadcast %squeeze3A_704 : f32 to vector<16xf32>
      %mul3A_728 = arith.mulf %mul3A_727, %get3A_726 : vector<16xf32>
      %add3A_729 = arith.addf %add3A_695, %mul3A_728 : vector<16xf32>
      %get3A_730 = arith.index_cast %add3A_708 : i32 to index
      %get3A_731 = arith.constant 48 : index
      %get3A_732 = tpu.vector_load %arg5[%get3A_730, %get3A_731] {strides = array<i32>} : memref<256x64xf32, #tpu.memory_space<vmem>>, vector<1x16xf32>,
      %get3A_733 = vector.shape_cast %get3A_732 : vector<1x16xf32> to vector<16xf32>
      %mul3A_734 = vector.broadcast %squeeze3A_704 : f32 to vector<16xf32>
      %mul3A_735 = arith.mulf %mul3A_734, %get3A_733 : vector<16xf32>
      %add3A_736 = arith.addf %add3A_702, %mul3A_735 : vector<16xf32>
      %slice3A_737 = vector.extract_strided_slice %get3A_362 {offsets = [11], sizes = [1], strides = [1]} : vector<16xf32> to vector<1xf32>
      %squeeze3A_738 = vector.extract %slice3A_737[0] : f32 from vector<1xf32>
      %mul3A_739 = arith.constant 16 : i32
      %mul3A_740 = arith.muli %mul3A_739, %scan3A_351 : i32
      %add3A_741 = arith.constant 11 : i32
      %add3A_742 = arith.addi %mul3A_740, %add3A_741 : i32
      %get3A_743 = arith.index_cast %add3A_742 : i32 to index
      %get3A_744 = arith.constant 0 : index
      %get3A_745 = tpu.vector_load %arg5[%get3A_743, %get3A_744] {strides = array<i32>} : memref<256x64xf32, #tpu.memory_space<vmem>>, vector<1x16xf32>,
      %get3A_746 = vector.shape_cast %get3A_745 : vector<1x16xf32> to vector<16xf32>
      %mul3A_747 = vector.broadcast %squeeze3A_738 : f32 to vector<16xf32>
      %mul3A_748 = arith.mulf %mul3A_747, %get3A_746 : vector<16xf32>
      %add3A_749 = arith.addf %add3A_715, %mul3A_748 : vector<16xf32>
      %get3A_750 = arith.index_cast %add3A_742 : i32 to index
      %get3A_751 = arith.constant 16 : index
      %get3A_752 = tpu.vector_load %arg5[%get3A_750, %get3A_751] {strides = array<i32>} : memref<256x64xf32, #tpu.memory_space<vmem>>, vector<1x16xf32>,
      %get3A_753 = vector.shape_cast %get3A_752 : vector<1x16xf32> to vector<16xf32>
      %mul3A_754 = vector.broadcast %squeeze3A_738 : f32 to vector<16xf32>
      %mul3A_755 = arith.mulf %mul3A_754, %get3A_753 : vector<16xf32>
      %add3A_756 = arith.addf %add3A_722, %mul3A_755 : vector<16xf32>
      %get3A_757 = arith.index_cast %add3A_742 : i32 to index
      %get3A_758 = arith.constant 32 : index
      %get3A_759 = tpu.vector_load %arg5[%get3A_757, %get3A_758] {strides = array<i32>} : memref<256x64xf32, #tpu.memory_space<vmem>>, vector<1x16xf32>,
      %get3A_760 = vector.shape_cast %get3A_759 : vector<1x16xf32> to vector<16xf32>
      %mul3A_761 = vector.broadcast %squeeze3A_738 : f32 to vector<16xf32>
      %mul3A_762 = arith.mulf %mul3A_761, %get3A_760 : vector<16xf32>
      %add3A_763 = arith.addf %add3A_729, %mul3A_762 : vector<16xf32>
      %get3A_764 = arith.index_cast %add3A_742 : i32 to index
      %get3A_765 = arith.constant 48 : index
      %get3A_766 = tpu.vector_load %arg5[%get3A_764, %get3A_765] {strides = array<i32>} : memref<256x64xf32, #tpu.memory_space<vmem>>, vector<1x16xf32>,
      %get3A_767 = vector.shape_cast %get3A_766 : vector<1x16xf32> to vector<16xf32>
      %mul3A_768 = vector.broadcast %squeeze3A_738 : f32 to vector<16xf32>
      %mul3A_769 = arith.mulf %mul3A_768, %get3A_767 : vector<16xf32>
      %add3A_770 = arith.addf %add3A_736, %mul3A_769 : vector<16xf32>
      %slice3A_771 = vector.extract_strided_slice %get3A_362 {offsets = [12], sizes = [1], strides = [1]} : vector<16xf32> to vector<1xf32>
      %squeeze3A_772 = vector.extract %slice3A_771[0] : f32 from vector<1xf32>
      %mul3A_773 = arith.constant 16 : i32
      %mul3A_774 = arith.muli %mul3A_773, %scan3A_351 : i32
      %add3A_775 = arith.constant 12 : i32
      %add3A_776 = arith.addi %mul3A_774, %add3A_775 : i32
      %get3A_777 = arith.index_cast %add3A_776 : i32 to index
      %get3A_778 = arith.constant 0 : index
      %get3A_779 = tpu.vector_load %arg5[%get3A_777, %get3A_778] {strides = array<i32>} : memref<256x64xf32, #tpu.memory_space<vmem>>, vector<1x16xf32>,
      %get3A_780 = vector.shape_cast %get3A_779 : vector<1x16xf32> to vector<16xf32>
      %mul3A_781 = vector.broadcast %squeeze3A_772 : f32 to vector<16xf32>
      %mul3A_782 = arith.mulf %mul3A_781, %get3A_780 : vector<16xf32>
      %add3A_783 = arith.addf %add3A_749, %mul3A_782 : vector<16xf32>
      %get3A_784 = arith.index_cast %add3A_776 : i32 to index
      %get3A_785 = arith.constant 16 : index
      %get3A_786 = tpu.vector_load %arg5[%get3A_784, %get3A_785] {strides = array<i32>} : memref<256x64xf32, #tpu.memory_space<vmem>>, vector<1x16xf32>,
      %get3A_787 = vector.shape_cast %get3A_786 : vector<1x16xf32> to vector<16xf32>
      %mul3A_788 = vector.broadcast %squeeze3A_772 : f32 to vector<16xf32>
      %mul3A_789 = arith.mulf %mul3A_788, %get3A_787 : vector<16xf32>
      %add3A_790 = arith.addf %add3A_756, %mul3A_789 : vector<16xf32>
      %get3A_791 = arith.index_cast %add3A_776 : i32 to index
      %get3A_792 = arith.constant 32 : index
      %get3A_793 = tpu.vector_load %arg5[%get3A_791, %get3A_792] {strides = array<i32>} : memref<256x64xf32, #tpu.memory_space<vmem>>, vector<1x16xf32>,
      %get3A_794 = vector.shape_cast %get3A_793 : vector<1x16xf32> to vector<16xf32>
      %mul3A_795 = vector.broadcast %squeeze3A_772 : f32 to vector<16xf32>
      %mul3A_796 = arith.mulf %mul3A_795, %get3A_794 : vector<16xf32>
      %add3A_797 = arith.addf %add3A_763, %mul3A_796 : vector<16xf32>
      %get3A_798 = arith.index_cast %add3A_776 : i32 to index
      %get3A_799 = arith.constant 48 : index
      %get3A_800 = tpu.vector_load %arg5[%get3A_798, %get3A_799] {strides = array<i32>} : memref<256x64xf32, #tpu.memory_space<vmem>>, vector<1x16xf32>,
      %get3A_801 = vector.shape_cast %get3A_800 : vector<1x16xf32> to vector<16xf32>
      %mul3A_802 = vector.broadcast %squeeze3A_772 : f32 to vector<16xf32>
      %mul3A_803 = arith.mulf %mul3A_802, %get3A_801 : vector<16xf32>
      %add3A_804 = arith.addf %add3A_770, %mul3A_803 : vector<16xf32>
      %slice3A_805 = vector.extract_strided_slice %get3A_362 {offsets = [13], sizes = [1], strides = [1]} : vector<16xf32> to vector<1xf32>
      %squeeze3A_806 = vector.extract %slice3A_805[0] : f32 from vector<1xf32>
      %mul3A_807 = arith.constant 16 : i32
      %mul3A_808 = arith.muli %mul3A_807, %scan3A_351 : i32
      %add3A_809 = arith.constant 13 : i32
      %add3A_810 = arith.addi %mul3A_808, %add3A_809 : i32
      %get3A_811 = arith.index_cast %add3A_810 : i32 to index
      %get3A_812 = arith.constant 0 : index
      %get3A_813 = tpu.vector_load %arg5[%get3A_811, %get3A_812] {strides = array<i32>} : memref<256x64xf32, #tpu.memory_space<vmem>>, vector<1x16xf32>,
      %get3A_814 = vector.shape_cast %get3A_813 : vector<1x16xf32> to vector<16xf32>
      %mul3A_815 = vector.broadcast %squeeze3A_806 : f32 to vector<16xf32>
      %mul3A_816 = arith.mulf %mul3A_815, %get3A_814 : vector<16xf32>
      %add3A_817 = arith.addf %add3A_783, %mul3A_816 : vector<16xf32>
      %get3A_818 = arith.index_cast %add3A_810 : i32 to index
      %get3A_819 = arith.constant 16 : index
      %get3A_820 = tpu.vector_load %arg5[%get3A_818, %get3A_819] {strides = array<i32>} : memref<256x64xf32, #tpu.memory_space<vmem>>, vector<1x16xf32>,
      %get3A_821 = vector.shape_cast %get3A_820 : vector<1x16xf32> to vector<16xf32>
      %mul3A_822 = vector.broadcast %squeeze3A_806 : f32 to vector<16xf32>
      %mul3A_823 = arith.mulf %mul3A_822, %get3A_821 : vector<16xf32>
      %add3A_824 = arith.addf %add3A_790, %mul3A_823 : vector<16xf32>
      %get3A_825 = arith.index_cast %add3A_810 : i32 to index
      %get3A_826 = arith.constant 32 : index
      %get3A_827 = tpu.vector_load %arg5[%get3A_825, %get3A_826] {strides = array<i32>} : memref<256x64xf32, #tpu.memory_space<vmem>>, vector<1x16xf32>,
      %get3A_828 = vector.shape_cast %get3A_827 : vector<1x16xf32> to vector<16xf32>
      %mul3A_829 = vector.broadcast %squeeze3A_806 : f32 to vector<16xf32>
      %mul3A_830 = arith.mulf %mul3A_829, %get3A_828 : vector<16xf32>
      %add3A_831 = arith.addf %add3A_797, %mul3A_830 : vector<16xf32>
      %get3A_832 = arith.index_cast %add3A_810 : i32 to index
      %get3A_833 = arith.constant 48 : index
      %get3A_834 = tpu.vector_load %arg5[%get3A_832, %get3A_833] {strides = array<i32>} : memref<256x64xf32, #tpu.memory_space<vmem>>, vector<1x16xf32>,
      %get3A_835 = vector.shape_cast %get3A_834 : vector<1x16xf32> to vector<16xf32>
      %mul3A_836 = vector.broadcast %squeeze3A_806 : f32 to vector<16xf32>
      %mul3A_837 = arith.mulf %mul3A_836, %get3A_835 : vector<16xf32>
      %add3A_838 = arith.addf %add3A_804, %mul3A_837 : vector<16xf32>
      %slice3A_839 = vector.extract_strided_slice %get3A_362 {offsets = [14], sizes = [1], strides = [1]} : vector<16xf32> to vector<1xf32>
      %squeeze3A_840 = vector.extract %slice3A_839[0] : f32 from vector<1xf32>
      %mul3A_841 = arith.constant 16 : i32
      %mul3A_842 = arith.muli %mul3A_841, %scan3A_351 : i32
      %add3A_843 = arith.constant 14 : i32
      %add3A_844 = arith.addi %mul3A_842, %add3A_843 : i32
      %get3A_845 = arith.index_cast %add3A_844 : i32 to index
      %get3A_846 = arith.constant 0 : index
      %get3A_847 = tpu.vector_load %arg5[%get3A_845, %get3A_846] {strides = array<i32>} : memref<256x64xf32, #tpu.memory_space<vmem>>, vector<1x16xf32>,
      %get3A_848 = vector.shape_cast %get3A_847 : vector<1x16xf32> to vector<16xf32>
      %mul3A_849 = vector.broadcast %squeeze3A_840 : f32 to vector<16xf32>
      %mul3A_850 = arith.mulf %mul3A_849, %get3A_848 : vector<16xf32>
      %add3A_851 = arith.addf %add3A_817, %mul3A_850 : vector<16xf32>
      %get3A_852 = arith.index_cast %add3A_844 : i32 to index
      %get3A_853 = arith.constant 16 : index
      %get3A_854 = tpu.vector_load %arg5[%get3A_852, %get3A_853] {strides = array<i32>} : memref<256x64xf32, #tpu.memory_space<vmem>>, vector<1x16xf32>,
      %get3A_855 = vector.shape_cast %get3A_854 : vector<1x16xf32> to vector<16xf32>
      %mul3A_856 = vector.broadcast %squeeze3A_840 : f32 to vector<16xf32>
      %mul3A_857 = arith.mulf %mul3A_856, %get3A_855 : vector<16xf32>
      %add3A_858 = arith.addf %add3A_824, %mul3A_857 : vector<16xf32>
      %get3A_859 = arith.index_cast %add3A_844 : i32 to index
      %get3A_860 = arith.constant 32 : index
      %get3A_861 = tpu.vector_load %arg5[%get3A_859, %get3A_860] {strides = array<i32>} : memref<256x64xf32, #tpu.memory_space<vmem>>, vector<1x16xf32>,
      %get3A_862 = vector.shape_cast %get3A_861 : vector<1x16xf32> to vector<16xf32>
      %mul3A_863 = vector.broadcast %squeeze3A_840 : f32 to vector<16xf32>
      %mul3A_864 = arith.mulf %mul3A_863, %get3A_862 : vector<16xf32>
      %add3A_865 = arith.addf %add3A_831, %mul3A_864 : vector<16xf32>
      %get3A_866 = arith.index_cast %add3A_844 : i32 to index
      %get3A_867 = arith.constant 48 : index
      %get3A_868 = tpu.vector_load %arg5[%get3A_866, %get3A_867] {strides = array<i32>} : memref<256x64xf32, #tpu.memory_space<vmem>>, vector<1x16xf32>,
      %get3A_869 = vector.shape_cast %get3A_868 : vector<1x16xf32> to vector<16xf32>
      %mul3A_870 = vector.broadcast %squeeze3A_840 : f32 to vector<16xf32>
      %mul3A_871 = arith.mulf %mul3A_870, %get3A_869 : vector<16xf32>
      %add3A_872 = arith.addf %add3A_838, %mul3A_871 : vector<16xf32>
      %slice3A_873 = vector.extract_strided_slice %get3A_362 {offsets = [15], sizes = [1], strides = [1]} : vector<16xf32> to vector<1xf32>
      %squeeze3A_874 = vector.extract %slice3A_873[0] : f32 from vector<1xf32>
      %mul3A_875 = arith.constant 16 : i32
      %mul3A_876 = arith.muli %mul3A_875, %scan3A_351 : i32
      %add3A_877 = arith.constant 15 : i32
      %add3A_878 = arith.addi %mul3A_876, %add3A_877 : i32
      %get3A_879 = arith.index_cast %add3A_878 : i32 to index
      %get3A_880 = arith.constant 0 : index
      %get3A_881 = tpu.vector_load %arg5[%get3A_879, %get3A_880] {strides = array<i32>} : memref<256x64xf32, #tpu.memory_space<vmem>>, vector<1x16xf32>,
      %get3A_882 = vector.shape_cast %get3A_881 : vector<1x16xf32> to vector<16xf32>
      %mul3A_883 = vector.broadcast %squeeze3A_874 : f32 to vector<16xf32>
      %mul3A_884 = arith.mulf %mul3A_883, %get3A_882 : vector<16xf32>
      %add3A_885 = arith.addf %add3A_851, %mul3A_884 : vector<16xf32>
      %get3A_886 = arith.index_cast %add3A_878 : i32 to index
      %get3A_887 = arith.constant 16 : index
      %get3A_888 = tpu.vector_load %arg5[%get3A_886, %get3A_887] {strides = array<i32>} : memref<256x64xf32, #tpu.memory_space<vmem>>, vector<1x16xf32>,
      %get3A_889 = vector.shape_cast %get3A_888 : vector<1x16xf32> to vector<16xf32>
      %mul3A_890 = vector.broadcast %squeeze3A_874 : f32 to vector<16xf32>
      %mul3A_891 = arith.mulf %mul3A_890, %get3A_889 : vector<16xf32>
      %add3A_892 = arith.addf %add3A_858, %mul3A_891 : vector<16xf32>
      %get3A_893 = arith.index_cast %add3A_878 : i32 to index
      %get3A_894 = arith.constant 32 : index
      %get3A_895 = tpu.vector_load %arg5[%get3A_893, %get3A_894] {strides = array<i32>} : memref<256x64xf32, #tpu.memory_space<vmem>>, vector<1x16xf32>,
      %get3A_896 = vector.shape_cast %get3A_895 : vector<1x16xf32> to vector<16xf32>
      %mul3A_897 = vector.broadcast %squeeze3A_874 : f32 to vector<16xf32>
      %mul3A_898 = arith.mulf %mul3A_897, %get3A_896 : vector<16xf32>
      %add3A_899 = arith.addf %add3A_865, %mul3A_898 : vector<16xf32>
      %get3A_900 = arith.index_cast %add3A_878 : i32 to index
      %get3A_901 = arith.constant 48 : index
      %get3A_902 = tpu.vector_load %arg5[%get3A_900, %get3A_901] {strides = array<i32>} : memref<256x64xf32, #tpu.memory_space<vmem>>, vector<1x16xf32>,
      %get3A_903 = vector.shape_cast %get3A_902 : vector<1x16xf32> to vector<16xf32>
      %mul3A_904 = vector.broadcast %squeeze3A_874 : f32 to vector<16xf32>
      %mul3A_905 = arith.mulf %mul3A_904, %get3A_903 : vector<16xf32>
      %add3A_906 = arith.addf %add3A_872, %mul3A_905 : vector<16xf32>
      scf.yield %add3A_885, %add3A_892, %add3A_899, %add3A_906 : vector<16xf32>, vector<16xf32>, vector<16xf32>, vector<16xf32>
    }
    %scan3A_6 = arith.constant 16 : i32
    "tpu.region"() ({
      %run_scoped3A = tpu.sem_alloc : memref<!tpu.dma_semaphore, #tpu.memory_space<semaphore_mem>>
      %dma_start3A = arith.constant 256 : i32
      %dma_start3A_351 = arith.constant 0 : i32
      %dma_start3A_352 = tpu.memref_slice %arg2[%dma_start3A, %dma_start3A_351] : memref<1024x64xf32, #tpu.memory_space<hbm>> -> memref<256x64xf32, #tpu.memory_space<hbm>>
      %dma_start3A_353 = arith.constant 256 : i32
      %dma_start3A_354 = arith.constant 0 : i32
      %dma_start3A_355 = tpu.memref_slice %arg2[%dma_start3A_353, %dma_start3A_354] : memref<1024x64xf32, #tpu.memory_space<hbm>> -> memref<256x64xf32, #tpu.memory_space<hbm>>
      tpu.enqueue_dma source(%dma_start3A_355 : memref<256x64xf32, #tpu.memory_space<hbm>>) target(%arg5 : memref<256x64xf32, #tpu.memory_space<vmem>>) target_semaphore(%run_scoped3A : memref<!tpu.dma_semaphore, #tpu.memory_space<semaphore_mem>>)
      %dma_wait3A = arith.constant 256 : i32
      %dma_wait3A_356 = arith.constant 0 : i32
      %dma_wait3A_357 = tpu.memref_slice %arg2[%dma_wait3A, %dma_wait3A_356] : memref<1024x64xf32, #tpu.memory_space<hbm>> -> memref<256x64xf32, #tpu.memory_space<hbm>>
      %dma_wait3A_358 = arith.constant 256 : i32
      %dma_wait3A_359 = arith.constant 0 : i32
      %dma_wait3A_360 = tpu.memref_slice %arg2[%dma_wait3A_358, %dma_wait3A_359] : memref<1024x64xf32, #tpu.memory_space<hbm>> -> memref<256x64xf32, #tpu.memory_space<hbm>>
      tpu.wait_dma2 semaphore(%run_scoped3A : memref<!tpu.dma_semaphore, #tpu.memory_space<semaphore_mem>>) src(%dma_wait3A_360 : memref<256x64xf32, #tpu.memory_space<hbm>>) dst(%arg5 : memref<256x64xf32, #tpu.memory_space<vmem>>)
      tpu.yield
    }) : () -> ()
    %scan3A_7 = arith.constant 0 : i32
    %scan3A_8 = arith.constant 16 : i32
    %scan3A_9 = arith.addi %scan3A_7, %scan3A_8 : i32
    %scan3A_10 = arith.constant 1 : i32
    %scan3A_11:4 = scf.for %scan3A_351 = %scan3A_7 to %scan3A_9 step %scan3A_10 iter_args(%scan3A_352 = %scan3A_5#0, %scan3A_353 = %scan3A_5#1, %scan3A_354 = %scan3A_5#2, %scan3A_355 = %scan3A_5#3) -> (vector<16xf32>, vector<16xf32>, vector<16xf32>, vector<16xf32>)  : i32 {
      %mul3A_356 = arith.constant 16 : i32
      %mul3A_357 = arith.muli %mul3A_356, %scan3A_351 : i32
      %add3A_358 = arith.constant 256 : i32
      %add3A_359 = arith.addi %add3A_358, %mul3A_357 : i32
      %get3A_360 = arith.index_cast %add3A_359 : i32 to index
      %get3A_361 = tpu.vector_load %arg6[%get3A_360] {strides = array<i32>} : memref<1024xf32, #tpu.memory_space<vmem>>, vector<16xf32>,
      %get3A_362 = vector.shape_cast %get3A_361 : vector<16xf32> to vector<16xf32>
      %slice3A_363 = vector.extract_strided_slice %get3A_362 {offsets = [0], sizes = [1], strides = [1]} : vector<16xf32> to vector<1xf32>
      %squeeze3A_364 = vector.extract %slice3A_363[0] : f32 from vector<1xf32>
      %mul3A_365 = arith.constant 16 : i32
      %mul3A_366 = arith.muli %mul3A_365, %scan3A_351 : i32
      %add3A_367 = arith.constant 0 : i32
      %add3A_368 = arith.addi %mul3A_366, %add3A_367 : i32
      %get3A_369 = arith.index_cast %add3A_368 : i32 to index
      %get3A_370 = arith.constant 0 : index
      %get3A_371 = tpu.vector_load %arg5[%get3A_369, %get3A_370] {strides = array<i32>} : memref<256x64xf32, #tpu.memory_space<vmem>>, vector<1x16xf32>,
      %get3A_372 = vector.shape_cast %get3A_371 : vector<1x16xf32> to vector<16xf32>
      %mul3A_373 = vector.broadcast %squeeze3A_364 : f32 to vector<16xf32>
      %mul3A_374 = arith.mulf %mul3A_373, %get3A_372 : vector<16xf32>
      %add3A_375 = arith.addf %scan3A_352, %mul3A_374 : vector<16xf32>
      %get3A_376 = arith.index_cast %add3A_368 : i32 to index
      %get3A_377 = arith.constant 16 : index
      %get3A_378 = tpu.vector_load %arg5[%get3A_376, %get3A_377] {strides = array<i32>} : memref<256x64xf32, #tpu.memory_space<vmem>>, vector<1x16xf32>,
      %get3A_379 = vector.shape_cast %get3A_378 : vector<1x16xf32> to vector<16xf32>
      %mul3A_380 = vector.broadcast %squeeze3A_364 : f32 to vector<16xf32>
      %mul3A_381 = arith.mulf %mul3A_380, %get3A_379 : vector<16xf32>
      %add3A_382 = arith.addf %scan3A_353, %mul3A_381 : vector<16xf32>
      %get3A_383 = arith.index_cast %add3A_368 : i32 to index
      %get3A_384 = arith.constant 32 : index
      %get3A_385 = tpu.vector_load %arg5[%get3A_383, %get3A_384] {strides = array<i32>} : memref<256x64xf32, #tpu.memory_space<vmem>>, vector<1x16xf32>,
      %get3A_386 = vector.shape_cast %get3A_385 : vector<1x16xf32> to vector<16xf32>
      %mul3A_387 = vector.broadcast %squeeze3A_364 : f32 to vector<16xf32>
      %mul3A_388 = arith.mulf %mul3A_387, %get3A_386 : vector<16xf32>
      %add3A_389 = arith.addf %scan3A_354, %mul3A_388 : vector<16xf32>
      %get3A_390 = arith.index_cast %add3A_368 : i32 to index
      %get3A_391 = arith.constant 48 : index
      %get3A_392 = tpu.vector_load %arg5[%get3A_390, %get3A_391] {strides = array<i32>} : memref<256x64xf32, #tpu.memory_space<vmem>>, vector<1x16xf32>,
      %get3A_393 = vector.shape_cast %get3A_392 : vector<1x16xf32> to vector<16xf32>
      %mul3A_394 = vector.broadcast %squeeze3A_364 : f32 to vector<16xf32>
      %mul3A_395 = arith.mulf %mul3A_394, %get3A_393 : vector<16xf32>
      %add3A_396 = arith.addf %scan3A_355, %mul3A_395 : vector<16xf32>
      %slice3A_397 = vector.extract_strided_slice %get3A_362 {offsets = [1], sizes = [1], strides = [1]} : vector<16xf32> to vector<1xf32>
      %squeeze3A_398 = vector.extract %slice3A_397[0] : f32 from vector<1xf32>
      %mul3A_399 = arith.constant 16 : i32
      %mul3A_400 = arith.muli %mul3A_399, %scan3A_351 : i32
      %add3A_401 = arith.constant 1 : i32
      %add3A_402 = arith.addi %mul3A_400, %add3A_401 : i32
      %get3A_403 = arith.index_cast %add3A_402 : i32 to index
      %get3A_404 = arith.constant 0 : index
      %get3A_405 = tpu.vector_load %arg5[%get3A_403, %get3A_404] {strides = array<i32>} : memref<256x64xf32, #tpu.memory_space<vmem>>, vector<1x16xf32>,
      %get3A_406 = vector.shape_cast %get3A_405 : vector<1x16xf32> to vector<16xf32>
      %mul3A_407 = vector.broadcast %squeeze3A_398 : f32 to vector<16xf32>
      %mul3A_408 = arith.mulf %mul3A_407, %get3A_406 : vector<16xf32>
      %add3A_409 = arith.addf %add3A_375, %mul3A_408 : vector<16xf32>
      %get3A_410 = arith.index_cast %add3A_402 : i32 to index
      %get3A_411 = arith.constant 16 : index
      %get3A_412 = tpu.vector_load %arg5[%get3A_410, %get3A_411] {strides = array<i32>} : memref<256x64xf32, #tpu.memory_space<vmem>>, vector<1x16xf32>,
      %get3A_413 = vector.shape_cast %get3A_412 : vector<1x16xf32> to vector<16xf32>
      %mul3A_414 = vector.broadcast %squeeze3A_398 : f32 to vector<16xf32>
      %mul3A_415 = arith.mulf %mul3A_414, %get3A_413 : vector<16xf32>
      %add3A_416 = arith.addf %add3A_382, %mul3A_415 : vector<16xf32>
      %get3A_417 = arith.index_cast %add3A_402 : i32 to index
      %get3A_418 = arith.constant 32 : index
      %get3A_419 = tpu.vector_load %arg5[%get3A_417, %get3A_418] {strides = array<i32>} : memref<256x64xf32, #tpu.memory_space<vmem>>, vector<1x16xf32>,
      %get3A_420 = vector.shape_cast %get3A_419 : vector<1x16xf32> to vector<16xf32>
      %mul3A_421 = vector.broadcast %squeeze3A_398 : f32 to vector<16xf32>
      %mul3A_422 = arith.mulf %mul3A_421, %get3A_420 : vector<16xf32>
      %add3A_423 = arith.addf %add3A_389, %mul3A_422 : vector<16xf32>
      %get3A_424 = arith.index_cast %add3A_402 : i32 to index
      %get3A_425 = arith.constant 48 : index
      %get3A_426 = tpu.vector_load %arg5[%get3A_424, %get3A_425] {strides = array<i32>} : memref<256x64xf32, #tpu.memory_space<vmem>>, vector<1x16xf32>,
      %get3A_427 = vector.shape_cast %get3A_426 : vector<1x16xf32> to vector<16xf32>
      %mul3A_428 = vector.broadcast %squeeze3A_398 : f32 to vector<16xf32>
      %mul3A_429 = arith.mulf %mul3A_428, %get3A_427 : vector<16xf32>
      %add3A_430 = arith.addf %add3A_396, %mul3A_429 : vector<16xf32>
      %slice3A_431 = vector.extract_strided_slice %get3A_362 {offsets = [2], sizes = [1], strides = [1]} : vector<16xf32> to vector<1xf32>
      %squeeze3A_432 = vector.extract %slice3A_431[0] : f32 from vector<1xf32>
      %mul3A_433 = arith.constant 16 : i32
      %mul3A_434 = arith.muli %mul3A_433, %scan3A_351 : i32
      %add3A_435 = arith.constant 2 : i32
      %add3A_436 = arith.addi %mul3A_434, %add3A_435 : i32
      %get3A_437 = arith.index_cast %add3A_436 : i32 to index
      %get3A_438 = arith.constant 0 : index
      %get3A_439 = tpu.vector_load %arg5[%get3A_437, %get3A_438] {strides = array<i32>} : memref<256x64xf32, #tpu.memory_space<vmem>>, vector<1x16xf32>,
      %get3A_440 = vector.shape_cast %get3A_439 : vector<1x16xf32> to vector<16xf32>
      %mul3A_441 = vector.broadcast %squeeze3A_432 : f32 to vector<16xf32>
      %mul3A_442 = arith.mulf %mul3A_441, %get3A_440 : vector<16xf32>
      %add3A_443 = arith.addf %add3A_409, %mul3A_442 : vector<16xf32>
      %get3A_444 = arith.index_cast %add3A_436 : i32 to index
      %get3A_445 = arith.constant 16 : index
      %get3A_446 = tpu.vector_load %arg5[%get3A_444, %get3A_445] {strides = array<i32>} : memref<256x64xf32, #tpu.memory_space<vmem>>, vector<1x16xf32>,
      %get3A_447 = vector.shape_cast %get3A_446 : vector<1x16xf32> to vector<16xf32>
      %mul3A_448 = vector.broadcast %squeeze3A_432 : f32 to vector<16xf32>
      %mul3A_449 = arith.mulf %mul3A_448, %get3A_447 : vector<16xf32>
      %add3A_450 = arith.addf %add3A_416, %mul3A_449 : vector<16xf32>
      %get3A_451 = arith.index_cast %add3A_436 : i32 to index
      %get3A_452 = arith.constant 32 : index
      %get3A_453 = tpu.vector_load %arg5[%get3A_451, %get3A_452] {strides = array<i32>} : memref<256x64xf32, #tpu.memory_space<vmem>>, vector<1x16xf32>,
      %get3A_454 = vector.shape_cast %get3A_453 : vector<1x16xf32> to vector<16xf32>
      %mul3A_455 = vector.broadcast %squeeze3A_432 : f32 to vector<16xf32>
      %mul3A_456 = arith.mulf %mul3A_455, %get3A_454 : vector<16xf32>
      %add3A_457 = arith.addf %add3A_423, %mul3A_456 : vector<16xf32>
      %get3A_458 = arith.index_cast %add3A_436 : i32 to index
      %get3A_459 = arith.constant 48 : index
      %get3A_460 = tpu.vector_load %arg5[%get3A_458, %get3A_459] {strides = array<i32>} : memref<256x64xf32, #tpu.memory_space<vmem>>, vector<1x16xf32>,
      %get3A_461 = vector.shape_cast %get3A_460 : vector<1x16xf32> to vector<16xf32>
      %mul3A_462 = vector.broadcast %squeeze3A_432 : f32 to vector<16xf32>
      %mul3A_463 = arith.mulf %mul3A_462, %get3A_461 : vector<16xf32>
      %add3A_464 = arith.addf %add3A_430, %mul3A_463 : vector<16xf32>
      %slice3A_465 = vector.extract_strided_slice %get3A_362 {offsets = [3], sizes = [1], strides = [1]} : vector<16xf32> to vector<1xf32>
      %squeeze3A_466 = vector.extract %slice3A_465[0] : f32 from vector<1xf32>
      %mul3A_467 = arith.constant 16 : i32
      %mul3A_468 = arith.muli %mul3A_467, %scan3A_351 : i32
      %add3A_469 = arith.constant 3 : i32
      %add3A_470 = arith.addi %mul3A_468, %add3A_469 : i32
      %get3A_471 = arith.index_cast %add3A_470 : i32 to index
      %get3A_472 = arith.constant 0 : index
      %get3A_473 = tpu.vector_load %arg5[%get3A_471, %get3A_472] {strides = array<i32>} : memref<256x64xf32, #tpu.memory_space<vmem>>, vector<1x16xf32>,
      %get3A_474 = vector.shape_cast %get3A_473 : vector<1x16xf32> to vector<16xf32>
      %mul3A_475 = vector.broadcast %squeeze3A_466 : f32 to vector<16xf32>
      %mul3A_476 = arith.mulf %mul3A_475, %get3A_474 : vector<16xf32>
      %add3A_477 = arith.addf %add3A_443, %mul3A_476 : vector<16xf32>
      %get3A_478 = arith.index_cast %add3A_470 : i32 to index
      %get3A_479 = arith.constant 16 : index
      %get3A_480 = tpu.vector_load %arg5[%get3A_478, %get3A_479] {strides = array<i32>} : memref<256x64xf32, #tpu.memory_space<vmem>>, vector<1x16xf32>,
      %get3A_481 = vector.shape_cast %get3A_480 : vector<1x16xf32> to vector<16xf32>
      %mul3A_482 = vector.broadcast %squeeze3A_466 : f32 to vector<16xf32>
      %mul3A_483 = arith.mulf %mul3A_482, %get3A_481 : vector<16xf32>
      %add3A_484 = arith.addf %add3A_450, %mul3A_483 : vector<16xf32>
      %get3A_485 = arith.index_cast %add3A_470 : i32 to index
      %get3A_486 = arith.constant 32 : index
      %get3A_487 = tpu.vector_load %arg5[%get3A_485, %get3A_486] {strides = array<i32>} : memref<256x64xf32, #tpu.memory_space<vmem>>, vector<1x16xf32>,
      %get3A_488 = vector.shape_cast %get3A_487 : vector<1x16xf32> to vector<16xf32>
      %mul3A_489 = vector.broadcast %squeeze3A_466 : f32 to vector<16xf32>
      %mul3A_490 = arith.mulf %mul3A_489, %get3A_488 : vector<16xf32>
      %add3A_491 = arith.addf %add3A_457, %mul3A_490 : vector<16xf32>
      %get3A_492 = arith.index_cast %add3A_470 : i32 to index
      %get3A_493 = arith.constant 48 : index
      %get3A_494 = tpu.vector_load %arg5[%get3A_492, %get3A_493] {strides = array<i32>} : memref<256x64xf32, #tpu.memory_space<vmem>>, vector<1x16xf32>,
      %get3A_495 = vector.shape_cast %get3A_494 : vector<1x16xf32> to vector<16xf32>
      %mul3A_496 = vector.broadcast %squeeze3A_466 : f32 to vector<16xf32>
      %mul3A_497 = arith.mulf %mul3A_496, %get3A_495 : vector<16xf32>
      %add3A_498 = arith.addf %add3A_464, %mul3A_497 : vector<16xf32>
      %slice3A_499 = vector.extract_strided_slice %get3A_362 {offsets = [4], sizes = [1], strides = [1]} : vector<16xf32> to vector<1xf32>
      %squeeze3A_500 = vector.extract %slice3A_499[0] : f32 from vector<1xf32>
      %mul3A_501 = arith.constant 16 : i32
      %mul3A_502 = arith.muli %mul3A_501, %scan3A_351 : i32
      %add3A_503 = arith.constant 4 : i32
      %add3A_504 = arith.addi %mul3A_502, %add3A_503 : i32
      %get3A_505 = arith.index_cast %add3A_504 : i32 to index
      %get3A_506 = arith.constant 0 : index
      %get3A_507 = tpu.vector_load %arg5[%get3A_505, %get3A_506] {strides = array<i32>} : memref<256x64xf32, #tpu.memory_space<vmem>>, vector<1x16xf32>,
      %get3A_508 = vector.shape_cast %get3A_507 : vector<1x16xf32> to vector<16xf32>
      %mul3A_509 = vector.broadcast %squeeze3A_500 : f32 to vector<16xf32>
      %mul3A_510 = arith.mulf %mul3A_509, %get3A_508 : vector<16xf32>
      %add3A_511 = arith.addf %add3A_477, %mul3A_510 : vector<16xf32>
      %get3A_512 = arith.index_cast %add3A_504 : i32 to index
      %get3A_513 = arith.constant 16 : index
      %get3A_514 = tpu.vector_load %arg5[%get3A_512, %get3A_513] {strides = array<i32>} : memref<256x64xf32, #tpu.memory_space<vmem>>, vector<1x16xf32>,
      %get3A_515 = vector.shape_cast %get3A_514 : vector<1x16xf32> to vector<16xf32>
      %mul3A_516 = vector.broadcast %squeeze3A_500 : f32 to vector<16xf32>
      %mul3A_517 = arith.mulf %mul3A_516, %get3A_515 : vector<16xf32>
      %add3A_518 = arith.addf %add3A_484, %mul3A_517 : vector<16xf32>
      %get3A_519 = arith.index_cast %add3A_504 : i32 to index
      %get3A_520 = arith.constant 32 : index
      %get3A_521 = tpu.vector_load %arg5[%get3A_519, %get3A_520] {strides = array<i32>} : memref<256x64xf32, #tpu.memory_space<vmem>>, vector<1x16xf32>,
      %get3A_522 = vector.shape_cast %get3A_521 : vector<1x16xf32> to vector<16xf32>
      %mul3A_523 = vector.broadcast %squeeze3A_500 : f32 to vector<16xf32>
      %mul3A_524 = arith.mulf %mul3A_523, %get3A_522 : vector<16xf32>
      %add3A_525 = arith.addf %add3A_491, %mul3A_524 : vector<16xf32>
      %get3A_526 = arith.index_cast %add3A_504 : i32 to index
      %get3A_527 = arith.constant 48 : index
      %get3A_528 = tpu.vector_load %arg5[%get3A_526, %get3A_527] {strides = array<i32>} : memref<256x64xf32, #tpu.memory_space<vmem>>, vector<1x16xf32>,
      %get3A_529 = vector.shape_cast %get3A_528 : vector<1x16xf32> to vector<16xf32>
      %mul3A_530 = vector.broadcast %squeeze3A_500 : f32 to vector<16xf32>
      %mul3A_531 = arith.mulf %mul3A_530, %get3A_529 : vector<16xf32>
      %add3A_532 = arith.addf %add3A_498, %mul3A_531 : vector<16xf32>
      %slice3A_533 = vector.extract_strided_slice %get3A_362 {offsets = [5], sizes = [1], strides = [1]} : vector<16xf32> to vector<1xf32>
      %squeeze3A_534 = vector.extract %slice3A_533[0] : f32 from vector<1xf32>
      %mul3A_535 = arith.constant 16 : i32
      %mul3A_536 = arith.muli %mul3A_535, %scan3A_351 : i32
      %add3A_537 = arith.constant 5 : i32
      %add3A_538 = arith.addi %mul3A_536, %add3A_537 : i32
      %get3A_539 = arith.index_cast %add3A_538 : i32 to index
      %get3A_540 = arith.constant 0 : index
      %get3A_541 = tpu.vector_load %arg5[%get3A_539, %get3A_540] {strides = array<i32>} : memref<256x64xf32, #tpu.memory_space<vmem>>, vector<1x16xf32>,
      %get3A_542 = vector.shape_cast %get3A_541 : vector<1x16xf32> to vector<16xf32>
      %mul3A_543 = vector.broadcast %squeeze3A_534 : f32 to vector<16xf32>
      %mul3A_544 = arith.mulf %mul3A_543, %get3A_542 : vector<16xf32>
      %add3A_545 = arith.addf %add3A_511, %mul3A_544 : vector<16xf32>
      %get3A_546 = arith.index_cast %add3A_538 : i32 to index
      %get3A_547 = arith.constant 16 : index
      %get3A_548 = tpu.vector_load %arg5[%get3A_546, %get3A_547] {strides = array<i32>} : memref<256x64xf32, #tpu.memory_space<vmem>>, vector<1x16xf32>,
      %get3A_549 = vector.shape_cast %get3A_548 : vector<1x16xf32> to vector<16xf32>
      %mul3A_550 = vector.broadcast %squeeze3A_534 : f32 to vector<16xf32>
      %mul3A_551 = arith.mulf %mul3A_550, %get3A_549 : vector<16xf32>
      %add3A_552 = arith.addf %add3A_518, %mul3A_551 : vector<16xf32>
      %get3A_553 = arith.index_cast %add3A_538 : i32 to index
      %get3A_554 = arith.constant 32 : index
      %get3A_555 = tpu.vector_load %arg5[%get3A_553, %get3A_554] {strides = array<i32>} : memref<256x64xf32, #tpu.memory_space<vmem>>, vector<1x16xf32>,
      %get3A_556 = vector.shape_cast %get3A_555 : vector<1x16xf32> to vector<16xf32>
      %mul3A_557 = vector.broadcast %squeeze3A_534 : f32 to vector<16xf32>
      %mul3A_558 = arith.mulf %mul3A_557, %get3A_556 : vector<16xf32>
      %add3A_559 = arith.addf %add3A_525, %mul3A_558 : vector<16xf32>
      %get3A_560 = arith.index_cast %add3A_538 : i32 to index
      %get3A_561 = arith.constant 48 : index
      %get3A_562 = tpu.vector_load %arg5[%get3A_560, %get3A_561] {strides = array<i32>} : memref<256x64xf32, #tpu.memory_space<vmem>>, vector<1x16xf32>,
      %get3A_563 = vector.shape_cast %get3A_562 : vector<1x16xf32> to vector<16xf32>
      %mul3A_564 = vector.broadcast %squeeze3A_534 : f32 to vector<16xf32>
      %mul3A_565 = arith.mulf %mul3A_564, %get3A_563 : vector<16xf32>
      %add3A_566 = arith.addf %add3A_532, %mul3A_565 : vector<16xf32>
      %slice3A_567 = vector.extract_strided_slice %get3A_362 {offsets = [6], sizes = [1], strides = [1]} : vector<16xf32> to vector<1xf32>
      %squeeze3A_568 = vector.extract %slice3A_567[0] : f32 from vector<1xf32>
      %mul3A_569 = arith.constant 16 : i32
      %mul3A_570 = arith.muli %mul3A_569, %scan3A_351 : i32
      %add3A_571 = arith.constant 6 : i32
      %add3A_572 = arith.addi %mul3A_570, %add3A_571 : i32
      %get3A_573 = arith.index_cast %add3A_572 : i32 to index
      %get3A_574 = arith.constant 0 : index
      %get3A_575 = tpu.vector_load %arg5[%get3A_573, %get3A_574] {strides = array<i32>} : memref<256x64xf32, #tpu.memory_space<vmem>>, vector<1x16xf32>,
      %get3A_576 = vector.shape_cast %get3A_575 : vector<1x16xf32> to vector<16xf32>
      %mul3A_577 = vector.broadcast %squeeze3A_568 : f32 to vector<16xf32>
      %mul3A_578 = arith.mulf %mul3A_577, %get3A_576 : vector<16xf32>
      %add3A_579 = arith.addf %add3A_545, %mul3A_578 : vector<16xf32>
      %get3A_580 = arith.index_cast %add3A_572 : i32 to index
      %get3A_581 = arith.constant 16 : index
      %get3A_582 = tpu.vector_load %arg5[%get3A_580, %get3A_581] {strides = array<i32>} : memref<256x64xf32, #tpu.memory_space<vmem>>, vector<1x16xf32>,
      %get3A_583 = vector.shape_cast %get3A_582 : vector<1x16xf32> to vector<16xf32>
      %mul3A_584 = vector.broadcast %squeeze3A_568 : f32 to vector<16xf32>
      %mul3A_585 = arith.mulf %mul3A_584, %get3A_583 : vector<16xf32>
      %add3A_586 = arith.addf %add3A_552, %mul3A_585 : vector<16xf32>
      %get3A_587 = arith.index_cast %add3A_572 : i32 to index
      %get3A_588 = arith.constant 32 : index
      %get3A_589 = tpu.vector_load %arg5[%get3A_587, %get3A_588] {strides = array<i32>} : memref<256x64xf32, #tpu.memory_space<vmem>>, vector<1x16xf32>,
      %get3A_590 = vector.shape_cast %get3A_589 : vector<1x16xf32> to vector<16xf32>
      %mul3A_591 = vector.broadcast %squeeze3A_568 : f32 to vector<16xf32>
      %mul3A_592 = arith.mulf %mul3A_591, %get3A_590 : vector<16xf32>
      %add3A_593 = arith.addf %add3A_559, %mul3A_592 : vector<16xf32>
      %get3A_594 = arith.index_cast %add3A_572 : i32 to index
      %get3A_595 = arith.constant 48 : index
      %get3A_596 = tpu.vector_load %arg5[%get3A_594, %get3A_595] {strides = array<i32>} : memref<256x64xf32, #tpu.memory_space<vmem>>, vector<1x16xf32>,
      %get3A_597 = vector.shape_cast %get3A_596 : vector<1x16xf32> to vector<16xf32>
      %mul3A_598 = vector.broadcast %squeeze3A_568 : f32 to vector<16xf32>
      %mul3A_599 = arith.mulf %mul3A_598, %get3A_597 : vector<16xf32>
      %add3A_600 = arith.addf %add3A_566, %mul3A_599 : vector<16xf32>
      %slice3A_601 = vector.extract_strided_slice %get3A_362 {offsets = [7], sizes = [1], strides = [1]} : vector<16xf32> to vector<1xf32>
      %squeeze3A_602 = vector.extract %slice3A_601[0] : f32 from vector<1xf32>
      %mul3A_603 = arith.constant 16 : i32
      %mul3A_604 = arith.muli %mul3A_603, %scan3A_351 : i32
      %add3A_605 = arith.constant 7 : i32
      %add3A_606 = arith.addi %mul3A_604, %add3A_605 : i32
      %get3A_607 = arith.index_cast %add3A_606 : i32 to index
      %get3A_608 = arith.constant 0 : index
      %get3A_609 = tpu.vector_load %arg5[%get3A_607, %get3A_608] {strides = array<i32>} : memref<256x64xf32, #tpu.memory_space<vmem>>, vector<1x16xf32>,
      %get3A_610 = vector.shape_cast %get3A_609 : vector<1x16xf32> to vector<16xf32>
      %mul3A_611 = vector.broadcast %squeeze3A_602 : f32 to vector<16xf32>
      %mul3A_612 = arith.mulf %mul3A_611, %get3A_610 : vector<16xf32>
      %add3A_613 = arith.addf %add3A_579, %mul3A_612 : vector<16xf32>
      %get3A_614 = arith.index_cast %add3A_606 : i32 to index
      %get3A_615 = arith.constant 16 : index
      %get3A_616 = tpu.vector_load %arg5[%get3A_614, %get3A_615] {strides = array<i32>} : memref<256x64xf32, #tpu.memory_space<vmem>>, vector<1x16xf32>,
      %get3A_617 = vector.shape_cast %get3A_616 : vector<1x16xf32> to vector<16xf32>
      %mul3A_618 = vector.broadcast %squeeze3A_602 : f32 to vector<16xf32>
      %mul3A_619 = arith.mulf %mul3A_618, %get3A_617 : vector<16xf32>
      %add3A_620 = arith.addf %add3A_586, %mul3A_619 : vector<16xf32>
      %get3A_621 = arith.index_cast %add3A_606 : i32 to index
      %get3A_622 = arith.constant 32 : index
      %get3A_623 = tpu.vector_load %arg5[%get3A_621, %get3A_622] {strides = array<i32>} : memref<256x64xf32, #tpu.memory_space<vmem>>, vector<1x16xf32>,
      %get3A_624 = vector.shape_cast %get3A_623 : vector<1x16xf32> to vector<16xf32>
      %mul3A_625 = vector.broadcast %squeeze3A_602 : f32 to vector<16xf32>
      %mul3A_626 = arith.mulf %mul3A_625, %get3A_624 : vector<16xf32>
      %add3A_627 = arith.addf %add3A_593, %mul3A_626 : vector<16xf32>
      %get3A_628 = arith.index_cast %add3A_606 : i32 to index
      %get3A_629 = arith.constant 48 : index
      %get3A_630 = tpu.vector_load %arg5[%get3A_628, %get3A_629] {strides = array<i32>} : memref<256x64xf32, #tpu.memory_space<vmem>>, vector<1x16xf32>,
      %get3A_631 = vector.shape_cast %get3A_630 : vector<1x16xf32> to vector<16xf32>
      %mul3A_632 = vector.broadcast %squeeze3A_602 : f32 to vector<16xf32>
      %mul3A_633 = arith.mulf %mul3A_632, %get3A_631 : vector<16xf32>
      %add3A_634 = arith.addf %add3A_600, %mul3A_633 : vector<16xf32>
      %slice3A_635 = vector.extract_strided_slice %get3A_362 {offsets = [8], sizes = [1], strides = [1]} : vector<16xf32> to vector<1xf32>
      %squeeze3A_636 = vector.extract %slice3A_635[0] : f32 from vector<1xf32>
      %mul3A_637 = arith.constant 16 : i32
      %mul3A_638 = arith.muli %mul3A_637, %scan3A_351 : i32
      %add3A_639 = arith.constant 8 : i32
      %add3A_640 = arith.addi %mul3A_638, %add3A_639 : i32
      %get3A_641 = arith.index_cast %add3A_640 : i32 to index
      %get3A_642 = arith.constant 0 : index
      %get3A_643 = tpu.vector_load %arg5[%get3A_641, %get3A_642] {strides = array<i32>} : memref<256x64xf32, #tpu.memory_space<vmem>>, vector<1x16xf32>,
      %get3A_644 = vector.shape_cast %get3A_643 : vector<1x16xf32> to vector<16xf32>
      %mul3A_645 = vector.broadcast %squeeze3A_636 : f32 to vector<16xf32>
      %mul3A_646 = arith.mulf %mul3A_645, %get3A_644 : vector<16xf32>
      %add3A_647 = arith.addf %add3A_613, %mul3A_646 : vector<16xf32>
      %get3A_648 = arith.index_cast %add3A_640 : i32 to index
      %get3A_649 = arith.constant 16 : index
      %get3A_650 = tpu.vector_load %arg5[%get3A_648, %get3A_649] {strides = array<i32>} : memref<256x64xf32, #tpu.memory_space<vmem>>, vector<1x16xf32>,
      %get3A_651 = vector.shape_cast %get3A_650 : vector<1x16xf32> to vector<16xf32>
      %mul3A_652 = vector.broadcast %squeeze3A_636 : f32 to vector<16xf32>
      %mul3A_653 = arith.mulf %mul3A_652, %get3A_651 : vector<16xf32>
      %add3A_654 = arith.addf %add3A_620, %mul3A_653 : vector<16xf32>
      %get3A_655 = arith.index_cast %add3A_640 : i32 to index
      %get3A_656 = arith.constant 32 : index
      %get3A_657 = tpu.vector_load %arg5[%get3A_655, %get3A_656] {strides = array<i32>} : memref<256x64xf32, #tpu.memory_space<vmem>>, vector<1x16xf32>,
      %get3A_658 = vector.shape_cast %get3A_657 : vector<1x16xf32> to vector<16xf32>
      %mul3A_659 = vector.broadcast %squeeze3A_636 : f32 to vector<16xf32>
      %mul3A_660 = arith.mulf %mul3A_659, %get3A_658 : vector<16xf32>
      %add3A_661 = arith.addf %add3A_627, %mul3A_660 : vector<16xf32>
      %get3A_662 = arith.index_cast %add3A_640 : i32 to index
      %get3A_663 = arith.constant 48 : index
      %get3A_664 = tpu.vector_load %arg5[%get3A_662, %get3A_663] {strides = array<i32>} : memref<256x64xf32, #tpu.memory_space<vmem>>, vector<1x16xf32>,
      %get3A_665 = vector.shape_cast %get3A_664 : vector<1x16xf32> to vector<16xf32>
      %mul3A_666 = vector.broadcast %squeeze3A_636 : f32 to vector<16xf32>
      %mul3A_667 = arith.mulf %mul3A_666, %get3A_665 : vector<16xf32>
      %add3A_668 = arith.addf %add3A_634, %mul3A_667 : vector<16xf32>
      %slice3A_669 = vector.extract_strided_slice %get3A_362 {offsets = [9], sizes = [1], strides = [1]} : vector<16xf32> to vector<1xf32>
      %squeeze3A_670 = vector.extract %slice3A_669[0] : f32 from vector<1xf32>
      %mul3A_671 = arith.constant 16 : i32
      %mul3A_672 = arith.muli %mul3A_671, %scan3A_351 : i32
      %add3A_673 = arith.constant 9 : i32
      %add3A_674 = arith.addi %mul3A_672, %add3A_673 : i32
      %get3A_675 = arith.index_cast %add3A_674 : i32 to index
      %get3A_676 = arith.constant 0 : index
      %get3A_677 = tpu.vector_load %arg5[%get3A_675, %get3A_676] {strides = array<i32>} : memref<256x64xf32, #tpu.memory_space<vmem>>, vector<1x16xf32>,
      %get3A_678 = vector.shape_cast %get3A_677 : vector<1x16xf32> to vector<16xf32>
      %mul3A_679 = vector.broadcast %squeeze3A_670 : f32 to vector<16xf32>
      %mul3A_680 = arith.mulf %mul3A_679, %get3A_678 : vector<16xf32>
      %add3A_681 = arith.addf %add3A_647, %mul3A_680 : vector<16xf32>
      %get3A_682 = arith.index_cast %add3A_674 : i32 to index
      %get3A_683 = arith.constant 16 : index
      %get3A_684 = tpu.vector_load %arg5[%get3A_682, %get3A_683] {strides = array<i32>} : memref<256x64xf32, #tpu.memory_space<vmem>>, vector<1x16xf32>,
      %get3A_685 = vector.shape_cast %get3A_684 : vector<1x16xf32> to vector<16xf32>
      %mul3A_686 = vector.broadcast %squeeze3A_670 : f32 to vector<16xf32>
      %mul3A_687 = arith.mulf %mul3A_686, %get3A_685 : vector<16xf32>
      %add3A_688 = arith.addf %add3A_654, %mul3A_687 : vector<16xf32>
      %get3A_689 = arith.index_cast %add3A_674 : i32 to index
      %get3A_690 = arith.constant 32 : index
      %get3A_691 = tpu.vector_load %arg5[%get3A_689, %get3A_690] {strides = array<i32>} : memref<256x64xf32, #tpu.memory_space<vmem>>, vector<1x16xf32>,
      %get3A_692 = vector.shape_cast %get3A_691 : vector<1x16xf32> to vector<16xf32>
      %mul3A_693 = vector.broadcast %squeeze3A_670 : f32 to vector<16xf32>
      %mul3A_694 = arith.mulf %mul3A_693, %get3A_692 : vector<16xf32>
      %add3A_695 = arith.addf %add3A_661, %mul3A_694 : vector<16xf32>
      %get3A_696 = arith.index_cast %add3A_674 : i32 to index
      %get3A_697 = arith.constant 48 : index
      %get3A_698 = tpu.vector_load %arg5[%get3A_696, %get3A_697] {strides = array<i32>} : memref<256x64xf32, #tpu.memory_space<vmem>>, vector<1x16xf32>,
      %get3A_699 = vector.shape_cast %get3A_698 : vector<1x16xf32> to vector<16xf32>
      %mul3A_700 = vector.broadcast %squeeze3A_670 : f32 to vector<16xf32>
      %mul3A_701 = arith.mulf %mul3A_700, %get3A_699 : vector<16xf32>
      %add3A_702 = arith.addf %add3A_668, %mul3A_701 : vector<16xf32>
      %slice3A_703 = vector.extract_strided_slice %get3A_362 {offsets = [10], sizes = [1], strides = [1]} : vector<16xf32> to vector<1xf32>
      %squeeze3A_704 = vector.extract %slice3A_703[0] : f32 from vector<1xf32>
      %mul3A_705 = arith.constant 16 : i32
      %mul3A_706 = arith.muli %mul3A_705, %scan3A_351 : i32
      %add3A_707 = arith.constant 10 : i32
      %add3A_708 = arith.addi %mul3A_706, %add3A_707 : i32
      %get3A_709 = arith.index_cast %add3A_708 : i32 to index
      %get3A_710 = arith.constant 0 : index
      %get3A_711 = tpu.vector_load %arg5[%get3A_709, %get3A_710] {strides = array<i32>} : memref<256x64xf32, #tpu.memory_space<vmem>>, vector<1x16xf32>,
      %get3A_712 = vector.shape_cast %get3A_711 : vector<1x16xf32> to vector<16xf32>
      %mul3A_713 = vector.broadcast %squeeze3A_704 : f32 to vector<16xf32>
      %mul3A_714 = arith.mulf %mul3A_713, %get3A_712 : vector<16xf32>
      %add3A_715 = arith.addf %add3A_681, %mul3A_714 : vector<16xf32>
      %get3A_716 = arith.index_cast %add3A_708 : i32 to index
      %get3A_717 = arith.constant 16 : index
      %get3A_718 = tpu.vector_load %arg5[%get3A_716, %get3A_717] {strides = array<i32>} : memref<256x64xf32, #tpu.memory_space<vmem>>, vector<1x16xf32>,
      %get3A_719 = vector.shape_cast %get3A_718 : vector<1x16xf32> to vector<16xf32>
      %mul3A_720 = vector.broadcast %squeeze3A_704 : f32 to vector<16xf32>
      %mul3A_721 = arith.mulf %mul3A_720, %get3A_719 : vector<16xf32>
      %add3A_722 = arith.addf %add3A_688, %mul3A_721 : vector<16xf32>
      %get3A_723 = arith.index_cast %add3A_708 : i32 to index
      %get3A_724 = arith.constant 32 : index
      %get3A_725 = tpu.vector_load %arg5[%get3A_723, %get3A_724] {strides = array<i32>} : memref<256x64xf32, #tpu.memory_space<vmem>>, vector<1x16xf32>,
      %get3A_726 = vector.shape_cast %get3A_725 : vector<1x16xf32> to vector<16xf32>
      %mul3A_727 = vector.broadcast %squeeze3A_704 : f32 to vector<16xf32>
      %mul3A_728 = arith.mulf %mul3A_727, %get3A_726 : vector<16xf32>
      %add3A_729 = arith.addf %add3A_695, %mul3A_728 : vector<16xf32>
      %get3A_730 = arith.index_cast %add3A_708 : i32 to index
      %get3A_731 = arith.constant 48 : index
      %get3A_732 = tpu.vector_load %arg5[%get3A_730, %get3A_731] {strides = array<i32>} : memref<256x64xf32, #tpu.memory_space<vmem>>, vector<1x16xf32>,
      %get3A_733 = vector.shape_cast %get3A_732 : vector<1x16xf32> to vector<16xf32>
      %mul3A_734 = vector.broadcast %squeeze3A_704 : f32 to vector<16xf32>
      %mul3A_735 = arith.mulf %mul3A_734, %get3A_733 : vector<16xf32>
      %add3A_736 = arith.addf %add3A_702, %mul3A_735 : vector<16xf32>
      %slice3A_737 = vector.extract_strided_slice %get3A_362 {offsets = [11], sizes = [1], strides = [1]} : vector<16xf32> to vector<1xf32>
      %squeeze3A_738 = vector.extract %slice3A_737[0] : f32 from vector<1xf32>
      %mul3A_739 = arith.constant 16 : i32
      %mul3A_740 = arith.muli %mul3A_739, %scan3A_351 : i32
      %add3A_741 = arith.constant 11 : i32
      %add3A_742 = arith.addi %mul3A_740, %add3A_741 : i32
      %get3A_743 = arith.index_cast %add3A_742 : i32 to index
      %get3A_744 = arith.constant 0 : index
      %get3A_745 = tpu.vector_load %arg5[%get3A_743, %get3A_744] {strides = array<i32>} : memref<256x64xf32, #tpu.memory_space<vmem>>, vector<1x16xf32>,
      %get3A_746 = vector.shape_cast %get3A_745 : vector<1x16xf32> to vector<16xf32>
      %mul3A_747 = vector.broadcast %squeeze3A_738 : f32 to vector<16xf32>
      %mul3A_748 = arith.mulf %mul3A_747, %get3A_746 : vector<16xf32>
      %add3A_749 = arith.addf %add3A_715, %mul3A_748 : vector<16xf32>
      %get3A_750 = arith.index_cast %add3A_742 : i32 to index
      %get3A_751 = arith.constant 16 : index
      %get3A_752 = tpu.vector_load %arg5[%get3A_750, %get3A_751] {strides = array<i32>} : memref<256x64xf32, #tpu.memory_space<vmem>>, vector<1x16xf32>,
      %get3A_753 = vector.shape_cast %get3A_752 : vector<1x16xf32> to vector<16xf32>
      %mul3A_754 = vector.broadcast %squeeze3A_738 : f32 to vector<16xf32>
      %mul3A_755 = arith.mulf %mul3A_754, %get3A_753 : vector<16xf32>
      %add3A_756 = arith.addf %add3A_722, %mul3A_755 : vector<16xf32>
      %get3A_757 = arith.index_cast %add3A_742 : i32 to index
      %get3A_758 = arith.constant 32 : index
      %get3A_759 = tpu.vector_load %arg5[%get3A_757, %get3A_758] {strides = array<i32>} : memref<256x64xf32, #tpu.memory_space<vmem>>, vector<1x16xf32>,
      %get3A_760 = vector.shape_cast %get3A_759 : vector<1x16xf32> to vector<16xf32>
      %mul3A_761 = vector.broadcast %squeeze3A_738 : f32 to vector<16xf32>
      %mul3A_762 = arith.mulf %mul3A_761, %get3A_760 : vector<16xf32>
      %add3A_763 = arith.addf %add3A_729, %mul3A_762 : vector<16xf32>
      %get3A_764 = arith.index_cast %add3A_742 : i32 to index
      %get3A_765 = arith.constant 48 : index
      %get3A_766 = tpu.vector_load %arg5[%get3A_764, %get3A_765] {strides = array<i32>} : memref<256x64xf32, #tpu.memory_space<vmem>>, vector<1x16xf32>,
      %get3A_767 = vector.shape_cast %get3A_766 : vector<1x16xf32> to vector<16xf32>
      %mul3A_768 = vector.broadcast %squeeze3A_738 : f32 to vector<16xf32>
      %mul3A_769 = arith.mulf %mul3A_768, %get3A_767 : vector<16xf32>
      %add3A_770 = arith.addf %add3A_736, %mul3A_769 : vector<16xf32>
      %slice3A_771 = vector.extract_strided_slice %get3A_362 {offsets = [12], sizes = [1], strides = [1]} : vector<16xf32> to vector<1xf32>
      %squeeze3A_772 = vector.extract %slice3A_771[0] : f32 from vector<1xf32>
      %mul3A_773 = arith.constant 16 : i32
      %mul3A_774 = arith.muli %mul3A_773, %scan3A_351 : i32
      %add3A_775 = arith.constant 12 : i32
      %add3A_776 = arith.addi %mul3A_774, %add3A_775 : i32
      %get3A_777 = arith.index_cast %add3A_776 : i32 to index
      %get3A_778 = arith.constant 0 : index
      %get3A_779 = tpu.vector_load %arg5[%get3A_777, %get3A_778] {strides = array<i32>} : memref<256x64xf32, #tpu.memory_space<vmem>>, vector<1x16xf32>,
      %get3A_780 = vector.shape_cast %get3A_779 : vector<1x16xf32> to vector<16xf32>
      %mul3A_781 = vector.broadcast %squeeze3A_772 : f32 to vector<16xf32>
      %mul3A_782 = arith.mulf %mul3A_781, %get3A_780 : vector<16xf32>
      %add3A_783 = arith.addf %add3A_749, %mul3A_782 : vector<16xf32>
      %get3A_784 = arith.index_cast %add3A_776 : i32 to index
      %get3A_785 = arith.constant 16 : index
      %get3A_786 = tpu.vector_load %arg5[%get3A_784, %get3A_785] {strides = array<i32>} : memref<256x64xf32, #tpu.memory_space<vmem>>, vector<1x16xf32>,
      %get3A_787 = vector.shape_cast %get3A_786 : vector<1x16xf32> to vector<16xf32>
      %mul3A_788 = vector.broadcast %squeeze3A_772 : f32 to vector<16xf32>
      %mul3A_789 = arith.mulf %mul3A_788, %get3A_787 : vector<16xf32>
      %add3A_790 = arith.addf %add3A_756, %mul3A_789 : vector<16xf32>
      %get3A_791 = arith.index_cast %add3A_776 : i32 to index
      %get3A_792 = arith.constant 32 : index
      %get3A_793 = tpu.vector_load %arg5[%get3A_791, %get3A_792] {strides = array<i32>} : memref<256x64xf32, #tpu.memory_space<vmem>>, vector<1x16xf32>,
      %get3A_794 = vector.shape_cast %get3A_793 : vector<1x16xf32> to vector<16xf32>
      %mul3A_795 = vector.broadcast %squeeze3A_772 : f32 to vector<16xf32>
      %mul3A_796 = arith.mulf %mul3A_795, %get3A_794 : vector<16xf32>
      %add3A_797 = arith.addf %add3A_763, %mul3A_796 : vector<16xf32>
      %get3A_798 = arith.index_cast %add3A_776 : i32 to index
      %get3A_799 = arith.constant 48 : index
      %get3A_800 = tpu.vector_load %arg5[%get3A_798, %get3A_799] {strides = array<i32>} : memref<256x64xf32, #tpu.memory_space<vmem>>, vector<1x16xf32>,
      %get3A_801 = vector.shape_cast %get3A_800 : vector<1x16xf32> to vector<16xf32>
      %mul3A_802 = vector.broadcast %squeeze3A_772 : f32 to vector<16xf32>
      %mul3A_803 = arith.mulf %mul3A_802, %get3A_801 : vector<16xf32>
      %add3A_804 = arith.addf %add3A_770, %mul3A_803 : vector<16xf32>
      %slice3A_805 = vector.extract_strided_slice %get3A_362 {offsets = [13], sizes = [1], strides = [1]} : vector<16xf32> to vector<1xf32>
      %squeeze3A_806 = vector.extract %slice3A_805[0] : f32 from vector<1xf32>
      %mul3A_807 = arith.constant 16 : i32
      %mul3A_808 = arith.muli %mul3A_807, %scan3A_351 : i32
      %add3A_809 = arith.constant 13 : i32
      %add3A_810 = arith.addi %mul3A_808, %add3A_809 : i32
      %get3A_811 = arith.index_cast %add3A_810 : i32 to index
      %get3A_812 = arith.constant 0 : index
      %get3A_813 = tpu.vector_load %arg5[%get3A_811, %get3A_812] {strides = array<i32>} : memref<256x64xf32, #tpu.memory_space<vmem>>, vector<1x16xf32>,
      %get3A_814 = vector.shape_cast %get3A_813 : vector<1x16xf32> to vector<16xf32>
      %mul3A_815 = vector.broadcast %squeeze3A_806 : f32 to vector<16xf32>
      %mul3A_816 = arith.mulf %mul3A_815, %get3A_814 : vector<16xf32>
      %add3A_817 = arith.addf %add3A_783, %mul3A_816 : vector<16xf32>
      %get3A_818 = arith.index_cast %add3A_810 : i32 to index
      %get3A_819 = arith.constant 16 : index
      %get3A_820 = tpu.vector_load %arg5[%get3A_818, %get3A_819] {strides = array<i32>} : memref<256x64xf32, #tpu.memory_space<vmem>>, vector<1x16xf32>,
      %get3A_821 = vector.shape_cast %get3A_820 : vector<1x16xf32> to vector<16xf32>
      %mul3A_822 = vector.broadcast %squeeze3A_806 : f32 to vector<16xf32>
      %mul3A_823 = arith.mulf %mul3A_822, %get3A_821 : vector<16xf32>
      %add3A_824 = arith.addf %add3A_790, %mul3A_823 : vector<16xf32>
      %get3A_825 = arith.index_cast %add3A_810 : i32 to index
      %get3A_826 = arith.constant 32 : index
      %get3A_827 = tpu.vector_load %arg5[%get3A_825, %get3A_826] {strides = array<i32>} : memref<256x64xf32, #tpu.memory_space<vmem>>, vector<1x16xf32>,
      %get3A_828 = vector.shape_cast %get3A_827 : vector<1x16xf32> to vector<16xf32>
      %mul3A_829 = vector.broadcast %squeeze3A_806 : f32 to vector<16xf32>
      %mul3A_830 = arith.mulf %mul3A_829, %get3A_828 : vector<16xf32>
      %add3A_831 = arith.addf %add3A_797, %mul3A_830 : vector<16xf32>
      %get3A_832 = arith.index_cast %add3A_810 : i32 to index
      %get3A_833 = arith.constant 48 : index
      %get3A_834 = tpu.vector_load %arg5[%get3A_832, %get3A_833] {strides = array<i32>} : memref<256x64xf32, #tpu.memory_space<vmem>>, vector<1x16xf32>,
      %get3A_835 = vector.shape_cast %get3A_834 : vector<1x16xf32> to vector<16xf32>
      %mul3A_836 = vector.broadcast %squeeze3A_806 : f32 to vector<16xf32>
      %mul3A_837 = arith.mulf %mul3A_836, %get3A_835 : vector<16xf32>
      %add3A_838 = arith.addf %add3A_804, %mul3A_837 : vector<16xf32>
      %slice3A_839 = vector.extract_strided_slice %get3A_362 {offsets = [14], sizes = [1], strides = [1]} : vector<16xf32> to vector<1xf32>
      %squeeze3A_840 = vector.extract %slice3A_839[0] : f32 from vector<1xf32>
      %mul3A_841 = arith.constant 16 : i32
      %mul3A_842 = arith.muli %mul3A_841, %scan3A_351 : i32
      %add3A_843 = arith.constant 14 : i32
      %add3A_844 = arith.addi %mul3A_842, %add3A_843 : i32
      %get3A_845 = arith.index_cast %add3A_844 : i32 to index
      %get3A_846 = arith.constant 0 : index
      %get3A_847 = tpu.vector_load %arg5[%get3A_845, %get3A_846] {strides = array<i32>} : memref<256x64xf32, #tpu.memory_space<vmem>>, vector<1x16xf32>,
      %get3A_848 = vector.shape_cast %get3A_847 : vector<1x16xf32> to vector<16xf32>
      %mul3A_849 = vector.broadcast %squeeze3A_840 : f32 to vector<16xf32>
      %mul3A_850 = arith.mulf %mul3A_849, %get3A_848 : vector<16xf32>
      %add3A_851 = arith.addf %add3A_817, %mul3A_850 : vector<16xf32>
      %get3A_852 = arith.index_cast %add3A_844 : i32 to index
      %get3A_853 = arith.constant 16 : index
      %get3A_854 = tpu.vector_load %arg5[%get3A_852, %get3A_853] {strides = array<i32>} : memref<256x64xf32, #tpu.memory_space<vmem>>, vector<1x16xf32>,
      %get3A_855 = vector.shape_cast %get3A_854 : vector<1x16xf32> to vector<16xf32>
      %mul3A_856 = vector.broadcast %squeeze3A_840 : f32 to vector<16xf32>
      %mul3A_857 = arith.mulf %mul3A_856, %get3A_855 : vector<16xf32>
      %add3A_858 = arith.addf %add3A_824, %mul3A_857 : vector<16xf32>
      %get3A_859 = arith.index_cast %add3A_844 : i32 to index
      %get3A_860 = arith.constant 32 : index
      %get3A_861 = tpu.vector_load %arg5[%get3A_859, %get3A_860] {strides = array<i32>} : memref<256x64xf32, #tpu.memory_space<vmem>>, vector<1x16xf32>,
      %get3A_862 = vector.shape_cast %get3A_861 : vector<1x16xf32> to vector<16xf32>
      %mul3A_863 = vector.broadcast %squeeze3A_840 : f32 to vector<16xf32>
      %mul3A_864 = arith.mulf %mul3A_863, %get3A_862 : vector<16xf32>
      %add3A_865 = arith.addf %add3A_831, %mul3A_864 : vector<16xf32>
      %get3A_866 = arith.index_cast %add3A_844 : i32 to index
      %get3A_867 = arith.constant 48 : index
      %get3A_868 = tpu.vector_load %arg5[%get3A_866, %get3A_867] {strides = array<i32>} : memref<256x64xf32, #tpu.memory_space<vmem>>, vector<1x16xf32>,
      %get3A_869 = vector.shape_cast %get3A_868 : vector<1x16xf32> to vector<16xf32>
      %mul3A_870 = vector.broadcast %squeeze3A_840 : f32 to vector<16xf32>
      %mul3A_871 = arith.mulf %mul3A_870, %get3A_869 : vector<16xf32>
      %add3A_872 = arith.addf %add3A_838, %mul3A_871 : vector<16xf32>
      %slice3A_873 = vector.extract_strided_slice %get3A_362 {offsets = [15], sizes = [1], strides = [1]} : vector<16xf32> to vector<1xf32>
      %squeeze3A_874 = vector.extract %slice3A_873[0] : f32 from vector<1xf32>
      %mul3A_875 = arith.constant 16 : i32
      %mul3A_876 = arith.muli %mul3A_875, %scan3A_351 : i32
      %add3A_877 = arith.constant 15 : i32
      %add3A_878 = arith.addi %mul3A_876, %add3A_877 : i32
      %get3A_879 = arith.index_cast %add3A_878 : i32 to index
      %get3A_880 = arith.constant 0 : index
      %get3A_881 = tpu.vector_load %arg5[%get3A_879, %get3A_880] {strides = array<i32>} : memref<256x64xf32, #tpu.memory_space<vmem>>, vector<1x16xf32>,
      %get3A_882 = vector.shape_cast %get3A_881 : vector<1x16xf32> to vector<16xf32>
      %mul3A_883 = vector.broadcast %squeeze3A_874 : f32 to vector<16xf32>
      %mul3A_884 = arith.mulf %mul3A_883, %get3A_882 : vector<16xf32>
      %add3A_885 = arith.addf %add3A_851, %mul3A_884 : vector<16xf32>
      %get3A_886 = arith.index_cast %add3A_878 : i32 to index
      %get3A_887 = arith.constant 16 : index
      %get3A_888 = tpu.vector_load %arg5[%get3A_886, %get3A_887] {strides = array<i32>} : memref<256x64xf32, #tpu.memory_space<vmem>>, vector<1x16xf32>,
      %get3A_889 = vector.shape_cast %get3A_888 : vector<1x16xf32> to vector<16xf32>
      %mul3A_890 = vector.broadcast %squeeze3A_874 : f32 to vector<16xf32>
      %mul3A_891 = arith.mulf %mul3A_890, %get3A_889 : vector<16xf32>
      %add3A_892 = arith.addf %add3A_858, %mul3A_891 : vector<16xf32>
      %get3A_893 = arith.index_cast %add3A_878 : i32 to index
      %get3A_894 = arith.constant 32 : index
      %get3A_895 = tpu.vector_load %arg5[%get3A_893, %get3A_894] {strides = array<i32>} : memref<256x64xf32, #tpu.memory_space<vmem>>, vector<1x16xf32>,
      %get3A_896 = vector.shape_cast %get3A_895 : vector<1x16xf32> to vector<16xf32>
      %mul3A_897 = vector.broadcast %squeeze3A_874 : f32 to vector<16xf32>
      %mul3A_898 = arith.mulf %mul3A_897, %get3A_896 : vector<16xf32>
      %add3A_899 = arith.addf %add3A_865, %mul3A_898 : vector<16xf32>
      %get3A_900 = arith.index_cast %add3A_878 : i32 to index
      %get3A_901 = arith.constant 48 : index
      %get3A_902 = tpu.vector_load %arg5[%get3A_900, %get3A_901] {strides = array<i32>} : memref<256x64xf32, #tpu.memory_space<vmem>>, vector<1x16xf32>,
      %get3A_903 = vector.shape_cast %get3A_902 : vector<1x16xf32> to vector<16xf32>
      %mul3A_904 = vector.broadcast %squeeze3A_874 : f32 to vector<16xf32>
      %mul3A_905 = arith.mulf %mul3A_904, %get3A_903 : vector<16xf32>
      %add3A_906 = arith.addf %add3A_872, %mul3A_905 : vector<16xf32>
      scf.yield %add3A_885, %add3A_892, %add3A_899, %add3A_906 : vector<16xf32>, vector<16xf32>, vector<16xf32>, vector<16xf32>
    }
    %scan3A_12 = arith.constant 16 : i32
    "tpu.region"() ({
      %run_scoped3A = tpu.sem_alloc : memref<!tpu.dma_semaphore, #tpu.memory_space<semaphore_mem>>
      %dma_start3A = arith.constant 512 : i32
      %dma_start3A_351 = arith.constant 0 : i32
      %dma_start3A_352 = tpu.memref_slice %arg2[%dma_start3A, %dma_start3A_351] : memref<1024x64xf32, #tpu.memory_space<hbm>> -> memref<256x64xf32, #tpu.memory_space<hbm>>
      %dma_start3A_353 = arith.constant 512 : i32
      %dma_start3A_354 = arith.constant 0 : i32
      %dma_start3A_355 = tpu.memref_slice %arg2[%dma_start3A_353, %dma_start3A_354] : memref<1024x64xf32, #tpu.memory_space<hbm>> -> memref<256x64xf32, #tpu.memory_space<hbm>>
      tpu.enqueue_dma source(%dma_start3A_355 : memref<256x64xf32, #tpu.memory_space<hbm>>) target(%arg5 : memref<256x64xf32, #tpu.memory_space<vmem>>) target_semaphore(%run_scoped3A : memref<!tpu.dma_semaphore, #tpu.memory_space<semaphore_mem>>)
      %dma_wait3A = arith.constant 512 : i32
      %dma_wait3A_356 = arith.constant 0 : i32
      %dma_wait3A_357 = tpu.memref_slice %arg2[%dma_wait3A, %dma_wait3A_356] : memref<1024x64xf32, #tpu.memory_space<hbm>> -> memref<256x64xf32, #tpu.memory_space<hbm>>
      %dma_wait3A_358 = arith.constant 512 : i32
      %dma_wait3A_359 = arith.constant 0 : i32
      %dma_wait3A_360 = tpu.memref_slice %arg2[%dma_wait3A_358, %dma_wait3A_359] : memref<1024x64xf32, #tpu.memory_space<hbm>> -> memref<256x64xf32, #tpu.memory_space<hbm>>
      tpu.wait_dma2 semaphore(%run_scoped3A : memref<!tpu.dma_semaphore, #tpu.memory_space<semaphore_mem>>) src(%dma_wait3A_360 : memref<256x64xf32, #tpu.memory_space<hbm>>) dst(%arg5 : memref<256x64xf32, #tpu.memory_space<vmem>>)
      tpu.yield
    }) : () -> ()
    %scan3A_13 = arith.constant 0 : i32
    %scan3A_14 = arith.constant 16 : i32
    %scan3A_15 = arith.addi %scan3A_13, %scan3A_14 : i32
    %scan3A_16 = arith.constant 1 : i32
    %scan3A_17:4 = scf.for %scan3A_351 = %scan3A_13 to %scan3A_15 step %scan3A_16 iter_args(%scan3A_352 = %scan3A_11#0, %scan3A_353 = %scan3A_11#1, %scan3A_354 = %scan3A_11#2, %scan3A_355 = %scan3A_11#3) -> (vector<16xf32>, vector<16xf32>, vector<16xf32>, vector<16xf32>)  : i32 {
      %mul3A_356 = arith.constant 16 : i32
      %mul3A_357 = arith.muli %mul3A_356, %scan3A_351 : i32
      %add3A_358 = arith.constant 512 : i32
      %add3A_359 = arith.addi %add3A_358, %mul3A_357 : i32
      %get3A_360 = arith.index_cast %add3A_359 : i32 to index
      %get3A_361 = tpu.vector_load %arg6[%get3A_360] {strides = array<i32>} : memref<1024xf32, #tpu.memory_space<vmem>>, vector<16xf32>,
      %get3A_362 = vector.shape_cast %get3A_361 : vector<16xf32> to vector<16xf32>
      %slice3A_363 = vector.extract_strided_slice %get3A_362 {offsets = [0], sizes = [1], strides = [1]} : vector<16xf32> to vector<1xf32>
      %squeeze3A_364 = vector.extract %slice3A_363[0] : f32 from vector<1xf32>
      %mul3A_365 = arith.constant 16 : i32
      %mul3A_366 = arith.muli %mul3A_365, %scan3A_351 : i32
      %add3A_367 = arith.constant 0 : i32
      %add3A_368 = arith.addi %mul3A_366, %add3A_367 : i32
      %get3A_369 = arith.index_cast %add3A_368 : i32 to index
      %get3A_370 = arith.constant 0 : index
      %get3A_371 = tpu.vector_load %arg5[%get3A_369, %get3A_370] {strides = array<i32>} : memref<256x64xf32, #tpu.memory_space<vmem>>, vector<1x16xf32>,
      %get3A_372 = vector.shape_cast %get3A_371 : vector<1x16xf32> to vector<16xf32>
      %mul3A_373 = vector.broadcast %squeeze3A_364 : f32 to vector<16xf32>
      %mul3A_374 = arith.mulf %mul3A_373, %get3A_372 : vector<16xf32>
      %add3A_375 = arith.addf %scan3A_352, %mul3A_374 : vector<16xf32>
      %get3A_376 = arith.index_cast %add3A_368 : i32 to index
      %get3A_377 = arith.constant 16 : index
      %get3A_378 = tpu.vector_load %arg5[%get3A_376, %get3A_377] {strides = array<i32>} : memref<256x64xf32, #tpu.memory_space<vmem>>, vector<1x16xf32>,
      %get3A_379 = vector.shape_cast %get3A_378 : vector<1x16xf32> to vector<16xf32>
      %mul3A_380 = vector.broadcast %squeeze3A_364 : f32 to vector<16xf32>
      %mul3A_381 = arith.mulf %mul3A_380, %get3A_379 : vector<16xf32>
      %add3A_382 = arith.addf %scan3A_353, %mul3A_381 : vector<16xf32>
      %get3A_383 = arith.index_cast %add3A_368 : i32 to index
      %get3A_384 = arith.constant 32 : index
      %get3A_385 = tpu.vector_load %arg5[%get3A_383, %get3A_384] {strides = array<i32>} : memref<256x64xf32, #tpu.memory_space<vmem>>, vector<1x16xf32>,
      %get3A_386 = vector.shape_cast %get3A_385 : vector<1x16xf32> to vector<16xf32>
      %mul3A_387 = vector.broadcast %squeeze3A_364 : f32 to vector<16xf32>
      %mul3A_388 = arith.mulf %mul3A_387, %get3A_386 : vector<16xf32>
      %add3A_389 = arith.addf %scan3A_354, %mul3A_388 : vector<16xf32>
      %get3A_390 = arith.index_cast %add3A_368 : i32 to index
      %get3A_391 = arith.constant 48 : index
      %get3A_392 = tpu.vector_load %arg5[%get3A_390, %get3A_391] {strides = array<i32>} : memref<256x64xf32, #tpu.memory_space<vmem>>, vector<1x16xf32>,
      %get3A_393 = vector.shape_cast %get3A_392 : vector<1x16xf32> to vector<16xf32>
      %mul3A_394 = vector.broadcast %squeeze3A_364 : f32 to vector<16xf32>
      %mul3A_395 = arith.mulf %mul3A_394, %get3A_393 : vector<16xf32>
      %add3A_396 = arith.addf %scan3A_355, %mul3A_395 : vector<16xf32>
      %slice3A_397 = vector.extract_strided_slice %get3A_362 {offsets = [1], sizes = [1], strides = [1]} : vector<16xf32> to vector<1xf32>
      %squeeze3A_398 = vector.extract %slice3A_397[0] : f32 from vector<1xf32>
      %mul3A_399 = arith.constant 16 : i32
      %mul3A_400 = arith.muli %mul3A_399, %scan3A_351 : i32
      %add3A_401 = arith.constant 1 : i32
      %add3A_402 = arith.addi %mul3A_400, %add3A_401 : i32
      %get3A_403 = arith.index_cast %add3A_402 : i32 to index
      %get3A_404 = arith.constant 0 : index
      %get3A_405 = tpu.vector_load %arg5[%get3A_403, %get3A_404] {strides = array<i32>} : memref<256x64xf32, #tpu.memory_space<vmem>>, vector<1x16xf32>,
      %get3A_406 = vector.shape_cast %get3A_405 : vector<1x16xf32> to vector<16xf32>
      %mul3A_407 = vector.broadcast %squeeze3A_398 : f32 to vector<16xf32>
      %mul3A_408 = arith.mulf %mul3A_407, %get3A_406 : vector<16xf32>
      %add3A_409 = arith.addf %add3A_375, %mul3A_408 : vector<16xf32>
      %get3A_410 = arith.index_cast %add3A_402 : i32 to index
      %get3A_411 = arith.constant 16 : index
      %get3A_412 = tpu.vector_load %arg5[%get3A_410, %get3A_411] {strides = array<i32>} : memref<256x64xf32, #tpu.memory_space<vmem>>, vector<1x16xf32>,
      %get3A_413 = vector.shape_cast %get3A_412 : vector<1x16xf32> to vector<16xf32>
      %mul3A_414 = vector.broadcast %squeeze3A_398 : f32 to vector<16xf32>
      %mul3A_415 = arith.mulf %mul3A_414, %get3A_413 : vector<16xf32>
      %add3A_416 = arith.addf %add3A_382, %mul3A_415 : vector<16xf32>
      %get3A_417 = arith.index_cast %add3A_402 : i32 to index
      %get3A_418 = arith.constant 32 : index
      %get3A_419 = tpu.vector_load %arg5[%get3A_417, %get3A_418] {strides = array<i32>} : memref<256x64xf32, #tpu.memory_space<vmem>>, vector<1x16xf32>,
      %get3A_420 = vector.shape_cast %get3A_419 : vector<1x16xf32> to vector<16xf32>
      %mul3A_421 = vector.broadcast %squeeze3A_398 : f32 to vector<16xf32>
      %mul3A_422 = arith.mulf %mul3A_421, %get3A_420 : vector<16xf32>
      %add3A_423 = arith.addf %add3A_389, %mul3A_422 : vector<16xf32>
      %get3A_424 = arith.index_cast %add3A_402 : i32 to index
      %get3A_425 = arith.constant 48 : index
      %get3A_426 = tpu.vector_load %arg5[%get3A_424, %get3A_425] {strides = array<i32>} : memref<256x64xf32, #tpu.memory_space<vmem>>, vector<1x16xf32>,
      %get3A_427 = vector.shape_cast %get3A_426 : vector<1x16xf32> to vector<16xf32>
      %mul3A_428 = vector.broadcast %squeeze3A_398 : f32 to vector<16xf32>
      %mul3A_429 = arith.mulf %mul3A_428, %get3A_427 : vector<16xf32>
      %add3A_430 = arith.addf %add3A_396, %mul3A_429 : vector<16xf32>
      %slice3A_431 = vector.extract_strided_slice %get3A_362 {offsets = [2], sizes = [1], strides = [1]} : vector<16xf32> to vector<1xf32>
      %squeeze3A_432 = vector.extract %slice3A_431[0] : f32 from vector<1xf32>
      %mul3A_433 = arith.constant 16 : i32
      %mul3A_434 = arith.muli %mul3A_433, %scan3A_351 : i32
      %add3A_435 = arith.constant 2 : i32
      %add3A_436 = arith.addi %mul3A_434, %add3A_435 : i32
      %get3A_437 = arith.index_cast %add3A_436 : i32 to index
      %get3A_438 = arith.constant 0 : index
      %get3A_439 = tpu.vector_load %arg5[%get3A_437, %get3A_438] {strides = array<i32>} : memref<256x64xf32, #tpu.memory_space<vmem>>, vector<1x16xf32>,
      %get3A_440 = vector.shape_cast %get3A_439 : vector<1x16xf32> to vector<16xf32>
      %mul3A_441 = vector.broadcast %squeeze3A_432 : f32 to vector<16xf32>
      %mul3A_442 = arith.mulf %mul3A_441, %get3A_440 : vector<16xf32>
      %add3A_443 = arith.addf %add3A_409, %mul3A_442 : vector<16xf32>
      %get3A_444 = arith.index_cast %add3A_436 : i32 to index
      %get3A_445 = arith.constant 16 : index
      %get3A_446 = tpu.vector_load %arg5[%get3A_444, %get3A_445] {strides = array<i32>} : memref<256x64xf32, #tpu.memory_space<vmem>>, vector<1x16xf32>,
      %get3A_447 = vector.shape_cast %get3A_446 : vector<1x16xf32> to vector<16xf32>
      %mul3A_448 = vector.broadcast %squeeze3A_432 : f32 to vector<16xf32>
      %mul3A_449 = arith.mulf %mul3A_448, %get3A_447 : vector<16xf32>
      %add3A_450 = arith.addf %add3A_416, %mul3A_449 : vector<16xf32>
      %get3A_451 = arith.index_cast %add3A_436 : i32 to index
      %get3A_452 = arith.constant 32 : index
      %get3A_453 = tpu.vector_load %arg5[%get3A_451, %get3A_452] {strides = array<i32>} : memref<256x64xf32, #tpu.memory_space<vmem>>, vector<1x16xf32>,
      %get3A_454 = vector.shape_cast %get3A_453 : vector<1x16xf32> to vector<16xf32>
      %mul3A_455 = vector.broadcast %squeeze3A_432 : f32 to vector<16xf32>
      %mul3A_456 = arith.mulf %mul3A_455, %get3A_454 : vector<16xf32>
      %add3A_457 = arith.addf %add3A_423, %mul3A_456 : vector<16xf32>
      %get3A_458 = arith.index_cast %add3A_436 : i32 to index
      %get3A_459 = arith.constant 48 : index
      %get3A_460 = tpu.vector_load %arg5[%get3A_458, %get3A_459] {strides = array<i32>} : memref<256x64xf32, #tpu.memory_space<vmem>>, vector<1x16xf32>,
      %get3A_461 = vector.shape_cast %get3A_460 : vector<1x16xf32> to vector<16xf32>
      %mul3A_462 = vector.broadcast %squeeze3A_432 : f32 to vector<16xf32>
      %mul3A_463 = arith.mulf %mul3A_462, %get3A_461 : vector<16xf32>
      %add3A_464 = arith.addf %add3A_430, %mul3A_463 : vector<16xf32>
      %slice3A_465 = vector.extract_strided_slice %get3A_362 {offsets = [3], sizes = [1], strides = [1]} : vector<16xf32> to vector<1xf32>
      %squeeze3A_466 = vector.extract %slice3A_465[0] : f32 from vector<1xf32>
      %mul3A_467 = arith.constant 16 : i32
      %mul3A_468 = arith.muli %mul3A_467, %scan3A_351 : i32
      %add3A_469 = arith.constant 3 : i32
      %add3A_470 = arith.addi %mul3A_468, %add3A_469 : i32
      %get3A_471 = arith.index_cast %add3A_470 : i32 to index
      %get3A_472 = arith.constant 0 : index
      %get3A_473 = tpu.vector_load %arg5[%get3A_471, %get3A_472] {strides = array<i32>} : memref<256x64xf32, #tpu.memory_space<vmem>>, vector<1x16xf32>,
      %get3A_474 = vector.shape_cast %get3A_473 : vector<1x16xf32> to vector<16xf32>
      %mul3A_475 = vector.broadcast %squeeze3A_466 : f32 to vector<16xf32>
      %mul3A_476 = arith.mulf %mul3A_475, %get3A_474 : vector<16xf32>
      %add3A_477 = arith.addf %add3A_443, %mul3A_476 : vector<16xf32>
      %get3A_478 = arith.index_cast %add3A_470 : i32 to index
      %get3A_479 = arith.constant 16 : index
      %get3A_480 = tpu.vector_load %arg5[%get3A_478, %get3A_479] {strides = array<i32>} : memref<256x64xf32, #tpu.memory_space<vmem>>, vector<1x16xf32>,
      %get3A_481 = vector.shape_cast %get3A_480 : vector<1x16xf32> to vector<16xf32>
      %mul3A_482 = vector.broadcast %squeeze3A_466 : f32 to vector<16xf32>
      %mul3A_483 = arith.mulf %mul3A_482, %get3A_481 : vector<16xf32>
      %add3A_484 = arith.addf %add3A_450, %mul3A_483 : vector<16xf32>
      %get3A_485 = arith.index_cast %add3A_470 : i32 to index
      %get3A_486 = arith.constant 32 : index
      %get3A_487 = tpu.vector_load %arg5[%get3A_485, %get3A_486] {strides = array<i32>} : memref<256x64xf32, #tpu.memory_space<vmem>>, vector<1x16xf32>,
      %get3A_488 = vector.shape_cast %get3A_487 : vector<1x16xf32> to vector<16xf32>
      %mul3A_489 = vector.broadcast %squeeze3A_466 : f32 to vector<16xf32>
      %mul3A_490 = arith.mulf %mul3A_489, %get3A_488 : vector<16xf32>
      %add3A_491 = arith.addf %add3A_457, %mul3A_490 : vector<16xf32>
      %get3A_492 = arith.index_cast %add3A_470 : i32 to index
      %get3A_493 = arith.constant 48 : index
      %get3A_494 = tpu.vector_load %arg5[%get3A_492, %get3A_493] {strides = array<i32>} : memref<256x64xf32, #tpu.memory_space<vmem>>, vector<1x16xf32>,
      %get3A_495 = vector.shape_cast %get3A_494 : vector<1x16xf32> to vector<16xf32>
      %mul3A_496 = vector.broadcast %squeeze3A_466 : f32 to vector<16xf32>
      %mul3A_497 = arith.mulf %mul3A_496, %get3A_495 : vector<16xf32>
      %add3A_498 = arith.addf %add3A_464, %mul3A_497 : vector<16xf32>
      %slice3A_499 = vector.extract_strided_slice %get3A_362 {offsets = [4], sizes = [1], strides = [1]} : vector<16xf32> to vector<1xf32>
      %squeeze3A_500 = vector.extract %slice3A_499[0] : f32 from vector<1xf32>
      %mul3A_501 = arith.constant 16 : i32
      %mul3A_502 = arith.muli %mul3A_501, %scan3A_351 : i32
      %add3A_503 = arith.constant 4 : i32
      %add3A_504 = arith.addi %mul3A_502, %add3A_503 : i32
      %get3A_505 = arith.index_cast %add3A_504 : i32 to index
      %get3A_506 = arith.constant 0 : index
      %get3A_507 = tpu.vector_load %arg5[%get3A_505, %get3A_506] {strides = array<i32>} : memref<256x64xf32, #tpu.memory_space<vmem>>, vector<1x16xf32>,
      %get3A_508 = vector.shape_cast %get3A_507 : vector<1x16xf32> to vector<16xf32>
      %mul3A_509 = vector.broadcast %squeeze3A_500 : f32 to vector<16xf32>
      %mul3A_510 = arith.mulf %mul3A_509, %get3A_508 : vector<16xf32>
      %add3A_511 = arith.addf %add3A_477, %mul3A_510 : vector<16xf32>
      %get3A_512 = arith.index_cast %add3A_504 : i32 to index
      %get3A_513 = arith.constant 16 : index
      %get3A_514 = tpu.vector_load %arg5[%get3A_512, %get3A_513] {strides = array<i32>} : memref<256x64xf32, #tpu.memory_space<vmem>>, vector<1x16xf32>,
      %get3A_515 = vector.shape_cast %get3A_514 : vector<1x16xf32> to vector<16xf32>
      %mul3A_516 = vector.broadcast %squeeze3A_500 : f32 to vector<16xf32>
      %mul3A_517 = arith.mulf %mul3A_516, %get3A_515 : vector<16xf32>
      %add3A_518 = arith.addf %add3A_484, %mul3A_517 : vector<16xf32>
      %get3A_519 = arith.index_cast %add3A_504 : i32 to index
      %get3A_520 = arith.constant 32 : index
      %get3A_521 = tpu.vector_load %arg5[%get3A_519, %get3A_520] {strides = array<i32>} : memref<256x64xf32, #tpu.memory_space<vmem>>, vector<1x16xf32>,
      %get3A_522 = vector.shape_cast %get3A_521 : vector<1x16xf32> to vector<16xf32>
      %mul3A_523 = vector.broadcast %squeeze3A_500 : f32 to vector<16xf32>
      %mul3A_524 = arith.mulf %mul3A_523, %get3A_522 : vector<16xf32>
      %add3A_525 = arith.addf %add3A_491, %mul3A_524 : vector<16xf32>
      %get3A_526 = arith.index_cast %add3A_504 : i32 to index
      %get3A_527 = arith.constant 48 : index
      %get3A_528 = tpu.vector_load %arg5[%get3A_526, %get3A_527] {strides = array<i32>} : memref<256x64xf32, #tpu.memory_space<vmem>>, vector<1x16xf32>,
      %get3A_529 = vector.shape_cast %get3A_528 : vector<1x16xf32> to vector<16xf32>
      %mul3A_530 = vector.broadcast %squeeze3A_500 : f32 to vector<16xf32>
      %mul3A_531 = arith.mulf %mul3A_530, %get3A_529 : vector<16xf32>
      %add3A_532 = arith.addf %add3A_498, %mul3A_531 : vector<16xf32>
      %slice3A_533 = vector.extract_strided_slice %get3A_362 {offsets = [5], sizes = [1], strides = [1]} : vector<16xf32> to vector<1xf32>
      %squeeze3A_534 = vector.extract %slice3A_533[0] : f32 from vector<1xf32>
      %mul3A_535 = arith.constant 16 : i32
      %mul3A_536 = arith.muli %mul3A_535, %scan3A_351 : i32
      %add3A_537 = arith.constant 5 : i32
      %add3A_538 = arith.addi %mul3A_536, %add3A_537 : i32
      %get3A_539 = arith.index_cast %add3A_538 : i32 to index
      %get3A_540 = arith.constant 0 : index
      %get3A_541 = tpu.vector_load %arg5[%get3A_539, %get3A_540] {strides = array<i32>} : memref<256x64xf32, #tpu.memory_space<vmem>>, vector<1x16xf32>,
      %get3A_542 = vector.shape_cast %get3A_541 : vector<1x16xf32> to vector<16xf32>
      %mul3A_543 = vector.broadcast %squeeze3A_534 : f32 to vector<16xf32>
      %mul3A_544 = arith.mulf %mul3A_543, %get3A_542 : vector<16xf32>
      %add3A_545 = arith.addf %add3A_511, %mul3A_544 : vector<16xf32>
      %get3A_546 = arith.index_cast %add3A_538 : i32 to index
      %get3A_547 = arith.constant 16 : index
      %get3A_548 = tpu.vector_load %arg5[%get3A_546, %get3A_547] {strides = array<i32>} : memref<256x64xf32, #tpu.memory_space<vmem>>, vector<1x16xf32>,
      %get3A_549 = vector.shape_cast %get3A_548 : vector<1x16xf32> to vector<16xf32>
      %mul3A_550 = vector.broadcast %squeeze3A_534 : f32 to vector<16xf32>
      %mul3A_551 = arith.mulf %mul3A_550, %get3A_549 : vector<16xf32>
      %add3A_552 = arith.addf %add3A_518, %mul3A_551 : vector<16xf32>
      %get3A_553 = arith.index_cast %add3A_538 : i32 to index
      %get3A_554 = arith.constant 32 : index
      %get3A_555 = tpu.vector_load %arg5[%get3A_553, %get3A_554] {strides = array<i32>} : memref<256x64xf32, #tpu.memory_space<vmem>>, vector<1x16xf32>,
      %get3A_556 = vector.shape_cast %get3A_555 : vector<1x16xf32> to vector<16xf32>
      %mul3A_557 = vector.broadcast %squeeze3A_534 : f32 to vector<16xf32>
      %mul3A_558 = arith.mulf %mul3A_557, %get3A_556 : vector<16xf32>
      %add3A_559 = arith.addf %add3A_525, %mul3A_558 : vector<16xf32>
      %get3A_560 = arith.index_cast %add3A_538 : i32 to index
      %get3A_561 = arith.constant 48 : index
      %get3A_562 = tpu.vector_load %arg5[%get3A_560, %get3A_561] {strides = array<i32>} : memref<256x64xf32, #tpu.memory_space<vmem>>, vector<1x16xf32>,
      %get3A_563 = vector.shape_cast %get3A_562 : vector<1x16xf32> to vector<16xf32>
      %mul3A_564 = vector.broadcast %squeeze3A_534 : f32 to vector<16xf32>
      %mul3A_565 = arith.mulf %mul3A_564, %get3A_563 : vector<16xf32>
      %add3A_566 = arith.addf %add3A_532, %mul3A_565 : vector<16xf32>
      %slice3A_567 = vector.extract_strided_slice %get3A_362 {offsets = [6], sizes = [1], strides = [1]} : vector<16xf32> to vector<1xf32>
      %squeeze3A_568 = vector.extract %slice3A_567[0] : f32 from vector<1xf32>
      %mul3A_569 = arith.constant 16 : i32
      %mul3A_570 = arith.muli %mul3A_569, %scan3A_351 : i32
      %add3A_571 = arith.constant 6 : i32
      %add3A_572 = arith.addi %mul3A_570, %add3A_571 : i32
      %get3A_573 = arith.index_cast %add3A_572 : i32 to index
      %get3A_574 = arith.constant 0 : index
      %get3A_575 = tpu.vector_load %arg5[%get3A_573, %get3A_574] {strides = array<i32>} : memref<256x64xf32, #tpu.memory_space<vmem>>, vector<1x16xf32>,
      %get3A_576 = vector.shape_cast %get3A_575 : vector<1x16xf32> to vector<16xf32>
      %mul3A_577 = vector.broadcast %squeeze3A_568 : f32 to vector<16xf32>
      %mul3A_578 = arith.mulf %mul3A_577, %get3A_576 : vector<16xf32>
      %add3A_579 = arith.addf %add3A_545, %mul3A_578 : vector<16xf32>
      %get3A_580 = arith.index_cast %add3A_572 : i32 to index
      %get3A_581 = arith.constant 16 : index
      %get3A_582 = tpu.vector_load %arg5[%get3A_580, %get3A_581] {strides = array<i32>} : memref<256x64xf32, #tpu.memory_space<vmem>>, vector<1x16xf32>,
      %get3A_583 = vector.shape_cast %get3A_582 : vector<1x16xf32> to vector<16xf32>
      %mul3A_584 = vector.broadcast %squeeze3A_568 : f32 to vector<16xf32>
      %mul3A_585 = arith.mulf %mul3A_584, %get3A_583 : vector<16xf32>
      %add3A_586 = arith.addf %add3A_552, %mul3A_585 : vector<16xf32>
      %get3A_587 = arith.index_cast %add3A_572 : i32 to index
      %get3A_588 = arith.constant 32 : index
      %get3A_589 = tpu.vector_load %arg5[%get3A_587, %get3A_588] {strides = array<i32>} : memref<256x64xf32, #tpu.memory_space<vmem>>, vector<1x16xf32>,
      %get3A_590 = vector.shape_cast %get3A_589 : vector<1x16xf32> to vector<16xf32>
      %mul3A_591 = vector.broadcast %squeeze3A_568 : f32 to vector<16xf32>
      %mul3A_592 = arith.mulf %mul3A_591, %get3A_590 : vector<16xf32>
      %add3A_593 = arith.addf %add3A_559, %mul3A_592 : vector<16xf32>
      %get3A_594 = arith.index_cast %add3A_572 : i32 to index
      %get3A_595 = arith.constant 48 : index
      %get3A_596 = tpu.vector_load %arg5[%get3A_594, %get3A_595] {strides = array<i32>} : memref<256x64xf32, #tpu.memory_space<vmem>>, vector<1x16xf32>,
      %get3A_597 = vector.shape_cast %get3A_596 : vector<1x16xf32> to vector<16xf32>
      %mul3A_598 = vector.broadcast %squeeze3A_568 : f32 to vector<16xf32>
      %mul3A_599 = arith.mulf %mul3A_598, %get3A_597 : vector<16xf32>
      %add3A_600 = arith.addf %add3A_566, %mul3A_599 : vector<16xf32>
      %slice3A_601 = vector.extract_strided_slice %get3A_362 {offsets = [7], sizes = [1], strides = [1]} : vector<16xf32> to vector<1xf32>
      %squeeze3A_602 = vector.extract %slice3A_601[0] : f32 from vector<1xf32>
      %mul3A_603 = arith.constant 16 : i32
      %mul3A_604 = arith.muli %mul3A_603, %scan3A_351 : i32
      %add3A_605 = arith.constant 7 : i32
      %add3A_606 = arith.addi %mul3A_604, %add3A_605 : i32
      %get3A_607 = arith.index_cast %add3A_606 : i32 to index
      %get3A_608 = arith.constant 0 : index
      %get3A_609 = tpu.vector_load %arg5[%get3A_607, %get3A_608] {strides = array<i32>} : memref<256x64xf32, #tpu.memory_space<vmem>>, vector<1x16xf32>,
      %get3A_610 = vector.shape_cast %get3A_609 : vector<1x16xf32> to vector<16xf32>
      %mul3A_611 = vector.broadcast %squeeze3A_602 : f32 to vector<16xf32>
      %mul3A_612 = arith.mulf %mul3A_611, %get3A_610 : vector<16xf32>
      %add3A_613 = arith.addf %add3A_579, %mul3A_612 : vector<16xf32>
      %get3A_614 = arith.index_cast %add3A_606 : i32 to index
      %get3A_615 = arith.constant 16 : index
      %get3A_616 = tpu.vector_load %arg5[%get3A_614, %get3A_615] {strides = array<i32>} : memref<256x64xf32, #tpu.memory_space<vmem>>, vector<1x16xf32>,
      %get3A_617 = vector.shape_cast %get3A_616 : vector<1x16xf32> to vector<16xf32>
      %mul3A_618 = vector.broadcast %squeeze3A_602 : f32 to vector<16xf32>
      %mul3A_619 = arith.mulf %mul3A_618, %get3A_617 : vector<16xf32>
      %add3A_620 = arith.addf %add3A_586, %mul3A_619 : vector<16xf32>
      %get3A_621 = arith.index_cast %add3A_606 : i32 to index
      %get3A_622 = arith.constant 32 : index
      %get3A_623 = tpu.vector_load %arg5[%get3A_621, %get3A_622] {strides = array<i32>} : memref<256x64xf32, #tpu.memory_space<vmem>>, vector<1x16xf32>,
      %get3A_624 = vector.shape_cast %get3A_623 : vector<1x16xf32> to vector<16xf32>
      %mul3A_625 = vector.broadcast %squeeze3A_602 : f32 to vector<16xf32>
      %mul3A_626 = arith.mulf %mul3A_625, %get3A_624 : vector<16xf32>
      %add3A_627 = arith.addf %add3A_593, %mul3A_626 : vector<16xf32>
      %get3A_628 = arith.index_cast %add3A_606 : i32 to index
      %get3A_629 = arith.constant 48 : index
      %get3A_630 = tpu.vector_load %arg5[%get3A_628, %get3A_629] {strides = array<i32>} : memref<256x64xf32, #tpu.memory_space<vmem>>, vector<1x16xf32>,
      %get3A_631 = vector.shape_cast %get3A_630 : vector<1x16xf32> to vector<16xf32>
      %mul3A_632 = vector.broadcast %squeeze3A_602 : f32 to vector<16xf32>
      %mul3A_633 = arith.mulf %mul3A_632, %get3A_631 : vector<16xf32>
      %add3A_634 = arith.addf %add3A_600, %mul3A_633 : vector<16xf32>
      %slice3A_635 = vector.extract_strided_slice %get3A_362 {offsets = [8], sizes = [1], strides = [1]} : vector<16xf32> to vector<1xf32>
      %squeeze3A_636 = vector.extract %slice3A_635[0] : f32 from vector<1xf32>
      %mul3A_637 = arith.constant 16 : i32
      %mul3A_638 = arith.muli %mul3A_637, %scan3A_351 : i32
      %add3A_639 = arith.constant 8 : i32
      %add3A_640 = arith.addi %mul3A_638, %add3A_639 : i32
      %get3A_641 = arith.index_cast %add3A_640 : i32 to index
      %get3A_642 = arith.constant 0 : index
      %get3A_643 = tpu.vector_load %arg5[%get3A_641, %get3A_642] {strides = array<i32>} : memref<256x64xf32, #tpu.memory_space<vmem>>, vector<1x16xf32>,
      %get3A_644 = vector.shape_cast %get3A_643 : vector<1x16xf32> to vector<16xf32>
      %mul3A_645 = vector.broadcast %squeeze3A_636 : f32 to vector<16xf32>
      %mul3A_646 = arith.mulf %mul3A_645, %get3A_644 : vector<16xf32>
      %add3A_647 = arith.addf %add3A_613, %mul3A_646 : vector<16xf32>
      %get3A_648 = arith.index_cast %add3A_640 : i32 to index
      %get3A_649 = arith.constant 16 : index
      %get3A_650 = tpu.vector_load %arg5[%get3A_648, %get3A_649] {strides = array<i32>} : memref<256x64xf32, #tpu.memory_space<vmem>>, vector<1x16xf32>,
      %get3A_651 = vector.shape_cast %get3A_650 : vector<1x16xf32> to vector<16xf32>
      %mul3A_652 = vector.broadcast %squeeze3A_636 : f32 to vector<16xf32>
      %mul3A_653 = arith.mulf %mul3A_652, %get3A_651 : vector<16xf32>
      %add3A_654 = arith.addf %add3A_620, %mul3A_653 : vector<16xf32>
      %get3A_655 = arith.index_cast %add3A_640 : i32 to index
      %get3A_656 = arith.constant 32 : index
      %get3A_657 = tpu.vector_load %arg5[%get3A_655, %get3A_656] {strides = array<i32>} : memref<256x64xf32, #tpu.memory_space<vmem>>, vector<1x16xf32>,
      %get3A_658 = vector.shape_cast %get3A_657 : vector<1x16xf32> to vector<16xf32>
      %mul3A_659 = vector.broadcast %squeeze3A_636 : f32 to vector<16xf32>
      %mul3A_660 = arith.mulf %mul3A_659, %get3A_658 : vector<16xf32>
      %add3A_661 = arith.addf %add3A_627, %mul3A_660 : vector<16xf32>
      %get3A_662 = arith.index_cast %add3A_640 : i32 to index
      %get3A_663 = arith.constant 48 : index
      %get3A_664 = tpu.vector_load %arg5[%get3A_662, %get3A_663] {strides = array<i32>} : memref<256x64xf32, #tpu.memory_space<vmem>>, vector<1x16xf32>,
      %get3A_665 = vector.shape_cast %get3A_664 : vector<1x16xf32> to vector<16xf32>
      %mul3A_666 = vector.broadcast %squeeze3A_636 : f32 to vector<16xf32>
      %mul3A_667 = arith.mulf %mul3A_666, %get3A_665 : vector<16xf32>
      %add3A_668 = arith.addf %add3A_634, %mul3A_667 : vector<16xf32>
      %slice3A_669 = vector.extract_strided_slice %get3A_362 {offsets = [9], sizes = [1], strides = [1]} : vector<16xf32> to vector<1xf32>
      %squeeze3A_670 = vector.extract %slice3A_669[0] : f32 from vector<1xf32>
      %mul3A_671 = arith.constant 16 : i32
      %mul3A_672 = arith.muli %mul3A_671, %scan3A_351 : i32
      %add3A_673 = arith.constant 9 : i32
      %add3A_674 = arith.addi %mul3A_672, %add3A_673 : i32
      %get3A_675 = arith.index_cast %add3A_674 : i32 to index
      %get3A_676 = arith.constant 0 : index
      %get3A_677 = tpu.vector_load %arg5[%get3A_675, %get3A_676] {strides = array<i32>} : memref<256x64xf32, #tpu.memory_space<vmem>>, vector<1x16xf32>,
      %get3A_678 = vector.shape_cast %get3A_677 : vector<1x16xf32> to vector<16xf32>
      %mul3A_679 = vector.broadcast %squeeze3A_670 : f32 to vector<16xf32>
      %mul3A_680 = arith.mulf %mul3A_679, %get3A_678 : vector<16xf32>
      %add3A_681 = arith.addf %add3A_647, %mul3A_680 : vector<16xf32>
      %get3A_682 = arith.index_cast %add3A_674 : i32 to index
      %get3A_683 = arith.constant 16 : index
      %get3A_684 = tpu.vector_load %arg5[%get3A_682, %get3A_683] {strides = array<i32>} : memref<256x64xf32, #tpu.memory_space<vmem>>, vector<1x16xf32>,
      %get3A_685 = vector.shape_cast %get3A_684 : vector<1x16xf32> to vector<16xf32>
      %mul3A_686 = vector.broadcast %squeeze3A_670 : f32 to vector<16xf32>
      %mul3A_687 = arith.mulf %mul3A_686, %get3A_685 : vector<16xf32>
      %add3A_688 = arith.addf %add3A_654, %mul3A_687 : vector<16xf32>
      %get3A_689 = arith.index_cast %add3A_674 : i32 to index
      %get3A_690 = arith.constant 32 : index
      %get3A_691 = tpu.vector_load %arg5[%get3A_689, %get3A_690] {strides = array<i32>} : memref<256x64xf32, #tpu.memory_space<vmem>>, vector<1x16xf32>,
      %get3A_692 = vector.shape_cast %get3A_691 : vector<1x16xf32> to vector<16xf32>
      %mul3A_693 = vector.broadcast %squeeze3A_670 : f32 to vector<16xf32>
      %mul3A_694 = arith.mulf %mul3A_693, %get3A_692 : vector<16xf32>
      %add3A_695 = arith.addf %add3A_661, %mul3A_694 : vector<16xf32>
      %get3A_696 = arith.index_cast %add3A_674 : i32 to index
      %get3A_697 = arith.constant 48 : index
      %get3A_698 = tpu.vector_load %arg5[%get3A_696, %get3A_697] {strides = array<i32>} : memref<256x64xf32, #tpu.memory_space<vmem>>, vector<1x16xf32>,
      %get3A_699 = vector.shape_cast %get3A_698 : vector<1x16xf32> to vector<16xf32>
      %mul3A_700 = vector.broadcast %squeeze3A_670 : f32 to vector<16xf32>
      %mul3A_701 = arith.mulf %mul3A_700, %get3A_699 : vector<16xf32>
      %add3A_702 = arith.addf %add3A_668, %mul3A_701 : vector<16xf32>
      %slice3A_703 = vector.extract_strided_slice %get3A_362 {offsets = [10], sizes = [1], strides = [1]} : vector<16xf32> to vector<1xf32>
      %squeeze3A_704 = vector.extract %slice3A_703[0] : f32 from vector<1xf32>
      %mul3A_705 = arith.constant 16 : i32
      %mul3A_706 = arith.muli %mul3A_705, %scan3A_351 : i32
      %add3A_707 = arith.constant 10 : i32
      %add3A_708 = arith.addi %mul3A_706, %add3A_707 : i32
      %get3A_709 = arith.index_cast %add3A_708 : i32 to index
      %get3A_710 = arith.constant 0 : index
      %get3A_711 = tpu.vector_load %arg5[%get3A_709, %get3A_710] {strides = array<i32>} : memref<256x64xf32, #tpu.memory_space<vmem>>, vector<1x16xf32>,
      %get3A_712 = vector.shape_cast %get3A_711 : vector<1x16xf32> to vector<16xf32>
      %mul3A_713 = vector.broadcast %squeeze3A_704 : f32 to vector<16xf32>
      %mul3A_714 = arith.mulf %mul3A_713, %get3A_712 : vector<16xf32>
      %add3A_715 = arith.addf %add3A_681, %mul3A_714 : vector<16xf32>
      %get3A_716 = arith.index_cast %add3A_708 : i32 to index
      %get3A_717 = arith.constant 16 : index
      %get3A_718 = tpu.vector_load %arg5[%get3A_716, %get3A_717] {strides = array<i32>} : memref<256x64xf32, #tpu.memory_space<vmem>>, vector<1x16xf32>,
      %get3A_719 = vector.shape_cast %get3A_718 : vector<1x16xf32> to vector<16xf32>
      %mul3A_720 = vector.broadcast %squeeze3A_704 : f32 to vector<16xf32>
      %mul3A_721 = arith.mulf %mul3A_720, %get3A_719 : vector<16xf32>
      %add3A_722 = arith.addf %add3A_688, %mul3A_721 : vector<16xf32>
      %get3A_723 = arith.index_cast %add3A_708 : i32 to index
      %get3A_724 = arith.constant 32 : index
      %get3A_725 = tpu.vector_load %arg5[%get3A_723, %get3A_724] {strides = array<i32>} : memref<256x64xf32, #tpu.memory_space<vmem>>, vector<1x16xf32>,
      %get3A_726 = vector.shape_cast %get3A_725 : vector<1x16xf32> to vector<16xf32>
      %mul3A_727 = vector.broadcast %squeeze3A_704 : f32 to vector<16xf32>
      %mul3A_728 = arith.mulf %mul3A_727, %get3A_726 : vector<16xf32>
      %add3A_729 = arith.addf %add3A_695, %mul3A_728 : vector<16xf32>
      %get3A_730 = arith.index_cast %add3A_708 : i32 to index
      %get3A_731 = arith.constant 48 : index
      %get3A_732 = tpu.vector_load %arg5[%get3A_730, %get3A_731] {strides = array<i32>} : memref<256x64xf32, #tpu.memory_space<vmem>>, vector<1x16xf32>,
      %get3A_733 = vector.shape_cast %get3A_732 : vector<1x16xf32> to vector<16xf32>
      %mul3A_734 = vector.broadcast %squeeze3A_704 : f32 to vector<16xf32>
      %mul3A_735 = arith.mulf %mul3A_734, %get3A_733 : vector<16xf32>
      %add3A_736 = arith.addf %add3A_702, %mul3A_735 : vector<16xf32>
      %slice3A_737 = vector.extract_strided_slice %get3A_362 {offsets = [11], sizes = [1], strides = [1]} : vector<16xf32> to vector<1xf32>
      %squeeze3A_738 = vector.extract %slice3A_737[0] : f32 from vector<1xf32>
      %mul3A_739 = arith.constant 16 : i32
      %mul3A_740 = arith.muli %mul3A_739, %scan3A_351 : i32
      %add3A_741 = arith.constant 11 : i32
      %add3A_742 = arith.addi %mul3A_740, %add3A_741 : i32
      %get3A_743 = arith.index_cast %add3A_742 : i32 to index
      %get3A_744 = arith.constant 0 : index
      %get3A_745 = tpu.vector_load %arg5[%get3A_743, %get3A_744] {strides = array<i32>} : memref<256x64xf32, #tpu.memory_space<vmem>>, vector<1x16xf32>,
      %get3A_746 = vector.shape_cast %get3A_745 : vector<1x16xf32> to vector<16xf32>
      %mul3A_747 = vector.broadcast %squeeze3A_738 : f32 to vector<16xf32>
      %mul3A_748 = arith.mulf %mul3A_747, %get3A_746 : vector<16xf32>
      %add3A_749 = arith.addf %add3A_715, %mul3A_748 : vector<16xf32>
      %get3A_750 = arith.index_cast %add3A_742 : i32 to index
      %get3A_751 = arith.constant 16 : index
      %get3A_752 = tpu.vector_load %arg5[%get3A_750, %get3A_751] {strides = array<i32>} : memref<256x64xf32, #tpu.memory_space<vmem>>, vector<1x16xf32>,
      %get3A_753 = vector.shape_cast %get3A_752 : vector<1x16xf32> to vector<16xf32>
      %mul3A_754 = vector.broadcast %squeeze3A_738 : f32 to vector<16xf32>
      %mul3A_755 = arith.mulf %mul3A_754, %get3A_753 : vector<16xf32>
      %add3A_756 = arith.addf %add3A_722, %mul3A_755 : vector<16xf32>
      %get3A_757 = arith.index_cast %add3A_742 : i32 to index
      %get3A_758 = arith.constant 32 : index
      %get3A_759 = tpu.vector_load %arg5[%get3A_757, %get3A_758] {strides = array<i32>} : memref<256x64xf32, #tpu.memory_space<vmem>>, vector<1x16xf32>,
      %get3A_760 = vector.shape_cast %get3A_759 : vector<1x16xf32> to vector<16xf32>
      %mul3A_761 = vector.broadcast %squeeze3A_738 : f32 to vector<16xf32>
      %mul3A_762 = arith.mulf %mul3A_761, %get3A_760 : vector<16xf32>
      %add3A_763 = arith.addf %add3A_729, %mul3A_762 : vector<16xf32>
      %get3A_764 = arith.index_cast %add3A_742 : i32 to index
      %get3A_765 = arith.constant 48 : index
      %get3A_766 = tpu.vector_load %arg5[%get3A_764, %get3A_765] {strides = array<i32>} : memref<256x64xf32, #tpu.memory_space<vmem>>, vector<1x16xf32>,
      %get3A_767 = vector.shape_cast %get3A_766 : vector<1x16xf32> to vector<16xf32>
      %mul3A_768 = vector.broadcast %squeeze3A_738 : f32 to vector<16xf32>
      %mul3A_769 = arith.mulf %mul3A_768, %get3A_767 : vector<16xf32>
      %add3A_770 = arith.addf %add3A_736, %mul3A_769 : vector<16xf32>
      %slice3A_771 = vector.extract_strided_slice %get3A_362 {offsets = [12], sizes = [1], strides = [1]} : vector<16xf32> to vector<1xf32>
      %squeeze3A_772 = vector.extract %slice3A_771[0] : f32 from vector<1xf32>
      %mul3A_773 = arith.constant 16 : i32
      %mul3A_774 = arith.muli %mul3A_773, %scan3A_351 : i32
      %add3A_775 = arith.constant 12 : i32
      %add3A_776 = arith.addi %mul3A_774, %add3A_775 : i32
      %get3A_777 = arith.index_cast %add3A_776 : i32 to index
      %get3A_778 = arith.constant 0 : index
      %get3A_779 = tpu.vector_load %arg5[%get3A_777, %get3A_778] {strides = array<i32>} : memref<256x64xf32, #tpu.memory_space<vmem>>, vector<1x16xf32>,
      %get3A_780 = vector.shape_cast %get3A_779 : vector<1x16xf32> to vector<16xf32>
      %mul3A_781 = vector.broadcast %squeeze3A_772 : f32 to vector<16xf32>
      %mul3A_782 = arith.mulf %mul3A_781, %get3A_780 : vector<16xf32>
      %add3A_783 = arith.addf %add3A_749, %mul3A_782 : vector<16xf32>
      %get3A_784 = arith.index_cast %add3A_776 : i32 to index
      %get3A_785 = arith.constant 16 : index
      %get3A_786 = tpu.vector_load %arg5[%get3A_784, %get3A_785] {strides = array<i32>} : memref<256x64xf32, #tpu.memory_space<vmem>>, vector<1x16xf32>,
      %get3A_787 = vector.shape_cast %get3A_786 : vector<1x16xf32> to vector<16xf32>
      %mul3A_788 = vector.broadcast %squeeze3A_772 : f32 to vector<16xf32>
      %mul3A_789 = arith.mulf %mul3A_788, %get3A_787 : vector<16xf32>
      %add3A_790 = arith.addf %add3A_756, %mul3A_789 : vector<16xf32>
      %get3A_791 = arith.index_cast %add3A_776 : i32 to index
      %get3A_792 = arith.constant 32 : index
      %get3A_793 = tpu.vector_load %arg5[%get3A_791, %get3A_792] {strides = array<i32>} : memref<256x64xf32, #tpu.memory_space<vmem>>, vector<1x16xf32>,
      %get3A_794 = vector.shape_cast %get3A_793 : vector<1x16xf32> to vector<16xf32>
      %mul3A_795 = vector.broadcast %squeeze3A_772 : f32 to vector<16xf32>
      %mul3A_796 = arith.mulf %mul3A_795, %get3A_794 : vector<16xf32>
      %add3A_797 = arith.addf %add3A_763, %mul3A_796 : vector<16xf32>
      %get3A_798 = arith.index_cast %add3A_776 : i32 to index
      %get3A_799 = arith.constant 48 : index
      %get3A_800 = tpu.vector_load %arg5[%get3A_798, %get3A_799] {strides = array<i32>} : memref<256x64xf32, #tpu.memory_space<vmem>>, vector<1x16xf32>,
      %get3A_801 = vector.shape_cast %get3A_800 : vector<1x16xf32> to vector<16xf32>
      %mul3A_802 = vector.broadcast %squeeze3A_772 : f32 to vector<16xf32>
      %mul3A_803 = arith.mulf %mul3A_802, %get3A_801 : vector<16xf32>
      %add3A_804 = arith.addf %add3A_770, %mul3A_803 : vector<16xf32>
      %slice3A_805 = vector.extract_strided_slice %get3A_362 {offsets = [13], sizes = [1], strides = [1]} : vector<16xf32> to vector<1xf32>
      %squeeze3A_806 = vector.extract %slice3A_805[0] : f32 from vector<1xf32>
      %mul3A_807 = arith.constant 16 : i32
      %mul3A_808 = arith.muli %mul3A_807, %scan3A_351 : i32
      %add3A_809 = arith.constant 13 : i32
      %add3A_810 = arith.addi %mul3A_808, %add3A_809 : i32
      %get3A_811 = arith.index_cast %add3A_810 : i32 to index
      %get3A_812 = arith.constant 0 : index
      %get3A_813 = tpu.vector_load %arg5[%get3A_811, %get3A_812] {strides = array<i32>} : memref<256x64xf32, #tpu.memory_space<vmem>>, vector<1x16xf32>,
      %get3A_814 = vector.shape_cast %get3A_813 : vector<1x16xf32> to vector<16xf32>
      %mul3A_815 = vector.broadcast %squeeze3A_806 : f32 to vector<16xf32>
      %mul3A_816 = arith.mulf %mul3A_815, %get3A_814 : vector<16xf32>
      %add3A_817 = arith.addf %add3A_783, %mul3A_816 : vector<16xf32>
      %get3A_818 = arith.index_cast %add3A_810 : i32 to index
      %get3A_819 = arith.constant 16 : index
      %get3A_820 = tpu.vector_load %arg5[%get3A_818, %get3A_819] {strides = array<i32>} : memref<256x64xf32, #tpu.memory_space<vmem>>, vector<1x16xf32>,
      %get3A_821 = vector.shape_cast %get3A_820 : vector<1x16xf32> to vector<16xf32>
      %mul3A_822 = vector.broadcast %squeeze3A_806 : f32 to vector<16xf32>
      %mul3A_823 = arith.mulf %mul3A_822, %get3A_821 : vector<16xf32>
      %add3A_824 = arith.addf %add3A_790, %mul3A_823 : vector<16xf32>
      %get3A_825 = arith.index_cast %add3A_810 : i32 to index
      %get3A_826 = arith.constant 32 : index
      %get3A_827 = tpu.vector_load %arg5[%get3A_825, %get3A_826] {strides = array<i32>} : memref<256x64xf32, #tpu.memory_space<vmem>>, vector<1x16xf32>,
      %get3A_828 = vector.shape_cast %get3A_827 : vector<1x16xf32> to vector<16xf32>
      %mul3A_829 = vector.broadcast %squeeze3A_806 : f32 to vector<16xf32>
      %mul3A_830 = arith.mulf %mul3A_829, %get3A_828 : vector<16xf32>
      %add3A_831 = arith.addf %add3A_797, %mul3A_830 : vector<16xf32>
      %get3A_832 = arith.index_cast %add3A_810 : i32 to index
      %get3A_833 = arith.constant 48 : index
      %get3A_834 = tpu.vector_load %arg5[%get3A_832, %get3A_833] {strides = array<i32>} : memref<256x64xf32, #tpu.memory_space<vmem>>, vector<1x16xf32>,
      %get3A_835 = vector.shape_cast %get3A_834 : vector<1x16xf32> to vector<16xf32>
      %mul3A_836 = vector.broadcast %squeeze3A_806 : f32 to vector<16xf32>
      %mul3A_837 = arith.mulf %mul3A_836, %get3A_835 : vector<16xf32>
      %add3A_838 = arith.addf %add3A_804, %mul3A_837 : vector<16xf32>
      %slice3A_839 = vector.extract_strided_slice %get3A_362 {offsets = [14], sizes = [1], strides = [1]} : vector<16xf32> to vector<1xf32>
      %squeeze3A_840 = vector.extract %slice3A_839[0] : f32 from vector<1xf32>
      %mul3A_841 = arith.constant 16 : i32
      %mul3A_842 = arith.muli %mul3A_841, %scan3A_351 : i32
      %add3A_843 = arith.constant 14 : i32
      %add3A_844 = arith.addi %mul3A_842, %add3A_843 : i32
      %get3A_845 = arith.index_cast %add3A_844 : i32 to index
      %get3A_846 = arith.constant 0 : index
      %get3A_847 = tpu.vector_load %arg5[%get3A_845, %get3A_846] {strides = array<i32>} : memref<256x64xf32, #tpu.memory_space<vmem>>, vector<1x16xf32>,
      %get3A_848 = vector.shape_cast %get3A_847 : vector<1x16xf32> to vector<16xf32>
      %mul3A_849 = vector.broadcast %squeeze3A_840 : f32 to vector<16xf32>
      %mul3A_850 = arith.mulf %mul3A_849, %get3A_848 : vector<16xf32>
      %add3A_851 = arith.addf %add3A_817, %mul3A_850 : vector<16xf32>
      %get3A_852 = arith.index_cast %add3A_844 : i32 to index
      %get3A_853 = arith.constant 16 : index
      %get3A_854 = tpu.vector_load %arg5[%get3A_852, %get3A_853] {strides = array<i32>} : memref<256x64xf32, #tpu.memory_space<vmem>>, vector<1x16xf32>,
      %get3A_855 = vector.shape_cast %get3A_854 : vector<1x16xf32> to vector<16xf32>
      %mul3A_856 = vector.broadcast %squeeze3A_840 : f32 to vector<16xf32>
      %mul3A_857 = arith.mulf %mul3A_856, %get3A_855 : vector<16xf32>
      %add3A_858 = arith.addf %add3A_824, %mul3A_857 : vector<16xf32>
      %get3A_859 = arith.index_cast %add3A_844 : i32 to index
      %get3A_860 = arith.constant 32 : index
      %get3A_861 = tpu.vector_load %arg5[%get3A_859, %get3A_860] {strides = array<i32>} : memref<256x64xf32, #tpu.memory_space<vmem>>, vector<1x16xf32>,
      %get3A_862 = vector.shape_cast %get3A_861 : vector<1x16xf32> to vector<16xf32>
      %mul3A_863 = vector.broadcast %squeeze3A_840 : f32 to vector<16xf32>
      %mul3A_864 = arith.mulf %mul3A_863, %get3A_862 : vector<16xf32>
      %add3A_865 = arith.addf %add3A_831, %mul3A_864 : vector<16xf32>
      %get3A_866 = arith.index_cast %add3A_844 : i32 to index
      %get3A_867 = arith.constant 48 : index
      %get3A_868 = tpu.vector_load %arg5[%get3A_866, %get3A_867] {strides = array<i32>} : memref<256x64xf32, #tpu.memory_space<vmem>>, vector<1x16xf32>,
      %get3A_869 = vector.shape_cast %get3A_868 : vector<1x16xf32> to vector<16xf32>
      %mul3A_870 = vector.broadcast %squeeze3A_840 : f32 to vector<16xf32>
      %mul3A_871 = arith.mulf %mul3A_870, %get3A_869 : vector<16xf32>
      %add3A_872 = arith.addf %add3A_838, %mul3A_871 : vector<16xf32>
      %slice3A_873 = vector.extract_strided_slice %get3A_362 {offsets = [15], sizes = [1], strides = [1]} : vector<16xf32> to vector<1xf32>
      %squeeze3A_874 = vector.extract %slice3A_873[0] : f32 from vector<1xf32>
      %mul3A_875 = arith.constant 16 : i32
      %mul3A_876 = arith.muli %mul3A_875, %scan3A_351 : i32
      %add3A_877 = arith.constant 15 : i32
      %add3A_878 = arith.addi %mul3A_876, %add3A_877 : i32
      %get3A_879 = arith.index_cast %add3A_878 : i32 to index
      %get3A_880 = arith.constant 0 : index
      %get3A_881 = tpu.vector_load %arg5[%get3A_879, %get3A_880] {strides = array<i32>} : memref<256x64xf32, #tpu.memory_space<vmem>>, vector<1x16xf32>,
      %get3A_882 = vector.shape_cast %get3A_881 : vector<1x16xf32> to vector<16xf32>
      %mul3A_883 = vector.broadcast %squeeze3A_874 : f32 to vector<16xf32>
      %mul3A_884 = arith.mulf %mul3A_883, %get3A_882 : vector<16xf32>
      %add3A_885 = arith.addf %add3A_851, %mul3A_884 : vector<16xf32>
      %get3A_886 = arith.index_cast %add3A_878 : i32 to index
      %get3A_887 = arith.constant 16 : index
      %get3A_888 = tpu.vector_load %arg5[%get3A_886, %get3A_887] {strides = array<i32>} : memref<256x64xf32, #tpu.memory_space<vmem>>, vector<1x16xf32>,
      %get3A_889 = vector.shape_cast %get3A_888 : vector<1x16xf32> to vector<16xf32>
      %mul3A_890 = vector.broadcast %squeeze3A_874 : f32 to vector<16xf32>
      %mul3A_891 = arith.mulf %mul3A_890, %get3A_889 : vector<16xf32>
      %add3A_892 = arith.addf %add3A_858, %mul3A_891 : vector<16xf32>
      %get3A_893 = arith.index_cast %add3A_878 : i32 to index
      %get3A_894 = arith.constant 32 : index
      %get3A_895 = tpu.vector_load %arg5[%get3A_893, %get3A_894] {strides = array<i32>} : memref<256x64xf32, #tpu.memory_space<vmem>>, vector<1x16xf32>,
      %get3A_896 = vector.shape_cast %get3A_895 : vector<1x16xf32> to vector<16xf32>
      %mul3A_897 = vector.broadcast %squeeze3A_874 : f32 to vector<16xf32>
      %mul3A_898 = arith.mulf %mul3A_897, %get3A_896 : vector<16xf32>
      %add3A_899 = arith.addf %add3A_865, %mul3A_898 : vector<16xf32>
      %get3A_900 = arith.index_cast %add3A_878 : i32 to index
      %get3A_901 = arith.constant 48 : index
      %get3A_902 = tpu.vector_load %arg5[%get3A_900, %get3A_901] {strides = array<i32>} : memref<256x64xf32, #tpu.memory_space<vmem>>, vector<1x16xf32>,
      %get3A_903 = vector.shape_cast %get3A_902 : vector<1x16xf32> to vector<16xf32>
      %mul3A_904 = vector.broadcast %squeeze3A_874 : f32 to vector<16xf32>
      %mul3A_905 = arith.mulf %mul3A_904, %get3A_903 : vector<16xf32>
      %add3A_906 = arith.addf %add3A_872, %mul3A_905 : vector<16xf32>
      scf.yield %add3A_885, %add3A_892, %add3A_899, %add3A_906 : vector<16xf32>, vector<16xf32>, vector<16xf32>, vector<16xf32>
    }
    %scan3A_18 = arith.constant 16 : i32
    "tpu.region"() ({
      %run_scoped3A = tpu.sem_alloc : memref<!tpu.dma_semaphore, #tpu.memory_space<semaphore_mem>>
      %dma_start3A = arith.constant 768 : i32
      %dma_start3A_351 = arith.constant 0 : i32
      %dma_start3A_352 = tpu.memref_slice %arg2[%dma_start3A, %dma_start3A_351] : memref<1024x64xf32, #tpu.memory_space<hbm>> -> memref<256x64xf32, #tpu.memory_space<hbm>>
      %dma_start3A_353 = arith.constant 768 : i32
      %dma_start3A_354 = arith.constant 0 : i32
      %dma_start3A_355 = tpu.memref_slice %arg2[%dma_start3A_353, %dma_start3A_354] : memref<1024x64xf32, #tpu.memory_space<hbm>> -> memref<256x64xf32, #tpu.memory_space<hbm>>
      tpu.enqueue_dma source(%dma_start3A_355 : memref<256x64xf32, #tpu.memory_space<hbm>>) target(%arg5 : memref<256x64xf32, #tpu.memory_space<vmem>>) target_semaphore(%run_scoped3A : memref<!tpu.dma_semaphore, #tpu.memory_space<semaphore_mem>>)
      %dma_wait3A = arith.constant 768 : i32
      %dma_wait3A_356 = arith.constant 0 : i32
      %dma_wait3A_357 = tpu.memref_slice %arg2[%dma_wait3A, %dma_wait3A_356] : memref<1024x64xf32, #tpu.memory_space<hbm>> -> memref<256x64xf32, #tpu.memory_space<hbm>>
      %dma_wait3A_358 = arith.constant 768 : i32
      %dma_wait3A_359 = arith.constant 0 : i32
      %dma_wait3A_360 = tpu.memref_slice %arg2[%dma_wait3A_358, %dma_wait3A_359] : memref<1024x64xf32, #tpu.memory_space<hbm>> -> memref<256x64xf32, #tpu.memory_space<hbm>>
      tpu.wait_dma2 semaphore(%run_scoped3A : memref<!tpu.dma_semaphore, #tpu.memory_space<semaphore_mem>>) src(%dma_wait3A_360 : memref<256x64xf32, #tpu.memory_space<hbm>>) dst(%arg5 : memref<256x64xf32, #tpu.memory_space<vmem>>)
      tpu.yield
    }) : () -> ()
    %scan3A_19 = arith.constant 0 : i32
    %scan3A_20 = arith.constant 16 : i32
    %scan3A_21 = arith.addi %scan3A_19, %scan3A_20 : i32
    %scan3A_22 = arith.constant 1 : i32
    %scan3A_23:4 = scf.for %scan3A_351 = %scan3A_19 to %scan3A_21 step %scan3A_22 iter_args(%scan3A_352 = %scan3A_17#0, %scan3A_353 = %scan3A_17#1, %scan3A_354 = %scan3A_17#2, %scan3A_355 = %scan3A_17#3) -> (vector<16xf32>, vector<16xf32>, vector<16xf32>, vector<16xf32>)  : i32 {
      %mul3A_356 = arith.constant 16 : i32
      %mul3A_357 = arith.muli %mul3A_356, %scan3A_351 : i32
      %add3A_358 = arith.constant 768 : i32
      %add3A_359 = arith.addi %add3A_358, %mul3A_357 : i32
      %get3A_360 = arith.index_cast %add3A_359 : i32 to index
      %get3A_361 = tpu.vector_load %arg6[%get3A_360] {strides = array<i32>} : memref<1024xf32, #tpu.memory_space<vmem>>, vector<16xf32>,
      %get3A_362 = vector.shape_cast %get3A_361 : vector<16xf32> to vector<16xf32>
      %slice3A_363 = vector.extract_strided_slice %get3A_362 {offsets = [0], sizes = [1], strides = [1]} : vector<16xf32> to vector<1xf32>
      %squeeze3A_364 = vector.extract %slice3A_363[0] : f32 from vector<1xf32>
      %mul3A_365 = arith.constant 16 : i32
      %mul3A_366 = arith.muli %mul3A_365, %scan3A_351 : i32
      %add3A_367 = arith.constant 0 : i32
      %add3A_368 = arith.addi %mul3A_366, %add3A_367 : i32
      %get3A_369 = arith.index_cast %add3A_368 : i32 to index
      %get3A_370 = arith.constant 0 : index
      %get3A_371 = tpu.vector_load %arg5[%get3A_369, %get3A_370] {strides = array<i32>} : memref<256x64xf32, #tpu.memory_space<vmem>>, vector<1x16xf32>,
      %get3A_372 = vector.shape_cast %get3A_371 : vector<1x16xf32> to vector<16xf32>
      %mul3A_373 = vector.broadcast %squeeze3A_364 : f32 to vector<16xf32>
      %mul3A_374 = arith.mulf %mul3A_373, %get3A_372 : vector<16xf32>
      %add3A_375 = arith.addf %scan3A_352, %mul3A_374 : vector<16xf32>
      %get3A_376 = arith.index_cast %add3A_368 : i32 to index
      %get3A_377 = arith.constant 16 : index
      %get3A_378 = tpu.vector_load %arg5[%get3A_376, %get3A_377] {strides = array<i32>} : memref<256x64xf32, #tpu.memory_space<vmem>>, vector<1x16xf32>,
      %get3A_379 = vector.shape_cast %get3A_378 : vector<1x16xf32> to vector<16xf32>
      %mul3A_380 = vector.broadcast %squeeze3A_364 : f32 to vector<16xf32>
      %mul3A_381 = arith.mulf %mul3A_380, %get3A_379 : vector<16xf32>
      %add3A_382 = arith.addf %scan3A_353, %mul3A_381 : vector<16xf32>
      %get3A_383 = arith.index_cast %add3A_368 : i32 to index
      %get3A_384 = arith.constant 32 : index
      %get3A_385 = tpu.vector_load %arg5[%get3A_383, %get3A_384] {strides = array<i32>} : memref<256x64xf32, #tpu.memory_space<vmem>>, vector<1x16xf32>,
      %get3A_386 = vector.shape_cast %get3A_385 : vector<1x16xf32> to vector<16xf32>
      %mul3A_387 = vector.broadcast %squeeze3A_364 : f32 to vector<16xf32>
      %mul3A_388 = arith.mulf %mul3A_387, %get3A_386 : vector<16xf32>
      %add3A_389 = arith.addf %scan3A_354, %mul3A_388 : vector<16xf32>
      %get3A_390 = arith.index_cast %add3A_368 : i32 to index
      %get3A_391 = arith.constant 48 : index
      %get3A_392 = tpu.vector_load %arg5[%get3A_390, %get3A_391] {strides = array<i32>} : memref<256x64xf32, #tpu.memory_space<vmem>>, vector<1x16xf32>,
      %get3A_393 = vector.shape_cast %get3A_392 : vector<1x16xf32> to vector<16xf32>
      %mul3A_394 = vector.broadcast %squeeze3A_364 : f32 to vector<16xf32>
      %mul3A_395 = arith.mulf %mul3A_394, %get3A_393 : vector<16xf32>
      %add3A_396 = arith.addf %scan3A_355, %mul3A_395 : vector<16xf32>
      %slice3A_397 = vector.extract_strided_slice %get3A_362 {offsets = [1], sizes = [1], strides = [1]} : vector<16xf32> to vector<1xf32>
      %squeeze3A_398 = vector.extract %slice3A_397[0] : f32 from vector<1xf32>
      %mul3A_399 = arith.constant 16 : i32
      %mul3A_400 = arith.muli %mul3A_399, %scan3A_351 : i32
      %add3A_401 = arith.constant 1 : i32
      %add3A_402 = arith.addi %mul3A_400, %add3A_401 : i32
      %get3A_403 = arith.index_cast %add3A_402 : i32 to index
      %get3A_404 = arith.constant 0 : index
      %get3A_405 = tpu.vector_load %arg5[%get3A_403, %get3A_404] {strides = array<i32>} : memref<256x64xf32, #tpu.memory_space<vmem>>, vector<1x16xf32>,
      %get3A_406 = vector.shape_cast %get3A_405 : vector<1x16xf32> to vector<16xf32>
      %mul3A_407 = vector.broadcast %squeeze3A_398 : f32 to vector<16xf32>
      %mul3A_408 = arith.mulf %mul3A_407, %get3A_406 : vector<16xf32>
      %add3A_409 = arith.addf %add3A_375, %mul3A_408 : vector<16xf32>
      %get3A_410 = arith.index_cast %add3A_402 : i32 to index
      %get3A_411 = arith.constant 16 : index
      %get3A_412 = tpu.vector_load %arg5[%get3A_410, %get3A_411] {strides = array<i32>} : memref<256x64xf32, #tpu.memory_space<vmem>>, vector<1x16xf32>,
      %get3A_413 = vector.shape_cast %get3A_412 : vector<1x16xf32> to vector<16xf32>
      %mul3A_414 = vector.broadcast %squeeze3A_398 : f32 to vector<16xf32>
      %mul3A_415 = arith.mulf %mul3A_414, %get3A_413 : vector<16xf32>
      %add3A_416 = arith.addf %add3A_382, %mul3A_415 : vector<16xf32>
      %get3A_417 = arith.index_cast %add3A_402 : i32 to index
      %get3A_418 = arith.constant 32 : index
      %get3A_419 = tpu.vector_load %arg5[%get3A_417, %get3A_418] {strides = array<i32>} : memref<256x64xf32, #tpu.memory_space<vmem>>, vector<1x16xf32>,
      %get3A_420 = vector.shape_cast %get3A_419 : vector<1x16xf32> to vector<16xf32>
      %mul3A_421 = vector.broadcast %squeeze3A_398 : f32 to vector<16xf32>
      %mul3A_422 = arith.mulf %mul3A_421, %get3A_420 : vector<16xf32>
      %add3A_423 = arith.addf %add3A_389, %mul3A_422 : vector<16xf32>
      %get3A_424 = arith.index_cast %add3A_402 : i32 to index
      %get3A_425 = arith.constant 48 : index
      %get3A_426 = tpu.vector_load %arg5[%get3A_424, %get3A_425] {strides = array<i32>} : memref<256x64xf32, #tpu.memory_space<vmem>>, vector<1x16xf32>,
      %get3A_427 = vector.shape_cast %get3A_426 : vector<1x16xf32> to vector<16xf32>
      %mul3A_428 = vector.broadcast %squeeze3A_398 : f32 to vector<16xf32>
      %mul3A_429 = arith.mulf %mul3A_428, %get3A_427 : vector<16xf32>
      %add3A_430 = arith.addf %add3A_396, %mul3A_429 : vector<16xf32>
      %slice3A_431 = vector.extract_strided_slice %get3A_362 {offsets = [2], sizes = [1], strides = [1]} : vector<16xf32> to vector<1xf32>
      %squeeze3A_432 = vector.extract %slice3A_431[0] : f32 from vector<1xf32>
      %mul3A_433 = arith.constant 16 : i32
      %mul3A_434 = arith.muli %mul3A_433, %scan3A_351 : i32
      %add3A_435 = arith.constant 2 : i32
      %add3A_436 = arith.addi %mul3A_434, %add3A_435 : i32
      %get3A_437 = arith.index_cast %add3A_436 : i32 to index
      %get3A_438 = arith.constant 0 : index
      %get3A_439 = tpu.vector_load %arg5[%get3A_437, %get3A_438] {strides = array<i32>} : memref<256x64xf32, #tpu.memory_space<vmem>>, vector<1x16xf32>,
      %get3A_440 = vector.shape_cast %get3A_439 : vector<1x16xf32> to vector<16xf32>
      %mul3A_441 = vector.broadcast %squeeze3A_432 : f32 to vector<16xf32>
      %mul3A_442 = arith.mulf %mul3A_441, %get3A_440 : vector<16xf32>
      %add3A_443 = arith.addf %add3A_409, %mul3A_442 : vector<16xf32>
      %get3A_444 = arith.index_cast %add3A_436 : i32 to index
      %get3A_445 = arith.constant 16 : index
      %get3A_446 = tpu.vector_load %arg5[%get3A_444, %get3A_445] {strides = array<i32>} : memref<256x64xf32, #tpu.memory_space<vmem>>, vector<1x16xf32>,
      %get3A_447 = vector.shape_cast %get3A_446 : vector<1x16xf32> to vector<16xf32>
      %mul3A_448 = vector.broadcast %squeeze3A_432 : f32 to vector<16xf32>
      %mul3A_449 = arith.mulf %mul3A_448, %get3A_447 : vector<16xf32>
      %add3A_450 = arith.addf %add3A_416, %mul3A_449 : vector<16xf32>
      %get3A_451 = arith.index_cast %add3A_436 : i32 to index
      %get3A_452 = arith.constant 32 : index
      %get3A_453 = tpu.vector_load %arg5[%get3A_451, %get3A_452] {strides = array<i32>} : memref<256x64xf32, #tpu.memory_space<vmem>>, vector<1x16xf32>,
      %get3A_454 = vector.shape_cast %get3A_453 : vector<1x16xf32> to vector<16xf32>
      %mul3A_455 = vector.broadcast %squeeze3A_432 : f32 to vector<16xf32>
      %mul3A_456 = arith.mulf %mul3A_455, %get3A_454 : vector<16xf32>
      %add3A_457 = arith.addf %add3A_423, %mul3A_456 : vector<16xf32>
      %get3A_458 = arith.index_cast %add3A_436 : i32 to index
      %get3A_459 = arith.constant 48 : index
      %get3A_460 = tpu.vector_load %arg5[%get3A_458, %get3A_459] {strides = array<i32>} : memref<256x64xf32, #tpu.memory_space<vmem>>, vector<1x16xf32>,
      %get3A_461 = vector.shape_cast %get3A_460 : vector<1x16xf32> to vector<16xf32>
      %mul3A_462 = vector.broadcast %squeeze3A_432 : f32 to vector<16xf32>
      %mul3A_463 = arith.mulf %mul3A_462, %get3A_461 : vector<16xf32>
      %add3A_464 = arith.addf %add3A_430, %mul3A_463 : vector<16xf32>
      %slice3A_465 = vector.extract_strided_slice %get3A_362 {offsets = [3], sizes = [1], strides = [1]} : vector<16xf32> to vector<1xf32>
      %squeeze3A_466 = vector.extract %slice3A_465[0] : f32 from vector<1xf32>
      %mul3A_467 = arith.constant 16 : i32
      %mul3A_468 = arith.muli %mul3A_467, %scan3A_351 : i32
      %add3A_469 = arith.constant 3 : i32
      %add3A_470 = arith.addi %mul3A_468, %add3A_469 : i32
      %get3A_471 = arith.index_cast %add3A_470 : i32 to index
      %get3A_472 = arith.constant 0 : index
      %get3A_473 = tpu.vector_load %arg5[%get3A_471, %get3A_472] {strides = array<i32>} : memref<256x64xf32, #tpu.memory_space<vmem>>, vector<1x16xf32>,
      %get3A_474 = vector.shape_cast %get3A_473 : vector<1x16xf32> to vector<16xf32>
      %mul3A_475 = vector.broadcast %squeeze3A_466 : f32 to vector<16xf32>
      %mul3A_476 = arith.mulf %mul3A_475, %get3A_474 : vector<16xf32>
      %add3A_477 = arith.addf %add3A_443, %mul3A_476 : vector<16xf32>
      %get3A_478 = arith.index_cast %add3A_470 : i32 to index
      %get3A_479 = arith.constant 16 : index
      %get3A_480 = tpu.vector_load %arg5[%get3A_478, %get3A_479] {strides = array<i32>} : memref<256x64xf32, #tpu.memory_space<vmem>>, vector<1x16xf32>,
      %get3A_481 = vector.shape_cast %get3A_480 : vector<1x16xf32> to vector<16xf32>
      %mul3A_482 = vector.broadcast %squeeze3A_466 : f32 to vector<16xf32>
      %mul3A_483 = arith.mulf %mul3A_482, %get3A_481 : vector<16xf32>
      %add3A_484 = arith.addf %add3A_450, %mul3A_483 : vector<16xf32>
      %get3A_485 = arith.index_cast %add3A_470 : i32 to index
      %get3A_486 = arith.constant 32 : index
      %get3A_487 = tpu.vector_load %arg5[%get3A_485, %get3A_486] {strides = array<i32>} : memref<256x64xf32, #tpu.memory_space<vmem>>, vector<1x16xf32>,
      %get3A_488 = vector.shape_cast %get3A_487 : vector<1x16xf32> to vector<16xf32>
      %mul3A_489 = vector.broadcast %squeeze3A_466 : f32 to vector<16xf32>
      %mul3A_490 = arith.mulf %mul3A_489, %get3A_488 : vector<16xf32>
      %add3A_491 = arith.addf %add3A_457, %mul3A_490 : vector<16xf32>
      %get3A_492 = arith.index_cast %add3A_470 : i32 to index
      %get3A_493 = arith.constant 48 : index
      %get3A_494 = tpu.vector_load %arg5[%get3A_492, %get3A_493] {strides = array<i32>} : memref<256x64xf32, #tpu.memory_space<vmem>>, vector<1x16xf32>,
      %get3A_495 = vector.shape_cast %get3A_494 : vector<1x16xf32> to vector<16xf32>
      %mul3A_496 = vector.broadcast %squeeze3A_466 : f32 to vector<16xf32>
      %mul3A_497 = arith.mulf %mul3A_496, %get3A_495 : vector<16xf32>
      %add3A_498 = arith.addf %add3A_464, %mul3A_497 : vector<16xf32>
      %slice3A_499 = vector.extract_strided_slice %get3A_362 {offsets = [4], sizes = [1], strides = [1]} : vector<16xf32> to vector<1xf32>
      %squeeze3A_500 = vector.extract %slice3A_499[0] : f32 from vector<1xf32>
      %mul3A_501 = arith.constant 16 : i32
      %mul3A_502 = arith.muli %mul3A_501, %scan3A_351 : i32
      %add3A_503 = arith.constant 4 : i32
      %add3A_504 = arith.addi %mul3A_502, %add3A_503 : i32
      %get3A_505 = arith.index_cast %add3A_504 : i32 to index
      %get3A_506 = arith.constant 0 : index
      %get3A_507 = tpu.vector_load %arg5[%get3A_505, %get3A_506] {strides = array<i32>} : memref<256x64xf32, #tpu.memory_space<vmem>>, vector<1x16xf32>,
      %get3A_508 = vector.shape_cast %get3A_507 : vector<1x16xf32> to vector<16xf32>
      %mul3A_509 = vector.broadcast %squeeze3A_500 : f32 to vector<16xf32>
      %mul3A_510 = arith.mulf %mul3A_509, %get3A_508 : vector<16xf32>
      %add3A_511 = arith.addf %add3A_477, %mul3A_510 : vector<16xf32>
      %get3A_512 = arith.index_cast %add3A_504 : i32 to index
      %get3A_513 = arith.constant 16 : index
      %get3A_514 = tpu.vector_load %arg5[%get3A_512, %get3A_513] {strides = array<i32>} : memref<256x64xf32, #tpu.memory_space<vmem>>, vector<1x16xf32>,
      %get3A_515 = vector.shape_cast %get3A_514 : vector<1x16xf32> to vector<16xf32>
      %mul3A_516 = vector.broadcast %squeeze3A_500 : f32 to vector<16xf32>
      %mul3A_517 = arith.mulf %mul3A_516, %get3A_515 : vector<16xf32>
      %add3A_518 = arith.addf %add3A_484, %mul3A_517 : vector<16xf32>
      %get3A_519 = arith.index_cast %add3A_504 : i32 to index
      %get3A_520 = arith.constant 32 : index
      %get3A_521 = tpu.vector_load %arg5[%get3A_519, %get3A_520] {strides = array<i32>} : memref<256x64xf32, #tpu.memory_space<vmem>>, vector<1x16xf32>,
      %get3A_522 = vector.shape_cast %get3A_521 : vector<1x16xf32> to vector<16xf32>
      %mul3A_523 = vector.broadcast %squeeze3A_500 : f32 to vector<16xf32>
      %mul3A_524 = arith.mulf %mul3A_523, %get3A_522 : vector<16xf32>
      %add3A_525 = arith.addf %add3A_491, %mul3A_524 : vector<16xf32>
      %get3A_526 = arith.index_cast %add3A_504 : i32 to index
      %get3A_527 = arith.constant 48 : index
      %get3A_528 = tpu.vector_load %arg5[%get3A_526, %get3A_527] {strides = array<i32>} : memref<256x64xf32, #tpu.memory_space<vmem>>, vector<1x16xf32>,
      %get3A_529 = vector.shape_cast %get3A_528 : vector<1x16xf32> to vector<16xf32>
      %mul3A_530 = vector.broadcast %squeeze3A_500 : f32 to vector<16xf32>
      %mul3A_531 = arith.mulf %mul3A_530, %get3A_529 : vector<16xf32>
      %add3A_532 = arith.addf %add3A_498, %mul3A_531 : vector<16xf32>
      %slice3A_533 = vector.extract_strided_slice %get3A_362 {offsets = [5], sizes = [1], strides = [1]} : vector<16xf32> to vector<1xf32>
      %squeeze3A_534 = vector.extract %slice3A_533[0] : f32 from vector<1xf32>
      %mul3A_535 = arith.constant 16 : i32
      %mul3A_536 = arith.muli %mul3A_535, %scan3A_351 : i32
      %add3A_537 = arith.constant 5 : i32
      %add3A_538 = arith.addi %mul3A_536, %add3A_537 : i32
      %get3A_539 = arith.index_cast %add3A_538 : i32 to index
      %get3A_540 = arith.constant 0 : index
      %get3A_541 = tpu.vector_load %arg5[%get3A_539, %get3A_540] {strides = array<i32>} : memref<256x64xf32, #tpu.memory_space<vmem>>, vector<1x16xf32>,
      %get3A_542 = vector.shape_cast %get3A_541 : vector<1x16xf32> to vector<16xf32>
      %mul3A_543 = vector.broadcast %squeeze3A_534 : f32 to vector<16xf32>
      %mul3A_544 = arith.mulf %mul3A_543, %get3A_542 : vector<16xf32>
      %add3A_545 = arith.addf %add3A_511, %mul3A_544 : vector<16xf32>
      %get3A_546 = arith.index_cast %add3A_538 : i32 to index
      %get3A_547 = arith.constant 16 : index
      %get3A_548 = tpu.vector_load %arg5[%get3A_546, %get3A_547] {strides = array<i32>} : memref<256x64xf32, #tpu.memory_space<vmem>>, vector<1x16xf32>,
      %get3A_549 = vector.shape_cast %get3A_548 : vector<1x16xf32> to vector<16xf32>
      %mul3A_550 = vector.broadcast %squeeze3A_534 : f32 to vector<16xf32>
      %mul3A_551 = arith.mulf %mul3A_550, %get3A_549 : vector<16xf32>
      %add3A_552 = arith.addf %add3A_518, %mul3A_551 : vector<16xf32>
      %get3A_553 = arith.index_cast %add3A_538 : i32 to index
      %get3A_554 = arith.constant 32 : index
      %get3A_555 = tpu.vector_load %arg5[%get3A_553, %get3A_554] {strides = array<i32>} : memref<256x64xf32, #tpu.memory_space<vmem>>, vector<1x16xf32>,
      %get3A_556 = vector.shape_cast %get3A_555 : vector<1x16xf32> to vector<16xf32>
      %mul3A_557 = vector.broadcast %squeeze3A_534 : f32 to vector<16xf32>
      %mul3A_558 = arith.mulf %mul3A_557, %get3A_556 : vector<16xf32>
      %add3A_559 = arith.addf %add3A_525, %mul3A_558 : vector<16xf32>
      %get3A_560 = arith.index_cast %add3A_538 : i32 to index
      %get3A_561 = arith.constant 48 : index
      %get3A_562 = tpu.vector_load %arg5[%get3A_560, %get3A_561] {strides = array<i32>} : memref<256x64xf32, #tpu.memory_space<vmem>>, vector<1x16xf32>,
      %get3A_563 = vector.shape_cast %get3A_562 : vector<1x16xf32> to vector<16xf32>
      %mul3A_564 = vector.broadcast %squeeze3A_534 : f32 to vector<16xf32>
      %mul3A_565 = arith.mulf %mul3A_564, %get3A_563 : vector<16xf32>
      %add3A_566 = arith.addf %add3A_532, %mul3A_565 : vector<16xf32>
      %slice3A_567 = vector.extract_strided_slice %get3A_362 {offsets = [6], sizes = [1], strides = [1]} : vector<16xf32> to vector<1xf32>
      %squeeze3A_568 = vector.extract %slice3A_567[0] : f32 from vector<1xf32>
      %mul3A_569 = arith.constant 16 : i32
      %mul3A_570 = arith.muli %mul3A_569, %scan3A_351 : i32
      %add3A_571 = arith.constant 6 : i32
      %add3A_572 = arith.addi %mul3A_570, %add3A_571 : i32
      %get3A_573 = arith.index_cast %add3A_572 : i32 to index
      %get3A_574 = arith.constant 0 : index
      %get3A_575 = tpu.vector_load %arg5[%get3A_573, %get3A_574] {strides = array<i32>} : memref<256x64xf32, #tpu.memory_space<vmem>>, vector<1x16xf32>,
      %get3A_576 = vector.shape_cast %get3A_575 : vector<1x16xf32> to vector<16xf32>
      %mul3A_577 = vector.broadcast %squeeze3A_568 : f32 to vector<16xf32>
      %mul3A_578 = arith.mulf %mul3A_577, %get3A_576 : vector<16xf32>
      %add3A_579 = arith.addf %add3A_545, %mul3A_578 : vector<16xf32>
      %get3A_580 = arith.index_cast %add3A_572 : i32 to index
      %get3A_581 = arith.constant 16 : index
      %get3A_582 = tpu.vector_load %arg5[%get3A_580, %get3A_581] {strides = array<i32>} : memref<256x64xf32, #tpu.memory_space<vmem>>, vector<1x16xf32>,
      %get3A_583 = vector.shape_cast %get3A_582 : vector<1x16xf32> to vector<16xf32>
      %mul3A_584 = vector.broadcast %squeeze3A_568 : f32 to vector<16xf32>
      %mul3A_585 = arith.mulf %mul3A_584, %get3A_583 : vector<16xf32>
      %add3A_586 = arith.addf %add3A_552, %mul3A_585 : vector<16xf32>
      %get3A_587 = arith.index_cast %add3A_572 : i32 to index
      %get3A_588 = arith.constant 32 : index
      %get3A_589 = tpu.vector_load %arg5[%get3A_587, %get3A_588] {strides = array<i32>} : memref<256x64xf32, #tpu.memory_space<vmem>>, vector<1x16xf32>,
      %get3A_590 = vector.shape_cast %get3A_589 : vector<1x16xf32> to vector<16xf32>
      %mul3A_591 = vector.broadcast %squeeze3A_568 : f32 to vector<16xf32>
      %mul3A_592 = arith.mulf %mul3A_591, %get3A_590 : vector<16xf32>
      %add3A_593 = arith.addf %add3A_559, %mul3A_592 : vector<16xf32>
      %get3A_594 = arith.index_cast %add3A_572 : i32 to index
      %get3A_595 = arith.constant 48 : index
      %get3A_596 = tpu.vector_load %arg5[%get3A_594, %get3A_595] {strides = array<i32>} : memref<256x64xf32, #tpu.memory_space<vmem>>, vector<1x16xf32>,
      %get3A_597 = vector.shape_cast %get3A_596 : vector<1x16xf32> to vector<16xf32>
      %mul3A_598 = vector.broadcast %squeeze3A_568 : f32 to vector<16xf32>
      %mul3A_599 = arith.mulf %mul3A_598, %get3A_597 : vector<16xf32>
      %add3A_600 = arith.addf %add3A_566, %mul3A_599 : vector<16xf32>
      %slice3A_601 = vector.extract_strided_slice %get3A_362 {offsets = [7], sizes = [1], strides = [1]} : vector<16xf32> to vector<1xf32>
      %squeeze3A_602 = vector.extract %slice3A_601[0] : f32 from vector<1xf32>
      %mul3A_603 = arith.constant 16 : i32
      %mul3A_604 = arith.muli %mul3A_603, %scan3A_351 : i32
      %add3A_605 = arith.constant 7 : i32
      %add3A_606 = arith.addi %mul3A_604, %add3A_605 : i32
      %get3A_607 = arith.index_cast %add3A_606 : i32 to index
      %get3A_608 = arith.constant 0 : index
      %get3A_609 = tpu.vector_load %arg5[%get3A_607, %get3A_608] {strides = array<i32>} : memref<256x64xf32, #tpu.memory_space<vmem>>, vector<1x16xf32>,
      %get3A_610 = vector.shape_cast %get3A_609 : vector<1x16xf32> to vector<16xf32>
      %mul3A_611 = vector.broadcast %squeeze3A_602 : f32 to vector<16xf32>
      %mul3A_612 = arith.mulf %mul3A_611, %get3A_610 : vector<16xf32>
      %add3A_613 = arith.addf %add3A_579, %mul3A_612 : vector<16xf32>
      %get3A_614 = arith.index_cast %add3A_606 : i32 to index
      %get3A_615 = arith.constant 16 : index
      %get3A_616 = tpu.vector_load %arg5[%get3A_614, %get3A_615] {strides = array<i32>} : memref<256x64xf32, #tpu.memory_space<vmem>>, vector<1x16xf32>,
      %get3A_617 = vector.shape_cast %get3A_616 : vector<1x16xf32> to vector<16xf32>
      %mul3A_618 = vector.broadcast %squeeze3A_602 : f32 to vector<16xf32>
      %mul3A_619 = arith.mulf %mul3A_618, %get3A_617 : vector<16xf32>
      %add3A_620 = arith.addf %add3A_586, %mul3A_619 : vector<16xf32>
      %get3A_621 = arith.index_cast %add3A_606 : i32 to index
      %get3A_622 = arith.constant 32 : index
      %get3A_623 = tpu.vector_load %arg5[%get3A_621, %get3A_622] {strides = array<i32>} : memref<256x64xf32, #tpu.memory_space<vmem>>, vector<1x16xf32>,
      %get3A_624 = vector.shape_cast %get3A_623 : vector<1x16xf32> to vector<16xf32>
      %mul3A_625 = vector.broadcast %squeeze3A_602 : f32 to vector<16xf32>
      %mul3A_626 = arith.mulf %mul3A_625, %get3A_624 : vector<16xf32>
      %add3A_627 = arith.addf %add3A_593, %mul3A_626 : vector<16xf32>
      %get3A_628 = arith.index_cast %add3A_606 : i32 to index
      %get3A_629 = arith.constant 48 : index
      %get3A_630 = tpu.vector_load %arg5[%get3A_628, %get3A_629] {strides = array<i32>} : memref<256x64xf32, #tpu.memory_space<vmem>>, vector<1x16xf32>,
      %get3A_631 = vector.shape_cast %get3A_630 : vector<1x16xf32> to vector<16xf32>
      %mul3A_632 = vector.broadcast %squeeze3A_602 : f32 to vector<16xf32>
      %mul3A_633 = arith.mulf %mul3A_632, %get3A_631 : vector<16xf32>
      %add3A_634 = arith.addf %add3A_600, %mul3A_633 : vector<16xf32>
      %slice3A_635 = vector.extract_strided_slice %get3A_362 {offsets = [8], sizes = [1], strides = [1]} : vector<16xf32> to vector<1xf32>
      %squeeze3A_636 = vector.extract %slice3A_635[0] : f32 from vector<1xf32>
      %mul3A_637 = arith.constant 16 : i32
      %mul3A_638 = arith.muli %mul3A_637, %scan3A_351 : i32
      %add3A_639 = arith.constant 8 : i32
      %add3A_640 = arith.addi %mul3A_638, %add3A_639 : i32
      %get3A_641 = arith.index_cast %add3A_640 : i32 to index
      %get3A_642 = arith.constant 0 : index
      %get3A_643 = tpu.vector_load %arg5[%get3A_641, %get3A_642] {strides = array<i32>} : memref<256x64xf32, #tpu.memory_space<vmem>>, vector<1x16xf32>,
      %get3A_644 = vector.shape_cast %get3A_643 : vector<1x16xf32> to vector<16xf32>
      %mul3A_645 = vector.broadcast %squeeze3A_636 : f32 to vector<16xf32>
      %mul3A_646 = arith.mulf %mul3A_645, %get3A_644 : vector<16xf32>
      %add3A_647 = arith.addf %add3A_613, %mul3A_646 : vector<16xf32>
      %get3A_648 = arith.index_cast %add3A_640 : i32 to index
      %get3A_649 = arith.constant 16 : index
      %get3A_650 = tpu.vector_load %arg5[%get3A_648, %get3A_649] {strides = array<i32>} : memref<256x64xf32, #tpu.memory_space<vmem>>, vector<1x16xf32>,
      %get3A_651 = vector.shape_cast %get3A_650 : vector<1x16xf32> to vector<16xf32>
      %mul3A_652 = vector.broadcast %squeeze3A_636 : f32 to vector<16xf32>
      %mul3A_653 = arith.mulf %mul3A_652, %get3A_651 : vector<16xf32>
      %add3A_654 = arith.addf %add3A_620, %mul3A_653 : vector<16xf32>
      %get3A_655 = arith.index_cast %add3A_640 : i32 to index
      %get3A_656 = arith.constant 32 : index
      %get3A_657 = tpu.vector_load %arg5[%get3A_655, %get3A_656] {strides = array<i32>} : memref<256x64xf32, #tpu.memory_space<vmem>>, vector<1x16xf32>,
      %get3A_658 = vector.shape_cast %get3A_657 : vector<1x16xf32> to vector<16xf32>
      %mul3A_659 = vector.broadcast %squeeze3A_636 : f32 to vector<16xf32>
      %mul3A_660 = arith.mulf %mul3A_659, %get3A_658 : vector<16xf32>
      %add3A_661 = arith.addf %add3A_627, %mul3A_660 : vector<16xf32>
      %get3A_662 = arith.index_cast %add3A_640 : i32 to index
      %get3A_663 = arith.constant 48 : index
      %get3A_664 = tpu.vector_load %arg5[%get3A_662, %get3A_663] {strides = array<i32>} : memref<256x64xf32, #tpu.memory_space<vmem>>, vector<1x16xf32>,
      %get3A_665 = vector.shape_cast %get3A_664 : vector<1x16xf32> to vector<16xf32>
      %mul3A_666 = vector.broadcast %squeeze3A_636 : f32 to vector<16xf32>
      %mul3A_667 = arith.mulf %mul3A_666, %get3A_665 : vector<16xf32>
      %add3A_668 = arith.addf %add3A_634, %mul3A_667 : vector<16xf32>
      %slice3A_669 = vector.extract_strided_slice %get3A_362 {offsets = [9], sizes = [1], strides = [1]} : vector<16xf32> to vector<1xf32>
      %squeeze3A_670 = vector.extract %slice3A_669[0] : f32 from vector<1xf32>
      %mul3A_671 = arith.constant 16 : i32
      %mul3A_672 = arith.muli %mul3A_671, %scan3A_351 : i32
      %add3A_673 = arith.constant 9 : i32
      %add3A_674 = arith.addi %mul3A_672, %add3A_673 : i32
      %get3A_675 = arith.index_cast %add3A_674 : i32 to index
      %get3A_676 = arith.constant 0 : index
      %get3A_677 = tpu.vector_load %arg5[%get3A_675, %get3A_676] {strides = array<i32>} : memref<256x64xf32, #tpu.memory_space<vmem>>, vector<1x16xf32>,
      %get3A_678 = vector.shape_cast %get3A_677 : vector<1x16xf32> to vector<16xf32>
      %mul3A_679 = vector.broadcast %squeeze3A_670 : f32 to vector<16xf32>
      %mul3A_680 = arith.mulf %mul3A_679, %get3A_678 : vector<16xf32>
      %add3A_681 = arith.addf %add3A_647, %mul3A_680 : vector<16xf32>
      %get3A_682 = arith.index_cast %add3A_674 : i32 to index
      %get3A_683 = arith.constant 16 : index
      %get3A_684 = tpu.vector_load %arg5[%get3A_682, %get3A_683] {strides = array<i32>} : memref<256x64xf32, #tpu.memory_space<vmem>>, vector<1x16xf32>,
      %get3A_685 = vector.shape_cast %get3A_684 : vector<1x16xf32> to vector<16xf32>
      %mul3A_686 = vector.broadcast %squeeze3A_670 : f32 to vector<16xf32>
      %mul3A_687 = arith.mulf %mul3A_686, %get3A_685 : vector<16xf32>
      %add3A_688 = arith.addf %add3A_654, %mul3A_687 : vector<16xf32>
      %get3A_689 = arith.index_cast %add3A_674 : i32 to index
      %get3A_690 = arith.constant 32 : index
      %get3A_691 = tpu.vector_load %arg5[%get3A_689, %get3A_690] {strides = array<i32>} : memref<256x64xf32, #tpu.memory_space<vmem>>, vector<1x16xf32>,
      %get3A_692 = vector.shape_cast %get3A_691 : vector<1x16xf32> to vector<16xf32>
      %mul3A_693 = vector.broadcast %squeeze3A_670 : f32 to vector<16xf32>
      %mul3A_694 = arith.mulf %mul3A_693, %get3A_692 : vector<16xf32>
      %add3A_695 = arith.addf %add3A_661, %mul3A_694 : vector<16xf32>
      %get3A_696 = arith.index_cast %add3A_674 : i32 to index
      %get3A_697 = arith.constant 48 : index
      %get3A_698 = tpu.vector_load %arg5[%get3A_696, %get3A_697] {strides = array<i32>} : memref<256x64xf32, #tpu.memory_space<vmem>>, vector<1x16xf32>,
      %get3A_699 = vector.shape_cast %get3A_698 : vector<1x16xf32> to vector<16xf32>
      %mul3A_700 = vector.broadcast %squeeze3A_670 : f32 to vector<16xf32>
      %mul3A_701 = arith.mulf %mul3A_700, %get3A_699 : vector<16xf32>
      %add3A_702 = arith.addf %add3A_668, %mul3A_701 : vector<16xf32>
      %slice3A_703 = vector.extract_strided_slice %get3A_362 {offsets = [10], sizes = [1], strides = [1]} : vector<16xf32> to vector<1xf32>
      %squeeze3A_704 = vector.extract %slice3A_703[0] : f32 from vector<1xf32>
      %mul3A_705 = arith.constant 16 : i32
      %mul3A_706 = arith.muli %mul3A_705, %scan3A_351 : i32
      %add3A_707 = arith.constant 10 : i32
      %add3A_708 = arith.addi %mul3A_706, %add3A_707 : i32
      %get3A_709 = arith.index_cast %add3A_708 : i32 to index
      %get3A_710 = arith.constant 0 : index
      %get3A_711 = tpu.vector_load %arg5[%get3A_709, %get3A_710] {strides = array<i32>} : memref<256x64xf32, #tpu.memory_space<vmem>>, vector<1x16xf32>,
      %get3A_712 = vector.shape_cast %get3A_711 : vector<1x16xf32> to vector<16xf32>
      %mul3A_713 = vector.broadcast %squeeze3A_704 : f32 to vector<16xf32>
      %mul3A_714 = arith.mulf %mul3A_713, %get3A_712 : vector<16xf32>
      %add3A_715 = arith.addf %add3A_681, %mul3A_714 : vector<16xf32>
      %get3A_716 = arith.index_cast %add3A_708 : i32 to index
      %get3A_717 = arith.constant 16 : index
      %get3A_718 = tpu.vector_load %arg5[%get3A_716, %get3A_717] {strides = array<i32>} : memref<256x64xf32, #tpu.memory_space<vmem>>, vector<1x16xf32>,
      %get3A_719 = vector.shape_cast %get3A_718 : vector<1x16xf32> to vector<16xf32>
      %mul3A_720 = vector.broadcast %squeeze3A_704 : f32 to vector<16xf32>
      %mul3A_721 = arith.mulf %mul3A_720, %get3A_719 : vector<16xf32>
      %add3A_722 = arith.addf %add3A_688, %mul3A_721 : vector<16xf32>
      %get3A_723 = arith.index_cast %add3A_708 : i32 to index
      %get3A_724 = arith.constant 32 : index
      %get3A_725 = tpu.vector_load %arg5[%get3A_723, %get3A_724] {strides = array<i32>} : memref<256x64xf32, #tpu.memory_space<vmem>>, vector<1x16xf32>,
      %get3A_726 = vector.shape_cast %get3A_725 : vector<1x16xf32> to vector<16xf32>
      %mul3A_727 = vector.broadcast %squeeze3A_704 : f32 to vector<16xf32>
      %mul3A_728 = arith.mulf %mul3A_727, %get3A_726 : vector<16xf32>
      %add3A_729 = arith.addf %add3A_695, %mul3A_728 : vector<16xf32>
      %get3A_730 = arith.index_cast %add3A_708 : i32 to index
      %get3A_731 = arith.constant 48 : index
      %get3A_732 = tpu.vector_load %arg5[%get3A_730, %get3A_731] {strides = array<i32>} : memref<256x64xf32, #tpu.memory_space<vmem>>, vector<1x16xf32>,
      %get3A_733 = vector.shape_cast %get3A_732 : vector<1x16xf32> to vector<16xf32>
      %mul3A_734 = vector.broadcast %squeeze3A_704 : f32 to vector<16xf32>
      %mul3A_735 = arith.mulf %mul3A_734, %get3A_733 : vector<16xf32>
      %add3A_736 = arith.addf %add3A_702, %mul3A_735 : vector<16xf32>
      %slice3A_737 = vector.extract_strided_slice %get3A_362 {offsets = [11], sizes = [1], strides = [1]} : vector<16xf32> to vector<1xf32>
      %squeeze3A_738 = vector.extract %slice3A_737[0] : f32 from vector<1xf32>
      %mul3A_739 = arith.constant 16 : i32
      %mul3A_740 = arith.muli %mul3A_739, %scan3A_351 : i32
      %add3A_741 = arith.constant 11 : i32
      %add3A_742 = arith.addi %mul3A_740, %add3A_741 : i32
      %get3A_743 = arith.index_cast %add3A_742 : i32 to index
      %get3A_744 = arith.constant 0 : index
      %get3A_745 = tpu.vector_load %arg5[%get3A_743, %get3A_744] {strides = array<i32>} : memref<256x64xf32, #tpu.memory_space<vmem>>, vector<1x16xf32>,
      %get3A_746 = vector.shape_cast %get3A_745 : vector<1x16xf32> to vector<16xf32>
      %mul3A_747 = vector.broadcast %squeeze3A_738 : f32 to vector<16xf32>
      %mul3A_748 = arith.mulf %mul3A_747, %get3A_746 : vector<16xf32>
      %add3A_749 = arith.addf %add3A_715, %mul3A_748 : vector<16xf32>
      %get3A_750 = arith.index_cast %add3A_742 : i32 to index
      %get3A_751 = arith.constant 16 : index
      %get3A_752 = tpu.vector_load %arg5[%get3A_750, %get3A_751] {strides = array<i32>} : memref<256x64xf32, #tpu.memory_space<vmem>>, vector<1x16xf32>,
      %get3A_753 = vector.shape_cast %get3A_752 : vector<1x16xf32> to vector<16xf32>
      %mul3A_754 = vector.broadcast %squeeze3A_738 : f32 to vector<16xf32>
      %mul3A_755 = arith.mulf %mul3A_754, %get3A_753 : vector<16xf32>
      %add3A_756 = arith.addf %add3A_722, %mul3A_755 : vector<16xf32>
      %get3A_757 = arith.index_cast %add3A_742 : i32 to index
      %get3A_758 = arith.constant 32 : index
      %get3A_759 = tpu.vector_load %arg5[%get3A_757, %get3A_758] {strides = array<i32>} : memref<256x64xf32, #tpu.memory_space<vmem>>, vector<1x16xf32>,
      %get3A_760 = vector.shape_cast %get3A_759 : vector<1x16xf32> to vector<16xf32>
      %mul3A_761 = vector.broadcast %squeeze3A_738 : f32 to vector<16xf32>
      %mul3A_762 = arith.mulf %mul3A_761, %get3A_760 : vector<16xf32>
      %add3A_763 = arith.addf %add3A_729, %mul3A_762 : vector<16xf32>
      %get3A_764 = arith.index_cast %add3A_742 : i32 to index
      %get3A_765 = arith.constant 48 : index
      %get3A_766 = tpu.vector_load %arg5[%get3A_764, %get3A_765] {strides = array<i32>} : memref<256x64xf32, #tpu.memory_space<vmem>>, vector<1x16xf32>,
      %get3A_767 = vector.shape_cast %get3A_766 : vector<1x16xf32> to vector<16xf32>
      %mul3A_768 = vector.broadcast %squeeze3A_738 : f32 to vector<16xf32>
      %mul3A_769 = arith.mulf %mul3A_768, %get3A_767 : vector<16xf32>
      %add3A_770 = arith.addf %add3A_736, %mul3A_769 : vector<16xf32>
      %slice3A_771 = vector.extract_strided_slice %get3A_362 {offsets = [12], sizes = [1], strides = [1]} : vector<16xf32> to vector<1xf32>
      %squeeze3A_772 = vector.extract %slice3A_771[0] : f32 from vector<1xf32>
      %mul3A_773 = arith.constant 16 : i32
      %mul3A_774 = arith.muli %mul3A_773, %scan3A_351 : i32
      %add3A_775 = arith.constant 12 : i32
      %add3A_776 = arith.addi %mul3A_774, %add3A_775 : i32
      %get3A_777 = arith.index_cast %add3A_776 : i32 to index
      %get3A_778 = arith.constant 0 : index
      %get3A_779 = tpu.vector_load %arg5[%get3A_777, %get3A_778] {strides = array<i32>} : memref<256x64xf32, #tpu.memory_space<vmem>>, vector<1x16xf32>,
      %get3A_780 = vector.shape_cast %get3A_779 : vector<1x16xf32> to vector<16xf32>
      %mul3A_781 = vector.broadcast %squeeze3A_772 : f32 to vector<16xf32>
      %mul3A_782 = arith.mulf %mul3A_781, %get3A_780 : vector<16xf32>
      %add3A_783 = arith.addf %add3A_749, %mul3A_782 : vector<16xf32>
      %get3A_784 = arith.index_cast %add3A_776 : i32 to index
      %get3A_785 = arith.constant 16 : index
      %get3A_786 = tpu.vector_load %arg5[%get3A_784, %get3A_785] {strides = array<i32>} : memref<256x64xf32, #tpu.memory_space<vmem>>, vector<1x16xf32>,
      %get3A_787 = vector.shape_cast %get3A_786 : vector<1x16xf32> to vector<16xf32>
      %mul3A_788 = vector.broadcast %squeeze3A_772 : f32 to vector<16xf32>
      %mul3A_789 = arith.mulf %mul3A_788, %get3A_787 : vector<16xf32>
      %add3A_790 = arith.addf %add3A_756, %mul3A_789 : vector<16xf32>
      %get3A_791 = arith.index_cast %add3A_776 : i32 to index
      %get3A_792 = arith.constant 32 : index
      %get3A_793 = tpu.vector_load %arg5[%get3A_791, %get3A_792] {strides = array<i32>} : memref<256x64xf32, #tpu.memory_space<vmem>>, vector<1x16xf32>,
      %get3A_794 = vector.shape_cast %get3A_793 : vector<1x16xf32> to vector<16xf32>
      %mul3A_795 = vector.broadcast %squeeze3A_772 : f32 to vector<16xf32>
      %mul3A_796 = arith.mulf %mul3A_795, %get3A_794 : vector<16xf32>
      %add3A_797 = arith.addf %add3A_763, %mul3A_796 : vector<16xf32>
      %get3A_798 = arith.index_cast %add3A_776 : i32 to index
      %get3A_799 = arith.constant 48 : index
      %get3A_800 = tpu.vector_load %arg5[%get3A_798, %get3A_799] {strides = array<i32>} : memref<256x64xf32, #tpu.memory_space<vmem>>, vector<1x16xf32>,
      %get3A_801 = vector.shape_cast %get3A_800 : vector<1x16xf32> to vector<16xf32>
      %mul3A_802 = vector.broadcast %squeeze3A_772 : f32 to vector<16xf32>
      %mul3A_803 = arith.mulf %mul3A_802, %get3A_801 : vector<16xf32>
      %add3A_804 = arith.addf %add3A_770, %mul3A_803 : vector<16xf32>
      %slice3A_805 = vector.extract_strided_slice %get3A_362 {offsets = [13], sizes = [1], strides = [1]} : vector<16xf32> to vector<1xf32>
      %squeeze3A_806 = vector.extract %slice3A_805[0] : f32 from vector<1xf32>
      %mul3A_807 = arith.constant 16 : i32
      %mul3A_808 = arith.muli %mul3A_807, %scan3A_351 : i32
      %add3A_809 = arith.constant 13 : i32
      %add3A_810 = arith.addi %mul3A_808, %add3A_809 : i32
      %get3A_811 = arith.index_cast %add3A_810 : i32 to index
      %get3A_812 = arith.constant 0 : index
      %get3A_813 = tpu.vector_load %arg5[%get3A_811, %get3A_812] {strides = array<i32>} : memref<256x64xf32, #tpu.memory_space<vmem>>, vector<1x16xf32>,
      %get3A_814 = vector.shape_cast %get3A_813 : vector<1x16xf32> to vector<16xf32>
      %mul3A_815 = vector.broadcast %squeeze3A_806 : f32 to vector<16xf32>
      %mul3A_816 = arith.mulf %mul3A_815, %get3A_814 : vector<16xf32>
      %add3A_817 = arith.addf %add3A_783, %mul3A_816 : vector<16xf32>
      %get3A_818 = arith.index_cast %add3A_810 : i32 to index
      %get3A_819 = arith.constant 16 : index
      %get3A_820 = tpu.vector_load %arg5[%get3A_818, %get3A_819] {strides = array<i32>} : memref<256x64xf32, #tpu.memory_space<vmem>>, vector<1x16xf32>,
      %get3A_821 = vector.shape_cast %get3A_820 : vector<1x16xf32> to vector<16xf32>
      %mul3A_822 = vector.broadcast %squeeze3A_806 : f32 to vector<16xf32>
      %mul3A_823 = arith.mulf %mul3A_822, %get3A_821 : vector<16xf32>
      %add3A_824 = arith.addf %add3A_790, %mul3A_823 : vector<16xf32>
      %get3A_825 = arith.index_cast %add3A_810 : i32 to index
      %get3A_826 = arith.constant 32 : index
      %get3A_827 = tpu.vector_load %arg5[%get3A_825, %get3A_826] {strides = array<i32>} : memref<256x64xf32, #tpu.memory_space<vmem>>, vector<1x16xf32>,
      %get3A_828 = vector.shape_cast %get3A_827 : vector<1x16xf32> to vector<16xf32>
      %mul3A_829 = vector.broadcast %squeeze3A_806 : f32 to vector<16xf32>
      %mul3A_830 = arith.mulf %mul3A_829, %get3A_828 : vector<16xf32>
      %add3A_831 = arith.addf %add3A_797, %mul3A_830 : vector<16xf32>
      %get3A_832 = arith.index_cast %add3A_810 : i32 to index
      %get3A_833 = arith.constant 48 : index
      %get3A_834 = tpu.vector_load %arg5[%get3A_832, %get3A_833] {strides = array<i32>} : memref<256x64xf32, #tpu.memory_space<vmem>>, vector<1x16xf32>,
      %get3A_835 = vector.shape_cast %get3A_834 : vector<1x16xf32> to vector<16xf32>
      %mul3A_836 = vector.broadcast %squeeze3A_806 : f32 to vector<16xf32>
      %mul3A_837 = arith.mulf %mul3A_836, %get3A_835 : vector<16xf32>
      %add3A_838 = arith.addf %add3A_804, %mul3A_837 : vector<16xf32>
      %slice3A_839 = vector.extract_strided_slice %get3A_362 {offsets = [14], sizes = [1], strides = [1]} : vector<16xf32> to vector<1xf32>
      %squeeze3A_840 = vector.extract %slice3A_839[0] : f32 from vector<1xf32>
      %mul3A_841 = arith.constant 16 : i32
      %mul3A_842 = arith.muli %mul3A_841, %scan3A_351 : i32
      %add3A_843 = arith.constant 14 : i32
      %add3A_844 = arith.addi %mul3A_842, %add3A_843 : i32
      %get3A_845 = arith.index_cast %add3A_844 : i32 to index
      %get3A_846 = arith.constant 0 : index
      %get3A_847 = tpu.vector_load %arg5[%get3A_845, %get3A_846] {strides = array<i32>} : memref<256x64xf32, #tpu.memory_space<vmem>>, vector<1x16xf32>,
      %get3A_848 = vector.shape_cast %get3A_847 : vector<1x16xf32> to vector<16xf32>
      %mul3A_849 = vector.broadcast %squeeze3A_840 : f32 to vector<16xf32>
      %mul3A_850 = arith.mulf %mul3A_849, %get3A_848 : vector<16xf32>
      %add3A_851 = arith.addf %add3A_817, %mul3A_850 : vector<16xf32>
      %get3A_852 = arith.index_cast %add3A_844 : i32 to index
      %get3A_853 = arith.constant 16 : index
      %get3A_854 = tpu.vector_load %arg5[%get3A_852, %get3A_853] {strides = array<i32>} : memref<256x64xf32, #tpu.memory_space<vmem>>, vector<1x16xf32>,
      %get3A_855 = vector.shape_cast %get3A_854 : vector<1x16xf32> to vector<16xf32>
      %mul3A_856 = vector.broadcast %squeeze3A_840 : f32 to vector<16xf32>
      %mul3A_857 = arith.mulf %mul3A_856, %get3A_855 : vector<16xf32>
      %add3A_858 = arith.addf %add3A_824, %mul3A_857 : vector<16xf32>
      %get3A_859 = arith.index_cast %add3A_844 : i32 to index
      %get3A_860 = arith.constant 32 : index
      %get3A_861 = tpu.vector_load %arg5[%get3A_859, %get3A_860] {strides = array<i32>} : memref<256x64xf32, #tpu.memory_space<vmem>>, vector<1x16xf32>,
      %get3A_862 = vector.shape_cast %get3A_861 : vector<1x16xf32> to vector<16xf32>
      %mul3A_863 = vector.broadcast %squeeze3A_840 : f32 to vector<16xf32>
      %mul3A_864 = arith.mulf %mul3A_863, %get3A_862 : vector<16xf32>
      %add3A_865 = arith.addf %add3A_831, %mul3A_864 : vector<16xf32>
      %get3A_866 = arith.index_cast %add3A_844 : i32 to index
      %get3A_867 = arith.constant 48 : index
      %get3A_868 = tpu.vector_load %arg5[%get3A_866, %get3A_867] {strides = array<i32>} : memref<256x64xf32, #tpu.memory_space<vmem>>, vector<1x16xf32>,
      %get3A_869 = vector.shape_cast %get3A_868 : vector<1x16xf32> to vector<16xf32>
      %mul3A_870 = vector.broadcast %squeeze3A_840 : f32 to vector<16xf32>
      %mul3A_871 = arith.mulf %mul3A_870, %get3A_869 : vector<16xf32>
      %add3A_872 = arith.addf %add3A_838, %mul3A_871 : vector<16xf32>
      %slice3A_873 = vector.extract_strided_slice %get3A_362 {offsets = [15], sizes = [1], strides = [1]} : vector<16xf32> to vector<1xf32>
      %squeeze3A_874 = vector.extract %slice3A_873[0] : f32 from vector<1xf32>
      %mul3A_875 = arith.constant 16 : i32
      %mul3A_876 = arith.muli %mul3A_875, %scan3A_351 : i32
      %add3A_877 = arith.constant 15 : i32
      %add3A_878 = arith.addi %mul3A_876, %add3A_877 : i32
      %get3A_879 = arith.index_cast %add3A_878 : i32 to index
      %get3A_880 = arith.constant 0 : index
      %get3A_881 = tpu.vector_load %arg5[%get3A_879, %get3A_880] {strides = array<i32>} : memref<256x64xf32, #tpu.memory_space<vmem>>, vector<1x16xf32>,
      %get3A_882 = vector.shape_cast %get3A_881 : vector<1x16xf32> to vector<16xf32>
      %mul3A_883 = vector.broadcast %squeeze3A_874 : f32 to vector<16xf32>
      %mul3A_884 = arith.mulf %mul3A_883, %get3A_882 : vector<16xf32>
      %add3A_885 = arith.addf %add3A_851, %mul3A_884 : vector<16xf32>
      %get3A_886 = arith.index_cast %add3A_878 : i32 to index
      %get3A_887 = arith.constant 16 : index
      %get3A_888 = tpu.vector_load %arg5[%get3A_886, %get3A_887] {strides = array<i32>} : memref<256x64xf32, #tpu.memory_space<vmem>>, vector<1x16xf32>,
      %get3A_889 = vector.shape_cast %get3A_888 : vector<1x16xf32> to vector<16xf32>
      %mul3A_890 = vector.broadcast %squeeze3A_874 : f32 to vector<16xf32>
      %mul3A_891 = arith.mulf %mul3A_890, %get3A_889 : vector<16xf32>
      %add3A_892 = arith.addf %add3A_858, %mul3A_891 : vector<16xf32>
      %get3A_893 = arith.index_cast %add3A_878 : i32 to index
      %get3A_894 = arith.constant 32 : index
      %get3A_895 = tpu.vector_load %arg5[%get3A_893, %get3A_894] {strides = array<i32>} : memref<256x64xf32, #tpu.memory_space<vmem>>, vector<1x16xf32>,
      %get3A_896 = vector.shape_cast %get3A_895 : vector<1x16xf32> to vector<16xf32>
      %mul3A_897 = vector.broadcast %squeeze3A_874 : f32 to vector<16xf32>
      %mul3A_898 = arith.mulf %mul3A_897, %get3A_896 : vector<16xf32>
      %add3A_899 = arith.addf %add3A_865, %mul3A_898 : vector<16xf32>
      %get3A_900 = arith.index_cast %add3A_878 : i32 to index
      %get3A_901 = arith.constant 48 : index
      %get3A_902 = tpu.vector_load %arg5[%get3A_900, %get3A_901] {strides = array<i32>} : memref<256x64xf32, #tpu.memory_space<vmem>>, vector<1x16xf32>,
      %get3A_903 = vector.shape_cast %get3A_902 : vector<1x16xf32> to vector<16xf32>
      %mul3A_904 = vector.broadcast %squeeze3A_874 : f32 to vector<16xf32>
      %mul3A_905 = arith.mulf %mul3A_904, %get3A_903 : vector<16xf32>
      %add3A_906 = arith.addf %add3A_872, %mul3A_905 : vector<16xf32>
      scf.yield %add3A_885, %add3A_892, %add3A_899, %add3A_906 : vector<16xf32>, vector<16xf32>, vector<16xf32>, vector<16xf32>
    }
    %scan3A_24 = arith.constant 16 : i32
    %iota3A = tpu.iota {dimensions = array<i32: 0>} : vector<16xi32>
    %add3A_25 = arith.constant 0 : i32
    %add3A_26 = vector.broadcast %add3A_25 : i32 to vector<16xi32>
    %add3A_27 = arith.addi %iota3A, %add3A_26 : vector<16xi32>
    %iota3A_28 = tpu.iota {dimensions = array<i32: 0>} : vector<16xi32>
    %add3A_29 = arith.constant 16 : i32
    %add3A_30 = vector.broadcast %add3A_29 : i32 to vector<16xi32>
    %add3A_31 = arith.addi %iota3A_28, %add3A_30 : vector<16xi32>
    %iota3A_32 = tpu.iota {dimensions = array<i32: 0>} : vector<16xi32>
    %add3A_33 = arith.constant 32 : i32
    %add3A_34 = vector.broadcast %add3A_33 : i32 to vector<16xi32>
    %add3A_35 = arith.addi %iota3A_32, %add3A_34 : vector<16xi32>
    %iota3A_36 = tpu.iota {dimensions = array<i32: 0>} : vector<16xi32>
    %add3A_37 = arith.constant 48 : i32
    %add3A_38 = vector.broadcast %add3A_37 : i32 to vector<16xi32>
    %add3A_39 = arith.addi %iota3A_36, %add3A_38 : vector<16xi32>
    %max3A = arith.maximumf %scan3A_23#0, %scan3A_23#1 : vector<16xf32>
    %max3A_40 = arith.maximumf %scan3A_23#2, %scan3A_23#3 : vector<16xf32>
    %max3A_41 = arith.maximumf %max3A, %max3A_40 : vector<16xf32>
    %slice3A = vector.extract_strided_slice %max3A_41 {offsets = [0], sizes = [1], strides = [1]} : vector<16xf32> to vector<1xf32>
    %squeeze3A = vector.extract %slice3A[0] : f32 from vector<1xf32>
    %slice3A_42 = vector.extract_strided_slice %max3A_41 {offsets = [1], sizes = [1], strides = [1]} : vector<16xf32> to vector<1xf32>
    %squeeze3A_43 = vector.extract %slice3A_42[0] : f32 from vector<1xf32>
    %max3A_44 = arith.maximumf %squeeze3A, %squeeze3A_43 : f32
    %slice3A_45 = vector.extract_strided_slice %max3A_41 {offsets = [2], sizes = [1], strides = [1]} : vector<16xf32> to vector<1xf32>
    %squeeze3A_46 = vector.extract %slice3A_45[0] : f32 from vector<1xf32>
    %max3A_47 = arith.maximumf %max3A_44, %squeeze3A_46 : f32
    %slice3A_48 = vector.extract_strided_slice %max3A_41 {offsets = [3], sizes = [1], strides = [1]} : vector<16xf32> to vector<1xf32>
    %squeeze3A_49 = vector.extract %slice3A_48[0] : f32 from vector<1xf32>
    %max3A_50 = arith.maximumf %max3A_47, %squeeze3A_49 : f32
    %slice3A_51 = vector.extract_strided_slice %max3A_41 {offsets = [4], sizes = [1], strides = [1]} : vector<16xf32> to vector<1xf32>
    %squeeze3A_52 = vector.extract %slice3A_51[0] : f32 from vector<1xf32>
    %max3A_53 = arith.maximumf %max3A_50, %squeeze3A_52 : f32
    %slice3A_54 = vector.extract_strided_slice %max3A_41 {offsets = [5], sizes = [1], strides = [1]} : vector<16xf32> to vector<1xf32>
    %squeeze3A_55 = vector.extract %slice3A_54[0] : f32 from vector<1xf32>
    %max3A_56 = arith.maximumf %max3A_53, %squeeze3A_55 : f32
    %slice3A_57 = vector.extract_strided_slice %max3A_41 {offsets = [6], sizes = [1], strides = [1]} : vector<16xf32> to vector<1xf32>
    %squeeze3A_58 = vector.extract %slice3A_57[0] : f32 from vector<1xf32>
    %max3A_59 = arith.maximumf %max3A_56, %squeeze3A_58 : f32
    %slice3A_60 = vector.extract_strided_slice %max3A_41 {offsets = [7], sizes = [1], strides = [1]} : vector<16xf32> to vector<1xf32>
    %squeeze3A_61 = vector.extract %slice3A_60[0] : f32 from vector<1xf32>
    %max3A_62 = arith.maximumf %max3A_59, %squeeze3A_61 : f32
    %slice3A_63 = vector.extract_strided_slice %max3A_41 {offsets = [8], sizes = [1], strides = [1]} : vector<16xf32> to vector<1xf32>
    %squeeze3A_64 = vector.extract %slice3A_63[0] : f32 from vector<1xf32>
    %max3A_65 = arith.maximumf %max3A_62, %squeeze3A_64 : f32
    %slice3A_66 = vector.extract_strided_slice %max3A_41 {offsets = [9], sizes = [1], strides = [1]} : vector<16xf32> to vector<1xf32>
    %squeeze3A_67 = vector.extract %slice3A_66[0] : f32 from vector<1xf32>
    %max3A_68 = arith.maximumf %max3A_65, %squeeze3A_67 : f32
    %slice3A_69 = vector.extract_strided_slice %max3A_41 {offsets = [10], sizes = [1], strides = [1]} : vector<16xf32> to vector<1xf32>
    %squeeze3A_70 = vector.extract %slice3A_69[0] : f32 from vector<1xf32>
    %max3A_71 = arith.maximumf %max3A_68, %squeeze3A_70 : f32
    %slice3A_72 = vector.extract_strided_slice %max3A_41 {offsets = [11], sizes = [1], strides = [1]} : vector<16xf32> to vector<1xf32>
    %squeeze3A_73 = vector.extract %slice3A_72[0] : f32 from vector<1xf32>
    %max3A_74 = arith.maximumf %max3A_71, %squeeze3A_73 : f32
    %slice3A_75 = vector.extract_strided_slice %max3A_41 {offsets = [12], sizes = [1], strides = [1]} : vector<16xf32> to vector<1xf32>
    %squeeze3A_76 = vector.extract %slice3A_75[0] : f32 from vector<1xf32>
    %max3A_77 = arith.maximumf %max3A_74, %squeeze3A_76 : f32
    %slice3A_78 = vector.extract_strided_slice %max3A_41 {offsets = [13], sizes = [1], strides = [1]} : vector<16xf32> to vector<1xf32>
    %squeeze3A_79 = vector.extract %slice3A_78[0] : f32 from vector<1xf32>
    %max3A_80 = arith.maximumf %max3A_77, %squeeze3A_79 : f32
    %slice3A_81 = vector.extract_strided_slice %max3A_41 {offsets = [14], sizes = [1], strides = [1]} : vector<16xf32> to vector<1xf32>
    %squeeze3A_82 = vector.extract %slice3A_81[0] : f32 from vector<1xf32>
    %max3A_83 = arith.maximumf %max3A_80, %squeeze3A_82 : f32
    %slice3A_84 = vector.extract_strided_slice %max3A_41 {offsets = [15], sizes = [1], strides = [1]} : vector<16xf32> to vector<1xf32>
    %squeeze3A_85 = vector.extract %slice3A_84[0] : f32 from vector<1xf32>
    %max3A_86 = arith.maximumf %max3A_83, %squeeze3A_85 : f32
    %eq3A = vector.broadcast %max3A_86 : f32 to vector<16xf32>
    %eq3A_87 = arith.cmpf oeq, %scan3A_23#0, %eq3A : vector<16xf32>
    %jit3A = arith.constant 64 : i32
    %broadcast_in_dim3A_88 = vector.broadcast %jit3A : i32 to vector<16xi32>
    %select_n3A = arith.select %eq3A_87, %add3A_27, %broadcast_in_dim3A_88 : vector<16xi1>, vector<16xi32>
    %eq3A_89 = vector.broadcast %max3A_86 : f32 to vector<16xf32>
    %eq3A_90 = arith.cmpf oeq, %scan3A_23#1, %eq3A_89 : vector<16xf32>
    %jit3A_91 = arith.constant 64 : i32
    %broadcast_in_dim3A_92 = vector.broadcast %jit3A_91 : i32 to vector<16xi32>
    %select_n3A_93 = arith.select %eq3A_90, %add3A_31, %broadcast_in_dim3A_92 : vector<16xi1>, vector<16xi32>
    %min3A = arith.minsi %select_n3A, %select_n3A_93 : vector<16xi32>
    %eq3A_94 = vector.broadcast %max3A_86 : f32 to vector<16xf32>
    %eq3A_95 = arith.cmpf oeq, %scan3A_23#2, %eq3A_94 : vector<16xf32>
    %jit3A_96 = arith.constant 64 : i32
    %broadcast_in_dim3A_97 = vector.broadcast %jit3A_96 : i32 to vector<16xi32>
    %select_n3A_98 = arith.select %eq3A_95, %add3A_35, %broadcast_in_dim3A_97 : vector<16xi1>, vector<16xi32>
    %eq3A_99 = vector.broadcast %max3A_86 : f32 to vector<16xf32>
    %eq3A_100 = arith.cmpf oeq, %scan3A_23#3, %eq3A_99 : vector<16xf32>
    %jit3A_101 = arith.constant 64 : i32
    %broadcast_in_dim3A_102 = vector.broadcast %jit3A_101 : i32 to vector<16xi32>
    %select_n3A_103 = arith.select %eq3A_100, %add3A_39, %broadcast_in_dim3A_102 : vector<16xi1>, vector<16xi32>
    %min3A_104 = arith.minsi %select_n3A_98, %select_n3A_103 : vector<16xi32>
    %min3A_105 = arith.minsi %min3A, %min3A_104 : vector<16xi32>
    %slice3A_106 = vector.extract_strided_slice %min3A_105 {offsets = [0], sizes = [1], strides = [1]} : vector<16xi32> to vector<1xi32>
    %squeeze3A_107 = vector.extract %slice3A_106[0] : i32 from vector<1xi32>
    %slice3A_108 = vector.extract_strided_slice %min3A_105 {offsets = [1], sizes = [1], strides = [1]} : vector<16xi32> to vector<1xi32>
    %squeeze3A_109 = vector.extract %slice3A_108[0] : i32 from vector<1xi32>
    %min3A_110 = arith.minsi %squeeze3A_107, %squeeze3A_109 : i32
    %slice3A_111 = vector.extract_strided_slice %min3A_105 {offsets = [2], sizes = [1], strides = [1]} : vector<16xi32> to vector<1xi32>
    %squeeze3A_112 = vector.extract %slice3A_111[0] : i32 from vector<1xi32>
    %min3A_113 = arith.minsi %min3A_110, %squeeze3A_112 : i32
    %slice3A_114 = vector.extract_strided_slice %min3A_105 {offsets = [3], sizes = [1], strides = [1]} : vector<16xi32> to vector<1xi32>
    %squeeze3A_115 = vector.extract %slice3A_114[0] : i32 from vector<1xi32>
    %min3A_116 = arith.minsi %min3A_113, %squeeze3A_115 : i32
    %slice3A_117 = vector.extract_strided_slice %min3A_105 {offsets = [4], sizes = [1], strides = [1]} : vector<16xi32> to vector<1xi32>
    %squeeze3A_118 = vector.extract %slice3A_117[0] : i32 from vector<1xi32>
    %min3A_119 = arith.minsi %min3A_116, %squeeze3A_118 : i32
    %slice3A_120 = vector.extract_strided_slice %min3A_105 {offsets = [5], sizes = [1], strides = [1]} : vector<16xi32> to vector<1xi32>
    %squeeze3A_121 = vector.extract %slice3A_120[0] : i32 from vector<1xi32>
    %min3A_122 = arith.minsi %min3A_119, %squeeze3A_121 : i32
    %slice3A_123 = vector.extract_strided_slice %min3A_105 {offsets = [6], sizes = [1], strides = [1]} : vector<16xi32> to vector<1xi32>
    %squeeze3A_124 = vector.extract %slice3A_123[0] : i32 from vector<1xi32>
    %min3A_125 = arith.minsi %min3A_122, %squeeze3A_124 : i32
    %slice3A_126 = vector.extract_strided_slice %min3A_105 {offsets = [7], sizes = [1], strides = [1]} : vector<16xi32> to vector<1xi32>
    %squeeze3A_127 = vector.extract %slice3A_126[0] : i32 from vector<1xi32>
    %min3A_128 = arith.minsi %min3A_125, %squeeze3A_127 : i32
    %slice3A_129 = vector.extract_strided_slice %min3A_105 {offsets = [8], sizes = [1], strides = [1]} : vector<16xi32> to vector<1xi32>
    %squeeze3A_130 = vector.extract %slice3A_129[0] : i32 from vector<1xi32>
    %min3A_131 = arith.minsi %min3A_128, %squeeze3A_130 : i32
    %slice3A_132 = vector.extract_strided_slice %min3A_105 {offsets = [9], sizes = [1], strides = [1]} : vector<16xi32> to vector<1xi32>
    %squeeze3A_133 = vector.extract %slice3A_132[0] : i32 from vector<1xi32>
    %min3A_134 = arith.minsi %min3A_131, %squeeze3A_133 : i32
    %slice3A_135 = vector.extract_strided_slice %min3A_105 {offsets = [10], sizes = [1], strides = [1]} : vector<16xi32> to vector<1xi32>
    %squeeze3A_136 = vector.extract %slice3A_135[0] : i32 from vector<1xi32>
    %min3A_137 = arith.minsi %min3A_134, %squeeze3A_136 : i32
    %slice3A_138 = vector.extract_strided_slice %min3A_105 {offsets = [11], sizes = [1], strides = [1]} : vector<16xi32> to vector<1xi32>
    %squeeze3A_139 = vector.extract %slice3A_138[0] : i32 from vector<1xi32>
    %min3A_140 = arith.minsi %min3A_137, %squeeze3A_139 : i32
    %slice3A_141 = vector.extract_strided_slice %min3A_105 {offsets = [12], sizes = [1], strides = [1]} : vector<16xi32> to vector<1xi32>
    %squeeze3A_142 = vector.extract %slice3A_141[0] : i32 from vector<1xi32>
    %min3A_143 = arith.minsi %min3A_140, %squeeze3A_142 : i32
    %slice3A_144 = vector.extract_strided_slice %min3A_105 {offsets = [13], sizes = [1], strides = [1]} : vector<16xi32> to vector<1xi32>
    %squeeze3A_145 = vector.extract %slice3A_144[0] : i32 from vector<1xi32>
    %min3A_146 = arith.minsi %min3A_143, %squeeze3A_145 : i32
    %slice3A_147 = vector.extract_strided_slice %min3A_105 {offsets = [14], sizes = [1], strides = [1]} : vector<16xi32> to vector<1xi32>
    %squeeze3A_148 = vector.extract %slice3A_147[0] : i32 from vector<1xi32>
    %min3A_149 = arith.minsi %min3A_146, %squeeze3A_148 : i32
    %slice3A_150 = vector.extract_strided_slice %min3A_105 {offsets = [15], sizes = [1], strides = [1]} : vector<16xi32> to vector<1xi32>
    %squeeze3A_151 = vector.extract %slice3A_150[0] : i32 from vector<1xi32>
    %min3A_152 = arith.minsi %min3A_149, %squeeze3A_151 : i32
    %eq3A_153 = vector.broadcast %min3A_152 : i32 to vector<16xi32>
    %eq3A_154 = arith.cmpi eq, %add3A_27, %eq3A_153 : vector<16xi32>
    %jit3A_155 = arith.constant 0xFF800000 : f32
    %broadcast_in_dim3A_156 = vector.broadcast %jit3A_155 : f32 to vector<16xf32>
    %select_n3A_157 = arith.select %eq3A_154, %broadcast_in_dim3A_156, %scan3A_23#0 : vector<16xi1>, vector<16xf32>
    %eq3A_158 = vector.broadcast %min3A_152 : i32 to vector<16xi32>
    %eq3A_159 = arith.cmpi eq, %add3A_31, %eq3A_158 : vector<16xi32>
    %jit3A_160 = arith.constant 0xFF800000 : f32
    %broadcast_in_dim3A_161 = vector.broadcast %jit3A_160 : f32 to vector<16xf32>
    %select_n3A_162 = arith.select %eq3A_159, %broadcast_in_dim3A_161, %scan3A_23#1 : vector<16xi1>, vector<16xf32>
    %eq3A_163 = vector.broadcast %min3A_152 : i32 to vector<16xi32>
    %eq3A_164 = arith.cmpi eq, %add3A_35, %eq3A_163 : vector<16xi32>
    %jit3A_165 = arith.constant 0xFF800000 : f32
    %broadcast_in_dim3A_166 = vector.broadcast %jit3A_165 : f32 to vector<16xf32>
    %select_n3A_167 = arith.select %eq3A_164, %broadcast_in_dim3A_166, %scan3A_23#2 : vector<16xi1>, vector<16xf32>
    %eq3A_168 = vector.broadcast %min3A_152 : i32 to vector<16xi32>
    %eq3A_169 = arith.cmpi eq, %add3A_39, %eq3A_168 : vector<16xi32>
    %jit3A_170 = arith.constant 0xFF800000 : f32
    %broadcast_in_dim3A_171 = vector.broadcast %jit3A_170 : f32 to vector<16xf32>
    %select_n3A_172 = arith.select %eq3A_169, %broadcast_in_dim3A_171, %scan3A_23#3 : vector<16xi1>, vector<16xf32>
    %max3A_173 = arith.maximumf %select_n3A_157, %select_n3A_162 : vector<16xf32>
    %max3A_174 = arith.maximumf %select_n3A_167, %select_n3A_172 : vector<16xf32>
    %max3A_175 = arith.maximumf %max3A_173, %max3A_174 : vector<16xf32>
    %slice3A_176 = vector.extract_strided_slice %max3A_175 {offsets = [0], sizes = [1], strides = [1]} : vector<16xf32> to vector<1xf32>
    %squeeze3A_177 = vector.extract %slice3A_176[0] : f32 from vector<1xf32>
    %slice3A_178 = vector.extract_strided_slice %max3A_175 {offsets = [1], sizes = [1], strides = [1]} : vector<16xf32> to vector<1xf32>
    %squeeze3A_179 = vector.extract %slice3A_178[0] : f32 from vector<1xf32>
    %max3A_180 = arith.maximumf %squeeze3A_177, %squeeze3A_179 : f32
    %slice3A_181 = vector.extract_strided_slice %max3A_175 {offsets = [2], sizes = [1], strides = [1]} : vector<16xf32> to vector<1xf32>
    %squeeze3A_182 = vector.extract %slice3A_181[0] : f32 from vector<1xf32>
    %max3A_183 = arith.maximumf %max3A_180, %squeeze3A_182 : f32
    %slice3A_184 = vector.extract_strided_slice %max3A_175 {offsets = [3], sizes = [1], strides = [1]} : vector<16xf32> to vector<1xf32>
    %squeeze3A_185 = vector.extract %slice3A_184[0] : f32 from vector<1xf32>
    %max3A_186 = arith.maximumf %max3A_183, %squeeze3A_185 : f32
    %slice3A_187 = vector.extract_strided_slice %max3A_175 {offsets = [4], sizes = [1], strides = [1]} : vector<16xf32> to vector<1xf32>
    %squeeze3A_188 = vector.extract %slice3A_187[0] : f32 from vector<1xf32>
    %max3A_189 = arith.maximumf %max3A_186, %squeeze3A_188 : f32
    %slice3A_190 = vector.extract_strided_slice %max3A_175 {offsets = [5], sizes = [1], strides = [1]} : vector<16xf32> to vector<1xf32>
    %squeeze3A_191 = vector.extract %slice3A_190[0] : f32 from vector<1xf32>
    %max3A_192 = arith.maximumf %max3A_189, %squeeze3A_191 : f32
    %slice3A_193 = vector.extract_strided_slice %max3A_175 {offsets = [6], sizes = [1], strides = [1]} : vector<16xf32> to vector<1xf32>
    %squeeze3A_194 = vector.extract %slice3A_193[0] : f32 from vector<1xf32>
    %max3A_195 = arith.maximumf %max3A_192, %squeeze3A_194 : f32
    %slice3A_196 = vector.extract_strided_slice %max3A_175 {offsets = [7], sizes = [1], strides = [1]} : vector<16xf32> to vector<1xf32>
    %squeeze3A_197 = vector.extract %slice3A_196[0] : f32 from vector<1xf32>
    %max3A_198 = arith.maximumf %max3A_195, %squeeze3A_197 : f32
    %slice3A_199 = vector.extract_strided_slice %max3A_175 {offsets = [8], sizes = [1], strides = [1]} : vector<16xf32> to vector<1xf32>
    %squeeze3A_200 = vector.extract %slice3A_199[0] : f32 from vector<1xf32>
    %max3A_201 = arith.maximumf %max3A_198, %squeeze3A_200 : f32
    %slice3A_202 = vector.extract_strided_slice %max3A_175 {offsets = [9], sizes = [1], strides = [1]} : vector<16xf32> to vector<1xf32>
    %squeeze3A_203 = vector.extract %slice3A_202[0] : f32 from vector<1xf32>
    %max3A_204 = arith.maximumf %max3A_201, %squeeze3A_203 : f32
    %slice3A_205 = vector.extract_strided_slice %max3A_175 {offsets = [10], sizes = [1], strides = [1]} : vector<16xf32> to vector<1xf32>
    %squeeze3A_206 = vector.extract %slice3A_205[0] : f32 from vector<1xf32>
    %max3A_207 = arith.maximumf %max3A_204, %squeeze3A_206 : f32
    %slice3A_208 = vector.extract_strided_slice %max3A_175 {offsets = [11], sizes = [1], strides = [1]} : vector<16xf32> to vector<1xf32>
    %squeeze3A_209 = vector.extract %slice3A_208[0] : f32 from vector<1xf32>
    %max3A_210 = arith.maximumf %max3A_207, %squeeze3A_209 : f32
    %slice3A_211 = vector.extract_strided_slice %max3A_175 {offsets = [12], sizes = [1], strides = [1]} : vector<16xf32> to vector<1xf32>
    %squeeze3A_212 = vector.extract %slice3A_211[0] : f32 from vector<1xf32>
    %max3A_213 = arith.maximumf %max3A_210, %squeeze3A_212 : f32
    %slice3A_214 = vector.extract_strided_slice %max3A_175 {offsets = [13], sizes = [1], strides = [1]} : vector<16xf32> to vector<1xf32>
    %squeeze3A_215 = vector.extract %slice3A_214[0] : f32 from vector<1xf32>
    %max3A_216 = arith.maximumf %max3A_213, %squeeze3A_215 : f32
    %slice3A_217 = vector.extract_strided_slice %max3A_175 {offsets = [14], sizes = [1], strides = [1]} : vector<16xf32> to vector<1xf32>
    %squeeze3A_218 = vector.extract %slice3A_217[0] : f32 from vector<1xf32>
    %max3A_219 = arith.maximumf %max3A_216, %squeeze3A_218 : f32
    %slice3A_220 = vector.extract_strided_slice %max3A_175 {offsets = [15], sizes = [1], strides = [1]} : vector<16xf32> to vector<1xf32>
    %squeeze3A_221 = vector.extract %slice3A_220[0] : f32 from vector<1xf32>
    %max3A_222 = arith.maximumf %max3A_219, %squeeze3A_221 : f32
    %eq3A_223 = vector.broadcast %max3A_222 : f32 to vector<16xf32>
    %eq3A_224 = arith.cmpf oeq, %select_n3A_157, %eq3A_223 : vector<16xf32>
    %jit3A_225 = arith.constant 64 : i32
    %broadcast_in_dim3A_226 = vector.broadcast %jit3A_225 : i32 to vector<16xi32>
    %select_n3A_227 = arith.select %eq3A_224, %add3A_27, %broadcast_in_dim3A_226 : vector<16xi1>, vector<16xi32>
    %eq3A_228 = vector.broadcast %max3A_222 : f32 to vector<16xf32>
    %eq3A_229 = arith.cmpf oeq, %select_n3A_162, %eq3A_228 : vector<16xf32>
    %jit3A_230 = arith.constant 64 : i32
    %broadcast_in_dim3A_231 = vector.broadcast %jit3A_230 : i32 to vector<16xi32>
    %select_n3A_232 = arith.select %eq3A_229, %add3A_31, %broadcast_in_dim3A_231 : vector<16xi1>, vector<16xi32>
    %min3A_233 = arith.minsi %select_n3A_227, %select_n3A_232 : vector<16xi32>
    %eq3A_234 = vector.broadcast %max3A_222 : f32 to vector<16xf32>
    %eq3A_235 = arith.cmpf oeq, %select_n3A_167, %eq3A_234 : vector<16xf32>
    %jit3A_236 = arith.constant 64 : i32
    %broadcast_in_dim3A_237 = vector.broadcast %jit3A_236 : i32 to vector<16xi32>
    %select_n3A_238 = arith.select %eq3A_235, %add3A_35, %broadcast_in_dim3A_237 : vector<16xi1>, vector<16xi32>
    %eq3A_239 = vector.broadcast %max3A_222 : f32 to vector<16xf32>
    %eq3A_240 = arith.cmpf oeq, %select_n3A_172, %eq3A_239 : vector<16xf32>
    %jit3A_241 = arith.constant 64 : i32
    %broadcast_in_dim3A_242 = vector.broadcast %jit3A_241 : i32 to vector<16xi32>
    %select_n3A_243 = arith.select %eq3A_240, %add3A_39, %broadcast_in_dim3A_242 : vector<16xi1>, vector<16xi32>
    %min3A_244 = arith.minsi %select_n3A_238, %select_n3A_243 : vector<16xi32>
    %min3A_245 = arith.minsi %min3A_233, %min3A_244 : vector<16xi32>
    %slice3A_246 = vector.extract_strided_slice %min3A_245 {offsets = [0], sizes = [1], strides = [1]} : vector<16xi32> to vector<1xi32>
    %squeeze3A_247 = vector.extract %slice3A_246[0] : i32 from vector<1xi32>
    %slice3A_248 = vector.extract_strided_slice %min3A_245 {offsets = [1], sizes = [1], strides = [1]} : vector<16xi32> to vector<1xi32>
    %squeeze3A_249 = vector.extract %slice3A_248[0] : i32 from vector<1xi32>
    %min3A_250 = arith.minsi %squeeze3A_247, %squeeze3A_249 : i32
    %slice3A_251 = vector.extract_strided_slice %min3A_245 {offsets = [2], sizes = [1], strides = [1]} : vector<16xi32> to vector<1xi32>
    %squeeze3A_252 = vector.extract %slice3A_251[0] : i32 from vector<1xi32>
    %min3A_253 = arith.minsi %min3A_250, %squeeze3A_252 : i32
    %slice3A_254 = vector.extract_strided_slice %min3A_245 {offsets = [3], sizes = [1], strides = [1]} : vector<16xi32> to vector<1xi32>
    %squeeze3A_255 = vector.extract %slice3A_254[0] : i32 from vector<1xi32>
    %min3A_256 = arith.minsi %min3A_253, %squeeze3A_255 : i32
    %slice3A_257 = vector.extract_strided_slice %min3A_245 {offsets = [4], sizes = [1], strides = [1]} : vector<16xi32> to vector<1xi32>
    %squeeze3A_258 = vector.extract %slice3A_257[0] : i32 from vector<1xi32>
    %min3A_259 = arith.minsi %min3A_256, %squeeze3A_258 : i32
    %slice3A_260 = vector.extract_strided_slice %min3A_245 {offsets = [5], sizes = [1], strides = [1]} : vector<16xi32> to vector<1xi32>
    %squeeze3A_261 = vector.extract %slice3A_260[0] : i32 from vector<1xi32>
    %min3A_262 = arith.minsi %min3A_259, %squeeze3A_261 : i32
    %slice3A_263 = vector.extract_strided_slice %min3A_245 {offsets = [6], sizes = [1], strides = [1]} : vector<16xi32> to vector<1xi32>
    %squeeze3A_264 = vector.extract %slice3A_263[0] : i32 from vector<1xi32>
    %min3A_265 = arith.minsi %min3A_262, %squeeze3A_264 : i32
    %slice3A_266 = vector.extract_strided_slice %min3A_245 {offsets = [7], sizes = [1], strides = [1]} : vector<16xi32> to vector<1xi32>
    %squeeze3A_267 = vector.extract %slice3A_266[0] : i32 from vector<1xi32>
    %min3A_268 = arith.minsi %min3A_265, %squeeze3A_267 : i32
    %slice3A_269 = vector.extract_strided_slice %min3A_245 {offsets = [8], sizes = [1], strides = [1]} : vector<16xi32> to vector<1xi32>
    %squeeze3A_270 = vector.extract %slice3A_269[0] : i32 from vector<1xi32>
    %min3A_271 = arith.minsi %min3A_268, %squeeze3A_270 : i32
    %slice3A_272 = vector.extract_strided_slice %min3A_245 {offsets = [9], sizes = [1], strides = [1]} : vector<16xi32> to vector<1xi32>
    %squeeze3A_273 = vector.extract %slice3A_272[0] : i32 from vector<1xi32>
    %min3A_274 = arith.minsi %min3A_271, %squeeze3A_273 : i32
    %slice3A_275 = vector.extract_strided_slice %min3A_245 {offsets = [10], sizes = [1], strides = [1]} : vector<16xi32> to vector<1xi32>
    %squeeze3A_276 = vector.extract %slice3A_275[0] : i32 from vector<1xi32>
    %min3A_277 = arith.minsi %min3A_274, %squeeze3A_276 : i32
    %slice3A_278 = vector.extract_strided_slice %min3A_245 {offsets = [11], sizes = [1], strides = [1]} : vector<16xi32> to vector<1xi32>
    %squeeze3A_279 = vector.extract %slice3A_278[0] : i32 from vector<1xi32>
    %min3A_280 = arith.minsi %min3A_277, %squeeze3A_279 : i32
    %slice3A_281 = vector.extract_strided_slice %min3A_245 {offsets = [12], sizes = [1], strides = [1]} : vector<16xi32> to vector<1xi32>
    %squeeze3A_282 = vector.extract %slice3A_281[0] : i32 from vector<1xi32>
    %min3A_283 = arith.minsi %min3A_280, %squeeze3A_282 : i32
    %slice3A_284 = vector.extract_strided_slice %min3A_245 {offsets = [13], sizes = [1], strides = [1]} : vector<16xi32> to vector<1xi32>
    %squeeze3A_285 = vector.extract %slice3A_284[0] : i32 from vector<1xi32>
    %min3A_286 = arith.minsi %min3A_283, %squeeze3A_285 : i32
    %slice3A_287 = vector.extract_strided_slice %min3A_245 {offsets = [14], sizes = [1], strides = [1]} : vector<16xi32> to vector<1xi32>
    %squeeze3A_288 = vector.extract %slice3A_287[0] : i32 from vector<1xi32>
    %min3A_289 = arith.minsi %min3A_286, %squeeze3A_288 : i32
    %slice3A_290 = vector.extract_strided_slice %min3A_245 {offsets = [15], sizes = [1], strides = [1]} : vector<16xi32> to vector<1xi32>
    %squeeze3A_291 = vector.extract %slice3A_290[0] : i32 from vector<1xi32>
    %min3A_292 = arith.minsi %min3A_289, %squeeze3A_291 : i32
    %sub3A = arith.subf %max3A_222, %max3A_86 : f32
    %add3A_293 = vector.broadcast %sub3A : f32 to vector<16xf32>
    %add3A_294 = arith.addf %broadcast_in_dim3A_1, %add3A_293 : vector<16xf32>
    %swap3A = arith.constant 0 : index
    %swap3A_295 = tpu.vector_load %arg7[%swap3A] {strides = array<i32>} : memref<64xf32, #tpu.memory_space<vmem>>, vector<16xf32>,
    %swap3A_296 = vector.shape_cast %swap3A_295 : vector<16xf32> to vector<16xf32>
    %swap3A_297 = vector.shape_cast %add3A_294 : vector<16xf32> to vector<16xf32>
    tpu.vector_store %arg7[%swap3A], %swap3A_297 {strides = array<i32>} : memref<64xf32, #tpu.memory_space<vmem>>, vector<16xf32>,
    %get3A = arith.constant 0 : index
    %get3A_298 = tpu.vector_load %arg7[%get3A] {strides = array<i32>} : memref<64xf32, #tpu.memory_space<vmem>>, vector<16xf32>,
    %get3A_299 = vector.shape_cast %get3A_298 : vector<16xf32> to vector<16xf32>
    %exp3A = math.exp %get3A_299 : vector<16xf32>
    %add3A_300 = arith.constant 1.000000e+00 : f32
    %add3A_301 = vector.broadcast %add3A_300 : f32 to vector<16xf32>
    %add3A_302 = arith.addf %add3A_301, %exp3A : vector<16xf32>
    %add3A_303 = arith.constant 1.000000e+00 : f32
    %add3A_304 = vector.broadcast %add3A_303 : f32 to vector<16xf32>
    %add3A_305 = arith.addf %add3A_304, %broadcast_in_dim3A_1 : vector<16xf32>
    %div3A = arith.divf %add3A_305, %add3A_302 : vector<16xf32>
    %div3A_306 = arith.divf %exp3A, %add3A_302 : vector<16xf32>
    %eq3A_307 = vector.broadcast %min3A_152 : i32 to vector<16xi32>
    %eq3A_308 = arith.cmpi eq, %add3A_27, %eq3A_307 : vector<16xi32>
    %select_n3A_309 = arith.select %eq3A_308, %div3A, %broadcast_in_dim3A_1 : vector<16xi1>, vector<16xf32>
    %eq3A_310 = vector.broadcast %min3A_292 : i32 to vector<16xi32>
    %eq3A_311 = arith.cmpi eq, %add3A_27, %eq3A_310 : vector<16xi32>
    %select_n3A_312 = arith.select %eq3A_311, %div3A_306, %broadcast_in_dim3A_1 : vector<16xi1>, vector<16xf32>
    %add3A_313 = arith.addf %select_n3A_309, %select_n3A_312 : vector<16xf32>
    %swap3A_314 = arith.constant 0 : index
    %swap3A_315 = tpu.vector_load %arg7[%swap3A_314] {strides = array<i32>} : memref<64xf32, #tpu.memory_space<vmem>>, vector<16xf32>,
    %swap3A_316 = vector.shape_cast %swap3A_315 : vector<16xf32> to vector<16xf32>
    %swap3A_317 = vector.shape_cast %add3A_313 : vector<16xf32> to vector<16xf32>
    tpu.vector_store %arg7[%swap3A_314], %swap3A_317 {strides = array<i32>} : memref<64xf32, #tpu.memory_space<vmem>>, vector<16xf32>,
    %eq3A_318 = vector.broadcast %min3A_152 : i32 to vector<16xi32>
    %eq3A_319 = arith.cmpi eq, %add3A_31, %eq3A_318 : vector<16xi32>
    %select_n3A_320 = arith.select %eq3A_319, %div3A, %broadcast_in_dim3A_1 : vector<16xi1>, vector<16xf32>
    %eq3A_321 = vector.broadcast %min3A_292 : i32 to vector<16xi32>
    %eq3A_322 = arith.cmpi eq, %add3A_31, %eq3A_321 : vector<16xi32>
    %select_n3A_323 = arith.select %eq3A_322, %div3A_306, %broadcast_in_dim3A_1 : vector<16xi1>, vector<16xf32>
    %add3A_324 = arith.addf %select_n3A_320, %select_n3A_323 : vector<16xf32>
    %swap3A_325 = arith.constant 16 : index
    %swap3A_326 = tpu.vector_load %arg7[%swap3A_325] {strides = array<i32>} : memref<64xf32, #tpu.memory_space<vmem>>, vector<16xf32>,
    %swap3A_327 = vector.shape_cast %swap3A_326 : vector<16xf32> to vector<16xf32>
    %swap3A_328 = vector.shape_cast %add3A_324 : vector<16xf32> to vector<16xf32>
    tpu.vector_store %arg7[%swap3A_325], %swap3A_328 {strides = array<i32>} : memref<64xf32, #tpu.memory_space<vmem>>, vector<16xf32>,
    %eq3A_329 = vector.broadcast %min3A_152 : i32 to vector<16xi32>
    %eq3A_330 = arith.cmpi eq, %add3A_35, %eq3A_329 : vector<16xi32>
    %select_n3A_331 = arith.select %eq3A_330, %div3A, %broadcast_in_dim3A_1 : vector<16xi1>, vector<16xf32>
    %eq3A_332 = vector.broadcast %min3A_292 : i32 to vector<16xi32>
    %eq3A_333 = arith.cmpi eq, %add3A_35, %eq3A_332 : vector<16xi32>
    %select_n3A_334 = arith.select %eq3A_333, %div3A_306, %broadcast_in_dim3A_1 : vector<16xi1>, vector<16xf32>
    %add3A_335 = arith.addf %select_n3A_331, %select_n3A_334 : vector<16xf32>
    %swap3A_336 = arith.constant 32 : index
    %swap3A_337 = tpu.vector_load %arg7[%swap3A_336] {strides = array<i32>} : memref<64xf32, #tpu.memory_space<vmem>>, vector<16xf32>,
    %swap3A_338 = vector.shape_cast %swap3A_337 : vector<16xf32> to vector<16xf32>
    %swap3A_339 = vector.shape_cast %add3A_335 : vector<16xf32> to vector<16xf32>
    tpu.vector_store %arg7[%swap3A_336], %swap3A_339 {strides = array<i32>} : memref<64xf32, #tpu.memory_space<vmem>>, vector<16xf32>,
    %eq3A_340 = vector.broadcast %min3A_152 : i32 to vector<16xi32>
    %eq3A_341 = arith.cmpi eq, %add3A_39, %eq3A_340 : vector<16xi32>
    %select_n3A_342 = arith.select %eq3A_341, %div3A, %broadcast_in_dim3A_1 : vector<16xi1>, vector<16xf32>
    %eq3A_343 = vector.broadcast %min3A_292 : i32 to vector<16xi32>
    %eq3A_344 = arith.cmpi eq, %add3A_39, %eq3A_343 : vector<16xi32>
    %select_n3A_345 = arith.select %eq3A_344, %div3A_306, %broadcast_in_dim3A_1 : vector<16xi1>, vector<16xf32>
    %add3A_346 = arith.addf %select_n3A_342, %select_n3A_345 : vector<16xf32>
    %swap3A_347 = arith.constant 48 : index
    %swap3A_348 = tpu.vector_load %arg7[%swap3A_347] {strides = array<i32>} : memref<64xf32, #tpu.memory_space<vmem>>, vector<16xf32>,
    %swap3A_349 = vector.shape_cast %swap3A_348 : vector<16xf32> to vector<16xf32>
    %swap3A_350 = vector.shape_cast %add3A_346 : vector<16xf32> to vector<16xf32>
    tpu.vector_store %arg7[%swap3A_347], %swap3A_350 {strides = array<i32>} : memref<64xf32, #tpu.memory_space<vmem>>, vector<16xf32>,
    "tpu.region"() ({
      %run_scoped3A = tpu.sem_alloc : memref<!tpu.dma_semaphore, #tpu.memory_space<semaphore_mem>>
      %dma_start3A = arith.constant 0 : i32
      %dma_start3A_351 = tpu.memref_slice %arg4[%add3A, %dma_start3A] : memref<32x64xf32, #tpu.memory_space<hbm>> -> memref<1x64xf32, #tpu.memory_space<hbm>>
      %dma_start3A_352 = tpu.memref_squeeze %dma_start3A_351 : memref<1x64xf32, #tpu.memory_space<hbm>> -> memref<64xf32, #tpu.memory_space<hbm>>
      %dma_start3A_353 = arith.constant 0 : i32
      %dma_start3A_354 = tpu.memref_slice %arg4[%add3A, %dma_start3A_353] : memref<32x64xf32, #tpu.memory_space<hbm>> -> memref<1x64xf32, #tpu.memory_space<hbm>>
      %dma_start3A_355 = tpu.memref_squeeze %dma_start3A_354 : memref<1x64xf32, #tpu.memory_space<hbm>> -> memref<64xf32, #tpu.memory_space<hbm>>
      tpu.enqueue_dma source(%arg7 : memref<64xf32, #tpu.memory_space<vmem>>) target(%dma_start3A_355 : memref<64xf32, #tpu.memory_space<hbm>>) target_semaphore(%run_scoped3A : memref<!tpu.dma_semaphore, #tpu.memory_space<semaphore_mem>>)
      %dma_wait3A = arith.constant 0 : i32
      %dma_wait3A_356 = tpu.memref_slice %arg4[%add3A, %dma_wait3A] : memref<32x64xf32, #tpu.memory_space<hbm>> -> memref<1x64xf32, #tpu.memory_space<hbm>>
      %dma_wait3A_357 = tpu.memref_squeeze %dma_wait3A_356 : memref<1x64xf32, #tpu.memory_space<hbm>> -> memref<64xf32, #tpu.memory_space<hbm>>
      %dma_wait3A_358 = arith.constant 0 : i32
      %dma_wait3A_359 = tpu.memref_slice %arg4[%add3A, %dma_wait3A_358] : memref<32x64xf32, #tpu.memory_space<hbm>> -> memref<1x64xf32, #tpu.memory_space<hbm>>
      %dma_wait3A_360 = tpu.memref_squeeze %dma_wait3A_359 : memref<1x64xf32, #tpu.memory_space<hbm>> -> memref<64xf32, #tpu.memory_space<hbm>>
      tpu.wait_dma2 semaphore(%run_scoped3A : memref<!tpu.dma_semaphore, #tpu.memory_space<semaphore_mem>>) src(%arg7 : memref<64xf32, #tpu.memory_space<vmem>>) dst(%dma_wait3A_360 : memref<64xf32, #tpu.memory_space<hbm>>)
      tpu.yield
    }) : () -> ()
    return
  }
}

module attributes {stable_mosaic.version = 14 : i64} {
  func.func @_shared_body(%arg0: i32, %arg1: memref<32x1024xf32, #tpu.memory_space<vmem>>, %arg2: memref<512x1024xf32, #tpu.memory_space<vmem>>, %arg3: memref<512x1024xf32, #tpu.memory_space<vmem>>, %arg4: memref<1024x512xf32, #tpu.memory_space<vmem>>, %arg5: memref<32x1024xf32, #tpu.memory_space<vmem>>) attributes {dimension_semantics = [#tpu.dimension_semantics<arbitrary>], iteration_bounds = array<i64: 4>, scalar_prefetch = 0 : i64, scratch_operands = 0 : i64, tpu.core_type = #tpu.core_type<tc>, window_params = [{pipeline_mode = #tpu.pipeline_mode<synchronous>, transform_indices = @transform_0, window_bounds = array<i64: 32, 1024>}, {transform_indices = @transform_1, window_bounds = array<i64: 512, 1024>}, {transform_indices = @transform_2, window_bounds = array<i64: 512, 1024>}, {transform_indices = @transform_3, window_bounds = array<i64: 1024, 512>}, {pipeline_mode = #tpu.pipeline_mode<synchronous>, transform_indices = @transform_4, window_bounds = array<i64: 32, 1024>}]} {
    %eq3A = arith.constant 0 : i32
    %eq3A_0 = arith.cmpi eq, %arg0, %eq3A : i32
    %convert_element_type3A = arith.extui %eq3A_0 : i1 to i32
    %cond3A = arith.constant 0 : i32
    %cond3A_1 = arith.cmpi ne, %convert_element_type3A, %cond3A : i32
    scf.if %cond3A_1 {
      %broadcast_in_dim3A = arith.constant 0.000000e+00 : f32
      %broadcast_in_dim3A_35 = vector.broadcast %broadcast_in_dim3A : f32 to vector<32x1024xf32>
      %swap3A_36 = arith.constant 0 : index
      %swap3A_37 = arith.constant 0 : index
      %swap3A_38 = vector.load %arg5[%swap3A_36, %swap3A_37] : memref<32x1024xf32, #tpu.memory_space<vmem>>, vector<32x1024xf32>
      tpu.vector_store %arg5[%swap3A_36, %swap3A_37], %broadcast_in_dim3A_35 {strides = array<i32>} : memref<32x1024xf32, #tpu.memory_space<vmem>>, vector<32x1024xf32>,
    } else {
    }
    %get3A = arith.constant 0 : index
    %get3A_2 = arith.constant 0 : index
    %get3A_3 = vector.load %arg1[%get3A, %get3A_2] : memref<32x1024xf32, #tpu.memory_space<vmem>>, vector<32x1024xf32>
    %convert_element_type3A_4 = arith.truncf %get3A_3 : vector<32x1024xf32> to vector<32x1024xbf16>
    %get3A_5 = arith.constant 0 : index
    %get3A_6 = arith.constant 0 : index
    %get3A_7 = vector.load %arg2[%get3A_5, %get3A_6] : memref<512x1024xf32, #tpu.memory_space<vmem>>, vector<512x1024xf32>
    %convert_element_type3A_8 = arith.truncf %get3A_7 : vector<512x1024xf32> to vector<512x1024xbf16>
    %transpose3A = tpu.transpose %convert_element_type3A_8, [1, 0] : vector<512x1024xbf16> -> vector<1024x512xbf16>
    %dot_general3A = arith.constant dense<0.000000e+00> : vector<32x512xf32>
    %dot_general3A_9 = tpu.matmul %convert_element_type3A_4, %transpose3A, %dot_general3A {dimension_numbers = #tpu.dot_dimension_numbers<[1], [0], [0], [1], [0, 0, 1, 1], [], []>, transpose_lhs_hint = false} : vector<32x1024xbf16>, vector<1024x512xbf16>, vector<32x512xf32> -> vector<32x512xf32>
    %get3A_10 = arith.constant 0 : index
    %get3A_11 = arith.constant 0 : index
    %get3A_12 = vector.load %arg3[%get3A_10, %get3A_11] : memref<512x1024xf32, #tpu.memory_space<vmem>>, vector<512x1024xf32>
    %convert_element_type3A_13 = arith.truncf %get3A_12 : vector<512x1024xf32> to vector<512x1024xbf16>
    %transpose3A_14 = tpu.transpose %convert_element_type3A_13, [1, 0] : vector<512x1024xbf16> -> vector<1024x512xbf16>
    %dot_general3A_15 = arith.constant dense<0.000000e+00> : vector<32x512xf32>
    %dot_general3A_16 = tpu.matmul %convert_element_type3A_4, %transpose3A_14, %dot_general3A_15 {dimension_numbers = #tpu.dot_dimension_numbers<[1], [0], [0], [1], [0, 0, 1, 1], [], []>, transpose_lhs_hint = false} : vector<32x1024xbf16>, vector<1024x512xbf16>, vector<32x512xf32> -> vector<32x512xf32>
    %logistic3A = arith.negf %dot_general3A_9 : vector<32x512xf32>
    %logistic3A_17 = math.exp %logistic3A : vector<32x512xf32>
    %logistic3A_18 = arith.constant 1.000000e+00 : f32
    %logistic3A_19 = vector.broadcast %logistic3A_18 : f32 to vector<32x512xf32>
    %logistic3A_20 = arith.addf %logistic3A_19, %logistic3A_17 : vector<32x512xf32>
    %logistic3A_21 = arith.divf %logistic3A_19, %logistic3A_20 : vector<32x512xf32>
    %mul3A = arith.mulf %dot_general3A_9, %logistic3A_21 : vector<32x512xf32>
    %mul3A_22 = arith.mulf %mul3A, %dot_general3A_16 : vector<32x512xf32>
    %convert_element_type3A_23 = arith.truncf %mul3A_22 : vector<32x512xf32> to vector<32x512xbf16>
    %get3A_24 = arith.constant 0 : index
    %get3A_25 = arith.constant 0 : index
    %get3A_26 = vector.load %arg5[%get3A_24, %get3A_25] : memref<32x1024xf32, #tpu.memory_space<vmem>>, vector<32x1024xf32>
    %get3A_27 = arith.constant 0 : index
    %get3A_28 = arith.constant 0 : index
    %get3A_29 = vector.load %arg4[%get3A_27, %get3A_28] : memref<1024x512xf32, #tpu.memory_space<vmem>>, vector<1024x512xf32>
    %convert_element_type3A_30 = arith.truncf %get3A_29 : vector<1024x512xf32> to vector<1024x512xbf16>
    %dot_general3A_31 = arith.constant dense<0.000000e+00> : vector<32x1024xf32>
    %dot_general3A_32 = tpu.matmul %convert_element_type3A_23, %convert_element_type3A_30, %dot_general3A_31 {dimension_numbers = #tpu.dot_dimension_numbers<[1], [1], [0], [0], [0, 0, 1, 0], [], []>, transpose_lhs_hint = false} : vector<32x512xbf16>, vector<1024x512xbf16>, vector<32x1024xf32> -> vector<32x1024xf32>
    %add3A = arith.addf %get3A_26, %dot_general3A_32 : vector<32x1024xf32>
    %swap3A = arith.constant 0 : index
    %swap3A_33 = arith.constant 0 : index
    %swap3A_34 = vector.load %arg5[%swap3A, %swap3A_33] : memref<32x1024xf32, #tpu.memory_space<vmem>>, vector<32x1024xf32>
    tpu.vector_store %arg5[%swap3A, %swap3A_33], %add3A {strides = array<i32>} : memref<32x1024xf32, #tpu.memory_space<vmem>>, vector<32x1024xf32>,
    return
  }
  func.func @transform_0(%arg0: i32) -> (i32, i32) {
    %c0_i32 = arith.constant 0 : i32
    %c0_i32_0 = arith.constant 0 : i32
    %c0_i32_1 = arith.constant 0 : i32
    return %c0_i32, %c0_i32_0 : i32, i32
  }
  func.func @transform_1(%arg0: i32) -> (i32, i32) {
    %c0_i32 = arith.constant 0 : i32
    %c0_i32_0 = arith.constant 0 : i32
    return %arg0, %c0_i32 : i32, i32
  }
  func.func @transform_2(%arg0: i32) -> (i32, i32) {
    %c0_i32 = arith.constant 0 : i32
    %c0_i32_0 = arith.constant 0 : i32
    return %arg0, %c0_i32 : i32, i32
  }
  func.func @transform_3(%arg0: i32) -> (i32, i32) {
    %c0_i32 = arith.constant 0 : i32
    %c0_i32_0 = arith.constant 0 : i32
    return %c0_i32, %arg0 : i32, i32
  }
  func.func @transform_4(%arg0: i32) -> (i32, i32) {
    %c0_i32 = arith.constant 0 : i32
    %c0_i32_0 = arith.constant 0 : i32
    %c0_i32_1 = arith.constant 0 : i32
    return %c0_i32, %c0_i32_0 : i32, i32
  }
}

module attributes {stable_mosaic.version = 14 : i64} {
  func.func @_expert_body(%arg0: memref<32x1024xf32, #tpu.memory_space<vmem>>, %arg1: memref<32x64xf32, #tpu.memory_space<vmem>>, %arg2: memref<32x1024xf32, #tpu.memory_space<vmem>>, %arg3: memref<64x512x1024xf32, #tpu.memory_space<any>>, %arg4: memref<64x512x1024xf32, #tpu.memory_space<any>>, %arg5: memref<64x512x1024xf32, #tpu.memory_space<any>>, %arg6: memref<32x1024xf32, #tpu.memory_space<vmem>>, %arg7: memref<32x1024xbf16, #tpu.memory_space<vmem>>, %arg8: memref<1x128xi32, #tpu.memory_space<vmem>>, %arg9: memref<1x128xi32, #tpu.memory_space<smem>>, %arg10: memref<4x512x1024xf32, #tpu.memory_space<vmem>>, %arg11: memref<4x512x1024xf32, #tpu.memory_space<vmem>>, %arg12: memref<4x512x1024xf32, #tpu.memory_space<vmem>>, %arg13: memref<4x3x!tpu.dma_semaphore, #tpu.memory_space<semaphore_mem>>, %arg14: memref<!tpu.dma_semaphore, #tpu.memory_space<semaphore_mem>>) attributes {dimension_semantics = [], scalar_prefetch = 0 : i64, scratch_operands = 8 : i64, tpu.core_type = #tpu.core_type<tc>} {
    %get3A = arith.constant 0 : index
    %get3A_0 = arith.constant 0 : index
    %get3A_1 = vector.load %arg1[%get3A, %get3A_0] : memref<32x64xf32, #tpu.memory_space<vmem>>, vector<32x64xf32>
    %get3A_2 = arith.constant 0 : index
    %get3A_3 = arith.constant 0 : index
    %get3A_4 = vector.load %arg2[%get3A_2, %get3A_3] : memref<32x1024xf32, #tpu.memory_space<vmem>>, vector<32x1024xf32>
    %swap3A = arith.constant 0 : index
    %swap3A_5 = arith.constant 0 : index
    %swap3A_6 = vector.load %arg6[%swap3A, %swap3A_5] : memref<32x1024xf32, #tpu.memory_space<vmem>>, vector<32x1024xf32>
    tpu.vector_store %arg6[%swap3A, %swap3A_5], %get3A_4 {strides = array<i32>} : memref<32x1024xf32, #tpu.memory_space<vmem>>, vector<32x1024xf32>,
    %get3A_7 = arith.constant 0 : index
    %get3A_8 = arith.constant 0 : index
    %get3A_9 = vector.load %arg0[%get3A_7, %get3A_8] : memref<32x1024xf32, #tpu.memory_space<vmem>>, vector<32x1024xf32>
    %convert_element_type3A = arith.truncf %get3A_9 : vector<32x1024xf32> to vector<32x1024xbf16>
    %swap3A_10 = arith.constant 0 : index
    %swap3A_11 = arith.constant 0 : index
    %swap3A_12 = vector.load %arg7[%swap3A_10, %swap3A_11] : memref<32x1024xbf16, #tpu.memory_space<vmem>>, vector<32x1024xbf16>
    tpu.vector_store %arg7[%swap3A_10, %swap3A_11], %convert_element_type3A {strides = array<i32>} : memref<32x1024xbf16, #tpu.memory_space<vmem>>, vector<32x1024xbf16>,
    %reduce_max3A = arith.constant dense<0xFF800000> : vector<64xf32>
    %reduce_max3A_13 = vector.multi_reduction <maximumf>, %get3A_1, %reduce_max3A [0] : vector<32x64xf32> to vector<64xf32>
    %broadcast_in_dim3A = vector.shape_cast %reduce_max3A_13 : vector<64xf32> to vector<1x64xf32>
    %gt3A = arith.constant 0.000000e+00 : f32
    %gt3A_14 = vector.broadcast %gt3A : f32 to vector<1x64xf32>
    %gt3A_15 = arith.cmpf ogt, %broadcast_in_dim3A, %gt3A_14 : vector<1x64xf32>
    %convert_element_type3A_16 = arith.extui %gt3A_15 : vector<1x64xi1> to vector<1x64xi32>
    %convert_element_type3A_17 = arith.sitofp %convert_element_type3A_16 : vector<1x64xi32> to vector<1x64xf32>
    %iota3A = tpu.iota {dimensions = array<i32: 0>} : vector<64x64xi32>
    %iota3A_18 = tpu.iota {dimensions = array<i32: 1>} : vector<64x64xi32>
    %eq3A = arith.cmpi eq, %iota3A, %iota3A_18 : vector<64x64xi32>
    %convert_element_type3A_19 = arith.extui %eq3A : vector<64x64xi1> to vector<64x64xi32>
    %convert_element_type3A_20 = arith.sitofp %convert_element_type3A_19 : vector<64x64xi32> to vector<64x64xf32>
    %dot_general3A = arith.constant dense<0.000000e+00> : vector<64x1xf32>
    %dot_general3A_21 = tpu.matmul %convert_element_type3A_20, %convert_element_type3A_17, %dot_general3A {dimension_numbers = #tpu.dot_dimension_numbers<[1], [1], [0], [0], [0, 0, 1, 0], [], []>, transpose_lhs_hint = false} : vector<64x64xf32>, vector<1x64xf32>, vector<64x1xf32> -> vector<64x1xf32>
    %ge3A = arith.cmpi sge, %iota3A, %iota3A_18 : vector<64x64xi32>
    %convert_element_type3A_22 = arith.extui %ge3A : vector<64x64xi1> to vector<64x64xi32>
    %convert_element_type3A_23 = arith.sitofp %convert_element_type3A_22 : vector<64x64xi32> to vector<64x64xf32>
    %dot_general3A_24 = arith.constant dense<0.000000e+00> : vector<64x1xf32>
    %dot_general3A_25 = tpu.matmul %convert_element_type3A_23, %dot_general3A_21, %dot_general3A_24 {dimension_numbers = #tpu.dot_dimension_numbers<[1], [0], [0], [1], [0, 0, 1, 1], [], []>, transpose_lhs_hint = false} : vector<64x64xf32>, vector<64x1xf32>, vector<64x1xf32> -> vector<64x1xf32>
    %reduce_max3A_26 = vector.shape_cast %dot_general3A_25 : vector<64x1xf32> to vector<1x64x1xf32>
    %reduce_max3A_27 = arith.constant dense<0xFF800000> : vector<1xf32>
    %reduce_max3A_28 = vector.multi_reduction <maximumf>, %reduce_max3A_26, %reduce_max3A_27 [1, 2] : vector<1x64x1xf32> to vector<1xf32>
    %reduce_max3A_29 = vector.shape_cast %reduce_max3A_28 : vector<1xf32> to vector<1x1x1xf32>
    %reduce_max3A_30 = vector.extract %reduce_max3A_29[0, 0, 0] : f32 from vector<1x1x1xf32>
    %iota3A_31 = tpu.iota {dimensions = array<i32: 0>} : vector<64x128xi32>
    %iota3A_32 = tpu.iota {dimensions = array<i32: 1>} : vector<64x128xi32>
    %sub3A = arith.constant 1.000000e+00 : f32
    %sub3A_33 = vector.broadcast %sub3A : f32 to vector<64x1xf32>
    %sub3A_34 = arith.subf %dot_general3A_25, %sub3A_33 : vector<64x1xf32>
    %convert_element_type3A_35 = arith.sitofp %iota3A_32 : vector<64x128xi32> to vector<64x128xf32>
    %eq3A_36 = vector.broadcast %sub3A_34 : vector<64x1xf32> to vector<64x128xf32>
    %eq3A_37 = arith.cmpf oeq, %eq3A_36, %convert_element_type3A_35 : vector<64x128xf32>
    %convert_element_type3A_38 = arith.sitofp %iota3A_31 : vector<64x128xi32> to vector<64x128xf32>
    %mul3A = vector.broadcast %dot_general3A_21 : vector<64x1xf32> to vector<64x128xf32>
    %mul3A_39 = arith.mulf %convert_element_type3A_38, %mul3A : vector<64x128xf32>
    %convert_element_type3A_40 = arith.extui %eq3A_37 : vector<64x128xi1> to vector<64x128xi32>
    %convert_element_type3A_41 = arith.sitofp %convert_element_type3A_40 : vector<64x128xi32> to vector<64x128xf32>
    %mul3A_42 = arith.mulf %mul3A_39, %convert_element_type3A_41 : vector<64x128xf32>
    %reduce_sum3A = arith.constant dense<0.000000e+00> : vector<128xf32>
    %reduce_sum3A_43 = vector.multi_reduction <add>, %mul3A_42, %reduce_sum3A [0] : vector<64x128xf32> to vector<128xf32>
    %broadcast_in_dim3A_44 = vector.shape_cast %reduce_sum3A_43 : vector<128xf32> to vector<1x128xf32>
    %iota3A_45 = tpu.iota {dimensions = array<i32: 0>} : vector<64x1xi32>
    %convert_element_type3A_46 = arith.sitofp %iota3A_45 : vector<64x1xi32> to vector<64x1xf32>
    %mul3A_47 = arith.mulf %convert_element_type3A_46, %dot_general3A_21 : vector<64x1xf32>
    %reduce_max3A_48 = vector.shape_cast %mul3A_47 : vector<64x1xf32> to vector<1x64x1xf32>
    %reduce_max3A_49 = arith.constant dense<0xFF800000> : vector<1xf32>
    %reduce_max3A_50 = vector.multi_reduction <maximumf>, %reduce_max3A_48, %reduce_max3A_49 [1, 2] : vector<1x64x1xf32> to vector<1xf32>
    %reduce_max3A_51 = vector.shape_cast %reduce_max3A_50 : vector<1xf32> to vector<1x1x1xf32>
    %reduce_max3A_52 = vector.extract %reduce_max3A_51[0, 0, 0] : f32 from vector<1x1x1xf32>
    %iota3A_53 = tpu.iota {dimensions = array<i32: 1>} : vector<1x128xi32>
    %convert_element_type3A_54 = arith.sitofp %iota3A_53 : vector<1x128xi32> to vector<1x128xf32>
    %lt3A = vector.broadcast %reduce_max3A_30 : f32 to vector<1x128xf32>
    %lt3A_55 = arith.cmpf olt, %convert_element_type3A_54, %lt3A : vector<1x128xf32>
    %broadcast_in_dim3A_56 = vector.broadcast %reduce_max3A_52 : f32 to vector<1x128xf32>
    %select_n3A = arith.select %lt3A_55, %broadcast_in_dim3A_44, %broadcast_in_dim3A_56 : vector<1x128xi1>, vector<1x128xf32>
    %eq3A_57 = arith.constant 64 : i32
    %eq3A_58 = vector.broadcast %eq3A_57 : i32 to vector<1x128xi32>
    %eq3A_59 = arith.cmpi eq, %iota3A_53, %eq3A_58 : vector<1x128xi32>
    %broadcast_in_dim3A_60 = vector.broadcast %reduce_max3A_30 : f32 to vector<1x128xf32>
    %select_n3A_61 = arith.select %eq3A_59, %broadcast_in_dim3A_60, %select_n3A : vector<1x128xi1>, vector<1x128xf32>
    %convert_element_type3A_62 = arith.fptosi %select_n3A_61 : vector<1x128xf32> to vector<1x128xi32>
    %swap3A_63 = arith.constant 0 : index
    %swap3A_64 = arith.constant 0 : index
    %swap3A_65 = vector.load %arg8[%swap3A_63, %swap3A_64] : memref<1x128xi32, #tpu.memory_space<vmem>>, vector<1x128xi32>
    tpu.vector_store %arg8[%swap3A_63, %swap3A_64], %convert_element_type3A_62 {strides = array<i32>} : memref<1x128xi32, #tpu.memory_space<vmem>>, vector<1x128xi32>,
    tpu.enqueue_dma source(%arg8 : memref<1x128xi32, #tpu.memory_space<vmem>>) target(%arg9 : memref<1x128xi32, #tpu.memory_space<smem>>) target_semaphore(%arg14 : memref<!tpu.dma_semaphore, #tpu.memory_space<semaphore_mem>>)
    tpu.wait_dma2 semaphore(%arg14 : memref<!tpu.dma_semaphore, #tpu.memory_space<semaphore_mem>>) src(%arg8 : memref<1x128xi32, #tpu.memory_space<vmem>>) dst(%arg9 : memref<1x128xi32, #tpu.memory_space<smem>>)
    %get3A_66 = arith.constant 0 : index
    %get3A_67 = arith.constant 0 : index
    %get3A_68 = memref.load %arg9[%get3A_66, %get3A_67] : memref<1x128xi32, #tpu.memory_space<smem>>
    %dma_start3A = arith.constant 0 : i32
    %dma_start3A_69 = arith.constant 0 : i32
    %dma_start3A_70 = arith.constant 0 : i32
    %dma_start3A_71 = tpu.memref_slice %arg13[%dma_start3A_69, %dma_start3A_70] : memref<4x3x!tpu.dma_semaphore, #tpu.memory_space<semaphore_mem>> -> memref<1x1x!tpu.dma_semaphore, #tpu.memory_space<semaphore_mem>>
    %dma_start3A_72 = tpu.memref_squeeze %dma_start3A_71 : memref<1x1x!tpu.dma_semaphore, #tpu.memory_space<semaphore_mem>> -> memref<!tpu.dma_semaphore, #tpu.memory_space<semaphore_mem>>
    %dma_start3A_73 = arith.constant 0 : i32
    %dma_start3A_74 = arith.constant 0 : i32
    %dma_start3A_75 = tpu.memref_slice %arg10[%dma_start3A, %dma_start3A_73, %dma_start3A_74] : memref<4x512x1024xf32, #tpu.memory_space<vmem>> -> memref<1x512x1024xf32, #tpu.memory_space<vmem>>
    %dma_start3A_76 = tpu.memref_squeeze %dma_start3A_75 : memref<1x512x1024xf32, #tpu.memory_space<vmem>> -> memref<512x1024xf32, #tpu.memory_space<vmem>>
    %dma_start3A_77 = arith.constant 0 : i32
    %dma_start3A_78 = arith.constant 0 : i32
    %dma_start3A_79 = tpu.memref_slice %arg3[%get3A_68, %dma_start3A_77, %dma_start3A_78] : memref<64x512x1024xf32, #tpu.memory_space<any>> -> memref<1x512x1024xf32, #tpu.memory_space<any>>
    %dma_start3A_80 = tpu.memref_squeeze %dma_start3A_79 : memref<1x512x1024xf32, #tpu.memory_space<any>> -> memref<512x1024xf32, #tpu.memory_space<any>>
    tpu.enqueue_dma source(%dma_start3A_80 : memref<512x1024xf32, #tpu.memory_space<any>>) target(%dma_start3A_76 : memref<512x1024xf32, #tpu.memory_space<vmem>>) target_semaphore(%dma_start3A_72 : memref<!tpu.dma_semaphore, #tpu.memory_space<semaphore_mem>>)
    %dma_start3A_81 = arith.constant 0 : i32
    %dma_start3A_82 = arith.constant 0 : i32
    %dma_start3A_83 = arith.constant 1 : i32
    %dma_start3A_84 = tpu.memref_slice %arg13[%dma_start3A_82, %dma_start3A_83] : memref<4x3x!tpu.dma_semaphore, #tpu.memory_space<semaphore_mem>> -> memref<1x1x!tpu.dma_semaphore, #tpu.memory_space<semaphore_mem>>
    %dma_start3A_85 = tpu.memref_squeeze %dma_start3A_84 : memref<1x1x!tpu.dma_semaphore, #tpu.memory_space<semaphore_mem>> -> memref<!tpu.dma_semaphore, #tpu.memory_space<semaphore_mem>>
    %dma_start3A_86 = arith.constant 0 : i32
    %dma_start3A_87 = arith.constant 0 : i32
    %dma_start3A_88 = tpu.memref_slice %arg11[%dma_start3A_81, %dma_start3A_86, %dma_start3A_87] : memref<4x512x1024xf32, #tpu.memory_space<vmem>> -> memref<1x512x1024xf32, #tpu.memory_space<vmem>>
    %dma_start3A_89 = tpu.memref_squeeze %dma_start3A_88 : memref<1x512x1024xf32, #tpu.memory_space<vmem>> -> memref<512x1024xf32, #tpu.memory_space<vmem>>
    %dma_start3A_90 = arith.constant 0 : i32
    %dma_start3A_91 = arith.constant 0 : i32
    %dma_start3A_92 = tpu.memref_slice %arg4[%get3A_68, %dma_start3A_90, %dma_start3A_91] : memref<64x512x1024xf32, #tpu.memory_space<any>> -> memref<1x512x1024xf32, #tpu.memory_space<any>>
    %dma_start3A_93 = tpu.memref_squeeze %dma_start3A_92 : memref<1x512x1024xf32, #tpu.memory_space<any>> -> memref<512x1024xf32, #tpu.memory_space<any>>
    tpu.enqueue_dma source(%dma_start3A_93 : memref<512x1024xf32, #tpu.memory_space<any>>) target(%dma_start3A_89 : memref<512x1024xf32, #tpu.memory_space<vmem>>) target_semaphore(%dma_start3A_85 : memref<!tpu.dma_semaphore, #tpu.memory_space<semaphore_mem>>)
    %dma_start3A_94 = arith.constant 0 : i32
    %dma_start3A_95 = arith.constant 0 : i32
    %dma_start3A_96 = arith.constant 2 : i32
    %dma_start3A_97 = tpu.memref_slice %arg13[%dma_start3A_95, %dma_start3A_96] : memref<4x3x!tpu.dma_semaphore, #tpu.memory_space<semaphore_mem>> -> memref<1x1x!tpu.dma_semaphore, #tpu.memory_space<semaphore_mem>>
    %dma_start3A_98 = tpu.memref_squeeze %dma_start3A_97 : memref<1x1x!tpu.dma_semaphore, #tpu.memory_space<semaphore_mem>> -> memref<!tpu.dma_semaphore, #tpu.memory_space<semaphore_mem>>
    %dma_start3A_99 = arith.constant 0 : i32
    %dma_start3A_100 = arith.constant 0 : i32
    %dma_start3A_101 = tpu.memref_slice %arg12[%dma_start3A_94, %dma_start3A_99, %dma_start3A_100] : memref<4x512x1024xf32, #tpu.memory_space<vmem>> -> memref<1x512x1024xf32, #tpu.memory_space<vmem>>
    %dma_start3A_102 = tpu.memref_squeeze %dma_start3A_101 : memref<1x512x1024xf32, #tpu.memory_space<vmem>> -> memref<512x1024xf32, #tpu.memory_space<vmem>>
    %dma_start3A_103 = arith.constant 0 : i32
    %dma_start3A_104 = arith.constant 0 : i32
    %dma_start3A_105 = tpu.memref_slice %arg5[%get3A_68, %dma_start3A_103, %dma_start3A_104] : memref<64x512x1024xf32, #tpu.memory_space<any>> -> memref<1x512x1024xf32, #tpu.memory_space<any>>
    %dma_start3A_106 = tpu.memref_squeeze %dma_start3A_105 : memref<1x512x1024xf32, #tpu.memory_space<any>> -> memref<512x1024xf32, #tpu.memory_space<any>>
    tpu.enqueue_dma source(%dma_start3A_106 : memref<512x1024xf32, #tpu.memory_space<any>>) target(%dma_start3A_102 : memref<512x1024xf32, #tpu.memory_space<vmem>>) target_semaphore(%dma_start3A_98 : memref<!tpu.dma_semaphore, #tpu.memory_space<semaphore_mem>>)
    %get3A_107 = arith.constant 0 : index
    %get3A_108 = arith.constant 1 : index
    %get3A_109 = memref.load %arg9[%get3A_107, %get3A_108] : memref<1x128xi32, #tpu.memory_space<smem>>
    %dma_start3A_110 = arith.constant 1 : i32
    %dma_start3A_111 = arith.constant 1 : i32
    %dma_start3A_112 = arith.constant 0 : i32
    %dma_start3A_113 = tpu.memref_slice %arg13[%dma_start3A_111, %dma_start3A_112] : memref<4x3x!tpu.dma_semaphore, #tpu.memory_space<semaphore_mem>> -> memref<1x1x!tpu.dma_semaphore, #tpu.memory_space<semaphore_mem>>
    %dma_start3A_114 = tpu.memref_squeeze %dma_start3A_113 : memref<1x1x!tpu.dma_semaphore, #tpu.memory_space<semaphore_mem>> -> memref<!tpu.dma_semaphore, #tpu.memory_space<semaphore_mem>>
    %dma_start3A_115 = arith.constant 0 : i32
    %dma_start3A_116 = arith.constant 0 : i32
    %dma_start3A_117 = tpu.memref_slice %arg10[%dma_start3A_110, %dma_start3A_115, %dma_start3A_116] : memref<4x512x1024xf32, #tpu.memory_space<vmem>> -> memref<1x512x1024xf32, #tpu.memory_space<vmem>>
    %dma_start3A_118 = tpu.memref_squeeze %dma_start3A_117 : memref<1x512x1024xf32, #tpu.memory_space<vmem>> -> memref<512x1024xf32, #tpu.memory_space<vmem>>
    %dma_start3A_119 = arith.constant 0 : i32
    %dma_start3A_120 = arith.constant 0 : i32
    %dma_start3A_121 = tpu.memref_slice %arg3[%get3A_109, %dma_start3A_119, %dma_start3A_120] : memref<64x512x1024xf32, #tpu.memory_space<any>> -> memref<1x512x1024xf32, #tpu.memory_space<any>>
    %dma_start3A_122 = tpu.memref_squeeze %dma_start3A_121 : memref<1x512x1024xf32, #tpu.memory_space<any>> -> memref<512x1024xf32, #tpu.memory_space<any>>
    tpu.enqueue_dma source(%dma_start3A_122 : memref<512x1024xf32, #tpu.memory_space<any>>) target(%dma_start3A_118 : memref<512x1024xf32, #tpu.memory_space<vmem>>) target_semaphore(%dma_start3A_114 : memref<!tpu.dma_semaphore, #tpu.memory_space<semaphore_mem>>)
    %dma_start3A_123 = arith.constant 1 : i32
    %dma_start3A_124 = arith.constant 1 : i32
    %dma_start3A_125 = arith.constant 1 : i32
    %dma_start3A_126 = tpu.memref_slice %arg13[%dma_start3A_124, %dma_start3A_125] : memref<4x3x!tpu.dma_semaphore, #tpu.memory_space<semaphore_mem>> -> memref<1x1x!tpu.dma_semaphore, #tpu.memory_space<semaphore_mem>>
    %dma_start3A_127 = tpu.memref_squeeze %dma_start3A_126 : memref<1x1x!tpu.dma_semaphore, #tpu.memory_space<semaphore_mem>> -> memref<!tpu.dma_semaphore, #tpu.memory_space<semaphore_mem>>
    %dma_start3A_128 = arith.constant 0 : i32
    %dma_start3A_129 = arith.constant 0 : i32
    %dma_start3A_130 = tpu.memref_slice %arg11[%dma_start3A_123, %dma_start3A_128, %dma_start3A_129] : memref<4x512x1024xf32, #tpu.memory_space<vmem>> -> memref<1x512x1024xf32, #tpu.memory_space<vmem>>
    %dma_start3A_131 = tpu.memref_squeeze %dma_start3A_130 : memref<1x512x1024xf32, #tpu.memory_space<vmem>> -> memref<512x1024xf32, #tpu.memory_space<vmem>>
    %dma_start3A_132 = arith.constant 0 : i32
    %dma_start3A_133 = arith.constant 0 : i32
    %dma_start3A_134 = tpu.memref_slice %arg4[%get3A_109, %dma_start3A_132, %dma_start3A_133] : memref<64x512x1024xf32, #tpu.memory_space<any>> -> memref<1x512x1024xf32, #tpu.memory_space<any>>
    %dma_start3A_135 = tpu.memref_squeeze %dma_start3A_134 : memref<1x512x1024xf32, #tpu.memory_space<any>> -> memref<512x1024xf32, #tpu.memory_space<any>>
    tpu.enqueue_dma source(%dma_start3A_135 : memref<512x1024xf32, #tpu.memory_space<any>>) target(%dma_start3A_131 : memref<512x1024xf32, #tpu.memory_space<vmem>>) target_semaphore(%dma_start3A_127 : memref<!tpu.dma_semaphore, #tpu.memory_space<semaphore_mem>>)
    %dma_start3A_136 = arith.constant 1 : i32
    %dma_start3A_137 = arith.constant 1 : i32
    %dma_start3A_138 = arith.constant 2 : i32
    %dma_start3A_139 = tpu.memref_slice %arg13[%dma_start3A_137, %dma_start3A_138] : memref<4x3x!tpu.dma_semaphore, #tpu.memory_space<semaphore_mem>> -> memref<1x1x!tpu.dma_semaphore, #tpu.memory_space<semaphore_mem>>
    %dma_start3A_140 = tpu.memref_squeeze %dma_start3A_139 : memref<1x1x!tpu.dma_semaphore, #tpu.memory_space<semaphore_mem>> -> memref<!tpu.dma_semaphore, #tpu.memory_space<semaphore_mem>>
    %dma_start3A_141 = arith.constant 0 : i32
    %dma_start3A_142 = arith.constant 0 : i32
    %dma_start3A_143 = tpu.memref_slice %arg12[%dma_start3A_136, %dma_start3A_141, %dma_start3A_142] : memref<4x512x1024xf32, #tpu.memory_space<vmem>> -> memref<1x512x1024xf32, #tpu.memory_space<vmem>>
    %dma_start3A_144 = tpu.memref_squeeze %dma_start3A_143 : memref<1x512x1024xf32, #tpu.memory_space<vmem>> -> memref<512x1024xf32, #tpu.memory_space<vmem>>
    %dma_start3A_145 = arith.constant 0 : i32
    %dma_start3A_146 = arith.constant 0 : i32
    %dma_start3A_147 = tpu.memref_slice %arg5[%get3A_109, %dma_start3A_145, %dma_start3A_146] : memref<64x512x1024xf32, #tpu.memory_space<any>> -> memref<1x512x1024xf32, #tpu.memory_space<any>>
    %dma_start3A_148 = tpu.memref_squeeze %dma_start3A_147 : memref<1x512x1024xf32, #tpu.memory_space<any>> -> memref<512x1024xf32, #tpu.memory_space<any>>
    tpu.enqueue_dma source(%dma_start3A_148 : memref<512x1024xf32, #tpu.memory_space<any>>) target(%dma_start3A_144 : memref<512x1024xf32, #tpu.memory_space<vmem>>) target_semaphore(%dma_start3A_140 : memref<!tpu.dma_semaphore, #tpu.memory_space<semaphore_mem>>)
    %get3A_149 = arith.constant 0 : index
    %get3A_150 = arith.constant 64 : index
    %get3A_151 = memref.load %arg9[%get3A_149, %get3A_150] : memref<1x128xi32, #tpu.memory_space<smem>>
    %gt3A_152 = arith.constant 2 : i32
    %gt3A_153 = arith.cmpi sgt, %get3A_151, %gt3A_152 : i32
    %convert_element_type3A_154 = arith.extui %gt3A_153 : i1 to i32
    %cond3A = arith.constant 0 : i32
    %cond3A_155 = arith.cmpi ne, %convert_element_type3A_154, %cond3A : i32
    scf.if %cond3A_155 {
      %get3A_168 = arith.constant 0 : index
      %get3A_169 = arith.constant 2 : index
      %get3A_170 = memref.load %arg9[%get3A_168, %get3A_169] : memref<1x128xi32, #tpu.memory_space<smem>>
      %dma_start3A_171 = arith.constant 2 : i32
      %dma_start3A_172 = arith.constant 2 : i32
      %dma_start3A_173 = arith.constant 0 : i32
      %dma_start3A_174 = tpu.memref_slice %arg13[%dma_start3A_172, %dma_start3A_173] : memref<4x3x!tpu.dma_semaphore, #tpu.memory_space<semaphore_mem>> -> memref<1x1x!tpu.dma_semaphore, #tpu.memory_space<semaphore_mem>>
      %dma_start3A_175 = tpu.memref_squeeze %dma_start3A_174 : memref<1x1x!tpu.dma_semaphore, #tpu.memory_space<semaphore_mem>> -> memref<!tpu.dma_semaphore, #tpu.memory_space<semaphore_mem>>
      %dma_start3A_176 = arith.constant 0 : i32
      %dma_start3A_177 = arith.constant 0 : i32
      %dma_start3A_178 = tpu.memref_slice %arg10[%dma_start3A_171, %dma_start3A_176, %dma_start3A_177] : memref<4x512x1024xf32, #tpu.memory_space<vmem>> -> memref<1x512x1024xf32, #tpu.memory_space<vmem>>
      %dma_start3A_179 = tpu.memref_squeeze %dma_start3A_178 : memref<1x512x1024xf32, #tpu.memory_space<vmem>> -> memref<512x1024xf32, #tpu.memory_space<vmem>>
      %dma_start3A_180 = arith.constant 0 : i32
      %dma_start3A_181 = arith.constant 0 : i32
      %dma_start3A_182 = tpu.memref_slice %arg3[%get3A_170, %dma_start3A_180, %dma_start3A_181] : memref<64x512x1024xf32, #tpu.memory_space<any>> -> memref<1x512x1024xf32, #tpu.memory_space<any>>
      %dma_start3A_183 = tpu.memref_squeeze %dma_start3A_182 : memref<1x512x1024xf32, #tpu.memory_space<any>> -> memref<512x1024xf32, #tpu.memory_space<any>>
      tpu.enqueue_dma source(%dma_start3A_183 : memref<512x1024xf32, #tpu.memory_space<any>>) target(%dma_start3A_179 : memref<512x1024xf32, #tpu.memory_space<vmem>>) target_semaphore(%dma_start3A_175 : memref<!tpu.dma_semaphore, #tpu.memory_space<semaphore_mem>>)
      %dma_start3A_184 = arith.constant 2 : i32
      %dma_start3A_185 = arith.constant 2 : i32
      %dma_start3A_186 = arith.constant 1 : i32
      %dma_start3A_187 = tpu.memref_slice %arg13[%dma_start3A_185, %dma_start3A_186] : memref<4x3x!tpu.dma_semaphore, #tpu.memory_space<semaphore_mem>> -> memref<1x1x!tpu.dma_semaphore, #tpu.memory_space<semaphore_mem>>
      %dma_start3A_188 = tpu.memref_squeeze %dma_start3A_187 : memref<1x1x!tpu.dma_semaphore, #tpu.memory_space<semaphore_mem>> -> memref<!tpu.dma_semaphore, #tpu.memory_space<semaphore_mem>>
      %dma_start3A_189 = arith.constant 0 : i32
      %dma_start3A_190 = arith.constant 0 : i32
      %dma_start3A_191 = tpu.memref_slice %arg11[%dma_start3A_184, %dma_start3A_189, %dma_start3A_190] : memref<4x512x1024xf32, #tpu.memory_space<vmem>> -> memref<1x512x1024xf32, #tpu.memory_space<vmem>>
      %dma_start3A_192 = tpu.memref_squeeze %dma_start3A_191 : memref<1x512x1024xf32, #tpu.memory_space<vmem>> -> memref<512x1024xf32, #tpu.memory_space<vmem>>
      %dma_start3A_193 = arith.constant 0 : i32
      %dma_start3A_194 = arith.constant 0 : i32
      %dma_start3A_195 = tpu.memref_slice %arg4[%get3A_170, %dma_start3A_193, %dma_start3A_194] : memref<64x512x1024xf32, #tpu.memory_space<any>> -> memref<1x512x1024xf32, #tpu.memory_space<any>>
      %dma_start3A_196 = tpu.memref_squeeze %dma_start3A_195 : memref<1x512x1024xf32, #tpu.memory_space<any>> -> memref<512x1024xf32, #tpu.memory_space<any>>
      tpu.enqueue_dma source(%dma_start3A_196 : memref<512x1024xf32, #tpu.memory_space<any>>) target(%dma_start3A_192 : memref<512x1024xf32, #tpu.memory_space<vmem>>) target_semaphore(%dma_start3A_188 : memref<!tpu.dma_semaphore, #tpu.memory_space<semaphore_mem>>)
      %dma_start3A_197 = arith.constant 2 : i32
      %dma_start3A_198 = arith.constant 2 : i32
      %dma_start3A_199 = arith.constant 2 : i32
      %dma_start3A_200 = tpu.memref_slice %arg13[%dma_start3A_198, %dma_start3A_199] : memref<4x3x!tpu.dma_semaphore, #tpu.memory_space<semaphore_mem>> -> memref<1x1x!tpu.dma_semaphore, #tpu.memory_space<semaphore_mem>>
      %dma_start3A_201 = tpu.memref_squeeze %dma_start3A_200 : memref<1x1x!tpu.dma_semaphore, #tpu.memory_space<semaphore_mem>> -> memref<!tpu.dma_semaphore, #tpu.memory_space<semaphore_mem>>
      %dma_start3A_202 = arith.constant 0 : i32
      %dma_start3A_203 = arith.constant 0 : i32
      %dma_start3A_204 = tpu.memref_slice %arg12[%dma_start3A_197, %dma_start3A_202, %dma_start3A_203] : memref<4x512x1024xf32, #tpu.memory_space<vmem>> -> memref<1x512x1024xf32, #tpu.memory_space<vmem>>
      %dma_start3A_205 = tpu.memref_squeeze %dma_start3A_204 : memref<1x512x1024xf32, #tpu.memory_space<vmem>> -> memref<512x1024xf32, #tpu.memory_space<vmem>>
      %dma_start3A_206 = arith.constant 0 : i32
      %dma_start3A_207 = arith.constant 0 : i32
      %dma_start3A_208 = tpu.memref_slice %arg5[%get3A_170, %dma_start3A_206, %dma_start3A_207] : memref<64x512x1024xf32, #tpu.memory_space<any>> -> memref<1x512x1024xf32, #tpu.memory_space<any>>
      %dma_start3A_209 = tpu.memref_squeeze %dma_start3A_208 : memref<1x512x1024xf32, #tpu.memory_space<any>> -> memref<512x1024xf32, #tpu.memory_space<any>>
      tpu.enqueue_dma source(%dma_start3A_209 : memref<512x1024xf32, #tpu.memory_space<any>>) target(%dma_start3A_205 : memref<512x1024xf32, #tpu.memory_space<vmem>>) target_semaphore(%dma_start3A_201 : memref<!tpu.dma_semaphore, #tpu.memory_space<semaphore_mem>>)
    } else {
    }
    %get3A_156 = arith.constant 0 : index
    %get3A_157 = arith.constant 0 : index
    %get3A_158 = vector.load %arg7[%get3A_156, %get3A_157] : memref<32x1024xbf16, #tpu.memory_space<vmem>>, vector<32x1024xbf16>
    %while3A = arith.constant 0 : i32
    %while3A_159 = arith.constant 0 : i32
    %while3A_160 = arith.subi %get3A_151, %while3A_159 : i32
    %while3A_161 = arith.addi %while3A_159, %while3A_160 : i32
    %while3A_162 = arith.constant 1 : i32
    %while3A_163 = arith.divsi %while3A_160, %while3A_162 : i32
    %while3A_164 = arith.muli %while3A_163, %while3A_162 : i32
    %while3A_165 = arith.addi %while3A_159, %while3A_164 : i32
    %while3A_166 = arith.constant 1 : i32
    scf.for %while3A_168 = %while3A_159 to %while3A_165 step %while3A_166  : i32 {
      %rem3A = arith.constant 4 : i32
      %rem3A_169 = arith.remsi %while3A_168, %rem3A : i32
      %get3A_170 = arith.constant 0 : index
      %get3A_171 = arith.index_cast %while3A_168 : i32 to index
      %get3A_172 = memref.load %arg9[%get3A_170, %get3A_171] : memref<1x128xi32, #tpu.memory_space<smem>>
      %dma_wait3A = arith.constant 0 : i32
      %dma_wait3A_173 = tpu.memref_slice %arg13[%rem3A_169, %dma_wait3A] : memref<4x3x!tpu.dma_semaphore, #tpu.memory_space<semaphore_mem>> -> memref<1x1x!tpu.dma_semaphore, #tpu.memory_space<semaphore_mem>>
      %dma_wait3A_174 = tpu.memref_squeeze %dma_wait3A_173 : memref<1x1x!tpu.dma_semaphore, #tpu.memory_space<semaphore_mem>> -> memref<!tpu.dma_semaphore, #tpu.memory_space<semaphore_mem>>
      %dma_wait3A_175 = arith.constant 0 : i32
      %dma_wait3A_176 = arith.constant 0 : i32
      %dma_wait3A_177 = tpu.memref_slice %arg10[%rem3A_169, %dma_wait3A_175, %dma_wait3A_176] : memref<4x512x1024xf32, #tpu.memory_space<vmem>> -> memref<1x512x1024xf32, #tpu.memory_space<vmem>>
      %dma_wait3A_178 = tpu.memref_squeeze %dma_wait3A_177 : memref<1x512x1024xf32, #tpu.memory_space<vmem>> -> memref<512x1024xf32, #tpu.memory_space<vmem>>
      %dma_wait3A_179 = arith.constant 0 : i32
      %dma_wait3A_180 = arith.constant 0 : i32
      %dma_wait3A_181 = tpu.memref_slice %arg3[%get3A_172, %dma_wait3A_179, %dma_wait3A_180] : memref<64x512x1024xf32, #tpu.memory_space<any>> -> memref<1x512x1024xf32, #tpu.memory_space<any>>
      %dma_wait3A_182 = tpu.memref_squeeze %dma_wait3A_181 : memref<1x512x1024xf32, #tpu.memory_space<any>> -> memref<512x1024xf32, #tpu.memory_space<any>>
      tpu.wait_dma2 semaphore(%dma_wait3A_174 : memref<!tpu.dma_semaphore, #tpu.memory_space<semaphore_mem>>) src(%dma_wait3A_182 : memref<512x1024xf32, #tpu.memory_space<any>>) dst(%dma_wait3A_178 : memref<512x1024xf32, #tpu.memory_space<vmem>>)
      %add3A = arith.constant 3 : i32
      %add3A_183 = arith.addi %while3A_168, %add3A : i32
      %lt3A_184 = arith.cmpi slt, %add3A_183, %get3A_151 : i32
      %convert_element_type3A_185 = arith.extui %lt3A_184 : i1 to i32
      %cond3A_186 = arith.constant 0 : i32
      %cond3A_187 = arith.cmpi ne, %convert_element_type3A_185, %cond3A_186 : i32
      scf.if %cond3A_187 {
        %add3A_263 = arith.constant 3 : i32
        %add3A_264 = arith.addi %while3A_168, %add3A_263 : i32
        %add3A_265 = arith.constant 3 : i32
        %add3A_266 = arith.addi %while3A_168, %add3A_265 : i32
        %rem3A_267 = arith.constant 4 : i32
        %rem3A_268 = arith.remsi %add3A_266, %rem3A_267 : i32
        %get3A_269 = arith.constant 0 : index
        %get3A_270 = arith.index_cast %add3A_264 : i32 to index
        %get3A_271 = memref.load %arg9[%get3A_269, %get3A_270] : memref<1x128xi32, #tpu.memory_space<smem>>
        %dma_start3A_272 = arith.constant 0 : i32
        %dma_start3A_273 = tpu.memref_slice %arg13[%rem3A_268, %dma_start3A_272] : memref<4x3x!tpu.dma_semaphore, #tpu.memory_space<semaphore_mem>> -> memref<1x1x!tpu.dma_semaphore, #tpu.memory_space<semaphore_mem>>
        %dma_start3A_274 = tpu.memref_squeeze %dma_start3A_273 : memref<1x1x!tpu.dma_semaphore, #tpu.memory_space<semaphore_mem>> -> memref<!tpu.dma_semaphore, #tpu.memory_space<semaphore_mem>>
        %dma_start3A_275 = arith.constant 0 : i32
        %dma_start3A_276 = arith.constant 0 : i32
        %dma_start3A_277 = tpu.memref_slice %arg10[%rem3A_268, %dma_start3A_275, %dma_start3A_276] : memref<4x512x1024xf32, #tpu.memory_space<vmem>> -> memref<1x512x1024xf32, #tpu.memory_space<vmem>>
        %dma_start3A_278 = tpu.memref_squeeze %dma_start3A_277 : memref<1x512x1024xf32, #tpu.memory_space<vmem>> -> memref<512x1024xf32, #tpu.memory_space<vmem>>
        %dma_start3A_279 = arith.constant 0 : i32
        %dma_start3A_280 = arith.constant 0 : i32
        %dma_start3A_281 = tpu.memref_slice %arg3[%get3A_271, %dma_start3A_279, %dma_start3A_280] : memref<64x512x1024xf32, #tpu.memory_space<any>> -> memref<1x512x1024xf32, #tpu.memory_space<any>>
        %dma_start3A_282 = tpu.memref_squeeze %dma_start3A_281 : memref<1x512x1024xf32, #tpu.memory_space<any>> -> memref<512x1024xf32, #tpu.memory_space<any>>
        tpu.enqueue_dma source(%dma_start3A_282 : memref<512x1024xf32, #tpu.memory_space<any>>) target(%dma_start3A_278 : memref<512x1024xf32, #tpu.memory_space<vmem>>) target_semaphore(%dma_start3A_274 : memref<!tpu.dma_semaphore, #tpu.memory_space<semaphore_mem>>)
        %dma_start3A_283 = arith.constant 1 : i32
        %dma_start3A_284 = tpu.memref_slice %arg13[%rem3A_268, %dma_start3A_283] : memref<4x3x!tpu.dma_semaphore, #tpu.memory_space<semaphore_mem>> -> memref<1x1x!tpu.dma_semaphore, #tpu.memory_space<semaphore_mem>>
        %dma_start3A_285 = tpu.memref_squeeze %dma_start3A_284 : memref<1x1x!tpu.dma_semaphore, #tpu.memory_space<semaphore_mem>> -> memref<!tpu.dma_semaphore, #tpu.memory_space<semaphore_mem>>
        %dma_start3A_286 = arith.constant 0 : i32
        %dma_start3A_287 = arith.constant 0 : i32
        %dma_start3A_288 = tpu.memref_slice %arg11[%rem3A_268, %dma_start3A_286, %dma_start3A_287] : memref<4x512x1024xf32, #tpu.memory_space<vmem>> -> memref<1x512x1024xf32, #tpu.memory_space<vmem>>
        %dma_start3A_289 = tpu.memref_squeeze %dma_start3A_288 : memref<1x512x1024xf32, #tpu.memory_space<vmem>> -> memref<512x1024xf32, #tpu.memory_space<vmem>>
        %dma_start3A_290 = arith.constant 0 : i32
        %dma_start3A_291 = arith.constant 0 : i32
        %dma_start3A_292 = tpu.memref_slice %arg4[%get3A_271, %dma_start3A_290, %dma_start3A_291] : memref<64x512x1024xf32, #tpu.memory_space<any>> -> memref<1x512x1024xf32, #tpu.memory_space<any>>
        %dma_start3A_293 = tpu.memref_squeeze %dma_start3A_292 : memref<1x512x1024xf32, #tpu.memory_space<any>> -> memref<512x1024xf32, #tpu.memory_space<any>>
        tpu.enqueue_dma source(%dma_start3A_293 : memref<512x1024xf32, #tpu.memory_space<any>>) target(%dma_start3A_289 : memref<512x1024xf32, #tpu.memory_space<vmem>>) target_semaphore(%dma_start3A_285 : memref<!tpu.dma_semaphore, #tpu.memory_space<semaphore_mem>>)
        %dma_start3A_294 = arith.constant 2 : i32
        %dma_start3A_295 = tpu.memref_slice %arg13[%rem3A_268, %dma_start3A_294] : memref<4x3x!tpu.dma_semaphore, #tpu.memory_space<semaphore_mem>> -> memref<1x1x!tpu.dma_semaphore, #tpu.memory_space<semaphore_mem>>
        %dma_start3A_296 = tpu.memref_squeeze %dma_start3A_295 : memref<1x1x!tpu.dma_semaphore, #tpu.memory_space<semaphore_mem>> -> memref<!tpu.dma_semaphore, #tpu.memory_space<semaphore_mem>>
        %dma_start3A_297 = arith.constant 0 : i32
        %dma_start3A_298 = arith.constant 0 : i32
        %dma_start3A_299 = tpu.memref_slice %arg12[%rem3A_268, %dma_start3A_297, %dma_start3A_298] : memref<4x512x1024xf32, #tpu.memory_space<vmem>> -> memref<1x512x1024xf32, #tpu.memory_space<vmem>>
        %dma_start3A_300 = tpu.memref_squeeze %dma_start3A_299 : memref<1x512x1024xf32, #tpu.memory_space<vmem>> -> memref<512x1024xf32, #tpu.memory_space<vmem>>
        %dma_start3A_301 = arith.constant 0 : i32
        %dma_start3A_302 = arith.constant 0 : i32
        %dma_start3A_303 = tpu.memref_slice %arg5[%get3A_271, %dma_start3A_301, %dma_start3A_302] : memref<64x512x1024xf32, #tpu.memory_space<any>> -> memref<1x512x1024xf32, #tpu.memory_space<any>>
        %dma_start3A_304 = tpu.memref_squeeze %dma_start3A_303 : memref<1x512x1024xf32, #tpu.memory_space<any>> -> memref<512x1024xf32, #tpu.memory_space<any>>
        tpu.enqueue_dma source(%dma_start3A_304 : memref<512x1024xf32, #tpu.memory_space<any>>) target(%dma_start3A_300 : memref<512x1024xf32, #tpu.memory_space<vmem>>) target_semaphore(%dma_start3A_296 : memref<!tpu.dma_semaphore, #tpu.memory_space<semaphore_mem>>)
      } else {
      }
      %get3A_188 = arith.index_cast %rem3A_169 : i32 to index
      %get3A_189 = arith.constant 0 : index
      %get3A_190 = arith.constant 0 : index
      %get3A_191 = vector.load %arg10[%get3A_188, %get3A_189, %get3A_190] : memref<4x512x1024xf32, #tpu.memory_space<vmem>>, vector<1x512x1024xf32>
      %get3A_192 = vector.shape_cast %get3A_191 : vector<1x512x1024xf32> to vector<512x1024xf32>
      %convert_element_type3A_193 = arith.truncf %get3A_192 : vector<512x1024xf32> to vector<512x1024xbf16>
      %transpose3A = tpu.transpose %convert_element_type3A_193, [1, 0] : vector<512x1024xbf16> -> vector<1024x512xbf16>
      %dot_general3A_194 = arith.constant dense<0.000000e+00> : vector<32x512xf32>
      %dot_general3A_195 = tpu.matmul %get3A_158, %transpose3A, %dot_general3A_194 {dimension_numbers = #tpu.dot_dimension_numbers<[1], [0], [0], [1], [0, 0, 1, 1], [], []>, transpose_lhs_hint = false} : vector<32x1024xbf16>, vector<1024x512xbf16>, vector<32x512xf32> -> vector<32x512xf32>
      %dma_wait3A_196 = arith.constant 1 : i32
      %dma_wait3A_197 = tpu.memref_slice %arg13[%rem3A_169, %dma_wait3A_196] : memref<4x3x!tpu.dma_semaphore, #tpu.memory_space<semaphore_mem>> -> memref<1x1x!tpu.dma_semaphore, #tpu.memory_space<semaphore_mem>>
      %dma_wait3A_198 = tpu.memref_squeeze %dma_wait3A_197 : memref<1x1x!tpu.dma_semaphore, #tpu.memory_space<semaphore_mem>> -> memref<!tpu.dma_semaphore, #tpu.memory_space<semaphore_mem>>
      %dma_wait3A_199 = arith.constant 0 : i32
      %dma_wait3A_200 = arith.constant 0 : i32
      %dma_wait3A_201 = tpu.memref_slice %arg11[%rem3A_169, %dma_wait3A_199, %dma_wait3A_200] : memref<4x512x1024xf32, #tpu.memory_space<vmem>> -> memref<1x512x1024xf32, #tpu.memory_space<vmem>>
      %dma_wait3A_202 = tpu.memref_squeeze %dma_wait3A_201 : memref<1x512x1024xf32, #tpu.memory_space<vmem>> -> memref<512x1024xf32, #tpu.memory_space<vmem>>
      %dma_wait3A_203 = arith.constant 0 : i32
      %dma_wait3A_204 = arith.constant 0 : i32
      %dma_wait3A_205 = tpu.memref_slice %arg4[%get3A_172, %dma_wait3A_203, %dma_wait3A_204] : memref<64x512x1024xf32, #tpu.memory_space<any>> -> memref<1x512x1024xf32, #tpu.memory_space<any>>
      %dma_wait3A_206 = tpu.memref_squeeze %dma_wait3A_205 : memref<1x512x1024xf32, #tpu.memory_space<any>> -> memref<512x1024xf32, #tpu.memory_space<any>>
      tpu.wait_dma2 semaphore(%dma_wait3A_198 : memref<!tpu.dma_semaphore, #tpu.memory_space<semaphore_mem>>) src(%dma_wait3A_206 : memref<512x1024xf32, #tpu.memory_space<any>>) dst(%dma_wait3A_202 : memref<512x1024xf32, #tpu.memory_space<vmem>>)
      %get3A_207 = arith.index_cast %rem3A_169 : i32 to index
      %get3A_208 = arith.constant 0 : index
      %get3A_209 = arith.constant 0 : index
      %get3A_210 = vector.load %arg11[%get3A_207, %get3A_208, %get3A_209] : memref<4x512x1024xf32, #tpu.memory_space<vmem>>, vector<1x512x1024xf32>
      %get3A_211 = vector.shape_cast %get3A_210 : vector<1x512x1024xf32> to vector<512x1024xf32>
      %convert_element_type3A_212 = arith.truncf %get3A_211 : vector<512x1024xf32> to vector<512x1024xbf16>
      %transpose3A_213 = tpu.transpose %convert_element_type3A_212, [1, 0] : vector<512x1024xbf16> -> vector<1024x512xbf16>
      %dot_general3A_214 = arith.constant dense<0.000000e+00> : vector<32x512xf32>
      %dot_general3A_215 = tpu.matmul %get3A_158, %transpose3A_213, %dot_general3A_214 {dimension_numbers = #tpu.dot_dimension_numbers<[1], [0], [0], [1], [0, 0, 1, 1], [], []>, transpose_lhs_hint = false} : vector<32x1024xbf16>, vector<1024x512xbf16>, vector<32x512xf32> -> vector<32x512xf32>
      %dma_wait3A_216 = arith.constant 2 : i32
      %dma_wait3A_217 = tpu.memref_slice %arg13[%rem3A_169, %dma_wait3A_216] : memref<4x3x!tpu.dma_semaphore, #tpu.memory_space<semaphore_mem>> -> memref<1x1x!tpu.dma_semaphore, #tpu.memory_space<semaphore_mem>>
      %dma_wait3A_218 = tpu.memref_squeeze %dma_wait3A_217 : memref<1x1x!tpu.dma_semaphore, #tpu.memory_space<semaphore_mem>> -> memref<!tpu.dma_semaphore, #tpu.memory_space<semaphore_mem>>
      %dma_wait3A_219 = arith.constant 0 : i32
      %dma_wait3A_220 = arith.constant 0 : i32
      %dma_wait3A_221 = tpu.memref_slice %arg12[%rem3A_169, %dma_wait3A_219, %dma_wait3A_220] : memref<4x512x1024xf32, #tpu.memory_space<vmem>> -> memref<1x512x1024xf32, #tpu.memory_space<vmem>>
      %dma_wait3A_222 = tpu.memref_squeeze %dma_wait3A_221 : memref<1x512x1024xf32, #tpu.memory_space<vmem>> -> memref<512x1024xf32, #tpu.memory_space<vmem>>
      %dma_wait3A_223 = arith.constant 0 : i32
      %dma_wait3A_224 = arith.constant 0 : i32
      %dma_wait3A_225 = tpu.memref_slice %arg5[%get3A_172, %dma_wait3A_223, %dma_wait3A_224] : memref<64x512x1024xf32, #tpu.memory_space<any>> -> memref<1x512x1024xf32, #tpu.memory_space<any>>
      %dma_wait3A_226 = tpu.memref_squeeze %dma_wait3A_225 : memref<1x512x1024xf32, #tpu.memory_space<any>> -> memref<512x1024xf32, #tpu.memory_space<any>>
      tpu.wait_dma2 semaphore(%dma_wait3A_218 : memref<!tpu.dma_semaphore, #tpu.memory_space<semaphore_mem>>) src(%dma_wait3A_226 : memref<512x1024xf32, #tpu.memory_space<any>>) dst(%dma_wait3A_222 : memref<512x1024xf32, #tpu.memory_space<vmem>>)
      %logistic3A = arith.negf %dot_general3A_195 : vector<32x512xf32>
      %logistic3A_227 = math.exp %logistic3A : vector<32x512xf32>
      %logistic3A_228 = arith.constant 1.000000e+00 : f32
      %logistic3A_229 = vector.broadcast %logistic3A_228 : f32 to vector<32x512xf32>
      %logistic3A_230 = arith.addf %logistic3A_229, %logistic3A_227 : vector<32x512xf32>
      %logistic3A_231 = arith.divf %logistic3A_229, %logistic3A_230 : vector<32x512xf32>
      %mul3A_232 = arith.mulf %dot_general3A_195, %logistic3A_231 : vector<32x512xf32>
      %mul3A_233 = arith.mulf %mul3A_232, %dot_general3A_215 : vector<32x512xf32>
      %iota3A_234 = tpu.iota {dimensions = array<i32: 1>} : vector<32x64xi32>
      %eq3A_235 = vector.broadcast %get3A_172 : i32 to vector<32x64xi32>
      %eq3A_236 = arith.cmpi eq, %iota3A_234, %eq3A_235 : vector<32x64xi32>
      %get3A_237 = arith.constant 0 : index
      %get3A_238 = arith.constant 0 : index
      %get3A_239 = vector.load %arg1[%get3A_237, %get3A_238] : memref<32x64xf32, #tpu.memory_space<vmem>>, vector<32x64xf32>
      %jit3A = arith.constant 0.000000e+00 : f32
      %broadcast_in_dim3A_240 = vector.broadcast %jit3A : f32 to vector<32x64xf32>
      %select_n3A_241 = arith.select %eq3A_236, %get3A_239, %broadcast_in_dim3A_240 : vector<32x64xi1>, vector<32x64xf32>
      %reduce_sum3A_242 = arith.constant dense<0.000000e+00> : vector<32xf32>
      %reduce_sum3A_243 = vector.multi_reduction <add>, %select_n3A_241, %reduce_sum3A_242 [1] : vector<32x64xf32> to vector<32xf32>
      %broadcast_in_dim3A_244 = vector.shape_cast %reduce_sum3A_243 : vector<32xf32> to vector<32x1xf32>
      %get3A_245 = arith.constant 0 : index
      %get3A_246 = arith.constant 0 : index
      %get3A_247 = vector.load %arg6[%get3A_245, %get3A_246] : memref<32x1024xf32, #tpu.memory_space<vmem>>, vector<32x1024xf32>
      %mul3A_248 = vector.broadcast %broadcast_in_dim3A_244 : vector<32x1xf32> to vector<32x512xf32>
      %mul3A_249 = arith.mulf %mul3A_233, %mul3A_248 : vector<32x512xf32>
      %convert_element_type3A_250 = arith.truncf %mul3A_249 : vector<32x512xf32> to vector<32x512xbf16>
      %get3A_251 = arith.index_cast %rem3A_169 : i32 to index
      %get3A_252 = arith.constant 0 : index
      %get3A_253 = arith.constant 0 : index
      %get3A_254 = vector.load %arg12[%get3A_251, %get3A_252, %get3A_253] : memref<4x512x1024xf32, #tpu.memory_space<vmem>>, vector<1x512x1024xf32>
      %get3A_255 = vector.shape_cast %get3A_254 : vector<1x512x1024xf32> to vector<512x1024xf32>
      %convert_element_type3A_256 = arith.truncf %get3A_255 : vector<512x1024xf32> to vector<512x1024xbf16>
      %dot_general3A_257 = arith.constant dense<0.000000e+00> : vector<32x1024xf32>
      %dot_general3A_258 = tpu.matmul %convert_element_type3A_250, %convert_element_type3A_256, %dot_general3A_257 {dimension_numbers = #tpu.dot_dimension_numbers<[1], [0], [0], [1], [0, 0, 1, 1], [], []>, transpose_lhs_hint = false} : vector<32x512xbf16>, vector<512x1024xbf16>, vector<32x1024xf32> -> vector<32x1024xf32>
      %add3A_259 = arith.addf %get3A_247, %dot_general3A_258 : vector<32x1024xf32>
      %swap3A_260 = arith.constant 0 : index
      %swap3A_261 = arith.constant 0 : index
      %swap3A_262 = vector.load %arg6[%swap3A_260, %swap3A_261] : memref<32x1024xf32, #tpu.memory_space<vmem>>, vector<32x1024xf32>
      tpu.vector_store %arg6[%swap3A_260, %swap3A_261], %add3A_259 {strides = array<i32>} : memref<32x1024xf32, #tpu.memory_space<vmem>>, vector<32x1024xf32>,
    }
    %while3A_167 = arith.constant 1 : i32
    scf.for %while3A_168 = %while3A_165 to %while3A_161 step %while3A_167  : i32 {
      %rem3A = arith.constant 4 : i32
      %rem3A_169 = arith.remsi %while3A_168, %rem3A : i32
      %get3A_170 = arith.constant 0 : index
      %get3A_171 = arith.index_cast %while3A_168 : i32 to index
      %get3A_172 = memref.load %arg9[%get3A_170, %get3A_171] : memref<1x128xi32, #tpu.memory_space<smem>>
      %dma_wait3A = arith.constant 0 : i32
      %dma_wait3A_173 = tpu.memref_slice %arg13[%rem3A_169, %dma_wait3A] : memref<4x3x!tpu.dma_semaphore, #tpu.memory_space<semaphore_mem>> -> memref<1x1x!tpu.dma_semaphore, #tpu.memory_space<semaphore_mem>>
      %dma_wait3A_174 = tpu.memref_squeeze %dma_wait3A_173 : memref<1x1x!tpu.dma_semaphore, #tpu.memory_space<semaphore_mem>> -> memref<!tpu.dma_semaphore, #tpu.memory_space<semaphore_mem>>
      %dma_wait3A_175 = arith.constant 0 : i32
      %dma_wait3A_176 = arith.constant 0 : i32
      %dma_wait3A_177 = tpu.memref_slice %arg10[%rem3A_169, %dma_wait3A_175, %dma_wait3A_176] : memref<4x512x1024xf32, #tpu.memory_space<vmem>> -> memref<1x512x1024xf32, #tpu.memory_space<vmem>>
      %dma_wait3A_178 = tpu.memref_squeeze %dma_wait3A_177 : memref<1x512x1024xf32, #tpu.memory_space<vmem>> -> memref<512x1024xf32, #tpu.memory_space<vmem>>
      %dma_wait3A_179 = arith.constant 0 : i32
      %dma_wait3A_180 = arith.constant 0 : i32
      %dma_wait3A_181 = tpu.memref_slice %arg3[%get3A_172, %dma_wait3A_179, %dma_wait3A_180] : memref<64x512x1024xf32, #tpu.memory_space<any>> -> memref<1x512x1024xf32, #tpu.memory_space<any>>
      %dma_wait3A_182 = tpu.memref_squeeze %dma_wait3A_181 : memref<1x512x1024xf32, #tpu.memory_space<any>> -> memref<512x1024xf32, #tpu.memory_space<any>>
      tpu.wait_dma2 semaphore(%dma_wait3A_174 : memref<!tpu.dma_semaphore, #tpu.memory_space<semaphore_mem>>) src(%dma_wait3A_182 : memref<512x1024xf32, #tpu.memory_space<any>>) dst(%dma_wait3A_178 : memref<512x1024xf32, #tpu.memory_space<vmem>>)
      %add3A = arith.constant 3 : i32
      %add3A_183 = arith.addi %while3A_168, %add3A : i32
      %lt3A_184 = arith.cmpi slt, %add3A_183, %get3A_151 : i32
      %convert_element_type3A_185 = arith.extui %lt3A_184 : i1 to i32
      %cond3A_186 = arith.constant 0 : i32
      %cond3A_187 = arith.cmpi ne, %convert_element_type3A_185, %cond3A_186 : i32
      scf.if %cond3A_187 {
        %add3A_263 = arith.constant 3 : i32
        %add3A_264 = arith.addi %while3A_168, %add3A_263 : i32
        %add3A_265 = arith.constant 3 : i32
        %add3A_266 = arith.addi %while3A_168, %add3A_265 : i32
        %rem3A_267 = arith.constant 4 : i32
        %rem3A_268 = arith.remsi %add3A_266, %rem3A_267 : i32
        %get3A_269 = arith.constant 0 : index
        %get3A_270 = arith.index_cast %add3A_264 : i32 to index
        %get3A_271 = memref.load %arg9[%get3A_269, %get3A_270] : memref<1x128xi32, #tpu.memory_space<smem>>
        %dma_start3A_272 = arith.constant 0 : i32
        %dma_start3A_273 = tpu.memref_slice %arg13[%rem3A_268, %dma_start3A_272] : memref<4x3x!tpu.dma_semaphore, #tpu.memory_space<semaphore_mem>> -> memref<1x1x!tpu.dma_semaphore, #tpu.memory_space<semaphore_mem>>
        %dma_start3A_274 = tpu.memref_squeeze %dma_start3A_273 : memref<1x1x!tpu.dma_semaphore, #tpu.memory_space<semaphore_mem>> -> memref<!tpu.dma_semaphore, #tpu.memory_space<semaphore_mem>>
        %dma_start3A_275 = arith.constant 0 : i32
        %dma_start3A_276 = arith.constant 0 : i32
        %dma_start3A_277 = tpu.memref_slice %arg10[%rem3A_268, %dma_start3A_275, %dma_start3A_276] : memref<4x512x1024xf32, #tpu.memory_space<vmem>> -> memref<1x512x1024xf32, #tpu.memory_space<vmem>>
        %dma_start3A_278 = tpu.memref_squeeze %dma_start3A_277 : memref<1x512x1024xf32, #tpu.memory_space<vmem>> -> memref<512x1024xf32, #tpu.memory_space<vmem>>
        %dma_start3A_279 = arith.constant 0 : i32
        %dma_start3A_280 = arith.constant 0 : i32
        %dma_start3A_281 = tpu.memref_slice %arg3[%get3A_271, %dma_start3A_279, %dma_start3A_280] : memref<64x512x1024xf32, #tpu.memory_space<any>> -> memref<1x512x1024xf32, #tpu.memory_space<any>>
        %dma_start3A_282 = tpu.memref_squeeze %dma_start3A_281 : memref<1x512x1024xf32, #tpu.memory_space<any>> -> memref<512x1024xf32, #tpu.memory_space<any>>
        tpu.enqueue_dma source(%dma_start3A_282 : memref<512x1024xf32, #tpu.memory_space<any>>) target(%dma_start3A_278 : memref<512x1024xf32, #tpu.memory_space<vmem>>) target_semaphore(%dma_start3A_274 : memref<!tpu.dma_semaphore, #tpu.memory_space<semaphore_mem>>)
        %dma_start3A_283 = arith.constant 1 : i32
        %dma_start3A_284 = tpu.memref_slice %arg13[%rem3A_268, %dma_start3A_283] : memref<4x3x!tpu.dma_semaphore, #tpu.memory_space<semaphore_mem>> -> memref<1x1x!tpu.dma_semaphore, #tpu.memory_space<semaphore_mem>>
        %dma_start3A_285 = tpu.memref_squeeze %dma_start3A_284 : memref<1x1x!tpu.dma_semaphore, #tpu.memory_space<semaphore_mem>> -> memref<!tpu.dma_semaphore, #tpu.memory_space<semaphore_mem>>
        %dma_start3A_286 = arith.constant 0 : i32
        %dma_start3A_287 = arith.constant 0 : i32
        %dma_start3A_288 = tpu.memref_slice %arg11[%rem3A_268, %dma_start3A_286, %dma_start3A_287] : memref<4x512x1024xf32, #tpu.memory_space<vmem>> -> memref<1x512x1024xf32, #tpu.memory_space<vmem>>
        %dma_start3A_289 = tpu.memref_squeeze %dma_start3A_288 : memref<1x512x1024xf32, #tpu.memory_space<vmem>> -> memref<512x1024xf32, #tpu.memory_space<vmem>>
        %dma_start3A_290 = arith.constant 0 : i32
        %dma_start3A_291 = arith.constant 0 : i32
        %dma_start3A_292 = tpu.memref_slice %arg4[%get3A_271, %dma_start3A_290, %dma_start3A_291] : memref<64x512x1024xf32, #tpu.memory_space<any>> -> memref<1x512x1024xf32, #tpu.memory_space<any>>
        %dma_start3A_293 = tpu.memref_squeeze %dma_start3A_292 : memref<1x512x1024xf32, #tpu.memory_space<any>> -> memref<512x1024xf32, #tpu.memory_space<any>>
        tpu.enqueue_dma source(%dma_start3A_293 : memref<512x1024xf32, #tpu.memory_space<any>>) target(%dma_start3A_289 : memref<512x1024xf32, #tpu.memory_space<vmem>>) target_semaphore(%dma_start3A_285 : memref<!tpu.dma_semaphore, #tpu.memory_space<semaphore_mem>>)
        %dma_start3A_294 = arith.constant 2 : i32
        %dma_start3A_295 = tpu.memref_slice %arg13[%rem3A_268, %dma_start3A_294] : memref<4x3x!tpu.dma_semaphore, #tpu.memory_space<semaphore_mem>> -> memref<1x1x!tpu.dma_semaphore, #tpu.memory_space<semaphore_mem>>
        %dma_start3A_296 = tpu.memref_squeeze %dma_start3A_295 : memref<1x1x!tpu.dma_semaphore, #tpu.memory_space<semaphore_mem>> -> memref<!tpu.dma_semaphore, #tpu.memory_space<semaphore_mem>>
        %dma_start3A_297 = arith.constant 0 : i32
        %dma_start3A_298 = arith.constant 0 : i32
        %dma_start3A_299 = tpu.memref_slice %arg12[%rem3A_268, %dma_start3A_297, %dma_start3A_298] : memref<4x512x1024xf32, #tpu.memory_space<vmem>> -> memref<1x512x1024xf32, #tpu.memory_space<vmem>>
        %dma_start3A_300 = tpu.memref_squeeze %dma_start3A_299 : memref<1x512x1024xf32, #tpu.memory_space<vmem>> -> memref<512x1024xf32, #tpu.memory_space<vmem>>
        %dma_start3A_301 = arith.constant 0 : i32
        %dma_start3A_302 = arith.constant 0 : i32
        %dma_start3A_303 = tpu.memref_slice %arg5[%get3A_271, %dma_start3A_301, %dma_start3A_302] : memref<64x512x1024xf32, #tpu.memory_space<any>> -> memref<1x512x1024xf32, #tpu.memory_space<any>>
        %dma_start3A_304 = tpu.memref_squeeze %dma_start3A_303 : memref<1x512x1024xf32, #tpu.memory_space<any>> -> memref<512x1024xf32, #tpu.memory_space<any>>
        tpu.enqueue_dma source(%dma_start3A_304 : memref<512x1024xf32, #tpu.memory_space<any>>) target(%dma_start3A_300 : memref<512x1024xf32, #tpu.memory_space<vmem>>) target_semaphore(%dma_start3A_296 : memref<!tpu.dma_semaphore, #tpu.memory_space<semaphore_mem>>)
      } else {
      }
      %get3A_188 = arith.index_cast %rem3A_169 : i32 to index
      %get3A_189 = arith.constant 0 : index
      %get3A_190 = arith.constant 0 : index
      %get3A_191 = vector.load %arg10[%get3A_188, %get3A_189, %get3A_190] : memref<4x512x1024xf32, #tpu.memory_space<vmem>>, vector<1x512x1024xf32>
      %get3A_192 = vector.shape_cast %get3A_191 : vector<1x512x1024xf32> to vector<512x1024xf32>
      %convert_element_type3A_193 = arith.truncf %get3A_192 : vector<512x1024xf32> to vector<512x1024xbf16>
      %transpose3A = tpu.transpose %convert_element_type3A_193, [1, 0] : vector<512x1024xbf16> -> vector<1024x512xbf16>
      %dot_general3A_194 = arith.constant dense<0.000000e+00> : vector<32x512xf32>
      %dot_general3A_195 = tpu.matmul %get3A_158, %transpose3A, %dot_general3A_194 {dimension_numbers = #tpu.dot_dimension_numbers<[1], [0], [0], [1], [0, 0, 1, 1], [], []>, transpose_lhs_hint = false} : vector<32x1024xbf16>, vector<1024x512xbf16>, vector<32x512xf32> -> vector<32x512xf32>
      %dma_wait3A_196 = arith.constant 1 : i32
      %dma_wait3A_197 = tpu.memref_slice %arg13[%rem3A_169, %dma_wait3A_196] : memref<4x3x!tpu.dma_semaphore, #tpu.memory_space<semaphore_mem>> -> memref<1x1x!tpu.dma_semaphore, #tpu.memory_space<semaphore_mem>>
      %dma_wait3A_198 = tpu.memref_squeeze %dma_wait3A_197 : memref<1x1x!tpu.dma_semaphore, #tpu.memory_space<semaphore_mem>> -> memref<!tpu.dma_semaphore, #tpu.memory_space<semaphore_mem>>
      %dma_wait3A_199 = arith.constant 0 : i32
      %dma_wait3A_200 = arith.constant 0 : i32
      %dma_wait3A_201 = tpu.memref_slice %arg11[%rem3A_169, %dma_wait3A_199, %dma_wait3A_200] : memref<4x512x1024xf32, #tpu.memory_space<vmem>> -> memref<1x512x1024xf32, #tpu.memory_space<vmem>>
      %dma_wait3A_202 = tpu.memref_squeeze %dma_wait3A_201 : memref<1x512x1024xf32, #tpu.memory_space<vmem>> -> memref<512x1024xf32, #tpu.memory_space<vmem>>
      %dma_wait3A_203 = arith.constant 0 : i32
      %dma_wait3A_204 = arith.constant 0 : i32
      %dma_wait3A_205 = tpu.memref_slice %arg4[%get3A_172, %dma_wait3A_203, %dma_wait3A_204] : memref<64x512x1024xf32, #tpu.memory_space<any>> -> memref<1x512x1024xf32, #tpu.memory_space<any>>
      %dma_wait3A_206 = tpu.memref_squeeze %dma_wait3A_205 : memref<1x512x1024xf32, #tpu.memory_space<any>> -> memref<512x1024xf32, #tpu.memory_space<any>>
      tpu.wait_dma2 semaphore(%dma_wait3A_198 : memref<!tpu.dma_semaphore, #tpu.memory_space<semaphore_mem>>) src(%dma_wait3A_206 : memref<512x1024xf32, #tpu.memory_space<any>>) dst(%dma_wait3A_202 : memref<512x1024xf32, #tpu.memory_space<vmem>>)
      %get3A_207 = arith.index_cast %rem3A_169 : i32 to index
      %get3A_208 = arith.constant 0 : index
      %get3A_209 = arith.constant 0 : index
      %get3A_210 = vector.load %arg11[%get3A_207, %get3A_208, %get3A_209] : memref<4x512x1024xf32, #tpu.memory_space<vmem>>, vector<1x512x1024xf32>
      %get3A_211 = vector.shape_cast %get3A_210 : vector<1x512x1024xf32> to vector<512x1024xf32>
      %convert_element_type3A_212 = arith.truncf %get3A_211 : vector<512x1024xf32> to vector<512x1024xbf16>
      %transpose3A_213 = tpu.transpose %convert_element_type3A_212, [1, 0] : vector<512x1024xbf16> -> vector<1024x512xbf16>
      %dot_general3A_214 = arith.constant dense<0.000000e+00> : vector<32x512xf32>
      %dot_general3A_215 = tpu.matmul %get3A_158, %transpose3A_213, %dot_general3A_214 {dimension_numbers = #tpu.dot_dimension_numbers<[1], [0], [0], [1], [0, 0, 1, 1], [], []>, transpose_lhs_hint = false} : vector<32x1024xbf16>, vector<1024x512xbf16>, vector<32x512xf32> -> vector<32x512xf32>
      %dma_wait3A_216 = arith.constant 2 : i32
      %dma_wait3A_217 = tpu.memref_slice %arg13[%rem3A_169, %dma_wait3A_216] : memref<4x3x!tpu.dma_semaphore, #tpu.memory_space<semaphore_mem>> -> memref<1x1x!tpu.dma_semaphore, #tpu.memory_space<semaphore_mem>>
      %dma_wait3A_218 = tpu.memref_squeeze %dma_wait3A_217 : memref<1x1x!tpu.dma_semaphore, #tpu.memory_space<semaphore_mem>> -> memref<!tpu.dma_semaphore, #tpu.memory_space<semaphore_mem>>
      %dma_wait3A_219 = arith.constant 0 : i32
      %dma_wait3A_220 = arith.constant 0 : i32
      %dma_wait3A_221 = tpu.memref_slice %arg12[%rem3A_169, %dma_wait3A_219, %dma_wait3A_220] : memref<4x512x1024xf32, #tpu.memory_space<vmem>> -> memref<1x512x1024xf32, #tpu.memory_space<vmem>>
      %dma_wait3A_222 = tpu.memref_squeeze %dma_wait3A_221 : memref<1x512x1024xf32, #tpu.memory_space<vmem>> -> memref<512x1024xf32, #tpu.memory_space<vmem>>
      %dma_wait3A_223 = arith.constant 0 : i32
      %dma_wait3A_224 = arith.constant 0 : i32
      %dma_wait3A_225 = tpu.memref_slice %arg5[%get3A_172, %dma_wait3A_223, %dma_wait3A_224] : memref<64x512x1024xf32, #tpu.memory_space<any>> -> memref<1x512x1024xf32, #tpu.memory_space<any>>
      %dma_wait3A_226 = tpu.memref_squeeze %dma_wait3A_225 : memref<1x512x1024xf32, #tpu.memory_space<any>> -> memref<512x1024xf32, #tpu.memory_space<any>>
      tpu.wait_dma2 semaphore(%dma_wait3A_218 : memref<!tpu.dma_semaphore, #tpu.memory_space<semaphore_mem>>) src(%dma_wait3A_226 : memref<512x1024xf32, #tpu.memory_space<any>>) dst(%dma_wait3A_222 : memref<512x1024xf32, #tpu.memory_space<vmem>>)
      %logistic3A = arith.negf %dot_general3A_195 : vector<32x512xf32>
      %logistic3A_227 = math.exp %logistic3A : vector<32x512xf32>
      %logistic3A_228 = arith.constant 1.000000e+00 : f32
      %logistic3A_229 = vector.broadcast %logistic3A_228 : f32 to vector<32x512xf32>
      %logistic3A_230 = arith.addf %logistic3A_229, %logistic3A_227 : vector<32x512xf32>
      %logistic3A_231 = arith.divf %logistic3A_229, %logistic3A_230 : vector<32x512xf32>
      %mul3A_232 = arith.mulf %dot_general3A_195, %logistic3A_231 : vector<32x512xf32>
      %mul3A_233 = arith.mulf %mul3A_232, %dot_general3A_215 : vector<32x512xf32>
      %iota3A_234 = tpu.iota {dimensions = array<i32: 1>} : vector<32x64xi32>
      %eq3A_235 = vector.broadcast %get3A_172 : i32 to vector<32x64xi32>
      %eq3A_236 = arith.cmpi eq, %iota3A_234, %eq3A_235 : vector<32x64xi32>
      %get3A_237 = arith.constant 0 : index
      %get3A_238 = arith.constant 0 : index
      %get3A_239 = vector.load %arg1[%get3A_237, %get3A_238] : memref<32x64xf32, #tpu.memory_space<vmem>>, vector<32x64xf32>
      %jit3A = arith.constant 0.000000e+00 : f32
      %broadcast_in_dim3A_240 = vector.broadcast %jit3A : f32 to vector<32x64xf32>
      %select_n3A_241 = arith.select %eq3A_236, %get3A_239, %broadcast_in_dim3A_240 : vector<32x64xi1>, vector<32x64xf32>
      %reduce_sum3A_242 = arith.constant dense<0.000000e+00> : vector<32xf32>
      %reduce_sum3A_243 = vector.multi_reduction <add>, %select_n3A_241, %reduce_sum3A_242 [1] : vector<32x64xf32> to vector<32xf32>
      %broadcast_in_dim3A_244 = vector.shape_cast %reduce_sum3A_243 : vector<32xf32> to vector<32x1xf32>
      %get3A_245 = arith.constant 0 : index
      %get3A_246 = arith.constant 0 : index
      %get3A_247 = vector.load %arg6[%get3A_245, %get3A_246] : memref<32x1024xf32, #tpu.memory_space<vmem>>, vector<32x1024xf32>
      %mul3A_248 = vector.broadcast %broadcast_in_dim3A_244 : vector<32x1xf32> to vector<32x512xf32>
      %mul3A_249 = arith.mulf %mul3A_233, %mul3A_248 : vector<32x512xf32>
      %convert_element_type3A_250 = arith.truncf %mul3A_249 : vector<32x512xf32> to vector<32x512xbf16>
      %get3A_251 = arith.index_cast %rem3A_169 : i32 to index
      %get3A_252 = arith.constant 0 : index
      %get3A_253 = arith.constant 0 : index
      %get3A_254 = vector.load %arg12[%get3A_251, %get3A_252, %get3A_253] : memref<4x512x1024xf32, #tpu.memory_space<vmem>>, vector<1x512x1024xf32>
      %get3A_255 = vector.shape_cast %get3A_254 : vector<1x512x1024xf32> to vector<512x1024xf32>
      %convert_element_type3A_256 = arith.truncf %get3A_255 : vector<512x1024xf32> to vector<512x1024xbf16>
      %dot_general3A_257 = arith.constant dense<0.000000e+00> : vector<32x1024xf32>
      %dot_general3A_258 = tpu.matmul %convert_element_type3A_250, %convert_element_type3A_256, %dot_general3A_257 {dimension_numbers = #tpu.dot_dimension_numbers<[1], [0], [0], [1], [0, 0, 1, 1], [], []>, transpose_lhs_hint = false} : vector<32x512xbf16>, vector<512x1024xbf16>, vector<32x1024xf32> -> vector<32x1024xf32>
      %add3A_259 = arith.addf %get3A_247, %dot_general3A_258 : vector<32x1024xf32>
      %swap3A_260 = arith.constant 0 : index
      %swap3A_261 = arith.constant 0 : index
      %swap3A_262 = vector.load %arg6[%swap3A_260, %swap3A_261] : memref<32x1024xf32, #tpu.memory_space<vmem>>, vector<32x1024xf32>
      tpu.vector_store %arg6[%swap3A_260, %swap3A_261], %add3A_259 {strides = array<i32>} : memref<32x1024xf32, #tpu.memory_space<vmem>>, vector<32x1024xf32>,
    }
    return
  }
}

</mosaic_0001>

<sc_bundles>
// kernel: kernel.5.cloned.1.call-start
scs
__scs_entry_jumppad:
0x0: {  	(pc) =	sbr.rel $0x88, $3  }
0x1: {  	(tag) =	ssettag $0x0;
	lr =	simm.s32 $0x1  }
0x2: {  	[smem:$0x3F99] =	sst lr;
	_ =	strace $0xD0000000  }
0x3: {  	_ = 	snop  }
0x4: {  	_ = 	snop  }
0x5: {  	_ = 	snop  }
0x6: {  	_ = 	snop  }
0x7: {  	_ = 	snop  }
__scs_overlays_trampoline_lowered:
0x8: {  	[smem:$0x3FA8] =	sst s0  }
0x9: {  	[smem:$0x3FA9] =	sst s1  }
0xa: {  	[smem:$0x3FAA] =	sst s2  }
0xb: {  	[smem:$0x3FAB] =	sst s3  }
0xc: {  	[smem:$0x3FAC] =	sst s4  }
0xd: {  	[smem:$0x3FAD] =	sst s5  }
0xe: {  	[smem:$0x3FAE] =	sst s6  }
0xf: {  	[smem:$0x3FAF] =	sst s7  }
0x10: {  	[smem:$0x3FB0] =	sst s8  }
0x11: {  	[smem:$0x3FB1] =	sst s9;
	s0 =	simm.s32 @!p0 $0x0  }
0x12: {  	s1 =	sld [smem:$0x3F97];
	s0 =	simm.s32 @p0 $0x1  }
0x13: {  	[smem:$0x3FB2] =	sst s0;
	s0 =	simm.s32 @!p1 $0x0  }
0x14: {  	s2 =	sld [smem:$0x3F96];
	s0 =	simm.s32 @p1 $0x1  }
0x15: {  	[smem:$0x3FB3] =	sst s0;
	s0 =	simm.s32 @!p2 $0x0  }
0x16: {  	s3 =	sld [smem:$0x3FDB];
	s0 =	simm.s32 @p2 $0x1  }
0x17: {  	s4 =	simm.s32 $0x1BF5;
	[smem:$0x3FB5] =	sst s0  }
0x18: {  	s0 =	sld [smem:$0x3F98];
	_ =	swait.ge [sflag:s4], $0x0  }
0x19: {  	s7 =	sld [smem:$0x3F99]  }
0x1a: {  	s8 =	sadd.s32 $0xFFFFE003, lr  }
0x1b: {  	s9 =	sadd.s32 $0xFFFFFEF7, lr;
	s5 =	simm.s32 $0xFFFFFFFF;
	p2 =	slt.u32 s8, $0xFFFFF086  }
0x1c: {  	p1 =	slt.u32 s9, $0xF7A;
	s5 =	simm.s32 @!p2 $0x0  }
0x1d: {  	s5 =	simm.s32 @p1 $0x1;
	p0 =	seq.s32 s7, s2  }
0x1e: {  	s7 =	smul.u32 @!p0 $0xF7A, s2;
	p2 =	seq.s32 @!p0 s5, $0x0  }
0x1f: {  	s9 =	smul.u32 $0xF7A, s1;
	s8 =	simm.s32 @!p0 $0x1BF5;
	p2 =	por !p2, p0  }
0x20: {  	[sflag:s8] =	ssyncset.s32 @!p0 $0xFFFFF086;
	s6 =	sadd.s32 @!p0 s3, s7;
	s7 =	simm.s32 @!p0 $0x108  }
0x21: {  	s3 =	sadd.s32 s3, s9;
	s6 =	sadd.s32 @!p0 $0x88, s6;
	s7 =	simm.s32 @p2 $0x1082  }
0x22: {  	[simem:s7], [sflag:s8] =	dma.local @!p0 [hbm:s6], $0xF7A  }
0x23: {  	s9 =	sor.u32 $0xD0000000, s2;
	s6 =	simm.s32 $0x108;
	_ =	swait.ge @!p0 [sflag:s8], $0x0  }
0x24: {  	s3 =	sadd.s32 $0x88, s3;
	s6 =	simm.s32 @!p1 $0x1082;
	[sflag:s4] =	ssyncset.s32 $0xFFFFF086  }
0x25: {  	[simem:s6], [sflag:s4] =	dma.local [hbm:s3], $0xF7A  }
0x26: {  	[smem:$0x3F99] =	sst s1;
	(tag) =	ssettag s2;
	_ =	strace s9  }
0x27: {  	s1 =	sld [smem:$0x3FA9]  }
0x28: {  	s2 =	sld [smem:$0x3FAA]  }
0x29: {  	s4 =	sld [smem:$0x3FAC]  }
0x2a: {  	p0 =	seq.s32 s5, $0x0;
	s5 =	sld [smem:$0x3FAD]  }
0x2b: {  	s6 =	sld [smem:$0x3FAE]  }
0x2c: {  	s7 =	sld [smem:$0x3FAF]  }
0x2d: {  	s3 =	simm.s32 $0x108;
	s8 =	sld [smem:$0x3FB0]  }
0x2e: {  	s3 =	simm.s32 @!p0 $0x1082;
	s9 =	sld [smem:$0x3FB1]  }
0x2f: {  	lr =	sadd.s32 s0, s3;
	s0 =	sld [smem:$0x3FA8]  }
0x30: {  	s3 =	sld [smem:$0x3FAB]  }
0x31: {  	[smem:$0x3FB4] =	sst s10  }
0x32: {  	s10 =	sld [smem:$0x3FB2];
	_ =	sdelay $0x3  }
0x33: {  	p0 =	seq.s32 s10, $0x1;
	s10 =	sld [smem:$0x3FB4];
	_ =	sdelay $0x3  }
0x34: {  	[smem:$0x3FB4] =	sst s10  }
0x35: {  	s10 =	sld [smem:$0x3FB3];
	_ =	sdelay $0x3  }
0x36: {  	p1 =	seq.s32 s10, $0x1;
	s10 =	sld [smem:$0x3FB4];
	_ =	sdelay $0x3  }
0x37: {  	[smem:$0x3FB4] =	sst s10  }
0x38: {  	s10 =	sld [smem:$0x3FB5]  }
0x39: {  	_ = 	snop;
	(pc) =	sbr.ind lr, $3  }
0x3a: {  	_ = 	snop  }
0x3b: {  	_ = 	snop  }
0x3c: {  	p2 =	seq.s32 s10, $0x1;
	s10 =	sld [smem:$0x3FB4]  }
0x3d: {  	_ =	shalt  }
0x3e: {  	_ =	shalt  }
0x3f: {  	_ =	shalt  }
0x40: {  	_ =	shalt  }
0x41: {  	_ =	shalt  }
0x42: {  	_ =	shalt  }
0x43: {  	_ =	shalt  }
0x44: {  	_ =	shalt  }
0x45: {  	_ =	shalt  }
0x46: {  	_ =	shalt  }
0x47: {  	_ =	shalt  }
0x48: {  	_ =	shalt  }
0x49: {  	_ =	shalt  }
0x4a: {  	_ =	shalt  }
0x4b: {  	_ =	shalt  }
0x4c: {  	_ =	shalt  }
0x4d: {  	_ =	shalt  }
0x4e: {  	_ =	shalt  }
0x4f: {  	_ =	shalt  }
0x50: {  	_ =	shalt  }
0x51: {  	_ =	shalt  }
0x52: {  	_ =	shalt  }
0x53: {  	_ =	shalt  }
0x54: {  	_ =	shalt  }
0x55: {  	_ =	shalt  }
0x56: {  	_ =	shalt  }
0x57: {  	_ =	shalt  }
0x58: {  	_ =	shalt  }
0x59: {  	_ =	shalt  }
0x5a: {  	_ =	shalt  }
0x5b: {  	_ =	shalt  }
0x5c: {  	_ =	shalt  }
0x5d: {  	_ =	shalt  }
0x5e: {  	_ =	shalt  }
0x5f: {  	_ =	shalt  }
0x60: {  	_ =	shalt  }
0x61: {  	_ =	shalt  }
0x62: {  	_ =	shalt  }
0x63: {  	_ =	shalt  }
0x64: {  	_ =	shalt  }
0x65: {  	_ =	shalt  }
0x66: {  	_ =	shalt  }
0x67: {  	_ =	shalt  }
0x68: {  	_ =	shalt  }
0x69: {  	_ =	shalt  }
0x6a: {  	_ =	shalt  }
0x6b: {  	_ =	shalt  }
0x6c: {  	_ =	shalt  }
0x6d: {  	_ =	shalt  }
0x6e: {  	_ =	shalt  }
0x6f: {  	_ =	shalt  }
0x70: {  	_ =	shalt  }
0x71: {  	_ =	shalt  }
0x72: {  	_ =	shalt  }
0x73: {  	_ =	shalt  }
0x74: {  	_ =	shalt  }
0x75: {  	_ =	shalt  }
0x76: {  	_ =	shalt  }
0x77: {  	_ =	shalt  }
0x78: {  	_ =	shalt  }
0x79: {  	_ =	shalt  }
0x7a: {  	_ =	shalt  }
0x7b: {  	_ =	shalt  }
0x7c: {  	_ =	shalt  }
0x7d: {  	_ =	shalt  }
0x7e: {  	_ =	shalt  }
0x7f: {  	_ =	shalt  }
0x80: {  	_ =	shalt  }
0x81: {  	_ =	shalt  }
0x82: {  	_ =	shalt  }
0x83: {  	_ =	shalt  }
0x84: {  	_ =	shalt  }
0x85: {  	_ =	shalt  }
0x86: {  	_ =	shalt  }
0x87: {  	_ =	shalt  }
.Lfunc_end0:
.L_simem_size_0:
called_computation_lowered:
.L_overlay_start_0:
0x88: {  	s2 =	sld [smem:$0x3FD9]  }
0x89: {  	s3 =	sld [smem:$0x3FFE];
	_ =	sdelay $0x1  }
0x8a: {  	s1 =	srdreg.scid  }
0x8b: {  	s0 =	sand.u32 $0x1, s1  }
0x8c: {  	s17 =	sshll.u32 s0, $0xA;
	s2 =	sadd.s32 s3, s2  }
0x8d: {  	s2 =	sadd.s32 s2, s17  }
0x8e: {  	[smem:$0x3FC0] =	sst s2  }
0x8f: {  	_ = 	snop  }
0x90: {  	s2 =	sld [smem:$0x3FD0];
	(tm) =	ssettm $0x1  }
0x91: {  	s18 =	sld [smem:$0x3FFB];
	_ =	sdelay $0x3  }
0x92: {  	_ =	strace s18  }
0x93: {  	s3 =	sld [smem:$0x3FFC];
	_ =	sdelay $0x3  }
0x94: {  	_ =	strace s3  }
0x95: {  	s3 =	sld [smem:$0x3FFD];
	_ =	sdelay $0x3  }
0x96: {  	_ =	strace s3  }
0x97: {  	_ =	strace $0x8FFFFFFF  }
0x98: {  	s19 =	sld [smem:$0x3FDB];
	_ =	sdelay $0x1  }
0x99: {  	s4 =	simm.s32 $_scs_section_size  }
0x9a: {  	s5 =	simm.s32 $_size__tile_overlayer_lowered;
	s6 =	simm.s32 $_tile_overlayer_lowered  }
0x9b: {  	s22 =	simm.s32 $0x1BFF;
	s21 =	sshll.u32 s6, $0x1;
	s3 =	sadd.s32 s4, s19  }
0x9c: {  	s7 =	simm.s32 $0x0;
	s20 =	sshll.u32 s5, $0x1;
	s5 =	sadd.s32 s21, s3  }
0x9d: {  	[timem:s7], [sflag:s22] =	dma.local [hbm:s5], s20  }
0x9e: {  	_ =	swait.ge [sflag:s22], s20  }
0x9f: {  	s4 =	ssub.s32 $0x0, s20;
	[sflag:s22] =	ssyncset.done $0x0  }
0xa0: {  	[sflag:s22] =	ssyncadd.s32 s4;
	_ =	sdelay $0x1  }
0xa1: {  	s23 =	simm.s32 $0x1B8B  }
0xa2: {  	_ =	swait.ge [sflag:s23], $0x1  }
0xa3: {  	[sflag:s23] =	ssyncset.done $0x0  }
0xa4: {  	s25 =	simm.s32 $0x1B8E;
	s24 =	sld [smem:$0x3FFE];
	[sflag:s23] =	ssyncadd.s32 $0xFFFFFFFF  }
0xa5: {  	s26 =	simm.s32 $execute0_lowered;
	[smem:$0x3FD2] =	sst s25  }
0xa6: {  	s5 =	sshll.u32 s26, $0x1;
	_ =	strace $0x80000046;
	[dreg:$0x1] =	wrdreg $0xFFFFFFFF  }
0xa7: {  	s28 =	simm.s32 $_size_execute0_lowered;
	s3 =	sadd.s32 s3, s5;
	[dreg:$0x0] =	wrdreg $0x0  }
0xa8: {  	s5 =	sshll.u32 s28, $0x1;
	[dreg:$0x2] =	wrdreg s3  }
0xa9: {  	[dreg:$0x3] =	wrdreg s5  }
0xaa: {  	[dreg:$0x4] =	wrdreg $0xC0  }
0xab: {  	_ =	task [dreg:s7], $0x5FFFF  }
0xac: {  	[dreg:$0x1] =	wrdreg $0xFFFFFFFF  }
0xad: {  	[dreg:$0x0] =	wrdreg $0x60  }
0xae: {  	[dreg:$0x2] =	wrdreg s24  }
0xaf: {  	[dreg:$0x3] =	wrdreg s2  }
0xb0: {  	[dreg:$0x4] =	wrdreg $0x9  }
0xb1: {  	_ =	task.clear_ibuf [dreg:s7], $0x5FFFF;
	_ =	strace $0x90000046  }
0xb2: {  	s29 =	simm.s32 $0x9;
	_ =	strace $0x80000048  }
0xb3: {  	_ =	swait.ge [sflag:s29], $0x1  }
0xb4: {  	[sflag:s29] =	ssyncadd.s32 $0xFFFFFFFF  }
0xb5: {  	_ =	strace $0x90000048  }
0xb6: {  	_ =	sfence  }
0xb7: {  	s30 =	sld [smem:$0x0];
	_ =	sdelay $0x2  }
0xb8: {  	s31 =	sshll.u32 s1, $0xD;
	s1 =	sshrl.u32 s1, $0x2  }
0xb9: {  	s3 =	sand.u32 $0x4000, s31;
	s1 =	sadd.s32 s1, s30  }
0xba: {  	s0 =	sor.u32 s3, s0;
	s1 =	sshll.u32 s1, $0x11  }
0xbb: {  	s0 =	sor.u32 s1, s0  }
0xbc: {  	s0 =	sadd.s32 $0x8F2B, s0  }
0xbd: {  	[sflag:s0] =	ssyncadd.remote.s32 $0x1  }
0xbe: {  	_ =	sfence.sel $0xFFFF  }
0xbf: {  	[dreg:$0x0] =	wrdreg $0xFFFFFFFF;
	(pc) =	sbr.abs _section_cstart, $3  }
0xc0: {  	[dreg:$0x1] =	wrdreg $0xFFFFFFFF  }
0xc1: {  	_ =	task.clear_ibuf [dreg:s7], $0x2FFFF;
	_ =	strace $0x9FFFFFFF  }
0xc2: {  	(tm) =	ssettm $0x7FFFFFFF  }
0xc3: {  	_ =	shalt  }
tec
execute0_lowered:
.L_overlay_start_1:
0x0: {  	(tag) =	ssettag $0x1  }
0x1: {  	s7 =	rddreg [dreg:$0x0]  }
0x2: {  	s4 =	rddreg [dreg:$0x1]  }
0x3: {  	s0 =	rddreg [dreg:$0x2]  }
0x4: {  	s2 =	simm.s32 $0x0;
	s3 =	srdreg.scid;
	s1 =	stileid.u32  }
0x5: {  	s10 =	simm.s32 $0x80;
	s11 =	simm.s32 $0x8000;
	s12 =	simm.s32 $0x1  }
0x6: {  	s13 =	simm.s32 $0x8400;
	s14 =	simm.s32 $0x0;
	[smem:$0x7FF] =	sst s2  }
0x7: {  	s5 =	sand.u32 $0x1, s3;
	s29 =	sshll.u32 s1, $0x8;
	s6 =	sshrl.u32 s1, $0x2  }
0x8: {  	s8 =	sshll.u32 s5, $0x7;
	s3 =	sand.u32 $0x300, s29;
	_ =	strace $0x80000047  }
0x9: {  	s9 =	sshll.u32 s6, $0xA;
	s6 =	sshll.u32 s6, $0xD;
	s8 =	sor.u32 s8, s3  }
0xa: {  	s5 =	ssub.s32 $0x2, s5;
	s3 =	sadd.s32 $0xC00, s7;
	s9 =	sor.u32 s9, s8  }
0xb: {  	s31 =	sshrl.u32 s5, $0x1;
	s6 =	sor.u32 s6, s8;
	s9 =	sshrl.u32 s9, $0x3  }
0xc: {  	s6 =	sshrl.u32 s6, $0x3;
	s30 =	sadd.s32 s9, s7;
	s9 =	ssub.s32 s5, s31  }
0xd: {  	s4 =	sadd.s32 s4, s6;
	s5 =	sadd.s32 $0x1C00, s7;
	s6 =	sadd.s32 $0x2C00, s7  }
0xe: {  	s7 =	sadd.s32 $0x3C00, s7;
	s8 =	sadd.s32 $0x4C00, s30;
	s9 =	smax.u32 s9, $0x1  }
.LBB2_1:
0xf: {  	s15 =	simm.s32 $0x400  }
0x10: {  	[tilespmem:s11], [sflag:$0x1] =	stream.strided.gather [hbm4b:s4+s10], $0x400, s15, s10, $0x38;
	[tilespmem:$0x8480] =	vst v63  }
0x11: {  	_ =	swait.ge [sflag:s12], $0x400  }
0x12: {  	[sflag:s12] =	ssyncset.done $0x0  }
0x13: {  	[sflag:s12] =	ssyncadd.s32 $0xFFFFFC00  }
0x14: {  	[tilespmem:s2], [sflag:$0x1] =	stream.linear.gather [hbm4b:s3+s2], $0x8000, $0x38;
	[tilespmem:$0x8480] =	vst v63  }
0x15: {  	_ =	swait.ge [sflag:s12], $0x8000  }
0x16: {  	[sflag:s12] =	ssyncset.done $0x0  }
0x17: {  	[sflag:s12] =	ssyncadd.s32 $0xFFFF8000  }
0x18: {  	v3 =	vld [tilespmem:s15+$0x380]  }
0x19: {  	v8 =	vld [tilespmem:s15+$0x390]  }
0x1a: {  	v9 =	vld [tilespmem:s15+$0x300]  }
0x1b: {  	v10 =	vld [tilespmem:s15+$0x310]  }
0x1c: {  	v12 =	vld [tilespmem:s15+$0x280]  }
0x1d: {  	v13 =	vld [tilespmem:s15+$0x290]  }
0x1e: {  	v14 =	vld [tilespmem:s15+$0x200]  }
0x1f: {  	v16 =	vld [tilespmem:s15+$0x210]  }
0x20: {  	s16 =	simm.s32 $0x0;
	v18 =	vld [tilespmem:s15+$0x180]  }
0x21: {  	v5 =	vld [tilespmem:s16+$0x8000]  }
0x22: {  	v20 =	vld [tilespmem:s15+$0x190]  }
0x23: {  	v21 =	vld [tilespmem:s15+$0x100]  }
0x24: {  	v23 =	vld [tilespmem:s15+$0x110]  }
0x25: {  	v24 =	vld [tilespmem:s15+$0x80]  }
0x26: {  	v26 =	vld [tilespmem:s15+$0x90]  }
0x27: {  	v27 =	vld [tilespmem:s15+$0x0];
	v2 =	vbroadcast v5, $0xE;
	v1 =	vbroadcast v5, $0xF  }
0x28: {  	v29 =	vld [tilespmem:s15+$0x10];
	v6 =	vbroadcast v5, $0xC;
	v4 =	vbroadcast v5, $0xD  }
0x29: {  	v30 =	vld [tilespmem:s15+$0xFFFFFF80];
	v11 =	vbroadcast v5, $0xA;
	v7 =	vbroadcast v5, $0xB  }
0x2a: {  	v36 =	vld [tilespmem:s15+$0xFFFFFF90];
	v17 =	vbroadcast v5, $0x8;
	v15 =	vbroadcast v5, $0x9  }
0x2b: {  	v33 =	vld [tilespmem:s15+$0xFFFFFF00];
	v22 =	vbroadcast v5, $0x6;
	v19 =	vbroadcast v5, $0x7  }
0x2c: {  	v34 =	vld [tilespmem:s15+$0xFFFFFF10];
	v28 =	vbroadcast v5, $0x4;
	v25 =	vbroadcast v5, $0x5  }
0x2d: {  	v38 =	vld [tilespmem:s15+$0xFFFFFE80];
	v32 =	vbroadcast v5, $0x2;
	v31 =	vbroadcast v5, $0x3  }
0x2e: {  	v40 =	vld [tilespmem:s15+$0xFFFFFE90];
	v44 =	vbroadcast v5, $0x0;
	v41 =	vbroadcast v5, $0x1  }
0x2f: {  	v42 =	vld [tilespmem:s15+$0xFFFFFE00];
	v5 =	vmul.f32 v3, v1;
	v3 =	vmul.f32 v8, v1  }
0x30: {  	v43 =	vld [tilespmem:s15+$0xFFFFFE10];
	v8 =	vmul.f32 v9, v2;
	v9 =	vmul.f32 v10, v2  }
0x31: {  	v45 =	vld [tilespmem:s15+$0xFFFFFD80];
	v12 =	vmul.f32 v12, v4;
	v10 =	vmul.f32 v13, v4  }
0x32: {  	v46 =	vld [tilespmem:s15+$0xFFFFFD90];
	v14 =	vmul.f32 v14, v6;
	v13 =	vmul.f32 v16, v6  }
0x33: {  	v47 =	vld [tilespmem:s15+$0xFFFFFD00];
	v18 =	vmul.f32 v18, v7;
	v16 =	vmul.f32 v20, v7  }
0x34: {  	v35 =	vimm.f32 $0.0e+00;
	v48 =	vld [tilespmem:s15+$0xFFFFFD10];
	v20 =	vmul.f32 v21, v11;
	v21 =	vmul.f32 v23, v11  }
0x35: {  	v39 =	vimm.f32 $0.0e+00;
	v49 =	vld [tilespmem:s15+$0xFFFFFC80];
	v23 =	vmul.f32 v24, v15;
	v24 =	vmul.f32 v26, v15  }
0x36: {  	v37 =	vimm.f32 $0.0e+00;
	v50 =	vld [tilespmem:s15+$0xFFFFFC90];
	v26 =	vmul.f32 v27, v17;
	v27 =	vmul.f32 v29, v17  }
0x37: {  	v51 =	vld [tilespmem:s15+$0xFFFFFC00];
	s16 =	simm.s32 $0x40;
	v29 =	vmul.f32 v30, v19;
	v30 =	vmul.f32 v36, v19;
	v36 =	vimm.f32 $0.0e+00  }
.LBB2_2:
0x38: {  	p0 =	sne.s32 s16, $0x3C0;
	v52 =	vld [tilespmem:s15+$0xFFFFFC10];
	v33 =	vmul.f32 v33, v22;
	v34 =	vmul.f32 v34, v22  }
0x39: {  	v38 =	vmul.f32 v38, v25;
	v40 =	vmul.f32 v40, v25;
	v53 =	vld [tilespmem:s15+$0xFFFFFC20]  }
0x3a: {  	v42 =	vmul.f32 v42, v28;
	v43 =	vmul.f32 v43, v28;
	v54 =	vld [tilespmem:s15+$0xFFFFFC30]  }
0x3b: {  	v45 =	vmul.f32 v45, v31;
	v46 =	vmul.f32 v46, v31;
	v55 =	vld [tilespmem:s15+$0xFFFFFCA0]  }
0x3c: {  	v47 =	vmul.f32 v47, v32;
	v48 =	vmul.f32 v48, v32;
	v56 =	vld [tilespmem:s15+$0xFFFFFCB0]  }
0x3d: {  	v49 =	vmul.f32 v49, v41;
	v50 =	vmul.f32 v50, v41;
	v57 =	vld [tilespmem:s15+$0xFFFFFD20]  }
0x3e: {  	v51 =	vmul.f32 v51, v44;
	v52 =	vmul.f32 v52, v44;
	v58 =	vld [tilespmem:s15+$0xFFFFFD30]  }
0x3f: {  	v53 =	vmul.f32 v53, v44;
	v44 =	vmul.f32 v54, v44;
	v54 =	vld [tilespmem:s15+$0xFFFFFDA0]  }
0x40: {  	v35 =	vadd.f32 v51, v35;
	v39 =	vadd.f32 v52, v39;
	v51 =	vmul.f32 v55, v41;
	v52 =	vld [tilespmem:s15+$0xFFFFFDB0]  }
0x41: {  	v36 =	vadd.f32 v53, v36;
	v37 =	vadd.f32 v44, v37;
	v41 =	vmul.f32 v56, v41;
	v44 =	vld [tilespmem:s15+$0xFFFFFE20]  }
0x42: {  	v35 =	vadd.f32 v49, v35;
	v39 =	vadd.f32 v50, v39;
	v49 =	vmul.f32 v57, v32;
	v50 =	vld [tilespmem:s15+$0xFFFFFE30]  }
0x43: {  	v36 =	vadd.f32 v51, v36;
	v37 =	vadd.f32 v41, v37;
	v32 =	vmul.f32 v58, v32;
	v41 =	vld [tilespmem:s15+$0xFFFFFEA0]  }
0x44: {  	v35 =	vadd.f32 v47, v35;
	v39 =	vadd.f32 v48, v39;
	v47 =	vmul.f32 v54, v31;
	v48 =	vld [tilespmem:s15+$0xFFFFFEB0]  }
0x45: {  	v36 =	vadd.f32 v49, v36;
	v32 =	vadd.f32 v32, v37;
	v31 =	vmul.f32 v52, v31;
	v37 =	vld [tilespmem:s15+$0xFFFFFF20]  }
0x46: {  	v35 =	vadd.f32 v45, v35;
	v39 =	vadd.f32 v46, v39;
	v44 =	vmul.f32 v44, v28;
	v45 =	vld [tilespmem:s15+$0xFFFFFF30]  }
0x47: {  	v36 =	vadd.f32 v47, v36;
	v31 =	vadd.f32 v31, v32;
	v28 =	vmul.f32 v50, v28;
	v32 =	vld [tilespmem:s15+$0xFFFFFFA0]  }
0x48: {  	v35 =	vadd.f32 v42, v35;
	v39 =	vadd.f32 v43, v39;
	v41 =	vmul.f32 v41, v25;
	v42 =	vld [tilespmem:s15+$0xFFFFFFB0]  }
0x49: {  	v36 =	vadd.f32 v44, v36;
	v28 =	vadd.f32 v28, v31;
	v25 =	vmul.f32 v48, v25;
	v31 =	vld [tilespmem:s15+$0x20]  }
0x4a: {  	v35 =	vadd.f32 v38, v35;
	v38 =	vadd.f32 v40, v39;
	v37 =	vmul.f32 v37, v22;
	v39 =	vld [tilespmem:s15+$0x30]  }
0x4b: {  	v36 =	vadd.f32 v41, v36;
	v25 =	vadd.f32 v25, v28;
	v22 =	vmul.f32 v45, v22;
	v28 =	vld [tilespmem:s15+$0xA0]  }
0x4c: {  	v33 =	vadd.f32 v33, v35;
	v34 =	vadd.f32 v34, v38;
	v32 =	vmul.f32 v32, v19;
	v35 =	vld [tilespmem:s15+$0xB0]  }
0x4d: {  	v36 =	vadd.f32 v37, v36;
	v22 =	vadd.f32 v22, v25;
	v19 =	vmul.f32 v42, v19;
	v25 =	vld [tilespmem:s15+$0x120]  }
0x4e: {  	v29 =	vadd.f32 v29, v33;
	v30 =	vadd.f32 v30, v34;
	v31 =	vmul.f32 v31, v17;
	v33 =	vld [tilespmem:s15+$0x130]  }
0x4f: {  	v32 =	vadd.f32 v32, v36;
	v19 =	vadd.f32 v19, v22;
	v17 =	vmul.f32 v39, v17;
	v22 =	vld [tilespmem:s15+$0x1A0]  }
0x50: {  	v26 =	vadd.f32 v26, v29;
	v27 =	vadd.f32 v27, v30;
	v28 =	vmul.f32 v28, v15;
	v29 =	vld [tilespmem:s15+$0x1B0]  }
0x51: {  	v30 =	vadd.f32 v31, v32;
	v17 =	vadd.f32 v17, v19;
	v15 =	vmul.f32 v35, v15;
	v19 =	vld [tilespmem:s15+$0x220]  }
0x52: {  	v23 =	vadd.f32 v23, v26;
	v24 =	vadd.f32 v24, v27;
	v25 =	vmul.f32 v25, v11;
	v26 =	vld [tilespmem:s15+$0x230]  }
0x53: {  	v27 =	vadd.f32 v28, v30;
	v15 =	vadd.f32 v15, v17;
	v11 =	vmul.f32 v33, v11;
	v17 =	vld [tilespmem:s15+$0x2A0]  }
0x54: {  	v20 =	vadd.f32 v20, v23;
	v21 =	vadd.f32 v21, v24;
	v22 =	vmul.f32 v22, v7;
	v23 =	vld [tilespmem:s15+$0x2B0]  }
0x55: {  	v24 =	vadd.f32 v25, v27;
	v11 =	vadd.f32 v11, v15;
	v7 =	vmul.f32 v29, v7;
	v15 =	vld [tilespmem:s15+$0x320]  }
0x56: {  	v18 =	vadd.f32 v18, v20;
	v16 =	vadd.f32 v16, v21;
	v19 =	vmul.f32 v19, v6;
	v20 =	vld [tilespmem:s15+$0x330]  }
0x57: {  	v21 =	vadd.f32 v22, v24;
	v7 =	vadd.f32 v7, v11;
	v6 =	vmul.f32 v26, v6;
	v11 =	vld [tilespmem:s15+$0x3A0]  }
0x58: {  	v14 =	vadd.f32 v14, v18;
	v13 =	vadd.f32 v13, v16;
	v16 =	vmul.f32 v17, v4;
	v17 =	vld [tilespmem:s15+$0x3B0];
	s15 =	sadd.s32 $0x800, s15  }
0x59: {  	v19 =	vadd.f32 v19, v21;
	v18 =	vld [tilespmem:s15+$0x380];
	v6 =	vadd.f32 v6, v7;
	v4 =	vmul.f32 v23, v4  }
0x5a: {  	v7 =	vadd.f32 v12, v14;
	v10 =	vadd.f32 v10, v13;
	v21 =	vld [tilespmem:s15+$0x390];
	v12 =	vmul.f32 v15, v2  }
0x5b: {  	v14 =	vadd.f32 v16, v19;
	v13 =	vld [tilespmem:s15+$0x300];
	v4 =	vadd.f32 v4, v6;
	v2 =	vmul.f32 v20, v2  }
0x5c: {  	v6 =	vadd.f32 v8, v7;
	v7 =	vadd.f32 v9, v10;
	v16 =	vld [tilespmem:s15+$0x310];
	v8 =	vmul.f32 v11, v1  }
0x5d: {  	v9 =	vadd.f32 v12, v14;
	v10 =	vld [tilespmem:s15+$0x280];
	v2 =	vadd.f32 v2, v4;
	v1 =	vmul.f32 v17, v1  }
0x5e: {  	v35 =	vadd.f32 v5, v6;
	v39 =	vadd.f32 v3, v7;
	v14 =	vld [tilespmem:s15+$0x290]  }
0x5f: {  	v36 =	vadd.f32 v8, v9;
	v20 =	vld [tilespmem:s15+$0x200];
	v37 =	vadd.f32 v1, v2  }
0x60: {  	v23 =	vld [tilespmem:s15+$0x210]  }
0x61: {  	v24 =	vld [tilespmem:s15+$0x180]  }
0x62: {  	s17 =	sshra.s32 s16, $0x2;
	v26 =	vld [tilespmem:s15+$0x190]  }
0x63: {  	v3 =	vld [tilespmem:s17+$0x8000]  }
0x64: {  	v27 =	vld [tilespmem:s15+$0x100]  }
0x65: {  	v29 =	vld [tilespmem:s15+$0x110]  }
0x66: {  	v30 =	vld [tilespmem:s15+$0x80]  }
0x67: {  	v50 =	vld [tilespmem:s15+$0x90]  }
0x68: {  	v51 =	vld [tilespmem:s15+$0x0];
	v2 =	vbroadcast v3, $0xE;
	v1 =	vbroadcast v3, $0xF  }
0x69: {  	v6 =	vbroadcast v3, $0xC;
	v4 =	vbroadcast v3, $0xD;
	v52 =	vld [tilespmem:s15+$0x10]  }
0x6a: {  	v11 =	vbroadcast v3, $0xA;
	v7 =	vbroadcast v3, $0xB;
	v53 =	vld [tilespmem:s15+$0xFFFFFF80]  }
0x6b: {  	v17 =	vbroadcast v3, $0x8;
	v15 =	vbroadcast v3, $0x9;
	v54 =	vld [tilespmem:s15+$0xFFFFFF90]  }
0x6c: {  	v22 =	vbroadcast v3, $0x6;
	v19 =	vbroadcast v3, $0x7;
	v33 =	vld [tilespmem:s15+$0xFFFFFF00]  }
0x6d: {  	v28 =	vbroadcast v3, $0x4;
	v25 =	vbroadcast v3, $0x5;
	v34 =	vld [tilespmem:s15+$0xFFFFFF10]  }
0x6e: {  	v32 =	vbroadcast v3, $0x2;
	v31 =	vbroadcast v3, $0x3;
	v38 =	vld [tilespmem:s15+$0xFFFFFE80]  }
0x6f: {  	v44 =	vbroadcast v3, $0x0;
	v41 =	vbroadcast v3, $0x1;
	v40 =	vld [tilespmem:s15+$0xFFFFFE90]  }
0x70: {  	v5 =	vmul.f32 v18, v1;
	v3 =	vmul.f32 v21, v1;
	v42 =	vld [tilespmem:s15+$0xFFFFFE00]  }
0x71: {  	v8 =	vmul.f32 v13, v2;
	v9 =	vmul.f32 v16, v2;
	v43 =	vld [tilespmem:s15+$0xFFFFFE10]  }
0x72: {  	v12 =	vmul.f32 v10, v4;
	v10 =	vmul.f32 v14, v4;
	v45 =	vld [tilespmem:s15+$0xFFFFFD80]  }
0x73: {  	v14 =	vmul.f32 v20, v6;
	v13 =	vmul.f32 v23, v6;
	v46 =	vld [tilespmem:s15+$0xFFFFFD90]  }
.Ltmp0:
0x74: {  	v18 =	vmul.f32 v24, v7;
	v16 =	vmul.f32 v26, v7;
	v47 =	vld [tilespmem:s15+$0xFFFFFD00];
	(pc) =	sbr.rel @p0 .LBB2_2-.Ltmp0, $4  }
0x75: {  	v20 =	vmul.f32 v27, v11;
	v21 =	vmul.f32 v29, v11;
	v48 =	vld [tilespmem:s15+$0xFFFFFD10]  }
0x76: {  	v23 =	vmul.f32 v30, v15;
	v24 =	vmul.f32 v50, v15;
	v49 =	vld [tilespmem:s15+$0xFFFFFC80]  }
0x77: {  	v26 =	vmul.f32 v51, v17;
	v27 =	vmul.f32 v52, v17;
	v50 =	vld [tilespmem:s15+$0xFFFFFC90]  }
0x78: {  	s16 =	sadd.s32 $0x40, s16;
	v29 =	vmul.f32 v53, v19;
	v30 =	vmul.f32 v54, v19;
	v51 =	vld [tilespmem:s15+$0xFFFFFC00]  }
0x79: {  	v0 =	vld [tilespmem:s15+$0xFFFFFEB0];
	_ =	sdelay $0x4  }
0x7a: {  	[tilespmem:$0x1FF70] =	vst v0;
	v0 =	vld [tilespmem:s15+$0xFFFFFF20];
	_ =	sdelay $0x4  }
0x7b: {  	[tilespmem:$0x1FF80] =	vst v0;
	v0 =	vld [tilespmem:s15+$0xFFFFFF30];
	_ =	sdelay $0x4  }
0x7c: {  	[tilespmem:$0x1FF90] =	vst v0;
	v0 =	vld [tilespmem:s15+$0xFFFFFFA0];
	_ =	sdelay $0x4  }
0x7d: {  	[tilespmem:$0x1FFA0] =	vst v0;
	v0 =	vld [tilespmem:s15+$0xFFFFFFB0]  }
0x7e: {  	v52 =	vld [tilespmem:s15+$0xFFFFFC10]  }
0x7f: {  	v53 =	vld [tilespmem:s15+$0xFFFFFC20]  }
0x80: {  	v54 =	vld [tilespmem:s15+$0xFFFFFC30]  }
0x81: {  	v55 =	vld [tilespmem:s15+$0xFFFFFCA0]  }
0x82: {  	[tilespmem:$0x1FFB0] =	vst v0;
	v0 =	vld [tilespmem:s15+$0x20]  }
0x83: {  	v56 =	vld [tilespmem:s15+$0xFFFFFCB0]  }
0x84: {  	v57 =	vld [tilespmem:s15+$0xFFFFFD20]  }
0x85: {  	v58 =	vld [tilespmem:s15+$0xFFFFFD30]  }
0x86: {  	v59 =	vld [tilespmem:s15+$0xFFFFFDA0]  }
0x87: {  	[tilespmem:$0x1FFC0] =	vst v0;
	v0 =	vld [tilespmem:s15+$0x30]  }
0x88: {  	v60 =	vld [tilespmem:s15+$0xFFFFFDB0]  }
0x89: {  	v61 =	vld [tilespmem:s15+$0xFFFFFE20]  }
0x8a: {  	v62 =	vld [tilespmem:s15+$0xFFFFFE30]  }
0x8b: {  	v63 =	vld [tilespmem:s15+$0xFFFFFEA0]  }
0x8c: {  	v51 =	vmul.f32 v51, v44;
	v52 =	vmul.f32 v52, v44;
	[tilespmem:$0x1FFD0] =	vst v0;
	v0 =	vld [tilespmem:s15+$0xA0]  }
0x8d: {  	v53 =	vmul.f32 v53, v44;
	v44 =	vmul.f32 v54, v44;
	v54 =	vld [tilespmem:s15+$0x120]  }
0x8e: {  	v49 =	vmul.f32 v49, v41;
	v35 =	vadd.f32 v51, v35;
	v51 =	vld [tilespmem:s15+$0x130]  }
0x8f: {  	v37 =	vadd.f32 v44, v37;
	v44 =	vmul.f32 v50, v41;
	v50 =	vld [tilespmem:s15+$0x1A0]  }
0x90: {  	v39 =	vadd.f32 v52, v39;
	v35 =	vadd.f32 v49, v35;
	v49 =	vld [tilespmem:s15+$0x1B0]  }
0x91: {  	v56 =	vmul.f32 v56, v41;
	v36 =	vadd.f32 v53, v36;
	v52 =	vmul.f32 v55, v41;
	[tilespmem:$0x1FFE0] =	vst v0;
	v0 =	vld [tilespmem:s15+$0xB0]  }
0x92: {  	v39 =	vadd.f32 v44, v39;
	v44 =	vmul.f32 v47, v32;
	v47 =	vmul.f32 v48, v32;
	v48 =	vld [tilespmem:s15+$0x220]  }
0x93: {  	v57 =	vmul.f32 v57, v32;
	v36 =	vadd.f32 v52, v36;
	v52 =	vld [tilespmem:s15+$0x230]  }
0x94: {  	v37 =	vadd.f32 v56, v37;
	v56 =	vmul.f32 v58, v32;
	v58 =	vmul.f32 v46, v31;
	v46 =	vld [tilespmem:s15+$0x2B0]  }
0x95: {  	v38 =	vmul.f32 v38, v25;
	v35 =	vadd.f32 v44, v35;
	v44 =	vld [tilespmem:s15+$0x2A0]  }
0x96: {  	v59 =	vmul.f32 v59, v31;
	v39 =	vadd.f32 v47, v39;
	v36 =	vadd.f32 v57, v36;
	[tilespmem:$0x1FFF0] =	vst v0;
	v0 =	vld [tilespmem:$0x1FF70]  }
0x97: {  	v57 =	vmul.f32 v45, v31;
	v32 =	vadd.f32 v56, v37;
	v31 =	vmul.f32 v60, v31;
	v47 =	vld [tilespmem:s15+$0x320]  }
0x98: {  	v53 =	vmul.f32 v43, v28;
	v60 =	vmul.f32 v42, v28;
	v42 =	vld [tilespmem:s15+$0x330]  }
0x99: {  	s16 =	simm.s32 $0x0;
	v55 =	vmul.f32 v61, v28;
	v28 =	vmul.f32 v62, v28;
	v56 =	vld [tilespmem:s15+$0x3B0];
	v31 =	vadd.f32 v31, v32  }
0x9a: {  	v35 =	vadd.f32 v57, v35;
	v39 =	vadd.f32 v58, v39;
	v32 =	vld [tilespmem:s15+$0x3A0];
	v57 =	vmul.f32 v40, v25;
	[tilespmem:s16], [sflag:$0x1] =	stream.linear.gather [hbm4b:s5+s16], $0x8000, $0x38  }
0x9b: {  	v58 =	vmul.f32 v63, v25;
	_ =	swait.ge [sflag:s12], $0x8000;
	v0 =	vmul.f32 v0, v25;
	v25 =	vadd.f32 v28, v31  }
0x9c: {  	v61 =	vld [tilespmem:$0x1FF80]  }
0x9d: {  	v0 =	vadd.f32 v0, v25;
	v25 =	vld [tilespmem:$0x1FF90]  }
0x9e: {  	v35 =	vadd.f32 v60, v35  }
0x9f: {  	v37 =	vadd.f32 v53, v39  }
0xa0: {  	v36 =	vadd.f32 v59, v36;
	v59 =	vadd.f32 v38, v35  }
0xa1: {  	v60 =	vadd.f32 v57, v37;
	v28 =	vmul.f32 v33, v22;
	v31 =	vmul.f32 v34, v22  }
0xa2: {  	v35 =	vmul.f32 v61, v22;
	v22 =	vmul.f32 v25, v22  }
0xa3: {  	v25 =	vadd.f32 v28, v59;
	v28 =	vadd.f32 v31, v60;
	v31 =	vld [tilespmem:$0x1FFA0]  }
0xa4: {  	v0 =	vadd.f32 v22, v0;
	v22 =	vld [tilespmem:$0x1FFB0];
	_ =	sdelay $0x4  }
0xa5: {  	v31 =	vmul.f32 v31, v19;
	v19 =	vmul.f32 v22, v19  }
0xa6: {  	v25 =	vadd.f32 v29, v25;
	v29 =	vld [tilespmem:$0x1FFC0]  }
0xa7: {  	v0 =	vadd.f32 v19, v0;
	v19 =	vld [tilespmem:$0x1FFD0];
	_ =	sdelay $0x2  }
0xa8: {  	v36 =	vadd.f32 v55, v36;
	[sflag:s12] =	ssyncset.done $0x0  }
0xa9: {  	s15 =	simm.s32 $0x400;
	[sflag:s12] =	ssyncadd.s32 $0xFFFF8000;
	v28 =	vadd.f32 v30, v28  }
0xaa: {  	v36 =	vadd.f32 v58, v36;
	v37 =	vld [tilespmem:s15+$0x380];
	v29 =	vmul.f32 v29, v17;
	v17 =	vmul.f32 v19, v17  }
0xab: {  	v25 =	vadd.f32 v26, v25;
	v26 =	vadd.f32 v27, v28;
	v27 =	vld [tilespmem:$0x1FFE0]  }
0xac: {  	v62 =	vadd.f32 v35, v36;
	v0 =	vadd.f32 v17, v0;
	v17 =	vld [tilespmem:$0x1FFF0]  }
0xad: {  	v39 =	vld [tilespmem:s15+$0x390]  }
0xae: {  	v55 =	vld [tilespmem:s15+$0x0];
	v31 =	vadd.f32 v31, v62  }
0xaf: {  	v38 =	vld [tilespmem:s15+$0xFFFFFE80]  }
0xb0: {  	v63 =	vmul.f32 v47, v2;
	v40 =	vld [tilespmem:s15+$0xFFFFFE90];
	v27 =	vmul.f32 v27, v15;
	v28 =	vadd.f32 v29, v31  }
0xb1: {  	v47 =	vmul.f32 v42, v2;
	v42 =	vld [tilespmem:s15+$0xFFFFFE00];
	v15 =	vmul.f32 v17, v15;
	v17 =	vadd.f32 v23, v25  }
0xb2: {  	v43 =	vld [tilespmem:s15+$0xFFFFFE10];
	v23 =	vadd.f32 v24, v26;
	v25 =	vmul.f32 v54, v11;
	v26 =	vadd.f32 v27, v28  }
0xb3: {  	s16 =	sand.u32 $0xF0, s16;
	v45 =	vld [tilespmem:s15+$0xFFFFFD80];
	v0 =	vadd.f32 v15, v0;
	v15 =	vadd.f32 v20, v17  }
0xb4: {  	v53 =	vmul.f32 v56, v1;
	v17 =	vadd.f32 v21, v23;
	v21 =	vadd.f32 v25, v26;
	v26 =	vld [tilespmem:s16+$0x8100]  }
0xb5: {  	v34 =	vld [tilespmem:s15+$0xFFFFFF10];
	v11 =	vmul.f32 v51, v11;
	v20 =	vmul.f32 v50, v7  }
0xb6: {  	v61 =	vld [tilespmem:s15+$0xFFFFFF80];
	v7 =	vmul.f32 v49, v7;
	v23 =	vmul.f32 v48, v6  }
0xb7: {  	v35 =	vld [tilespmem:s15+$0x290];
	v25 =	vmul.f32 v52, v6;
	v52 =	vmul.f32 v32, v1;
	v0 =	vadd.f32 v11, v0  }
0xb8: {  	v36 =	vld [tilespmem:s15+$0x190];
	v11 =	vadd.f32 v18, v15;
	v15 =	vmul.f32 v44, v4;
	v4 =	vmul.f32 v46, v4  }
0xb9: {  	v60 =	vld [tilespmem:s15+$0x10];
	v16 =	vadd.f32 v16, v17;
	v2 =	vadd.f32 v20, v21;
	v6 =	vbroadcast v26, $0xE  }
0xba: {  	v30 =	vld [tilespmem:s15+$0x310];
	v20 =	vadd.f32 v14, v11;
	v1 =	vbroadcast v26, $0xF;
	v11 =	vbroadcast v26, $0xC  }
0xbb: {  	v22 =	vld [tilespmem:s15+$0x300];
	v0 =	vadd.f32 v7, v0;
	v7 =	vbroadcast v26, $0xD;
	v14 =	vbroadcast v26, $0xA  }
0xbc: {  	v62 =	vld [tilespmem:s15+$0xFFFFFF90];
	v16 =	vadd.f32 v13, v16;
	v13 =	vbroadcast v26, $0xB;
	v18 =	vbroadcast v26, $0x8  }
0xbd: {  	v27 =	vld [tilespmem:s15+$0x180];
	v2 =	vadd.f32 v23, v2;
	v17 =	vbroadcast v26, $0x9;
	v23 =	vbroadcast v26, $0x6  }
0xbe: {  	v50 =	vld [tilespmem:s15+$0x110];
	v21 =	vbroadcast v26, $0x7;
	v28 =	vbroadcast v26, $0x4  }
0xbf: {  	v29 =	vld [tilespmem:s15+$0x200];
	v33 =	vbroadcast v26, $0x2;
	v31 =	vbroadcast v26, $0x3  }
0xc0: {  	v19 =	vld [tilespmem:s15+$0x280];
	v44 =	vbroadcast v26, $0x0;
	v41 =	vbroadcast v26, $0x1  }
0xc1: {  	v24 =	vld [tilespmem:s15+$0x210];
	v0 =	vadd.f32 v25, v0;
	v25 =	vbroadcast v26, $0x5;
	v16 =	vadd.f32 v10, v16  }
0xc2: {  	v51 =	vld [tilespmem:s15+$0x80];
	v15 =	vadd.f32 v15, v2;
	v2 =	vmul.f32 v39, v1;
	v10 =	vmul.f32 v22, v6  }
0xc3: {  	v54 =	vld [tilespmem:s15+$0x90];
	v12 =	vadd.f32 v12, v20;
	v20 =	vmul.f32 v27, v13;
	v22 =	vmul.f32 v50, v14  }
0xc4: {  	v49 =	vld [tilespmem:s15+$0x100];
	v27 =	vmul.f32 v60, v18;
	v0 =	vadd.f32 v4, v0;
	v4 =	vmul.f32 v37, v1  }
0xc5: {  	v32 =	vld [tilespmem:s15+$0xFFFFFF00];
	v26 =	vadd.f32 v8, v12;
	v8 =	vmul.f32 v30, v6;
	v12 =	vmul.f32 v19, v7  }
0xc6: {  	v48 =	vld [tilespmem:s15+$0xFFFFFD10];
	v30 =	vadd.f32 v9, v16;
	v9 =	vmul.f32 v35, v7;
	v16 =	vmul.f32 v29, v11  }
0xc7: {  	v46 =	vld [tilespmem:s15+$0xFFFFFD90];
	v63 =	vadd.f32 v63, v15;
	v15 =	vmul.f32 v24, v11;
	v19 =	vmul.f32 v36, v13  }
0xc8: {  	v50 =	vld [tilespmem:s15+$0xFFFFFC90];
	v24 =	vmul.f32 v54, v17;
	v29 =	vmul.f32 v61, v21  }
0xc9: {  	v0 =	vadd.f32 v47, v0;
	v47 =	vld [tilespmem:s15+$0xFFFFFD00];
	v35 =	vadd.f32 v5, v26;
	v5 =	vmul.f32 v49, v14  }
0xca: {  	v36 =	vadd.f32 v3, v30;
	v49 =	vld [tilespmem:s15+$0xFFFFFC80];
	v3 =	vmul.f32 v51, v17;
	v37 =	vadd.f32 v52, v63  }
0xcb: {  	s16 =	simm.s32 $0x10;
	v26 =	vmul.f32 v55, v18;
	v51 =	vld [tilespmem:s15+$0xFFFFFC00];
	v30 =	vmul.f32 v62, v21;
	v39 =	vadd.f32 v53, v0  }
.LBB2_4:
0xcc: {  	p0 =	sne.s32 s16, $0xF0;
	v0 =	vld [tilespmem:s15+$0xFFFFFC10];
	v32 =	vmul.f32 v32, v23;
	v34 =	vmul.f32 v34, v23  }
0xcd: {  	v38 =	vmul.f32 v38, v25;
	v40 =	vmul.f32 v40, v25;
	v52 =	vld [tilespmem:s15+$0xFFFFFC20]  }
0xce: {  	v42 =	vmul.f32 v42, v28;
	v43 =	vmul.f32 v43, v28;
	v53 =	vld [tilespmem:s15+$0xFFFFFC30]  }
0xcf: {  	v45 =	vmul.f32 v45, v31;
	v46 =	vmul.f32 v46, v31;
	v54 =	vld [tilespmem:s15+$0xFFFFFCA0]  }
0xd0: {  	v47 =	vmul.f32 v47, v33;
	v48 =	vmul.f32 v48, v33;
	v55 =	vld [tilespmem:s15+$0xFFFFFCB0]  }
0xd1: {  	v49 =	vmul.f32 v49, v41;
	v50 =	vmul.f32 v50, v41;
	v56 =	vld [tilespmem:s15+$0xFFFFFD20]  }
0xd2: {  	v51 =	vmul.f32 v51, v44;
	v0 =	vmul.f32 v0, v44;
	v57 =	vld [tilespmem:s15+$0xFFFFFD30]  }
0xd3: {  	v52 =	vmul.f32 v52, v44;
	v44 =	vmul.f32 v53, v44;
	v53 =	vld [tilespmem:s15+$0xFFFFFDA0]  }
0xd4: {  	v35 =	vadd.f32 v51, v35;
	v0 =	vadd.f32 v0, v36;
	v36 =	vmul.f32 v54, v41;
	v51 =	vld [tilespmem:s15+$0xFFFFFDB0]  }
0xd5: {  	v37 =	vadd.f32 v52, v37;
	v39 =	vadd.f32 v44, v39;
	v41 =	vmul.f32 v55, v41;
	v44 =	vld [tilespmem:s15+$0xFFFFFE20]  }
0xd6: {  	v35 =	vadd.f32 v49, v35;
	v0 =	vadd.f32 v50, v0;
	v49 =	vmul.f32 v56, v33;
	v50 =	vld [tilespmem:s15+$0xFFFFFE30]  }
0xd7: {  	v36 =	vadd.f32 v36, v37;
	v37 =	vadd.f32 v41, v39;
	v33 =	vmul.f32 v57, v33;
	v39 =	vld [tilespmem:s15+$0xFFFFFEA0]  }
0xd8: {  	v35 =	vadd.f32 v47, v35;
	v0 =	vadd.f32 v48, v0;
	v41 =	vmul.f32 v53, v31;
	v47 =	vld [tilespmem:s15+$0xFFFFFEB0]  }
0xd9: {  	v36 =	vadd.f32 v49, v36;
	v33 =	vadd.f32 v33, v37;
	v31 =	vmul.f32 v51, v31;
	v37 =	vld [tilespmem:s15+$0xFFFFFF20]  }
0xda: {  	v35 =	vadd.f32 v45, v35;
	v0 =	vadd.f32 v46, v0;
	v44 =	vmul.f32 v44, v28;
	v45 =	vld [tilespmem:s15+$0xFFFFFF30]  }
0xdb: {  	v36 =	vadd.f32 v41, v36;
	v31 =	vadd.f32 v31, v33;
	v28 =	vmul.f32 v50, v28;
	v33 =	vld [tilespmem:s15+$0xFFFFFFA0]  }
0xdc: {  	v35 =	vadd.f32 v42, v35;
	v0 =	vadd.f32 v43, v0;
	v39 =	vmul.f32 v39, v25;
	v41 =	vld [tilespmem:s15+$0xFFFFFFB0]  }
0xdd: {  	v36 =	vadd.f32 v44, v36;
	v28 =	vadd.f32 v28, v31;
	v25 =	vmul.f32 v47, v25;
	v31 =	vld [tilespmem:s15+$0x20]  }
0xde: {  	v35 =	vadd.f32 v38, v35;
	v0 =	vadd.f32 v40, v0;
	v37 =	vmul.f32 v37, v23;
	v38 =	vld [tilespmem:s15+$0x30]  }
0xdf: {  	v36 =	vadd.f32 v39, v36;
	v25 =	vadd.f32 v25, v28;
	v23 =	vmul.f32 v45, v23;
	v28 =	vld [tilespmem:s15+$0xA0]  }
0xe0: {  	v32 =	vadd.f32 v32, v35;
	v0 =	vadd.f32 v34, v0;
	v33 =	vmul.f32 v33, v21;
	v34 =	vld [tilespmem:s15+$0xB0]  }
0xe1: {  	v35 =	vadd.f32 v37, v36;
	v23 =	vadd.f32 v23, v25;
	v21 =	vmul.f32 v41, v21;
	v25 =	vld [tilespmem:s15+$0x120]  }
0xe2: {  	v29 =	vadd.f32 v29, v32;
	v0 =	vadd.f32 v30, v0;
	v30 =	vmul.f32 v31, v18;
	v31 =	vld [tilespmem:s15+$0x130]  }
0xe3: {  	v32 =	vadd.f32 v33, v35;
	v21 =	vadd.f32 v21, v23;
	v18 =	vmul.f32 v38, v18;
	v23 =	vld [tilespmem:s15+$0x1A0]  }
0xe4: {  	v26 =	vadd.f32 v26, v29;
	v0 =	vadd.f32 v27, v0;
	v27 =	vmul.f32 v28, v17;
	v28 =	vld [tilespmem:s15+$0x1B0]  }
0xe5: {  	v29 =	vadd.f32 v30, v32;
	v18 =	vadd.f32 v18, v21;
	v17 =	vmul.f32 v34, v17;
	v21 =	vld [tilespmem:s15+$0x220]  }
0xe6: {  	v3 =	vadd.f32 v3, v26;
	v0 =	vadd.f32 v24, v0;
	v24 =	vmul.f32 v25, v14;
	v25 =	vld [tilespmem:s15+$0x230]  }
0xe7: {  	v26 =	vadd.f32 v27, v29;
	v17 =	vadd.f32 v17, v18;
	v14 =	vmul.f32 v31, v14;
	v18 =	vld [tilespmem:s15+$0x2A0]  }
0xe8: {  	v3 =	vadd.f32 v5, v3;
	v0 =	vadd.f32 v22, v0;
	v5 =	vmul.f32 v23, v13;
	v22 =	vld [tilespmem:s15+$0x2B0]  }
0xe9: {  	v23 =	vadd.f32 v24, v26;
	v14 =	vadd.f32 v14, v17;
	v13 =	vmul.f32 v28, v13;
	v17 =	vld [tilespmem:s15+$0x320]  }
0xea: {  	v3 =	vadd.f32 v20, v3;
	v0 =	vadd.f32 v19, v0;
	v19 =	vmul.f32 v21, v11;
	v20 =	vld [tilespmem:s15+$0x330]  }
0xeb: {  	v5 =	vadd.f32 v5, v23;
	v13 =	vadd.f32 v13, v14;
	v11 =	vmul.f32 v25, v11;
	v14 =	vld [tilespmem:s15+$0x3A0]  }
0xec: {  	v3 =	vadd.f32 v16, v3;
	v0 =	vadd.f32 v15, v0;
	v15 =	vmul.f32 v18, v7;
	v16 =	vld [tilespmem:s15+$0x3B0];
	s15 =	sadd.s32 $0x800, s15  }
0xed: {  	v5 =	vadd.f32 v19, v5;
	v24 =	vld [tilespmem:s15+$0x380];
	v11 =	vadd.f32 v11, v13;
	v7 =	vmul.f32 v22, v7  }
0xee: {  	v3 =	vadd.f32 v12, v3;
	v0 =	vadd.f32 v9, v0;
	v19 =	vld [tilespmem:s15+$0x390];
	v9 =	vmul.f32 v17, v6  }
0xef: {  	v5 =	vadd.f32 v15, v5;
	v12 =	vld [tilespmem:s15+$0x300];
	v7 =	vadd.f32 v7, v11;
	v6 =	vmul.f32 v20, v6  }
0xf0: {  	v3 =	vadd.f32 v10, v3;
	v0 =	vadd.f32 v8, v0;
	v15 =	vld [tilespmem:s15+$0x310];
	v8 =	vmul.f32 v14, v1  }
0xf1: {  	v5 =	vadd.f32 v9, v5;
	v20 =	vld [tilespmem:s15+$0x280];
	v6 =	vadd.f32 v6, v7;
	v1 =	vmul.f32 v16, v1  }
0xf2: {  	v35 =	vadd.f32 v4, v3;
	v36 =	vadd.f32 v2, v0;
	v9 =	vld [tilespmem:s15+$0x290]  }
0xf3: {  	v37 =	vadd.f32 v8, v5;
	v0 =	vld [tilespmem:s15+$0x200];
	v39 =	vadd.f32 v1, v6  }
0xf4: {  	v3 =	vld [tilespmem:s15+$0x210]  }
0xf5: {  	v5 =	vld [tilespmem:s15+$0x180]  }
0xf6: {  	s17 =	sand.u32 $0xF0, s16;
	v22 =	vld [tilespmem:s15+$0x190]  }
0xf7: {  	v2 =	vld [tilespmem:s17+$0x8100]  }
0xf8: {  	v26 =	vld [tilespmem:s15+$0x100]  }
0xf9: {  	v27 =	vld [tilespmem:s15+$0x110]  }
0xfa: {  	v29 =	vld [tilespmem:s15+$0x80]  }
0xfb: {  	v30 =	vld [tilespmem:s15+$0x90]  }
0xfc: {  	v51 =	vld [tilespmem:s15+$0x0];
	v6 =	vbroadcast v2, $0xE;
	v1 =	vbroadcast v2, $0xF  }
0xfd: {  	v11 =	vbroadcast v2, $0xC;
	v7 =	vbroadcast v2, $0xD;
	v52 =	vld [tilespmem:s15+$0x10]  }
0xfe: {  	v14 =	vbroadcast v2, $0xA;
	v13 =	vbroadcast v2, $0xB;
	v53 =	vld [tilespmem:s15+$0xFFFFFF80]  }
0xff: {  	v18 =	vbroadcast v2, $0x8;
	v17 =	vbroadcast v2, $0x9;
	v54 =	vld [tilespmem:s15+$0xFFFFFF90]  }
0x100: {  	v23 =	vbroadcast v2, $0x6;
	v21 =	vbroadcast v2, $0x7;
	v32 =	vld [tilespmem:s15+$0xFFFFFF00]  }
0x101: {  	v28 =	vbroadcast v2, $0x4;
	v25 =	vbroadcast v2, $0x5;
	v34 =	vld [tilespmem:s15+$0xFFFFFF10]  }
0x102: {  	v33 =	vbroadcast v2, $0x2;
	v31 =	vbroadcast v2, $0x3;
	v38 =	vld [tilespmem:s15+$0xFFFFFE80]  }
0x103: {  	v44 =	vbroadcast v2, $0x0;
	v41 =	vbroadcast v2, $0x1;
	v40 =	vld [tilespmem:s15+$0xFFFFFE90]  }
0x104: {  	v4 =	vmul.f32 v24, v1;
	v2 =	vmul.f32 v19, v1;
	v42 =	vld [tilespmem:s15+$0xFFFFFE00]  }
0x105: {  	v10 =	vmul.f32 v12, v6;
	v8 =	vmul.f32 v15, v6;
	v43 =	vld [tilespmem:s15+$0xFFFFFE10]  }
0x106: {  	v12 =	vmul.f32 v20, v7;
	v9 =	vmul.f32 v9, v7;
	v45 =	vld [tilespmem:s15+$0xFFFFFD80]  }
0x107: {  	v16 =	vmul.f32 v0, v11;
	v15 =	vmul.f32 v3, v11;
	v46 =	vld [tilespmem:s15+$0xFFFFFD90]  }
.Ltmp1:
0x108: {  	v20 =	vmul.f32 v5, v13;
	v19 =	vmul.f32 v22, v13;
	v47 =	vld [tilespmem:s15+$0xFFFFFD00];
	(pc) =	sbr.rel @p0 .LBB2_4-.Ltmp1, $4  }
0x109: {  	v5 =	vmul.f32 v26, v14;
	v22 =	vmul.f32 v27, v14;
	v48 =	vld [tilespmem:s15+$0xFFFFFD10]  }
0x10a: {  	v3 =	vmul.f32 v29, v17;
	v24 =	vmul.f32 v30, v17;
	v49 =	vld [tilespmem:s15+$0xFFFFFC80]  }
0x10b: {  	v26 =	vmul.f32 v51, v18;
	v27 =	vmul.f32 v52, v18;
	v50 =	vld [tilespmem:s15+$0xFFFFFC90]  }
0x10c: {  	s16 =	sadd.s32 $0x10, s16;
	v29 =	vmul.f32 v53, v21;
	v30 =	vmul.f32 v54, v21;
	v51 =	vld [tilespmem:s15+$0xFFFFFC00]  }
0x10d: {  	v62 =	vld [tilespmem:s15+$0xFFFFFEA0];
	_ =	sdelay $0x4  }
0x10e: {  	[tilespmem:$0x1FEE0] =	vst v62;
	v62 =	vld [tilespmem:s15+$0xFFFFFF20];
	_ =	sdelay $0x4  }
0x10f: {  	[tilespmem:$0x1FEF0] =	vst v62;
	v62 =	vld [tilespmem:s15+$0xFFFFFF30];
	_ =	sdelay $0x4  }
0x110: {  	[tilespmem:$0x1FF00] =	vst v62;
	v62 =	vld [tilespmem:s15+$0xFFFFFFA0];
	_ =	sdelay $0x4  }
0x111: {  	[tilespmem:$0x1FF10] =	vst v62;
	v62 =	vld [tilespmem:s15+$0xFFFFFFB0];
	_ =	sdelay $0x4  }
0x112: {  	[tilespmem:$0x1FF20] =	vst v62;
	v62 =	vld [tilespmem:s15+$0x20];
	_ =	sdelay $0x4  }
0x113: {  	[tilespmem:$0x1FF30] =	vst v62;
	v62 =	vld [tilespmem:s15+$0x30]  }
0x114: {  	v0 =	vld [tilespmem:s15+$0xFFFFFC10]  }
0x115: {  	v52 =	vld [tilespmem:s15+$0xFFFFFC20]  }
0x116: {  	v53 =	vld [tilespmem:s15+$0xFFFFFC30]  }
0x117: {  	v54 =	vld [tilespmem:s15+$0xFFFFFCA0]  }
0x118: {  	[tilespmem:$0x1FF40] =	vst v62;
	v62 =	vld [tilespmem:s15+$0xA0]  }
0x119: {  	v55 =	vld [tilespmem:s15+$0xFFFFFCB0]  }
0x11a: {  	v56 =	vld [tilespmem:s15+$0xFFFFFD20]  }
0x11b: {  	v57 =	vld [tilespmem:s15+$0xFFFFFD30]  }
0x11c: {  	v58 =	vld [tilespmem:s15+$0xFFFFFDA0]  }
0x11d: {  	[tilespmem:$0x1FF50] =	vst v62;
	v62 =	vld [tilespmem:s15+$0xB0]  }
0x11e: {  	v59 =	vld [tilespmem:s15+$0xFFFFFDB0]  }
0x11f: {  	v60 =	vld [tilespmem:s15+$0xFFFFFE20];
	v51 =	vmul.f32 v51, v44;
	v52 =	vmul.f32 v52, v44  }
0x120: {  	v61 =	vld [tilespmem:s15+$0xFFFFFE30];
	v0 =	vmul.f32 v0, v44  }
0x121: {  	v63 =	vld [tilespmem:s15+$0xFFFFFEB0];
	v54 =	vmul.f32 v54, v41;
	v35 =	vadd.f32 v51, v35;
	v37 =	vadd.f32 v52, v37  }
0x122: {  	v51 =	vld [tilespmem:s15+$0x230];
	v0 =	vadd.f32 v0, v36;
	v36 =	vmul.f32 v49, v41;
	[tilespmem:$0x1FF60] =	vst v62;
	v62 =	vmul.f32 v53, v44  }
0x123: {  	v49 =	vld [tilespmem:s15+$0x130];
	v37 =	vadd.f32 v54, v37;
	v54 =	vmul.f32 v56, v33  }
0x124: {  	v35 =	vadd.f32 v36, v35;
	v36 =	vld [tilespmem:s15+$0x1B0];
	v39 =	vadd.f32 v62, v39;
	v62 =	vmul.f32 v50, v41  }
0x125: {  	v55 =	vmul.f32 v55, v41;
	v37 =	vadd.f32 v54, v37;
	v54 =	vld [tilespmem:s15+$0x330]  }
0x126: {  	v53 =	vld [tilespmem:s15+$0x120];
	v0 =	vadd.f32 v62, v0;
	v62 =	vmul.f32 v48, v33  }
0x127: {  	v44 =	vmul.f32 v47, v33;
	v47 =	vld [tilespmem:s15+$0x320];
	v39 =	vadd.f32 v55, v39  }
0x128: {  	v50 =	vld [tilespmem:s15+$0x1A0];
	v55 =	vmul.f32 v57, v33;
	v57 =	vmul.f32 v46, v31;
	v0 =	vadd.f32 v62, v0  }
0x129: {  	v35 =	vadd.f32 v44, v35;
	v44 =	vld [tilespmem:s15+$0x2A0]  }
0x12a: {  	v56 =	vmul.f32 v45, v31;
	v0 =	vadd.f32 v57, v0;
	v57 =	vmul.f32 v60, v28;
	v60 =	vld [tilespmem:$0x1FEE0]  }
0x12b: {  	v48 =	vld [tilespmem:s15+$0x220];
	v33 =	vadd.f32 v55, v39;
	v62 =	vmul.f32 v58, v31;
	v31 =	vmul.f32 v59, v31  }
0x12c: {  	v52 =	vmul.f32 v42, v28;
	v46 =	vld [tilespmem:s15+$0x2B0];
	v35 =	vadd.f32 v56, v35  }
0x12d: {  	s16 =	simm.s32 $0x0;
	v56 =	vld [tilespmem:s15+$0x3A0];
	v55 =	vmul.f32 v43, v28;
	v31 =	vadd.f32 v31, v33;
	v28 =	vmul.f32 v61, v28  }
0x12e: {  	v38 =	vmul.f32 v38, v25;
	v58 =	vld [tilespmem:s15+$0x3B0];
	v59 =	vmul.f32 v40, v25;
	[tilespmem:s16], [sflag:$0x1] =	stream.linear.gather [hbm4b:s6+s16], $0x8000, $0x38  }
0x12f: {  	_ =	swait.ge [sflag:s12], $0x8000;
	v28 =	vadd.f32 v28, v31;
	v40 =	vmul.f32 v60, v25;
	v25 =	vmul.f32 v63, v25  }
0x130: {  	v63 =	vld [tilespmem:$0x1FEF0]  }
0x131: {  	v25 =	vadd.f32 v25, v28;
	v28 =	vld [tilespmem:$0x1FF00];
	_ =	sdelay $0x1  }
0x132: {  	v35 =	vadd.f32 v52, v35  }
0x133: {  	v37 =	vadd.f32 v62, v37;
	v61 =	vmul.f32 v34, v23  }
0x134: {  	v62 =	vadd.f32 v38, v35;
	v0 =	vadd.f32 v55, v0;
	v31 =	vmul.f32 v32, v23  }
0x135: {  	v35 =	vmul.f32 v63, v23;
	v23 =	vmul.f32 v28, v23  }
0x136: {  	[sflag:s12] =	ssyncset.done $0x0;
	v0 =	vadd.f32 v59, v0;
	v28 =	vadd.f32 v31, v62;
	v31 =	vld [tilespmem:$0x1FF10]  }
0x137: {  	s15 =	simm.s32 $0x400;
	[sflag:s12] =	ssyncadd.s32 $0xFFFF8000;
	v23 =	vadd.f32 v23, v25;
	v25 =	vld [tilespmem:$0x1FF20]  }
0x138: {  	v39 =	vld [tilespmem:s15+$0x380];
	v0 =	vadd.f32 v61, v0  }
0x139: {  	v37 =	vadd.f32 v57, v37;
	v43 =	vld [tilespmem:s15+$0x390]  }
0x13a: {  	v55 =	vld [tilespmem:s15+$0x0];
	v0 =	vadd.f32 v30, v0  }
0x13b: {  	s16 =	sand.u32 $0xF0, s16;
	v32 =	vld [tilespmem:s15+$0xFFFFFF00];
	v37 =	vadd.f32 v40, v37  }
0x13c: {  	v40 =	vld [tilespmem:s16+$0x8200];
	v0 =	vadd.f32 v27, v0;
	v31 =	vmul.f32 v31, v21;
	v21 =	vmul.f32 v25, v21  }
0x13d: {  	v25 =	vadd.f32 v29, v28;
	v28 =	vld [tilespmem:$0x1FF30]  }
0x13e: {  	v0 =	vadd.f32 v24, v0;
	v21 =	vadd.f32 v21, v23;
	v23 =	vld [tilespmem:$0x1FF40]  }
0x13f: {  	v34 =	vld [tilespmem:s15+$0xFFFFFF10]  }
0x140: {  	v52 =	vmul.f32 v56, v1;
	v42 =	vld [tilespmem:s15+$0xFFFFFE00];
	v63 =	vmul.f32 v46, v7;
	v0 =	vadd.f32 v22, v0  }
0x141: {  	v38 =	vadd.f32 v35, v37;
	v33 =	vbroadcast v40, $0x2;
	v41 =	vbroadcast v40, $0x1;
	v29 =	vld [tilespmem:s15+$0x310]  }
0x142: {  	v45 =	vld [tilespmem:s15+$0xFFFFFD80];
	v0 =	vadd.f32 v19, v0;
	v19 =	vmul.f32 v47, v6;
	v47 =	vmul.f32 v54, v6  }
0x143: {  	v28 =	vmul.f32 v28, v18;
	v18 =	vmul.f32 v23, v18;
	v23 =	vadd.f32 v26, v25;
	v25 =	vld [tilespmem:$0x1FF50]  }
0x144: {  	v60 =	vld [tilespmem:s15+$0x10];
	v6 =	vbroadcast v40, $0xE;
	v0 =	vadd.f32 v15, v0;
	v30 =	vadd.f32 v31, v38  }
0x145: {  	v31 =	vbroadcast v40, $0x3;
	v18 =	vadd.f32 v18, v21;
	v21 =	vld [tilespmem:$0x1FF60];
	v3 =	vadd.f32 v3, v23  }
0x146: {  	v61 =	vld [tilespmem:s15+$0xFFFFFF80];
	v0 =	vadd.f32 v9, v0;
	v9 =	vmul.f32 v29, v6;
	v27 =	vadd.f32 v28, v30  }
0x147: {  	v46 =	vld [tilespmem:s15+$0xFFFFFD90];
	v28 =	vbroadcast v40, $0x4;
	v3 =	vadd.f32 v5, v3;
	v5 =	vmul.f32 v50, v13  }
0x148: {  	v35 =	vld [tilespmem:s15+$0x300];
	v0 =	vadd.f32 v8, v0;
	v13 =	vmul.f32 v36, v13;
	v25 =	vmul.f32 v25, v17  }
0x149: {  	v26 =	vld [tilespmem:s15+$0x290];
	v3 =	vadd.f32 v20, v3;
	v20 =	vmul.f32 v44, v7;
	v7 =	vbroadcast v40, $0xD  }
0x14a: {  	v37 =	vld [tilespmem:s15+$0x280];
	v36 =	vadd.f32 v2, v0;
	v44 =	vbroadcast v40, $0x0;
	v17 =	vmul.f32 v21, v17  }
0x14b: {  	v24 =	vld [tilespmem:s15+$0x210];
	v21 =	vmul.f32 v53, v14;
	v23 =	vadd.f32 v25, v27;
	v14 =	vmul.f32 v49, v14  }
0x14c: {  	v62 =	vld [tilespmem:s15+$0xFFFFFF90];
	v53 =	vmul.f32 v58, v1;
	v1 =	vbroadcast v40, $0xF;
	v17 =	vadd.f32 v17, v18  }
0x14d: {  	v22 =	vld [tilespmem:s15+$0x190];
	v25 =	vbroadcast v40, $0x5;
	v3 =	vadd.f32 v16, v3;
	v18 =	vadd.f32 v21, v23  }
0x14e: {  	v54 =	vld [tilespmem:s15+$0x90];
	v8 =	vmul.f32 v26, v7;
	v21 =	vmul.f32 v51, v11;
	v14 =	vadd.f32 v14, v17  }
0x14f: {  	v51 =	vld [tilespmem:s15+$0x80];
	v12 =	vadd.f32 v12, v3;
	v17 =	vmul.f32 v48, v11;
	v5 =	vadd.f32 v5, v18  }
0x150: {  	v38 =	vld [tilespmem:s15+$0xFFFFFE80];
	v3 =	vmul.f32 v43, v1;
	v11 =	vbroadcast v40, $0xC;
	v23 =	vadd.f32 v13, v14  }
0x151: {  	v30 =	vld [tilespmem:s15+$0x200];
	v18 =	vbroadcast v40, $0x8;
	v14 =	vbroadcast v40, $0xA;
	v5 =	vadd.f32 v17, v5  }
0x152: {  	v50 =	vld [tilespmem:s15+$0x110];
	v13 =	vbroadcast v40, $0xB;
	v17 =	vbroadcast v40, $0x9;
	v15 =	vadd.f32 v21, v23  }
0x153: {  	v27 =	vld [tilespmem:s15+$0x180];
	v23 =	vbroadcast v40, $0x6;
	v21 =	vbroadcast v40, $0x7;
	v16 =	vadd.f32 v20, v5  }
0x154: {  	v49 =	vld [tilespmem:s15+$0x100];
	v5 =	vmul.f32 v39, v1;
	v2 =	vmul.f32 v51, v17;
	v20 =	vadd.f32 v63, v15  }
0x155: {  	v43 =	vld [tilespmem:s15+$0xFFFFFE10];
	v63 =	vadd.f32 v10, v12;
	v10 =	vmul.f32 v35, v6;
	v12 =	vmul.f32 v37, v7  }
0x156: {  	v48 =	vld [tilespmem:s15+$0xFFFFFD10];
	v26 =	vadd.f32 v19, v16;
	v16 =	vmul.f32 v30, v11;
	v15 =	vmul.f32 v24, v11  }
0x157: {  	v40 =	vld [tilespmem:s15+$0xFFFFFE90];
	v19 =	vmul.f32 v22, v13;
	v22 =	vmul.f32 v50, v14  }
0x158: {  	v51 =	vld [tilespmem:s15+$0xFFFFFC00];
	v24 =	vmul.f32 v54, v17;
	v30 =	vmul.f32 v62, v21  }
0x159: {  	v50 =	vld [tilespmem:s15+$0xFFFFFC90];
	v29 =	vadd.f32 v47, v20;
	v20 =	vmul.f32 v27, v13;
	v35 =	vadd.f32 v4, v63  }
0x15a: {  	v47 =	vld [tilespmem:s15+$0xFFFFFD00];
	v4 =	vmul.f32 v49, v14;
	v37 =	vadd.f32 v52, v26;
	v26 =	vmul.f32 v55, v18  }
0x15b: {  	s16 =	simm.s32 $0x10;
	v49 =	vld [tilespmem:s15+$0xFFFFFC80];
	v27 =	vmul.f32 v60, v18;
	v39 =	vadd.f32 v53, v29;
	v29 =	vmul.f32 v61, v21  }
.LBB2_6:
0x15c: {  	p0 =	sne.s32 s16, $0xF0;
	v0 =	vld [tilespmem:s15+$0xFFFFFC10];
	v32 =	vmul.f32 v32, v23;
	v34 =	vmul.f32 v34, v23  }
0x15d: {  	v38 =	vmul.f32 v38, v25;
	v40 =	vmul.f32 v40, v25;
	v52 =	vld [tilespmem:s15+$0xFFFFFC20]  }
0x15e: {  	v42 =	vmul.f32 v42, v28;
	v43 =	vmul.f32 v43, v28;
	v53 =	vld [tilespmem:s15+$0xFFFFFC30]  }
0x15f: {  	v45 =	vmul.f32 v45, v31;
	v46 =	vmul.f32 v46, v31;
	v54 =	vld [tilespmem:s15+$0xFFFFFCA0]  }
0x160: {  	v47 =	vmul.f32 v47, v33;
	v48 =	vmul.f32 v48, v33;
	v55 =	vld [tilespmem:s15+$0xFFFFFCB0]  }
0x161: {  	v49 =	vmul.f32 v49, v41;
	v50 =	vmul.f32 v50, v41;
	v56 =	vld [tilespmem:s15+$0xFFFFFD20]  }
0x162: {  	v51 =	vmul.f32 v51, v44;
	v0 =	vmul.f32 v0, v44;
	v57 =	vld [tilespmem:s15+$0xFFFFFD30]  }
0x163: {  	v52 =	vmul.f32 v52, v44;
	v44 =	vmul.f32 v53, v44;
	v53 =	vld [tilespmem:s15+$0xFFFFFDA0]  }
0x164: {  	v35 =	vadd.f32 v51, v35;
	v0 =	vadd.f32 v0, v36;
	v36 =	vmul.f32 v54, v41;
	v51 =	vld [tilespmem:s15+$0xFFFFFDB0]  }
0x165: {  	v37 =	vadd.f32 v52, v37;
	v39 =	vadd.f32 v44, v39;
	v41 =	vmul.f32 v55, v41;
	v44 =	vld [tilespmem:s15+$0xFFFFFE20]  }
0x166: {  	v35 =	vadd.f32 v49, v35;
	v0 =	vadd.f32 v50, v0;
	v49 =	vmul.f32 v56, v33;
	v50 =	vld [tilespmem:s15+$0xFFFFFE30]  }
0x167: {  	v36 =	vadd.f32 v36, v37;
	v37 =	vadd.f32 v41, v39;
	v33 =	vmul.f32 v57, v33;
	v39 =	vld [tilespmem:s15+$0xFFFFFEA0]  }
0x168: {  	v35 =	vadd.f32 v47, v35;
	v0 =	vadd.f32 v48, v0;
	v41 =	vmul.f32 v53, v31;
	v47 =	vld [tilespmem:s15+$0xFFFFFEB0]  }
0x169: {  	v36 =	vadd.f32 v49, v36;
	v33 =	vadd.f32 v33, v37;
	v31 =	vmul.f32 v51, v31;
	v37 =	vld [tilespmem:s15+$0xFFFFFF20]  }
0x16a: {  	v35 =	vadd.f32 v45, v35;
	v0 =	vadd.f32 v46, v0;
	v44 =	vmul.f32 v44, v28;
	v45 =	vld [tilespmem:s15+$0xFFFFFF30]  }
0x16b: {  	v36 =	vadd.f32 v41, v36;
	v31 =	vadd.f32 v31, v33;
	v28 =	vmul.f32 v50, v28;
	v33 =	vld [tilespmem:s15+$0xFFFFFFA0]  }
0x16c: {  	v35 =	vadd.f32 v42, v35;
	v0 =	vadd.f32 v43, v0;
	v39 =	vmul.f32 v39, v25;
	v41 =	vld [tilespmem:s15+$0xFFFFFFB0]  }
0x16d: {  	v36 =	vadd.f32 v44, v36;
	v28 =	vadd.f32 v28, v31;
	v25 =	vmul.f32 v47, v25;
	v31 =	vld [tilespmem:s15+$0x20]  }
0x16e: {  	v35 =	vadd.f32 v38, v35;
	v0 =	vadd.f32 v40, v0;
	v37 =	vmul.f32 v37, v23;
	v38 =	vld [tilespmem:s15+$0x30]  }
0x16f: {  	v36 =	vadd.f32 v39, v36;
	v25 =	vadd.f32 v25, v28;
	v23 =	vmul.f32 v45, v23;
	v28 =	vld [tilespmem:s15+$0xA0]  }
0x170: {  	v32 =	vadd.f32 v32, v35;
	v0 =	vadd.f32 v34, v0;
	v33 =	vmul.f32 v33, v21;
	v34 =	vld [tilespmem:s15+$0xB0]  }
0x171: {  	v35 =	vadd.f32 v37, v36;
	v23 =	vadd.f32 v23, v25;
	v21 =	vmul.f32 v41, v21;
	v25 =	vld [tilespmem:s15+$0x120]  }
0x172: {  	v29 =	vadd.f32 v29, v32;
	v0 =	vadd.f32 v30, v0;
	v30 =	vmul.f32 v31, v18;
	v31 =	vld [tilespmem:s15+$0x130]  }
0x173: {  	v32 =	vadd.f32 v33, v35;
	v21 =	vadd.f32 v21, v23;
	v18 =	vmul.f32 v38, v18;
	v23 =	vld [tilespmem:s15+$0x1A0]  }
0x174: {  	v26 =	vadd.f32 v26, v29;
	v0 =	vadd.f32 v27, v0;
	v27 =	vmul.f32 v28, v17;
	v28 =	vld [tilespmem:s15+$0x1B0]  }
0x175: {  	v29 =	vadd.f32 v30, v32;
	v18 =	vadd.f32 v18, v21;
	v17 =	vmul.f32 v34, v17;
	v21 =	vld [tilespmem:s15+$0x220]  }
0x176: {  	v2 =	vadd.f32 v2, v26;
	v0 =	vadd.f32 v24, v0;
	v24 =	vmul.f32 v25, v14;
	v25 =	vld [tilespmem:s15+$0x230]  }
0x177: {  	v26 =	vadd.f32 v27, v29;
	v17 =	vadd.f32 v17, v18;
	v14 =	vmul.f32 v31, v14;
	v18 =	vld [tilespmem:s15+$0x2A0]  }
0x178: {  	v2 =	vadd.f32 v4, v2;
	v0 =	vadd.f32 v22, v0;
	v4 =	vmul.f32 v23, v13;
	v22 =	vld [tilespmem:s15+$0x2B0]  }
0x179: {  	v23 =	vadd.f32 v24, v26;
	v14 =	vadd.f32 v14, v17;
	v13 =	vmul.f32 v28, v13;
	v17 =	vld [tilespmem:s15+$0x320]  }
0x17a: {  	v2 =	vadd.f32 v20, v2;
	v0 =	vadd.f32 v19, v0;
	v19 =	vmul.f32 v21, v11;
	v20 =	vld [tilespmem:s15+$0x330]  }
0x17b: {  	v4 =	vadd.f32 v4, v23;
	v13 =	vadd.f32 v13, v14;
	v11 =	vmul.f32 v25, v11;
	v14 =	vld [tilespmem:s15+$0x3A0]  }
0x17c: {  	v2 =	vadd.f32 v16, v2;
	v0 =	vadd.f32 v15, v0;
	v15 =	vmul.f32 v18, v7;
	v16 =	vld [tilespmem:s15+$0x3B0];
	s15 =	sadd.s32 $0x800, s15  }
0x17d: {  	v4 =	vadd.f32 v19, v4;
	v24 =	vld [tilespmem:s15+$0x380];
	v11 =	vadd.f32 v11, v13;
	v7 =	vmul.f32 v22, v7  }
0x17e: {  	v2 =	vadd.f32 v12, v2;
	v0 =	vadd.f32 v8, v0;
	v19 =	vld [tilespmem:s15+$0x390];
	v8 =	vmul.f32 v17, v6  }
0x17f: {  	v4 =	vadd.f32 v15, v4;
	v12 =	vld [tilespmem:s15+$0x300];
	v7 =	vadd.f32 v7, v11;
	v6 =	vmul.f32 v20, v6  }
0x180: {  	v2 =	vadd.f32 v10, v2;
	v0 =	vadd.f32 v9, v0;
	v15 =	vld [tilespmem:s15+$0x310];
	v9 =	vmul.f32 v14, v1  }
0x181: {  	v4 =	vadd.f32 v8, v4;
	v20 =	vld [tilespmem:s15+$0x280];
	v6 =	vadd.f32 v6, v7;
	v1 =	vmul.f32 v16, v1  }
0x182: {  	v35 =	vadd.f32 v5, v2;
	v36 =	vadd.f32 v3, v0;
	v8 =	vld [tilespmem:s15+$0x290]  }
0x183: {  	v37 =	vadd.f32 v9, v4;
	v0 =	vld [tilespmem:s15+$0x200];
	v39 =	vadd.f32 v1, v6  }
0x184: {  	v2 =	vld [tilespmem:s15+$0x210]  }
0x185: {  	v4 =	vld [tilespmem:s15+$0x180]  }
0x186: {  	s17 =	sand.u32 $0xF0, s16;
	v22 =	vld [tilespmem:s15+$0x190]  }
0x187: {  	v3 =	vld [tilespmem:s17+$0x8200]  }
0x188: {  	v26 =	vld [tilespmem:s15+$0x100]  }
0x189: {  	v27 =	vld [tilespmem:s15+$0x110]  }
0x18a: {  	v29 =	vld [tilespmem:s15+$0x80]  }
0x18b: {  	v30 =	vld [tilespmem:s15+$0x90]  }
0x18c: {  	v51 =	vld [tilespmem:s15+$0x0];
	v6 =	vbroadcast v3, $0xE;
	v1 =	vbroadcast v3, $0xF  }
0x18d: {  	v11 =	vbroadcast v3, $0xC;
	v7 =	vbroadcast v3, $0xD;
	v52 =	vld [tilespmem:s15+$0x10]  }
0x18e: {  	v14 =	vbroadcast v3, $0xA;
	v13 =	vbroadcast v3, $0xB;
	v53 =	vld [tilespmem:s15+$0xFFFFFF80]  }
0x18f: {  	v18 =	vbroadcast v3, $0x8;
	v17 =	vbroadcast v3, $0x9;
	v54 =	vld [tilespmem:s15+$0xFFFFFF90]  }
0x190: {  	v23 =	vbroadcast v3, $0x6;
	v21 =	vbroadcast v3, $0x7;
	v32 =	vld [tilespmem:s15+$0xFFFFFF00]  }
0x191: {  	v28 =	vbroadcast v3, $0x4;
	v25 =	vbroadcast v3, $0x5;
	v34 =	vld [tilespmem:s15+$0xFFFFFF10]  }
0x192: {  	v33 =	vbroadcast v3, $0x2;
	v31 =	vbroadcast v3, $0x3;
	v38 =	vld [tilespmem:s15+$0xFFFFFE80]  }
0x193: {  	v44 =	vbroadcast v3, $0x0;
	v41 =	vbroadcast v3, $0x1;
	v40 =	vld [tilespmem:s15+$0xFFFFFE90]  }
0x194: {  	v5 =	vmul.f32 v24, v1;
	v3 =	vmul.f32 v19, v1;
	v42 =	vld [tilespmem:s15+$0xFFFFFE00]  }
0x195: {  	v10 =	vmul.f32 v12, v6;
	v9 =	vmul.f32 v15, v6;
	v43 =	vld [tilespmem:s15+$0xFFFFFE10]  }
0x196: {  	v12 =	vmul.f32 v20, v7;
	v8 =	vmul.f32 v8, v7;
	v45 =	vld [tilespmem:s15+$0xFFFFFD80]  }
0x197: {  	v16 =	vmul.f32 v0, v11;
	v15 =	vmul.f32 v2, v11;
	v46 =	vld [tilespmem:s15+$0xFFFFFD90]  }
.Ltmp2:
0x198: {  	v20 =	vmul.f32 v4, v13;
	v19 =	vmul.f32 v22, v13;
	v47 =	vld [tilespmem:s15+$0xFFFFFD00];
	(pc) =	sbr.rel @p0 .LBB2_6-.Ltmp2, $4  }
0x199: {  	v4 =	vmul.f32 v26, v14;
	v22 =	vmul.f32 v27, v14;
	v48 =	vld [tilespmem:s15+$0xFFFFFD10]  }
0x19a: {  	v2 =	vmul.f32 v29, v17;
	v24 =	vmul.f32 v30, v17;
	v49 =	vld [tilespmem:s15+$0xFFFFFC80]  }
0x19b: {  	v26 =	vmul.f32 v51, v18;
	v27 =	vmul.f32 v52, v18;
	v50 =	vld [tilespmem:s15+$0xFFFFFC90]  }
0x19c: {  	s16 =	sadd.s32 $0x10, s16;
	v29 =	vmul.f32 v53, v21;
	v30 =	vmul.f32 v54, v21;
	v51 =	vld [tilespmem:s15+$0xFFFFFC00]  }
0x19d: {  	v62 =	vld [tilespmem:s15+$0xFFFFFEA0];
	_ =	sdelay $0x4  }
0x19e: {  	[tilespmem:$0x1FE50] =	vst v62;
	v62 =	vld [tilespmem:s15+$0xFFFFFF20];
	_ =	sdelay $0x4  }
0x19f: {  	[tilespmem:$0x1FE60] =	vst v62;
	v62 =	vld [tilespmem:s15+$0xFFFFFF30];
	_ =	sdelay $0x4  }
0x1a0: {  	[tilespmem:$0x1FE70] =	vst v62;
	v62 =	vld [tilespmem:s15+$0xFFFFFFA0];
	_ =	sdelay $0x4  }
0x1a1: {  	[tilespmem:$0x1FE80] =	vst v62;
	v62 =	vld [tilespmem:s15+$0xFFFFFFB0];
	_ =	sdelay $0x4  }
0x1a2: {  	[tilespmem:$0x1FE90] =	vst v62;
	v62 =	vld [tilespmem:s15+$0x20];
	_ =	sdelay $0x3  }
0x1a3: {  	v0 =	vld [tilespmem:s15+$0xFFFFFC10]  }
0x1a4: {  	[tilespmem:$0x1FEA0] =	vst v62;
	v62 =	vld [tilespmem:s15+$0x30]  }
0x1a5: {  	v52 =	vld [tilespmem:s15+$0xFFFFFC20]  }
0x1a6: {  	v53 =	vld [tilespmem:s15+$0xFFFFFC30]  }
0x1a7: {  	v54 =	vld [tilespmem:s15+$0xFFFFFCA0]  }
0x1a8: {  	v55 =	vld [tilespmem:s15+$0xFFFFFCB0]  }
0x1a9: {  	[tilespmem:$0x1FEB0] =	vst v62;
	v62 =	vld [tilespmem:s15+$0xA0]  }
0x1aa: {  	v56 =	vld [tilespmem:s15+$0xFFFFFD20]  }
0x1ab: {  	v57 =	vld [tilespmem:s15+$0xFFFFFD30]  }
0x1ac: {  	v58 =	vld [tilespmem:s15+$0xFFFFFDA0]  }
0x1ad: {  	v59 =	vld [tilespmem:s15+$0xFFFFFDB0]  }
0x1ae: {  	[tilespmem:$0x1FEC0] =	vst v62;
	v62 =	vld [tilespmem:s15+$0xB0]  }
0x1af: {  	v60 =	vld [tilespmem:s15+$0xFFFFFE20]  }
0x1b0: {  	v61 =	vld [tilespmem:s15+$0xFFFFFE30];
	v51 =	vmul.f32 v51, v44;
	v0 =	vmul.f32 v0, v44  }
0x1b1: {  	v63 =	vld [tilespmem:s15+$0xFFFFFEB0]  }
0x1b2: {  	v35 =	vadd.f32 v51, v35;
	v51 =	vld [tilespmem:s15+$0x230];
	v0 =	vadd.f32 v0, v36;
	v36 =	vmul.f32 v49, v41  }
0x1b3: {  	v49 =	vld [tilespmem:s15+$0x130];
	[tilespmem:$0x1FED0] =	vst v62;
	v62 =	vmul.f32 v53, v44  }
0x1b4: {  	v52 =	vmul.f32 v52, v44;
	v35 =	vadd.f32 v36, v35;
	v36 =	vld [tilespmem:s15+$0x1B0];
	v44 =	vmul.f32 v50, v41  }
0x1b5: {  	v53 =	vld [tilespmem:s15+$0x120];
	v39 =	vadd.f32 v62, v39;
	v62 =	vmul.f32 v54, v41;
	v54 =	vmul.f32 v55, v41  }
0x1b6: {  	v50 =	vld [tilespmem:s15+$0x1A0];
	v0 =	vadd.f32 v44, v0;
	v44 =	vmul.f32 v47, v33;
	v55 =	vmul.f32 v48, v33  }
0x1b7: {  	v60 =	vmul.f32 v60, v28;
	v37 =	vadd.f32 v52, v37;
	v48 =	vld [tilespmem:s15+$0x220]  }
0x1b8: {  	v47 =	vld [tilespmem:s15+$0x320];
	v35 =	vadd.f32 v44, v35;
	v0 =	vadd.f32 v55, v0;
	v55 =	vmul.f32 v45, v31  }
0x1b9: {  	v37 =	vadd.f32 v62, v37;
	v39 =	vadd.f32 v54, v39;
	v54 =	vmul.f32 v57, v33;
	v44 =	vld [tilespmem:s15+$0x2A0]  }
0x1ba: {  	v62 =	vmul.f32 v56, v33;
	v56 =	vmul.f32 v46, v31;
	v35 =	vadd.f32 v55, v35;
	v55 =	vld [tilespmem:$0x1FE50]  }
0x1bb: {  	v46 =	vld [tilespmem:s15+$0x2B0];
	v57 =	vmul.f32 v58, v31;
	v31 =	vmul.f32 v59, v31;
	v33 =	vadd.f32 v54, v39  }
0x1bc: {  	v58 =	vmul.f32 v42, v28;
	v42 =	vld [tilespmem:s15+$0x330];
	v59 =	vmul.f32 v43, v28  }
0x1bd: {  	s16 =	simm.s32 $0x0;
	v28 =	vmul.f32 v61, v28;
	v37 =	vadd.f32 v62, v37;
	v62 =	vld [tilespmem:s15+$0x3B0];
	v31 =	vadd.f32 v31, v33  }
0x1be: {  	v38 =	vmul.f32 v38, v25;
	v54 =	vmul.f32 v40, v25;
	v33 =	vld [tilespmem:s15+$0x3A0];
	[tilespmem:s16], [sflag:$0x1] =	stream.linear.gather [hbm4b:s7+s16], $0x8000, $0x38  }
0x1bf: {  	_ =	swait.ge [sflag:s12], $0x8000;
	v28 =	vadd.f32 v28, v31;
	v40 =	vmul.f32 v55, v25;
	v25 =	vmul.f32 v63, v25  }
0x1c0: {  	v35 =	vadd.f32 v58, v35;
	v58 =	vld [tilespmem:$0x1FE60]  }
0x1c1: {  	v25 =	vadd.f32 v25, v28;
	v28 =	vld [tilespmem:$0x1FE70];
	_ =	sdelay $0x2  }
0x1c2: {  	v0 =	vadd.f32 v56, v0  }
0x1c3: {  	v56 =	vmul.f32 v34, v23;
	v37 =	vadd.f32 v57, v37;
	v31 =	vmul.f32 v32, v23  }
0x1c4: {  	v57 =	vadd.f32 v38, v35;
	v35 =	vmul.f32 v58, v23;
	v23 =	vmul.f32 v28, v23  }
0x1c5: {  	v0 =	vadd.f32 v59, v0;
	v59 =	vld [tilespmem:$0x1FE80]  }
0x1c6: {  	v23 =	vadd.f32 v23, v25;
	v25 =	vld [tilespmem:$0x1FE90]  }
0x1c7: {  	v0 =	vadd.f32 v54, v0  }
0x1c8: {  	[sflag:s12] =	ssyncset.done $0x0  }
0x1c9: {  	s15 =	simm.s32 $0x400;
	[sflag:s12] =	ssyncadd.s32 $0xFFFF8000;
	v0 =	vadd.f32 v56, v0  }
0x1ca: {  	v31 =	vadd.f32 v31, v57;
	v34 =	vld [tilespmem:s15+$0x390]  }
0x1cb: {  	v45 =	vld [tilespmem:s15+$0x300];
	v0 =	vadd.f32 v30, v0;
	v32 =	vmul.f32 v59, v21;
	v21 =	vmul.f32 v25, v21  }
0x1cc: {  	v25 =	vadd.f32 v29, v31;
	v29 =	vld [tilespmem:$0x1FEA0]  }
0x1cd: {  	v0 =	vadd.f32 v27, v0;
	v21 =	vadd.f32 v21, v23;
	v23 =	vld [tilespmem:$0x1FEB0]  }
0x1ce: {  	v52 =	vld [tilespmem:s15+$0x180]  }
0x1cf: {  	v55 =	vld [tilespmem:s15+$0x90];
	v0 =	vadd.f32 v24, v0  }
0x1d0: {  	v37 =	vadd.f32 v60, v37;
	v60 =	vld [tilespmem:s15+$0x0]  }
0x1d1: {  	v54 =	vmul.f32 v62, v1;
	v61 =	vld [tilespmem:s15+$0x10];
	v0 =	vadd.f32 v22, v0  }
0x1d2: {  	v62 =	vld [tilespmem:s15+$0xFFFFFF80];
	v29 =	vmul.f32 v29, v18;
	v18 =	vmul.f32 v23, v18;
	v23 =	vadd.f32 v26, v25  }
0x1d3: {  	v37 =	vadd.f32 v40, v37;
	v0 =	vadd.f32 v19, v0;
	v25 =	vld [tilespmem:$0x1FEC0]  }
0x1d4: {  	v18 =	vadd.f32 v18, v21;
	v21 =	vld [tilespmem:$0x1FED0];
	v2 =	vadd.f32 v2, v23  }
0x1d5: {  	s16 =	sand.u32 $0xF0, s16;
	v63 =	vld [tilespmem:s15+$0xFFFFFF90];
	v35 =	vadd.f32 v35, v37;
	v0 =	vadd.f32 v15, v0  }
0x1d6: {  	v2 =	vadd.f32 v4, v2;
	v4 =	vmul.f32 v50, v13;
	v13 =	vmul.f32 v36, v13;
	v36 =	vld [tilespmem:s16+$0x8300]  }
0x1d7: {  	v39 =	vld [tilespmem:s15+$0xFFFFFF00];
	v37 =	vmul.f32 v44, v7;
	v7 =	vmul.f32 v46, v7;
	v31 =	vadd.f32 v32, v35  }
0x1d8: {  	v41 =	vld [tilespmem:s15+$0xFFFFFE80];
	v19 =	vmul.f32 v47, v6;
	v47 =	vmul.f32 v42, v6;
	v0 =	vadd.f32 v8, v0  }
0x1d9: {  	v43 =	vld [tilespmem:s15+$0xFFFFFE90];
	v26 =	vadd.f32 v29, v31;
	v25 =	vmul.f32 v25, v17;
	v17 =	vmul.f32 v21, v17  }
0x1da: {  	v40 =	vld [tilespmem:s15+$0xFFFFFF10];
	v20 =	vadd.f32 v20, v2;
	v21 =	vmul.f32 v53, v14;
	v14 =	vmul.f32 v49, v14  }
0x1db: {  	v30 =	vld [tilespmem:s15+$0x310];
	v23 =	vadd.f32 v25, v26;
	v53 =	vmul.f32 v33, v1;
	v2 =	vbroadcast v36, $0xE  }
0x1dc: {  	v27 =	vld [tilespmem:s15+$0x290];
	v17 =	vadd.f32 v17, v18;
	v1 =	vbroadcast v36, $0xF;
	v6 =	vbroadcast v36, $0xC  }
0x1dd: {  	v44 =	vld [tilespmem:s15+$0xFFFFFE10];
	v18 =	vadd.f32 v21, v23;
	v15 =	vbroadcast v36, $0x9;
	v23 =	vbroadcast v36, $0x6  }
0x1de: {  	v46 =	vld [tilespmem:s15+$0xFFFFFD90];
	v16 =	vadd.f32 v16, v20;
	v26 =	vbroadcast v36, $0x4;
	v25 =	vbroadcast v36, $0x5  }
0x1df: {  	v35 =	vld [tilespmem:s15+$0x280];
	v0 =	vadd.f32 v9, v0;
	v32 =	vbroadcast v36, $0x2;
	v29 =	vbroadcast v36, $0x3  }
0x1e0: {  	v28 =	vld [tilespmem:s15+$0x380];
	v38 =	vbroadcast v36, $0x0;
	v12 =	vadd.f32 v12, v16;
	v14 =	vadd.f32 v14, v17  }
0x1e1: {  	v24 =	vld [tilespmem:s15+$0x210];
	v17 =	vmul.f32 v48, v11;
	v11 =	vmul.f32 v51, v11;
	v18 =	vadd.f32 v4, v18  }
0x1e2: {  	v51 =	vld [tilespmem:s15+$0x80];
	v4 =	vbroadcast v36, $0xD;
	v8 =	vmul.f32 v34, v1;
	v21 =	vadd.f32 v13, v14  }
0x1e3: {  	v22 =	vld [tilespmem:s15+$0x190];
	v14 =	vbroadcast v36, $0xA;
	v13 =	vbroadcast v36, $0xB;
	v17 =	vadd.f32 v17, v18  }
0x1e4: {  	v31 =	vld [tilespmem:s15+$0x200];
	v18 =	vbroadcast v36, $0x8;
	v9 =	vmul.f32 v35, v4;
	v11 =	vadd.f32 v11, v21  }
0x1e5: {  	v42 =	vld [tilespmem:s15+$0xFFFFFE00];
	v21 =	vbroadcast v36, $0x7;
	v16 =	vadd.f32 v37, v17;
	v37 =	vbroadcast v36, $0x1  }
0x1e6: {  	v49 =	vld [tilespmem:s15+$0x100];
	v34 =	vadd.f32 v3, v0;
	v17 =	vmul.f32 v24, v6;
	v24 =	vmul.f32 v55, v15  }
0x1e7: {  	v50 =	vld [tilespmem:s15+$0x110];
	v3 =	vmul.f32 v51, v15;
	v20 =	vadd.f32 v7, v11;
	v7 =	vmul.f32 v28, v1  }
0x1e8: {  	v48 =	vld [tilespmem:s15+$0xFFFFFD10];
	v28 =	vadd.f32 v10, v12;
	v10 =	vmul.f32 v45, v2;
	v11 =	vmul.f32 v30, v2  }
0x1e9: {  	v51 =	vld [tilespmem:s15+$0xFFFFFC00];
	v12 =	vmul.f32 v27, v4;
	v27 =	vadd.f32 v19, v16;
	v16 =	vmul.f32 v31, v6  }
0x1ea: {  	v45 =	vld [tilespmem:s15+$0xFFFFFD80];
	v19 =	vmul.f32 v52, v13;
	v31 =	vmul.f32 v63, v21;
	v30 =	vadd.f32 v47, v20  }
0x1eb: {  	v47 =	vld [tilespmem:s15+$0xFFFFFD00];
	v20 =	vmul.f32 v22, v13;
	v33 =	vadd.f32 v5, v28;
	v5 =	vmul.f32 v49, v14  }
0x1ec: {  	v22 =	vmul.f32 v50, v14;
	v49 =	vld [tilespmem:s15+$0xFFFFFC80];
	v35 =	vadd.f32 v53, v27;
	v27 =	vmul.f32 v60, v18  }
0x1ed: {  	s16 =	simm.s32 $0x10;
	v50 =	vld [tilespmem:s15+$0xFFFFFC90];
	v28 =	vmul.f32 v61, v18;
	v36 =	vadd.f32 v54, v30;
	v30 =	vmul.f32 v62, v21  }
.LBB2_8:
0x1ee: {  	p0 =	sne.s32 s16, $0xF0;
	v0 =	vld [tilespmem:s15+$0xFFFFFC10];
	v39 =	vmul.f32 v39, v23;
	v40 =	vmul.f32 v40, v23  }
0x1ef: {  	v41 =	vmul.f32 v41, v25;
	v43 =	vmul.f32 v43, v25;
	v52 =	vld [tilespmem:s15+$0xFFFFFC20]  }
0x1f0: {  	v42 =	vmul.f32 v42, v26;
	v44 =	vmul.f32 v44, v26;
	v53 =	vld [tilespmem:s15+$0xFFFFFC30]  }
0x1f1: {  	v45 =	vmul.f32 v45, v29;
	v46 =	vmul.f32 v46, v29;
	v54 =	vld [tilespmem:s15+$0xFFFFFCA0]  }
0x1f2: {  	v47 =	vmul.f32 v47, v32;
	v48 =	vmul.f32 v48, v32;
	v55 =	vld [tilespmem:s15+$0xFFFFFCB0]  }
0x1f3: {  	v49 =	vmul.f32 v49, v37;
	v50 =	vmul.f32 v50, v37;
	v56 =	vld [tilespmem:s15+$0xFFFFFD20]  }
0x1f4: {  	v51 =	vmul.f32 v51, v38;
	v0 =	vmul.f32 v0, v38;
	v57 =	vld [tilespmem:s15+$0xFFFFFD30]  }
0x1f5: {  	v52 =	vmul.f32 v52, v38;
	v38 =	vmul.f32 v53, v38;
	v53 =	vld [tilespmem:s15+$0xFFFFFDA0]  }
0x1f6: {  	v33 =	vadd.f32 v51, v33;
	v0 =	vadd.f32 v0, v34;
	v34 =	vmul.f32 v54, v37;
	v51 =	vld [tilespmem:s15+$0xFFFFFDB0]  }
0x1f7: {  	v35 =	vadd.f32 v52, v35;
	v36 =	vadd.f32 v38, v36;
	v37 =	vmul.f32 v55, v37;
	v38 =	vld [tilespmem:s15+$0xFFFFFE20]  }
0x1f8: {  	v33 =	vadd.f32 v49, v33;
	v0 =	vadd.f32 v50, v0;
	v49 =	vmul.f32 v56, v32;
	v50 =	vld [tilespmem:s15+$0xFFFFFE30]  }
0x1f9: {  	v34 =	vadd.f32 v34, v35;
	v35 =	vadd.f32 v37, v36;
	v32 =	vmul.f32 v57, v32;
	v36 =	vld [tilespmem:s15+$0xFFFFFEA0]  }
0x1fa: {  	v33 =	vadd.f32 v47, v33;
	v0 =	vadd.f32 v48, v0;
	v37 =	vmul.f32 v53, v29;
	v47 =	vld [tilespmem:s15+$0xFFFFFEB0]  }
0x1fb: {  	v34 =	vadd.f32 v49, v34;
	v32 =	vadd.f32 v32, v35;
	v29 =	vmul.f32 v51, v29;
	v35 =	vld [tilespmem:s15+$0xFFFFFF20]  }
0x1fc: {  	v33 =	vadd.f32 v45, v33;
	v0 =	vadd.f32 v46, v0;
	v38 =	vmul.f32 v38, v26;
	v45 =	vld [tilespmem:s15+$0xFFFFFF30]  }
0x1fd: {  	v34 =	vadd.f32 v37, v34;
	v29 =	vadd.f32 v29, v32;
	v26 =	vmul.f32 v50, v26;
	v32 =	vld [tilespmem:s15+$0xFFFFFFA0]  }
0x1fe: {  	v33 =	vadd.f32 v42, v33;
	v0 =	vadd.f32 v44, v0;
	v36 =	vmul.f32 v36, v25;
	v37 =	vld [tilespmem:s15+$0xFFFFFFB0]  }
0x1ff: {  	v34 =	vadd.f32 v38, v34;
	v26 =	vadd.f32 v26, v29;
	v25 =	vmul.f32 v47, v25;
	v29 =	vld [tilespmem:s15+$0x20]  }
0x200: {  	v33 =	vadd.f32 v41, v33;
	v0 =	vadd.f32 v43, v0;
	v35 =	vmul.f32 v35, v23;
	v38 =	vld [tilespmem:s15+$0x30]  }
0x201: {  	v34 =	vadd.f32 v36, v34;
	v25 =	vadd.f32 v25, v26;
	v23 =	vmul.f32 v45, v23;
	v26 =	vld [tilespmem:s15+$0xA0]  }
0x202: {  	v33 =	vadd.f32 v39, v33;
	v0 =	vadd.f32 v40, v0;
	v32 =	vmul.f32 v32, v21;
	v36 =	vld [tilespmem:s15+$0xB0]  }
0x203: {  	v34 =	vadd.f32 v35, v34;
	v23 =	vadd.f32 v23, v25;
	v21 =	vmul.f32 v37, v21;
	v25 =	vld [tilespmem:s15+$0x120]  }
0x204: {  	v30 =	vadd.f32 v30, v33;
	v0 =	vadd.f32 v31, v0;
	v29 =	vmul.f32 v29, v18;
	v31 =	vld [tilespmem:s15+$0x130]  }
0x205: {  	v32 =	vadd.f32 v32, v34;
	v21 =	vadd.f32 v21, v23;
	v18 =	vmul.f32 v38, v18;
	v23 =	vld [tilespmem:s15+$0x1A0]  }
0x206: {  	v27 =	vadd.f32 v27, v30;
	v0 =	vadd.f32 v28, v0;
	v26 =	vmul.f32 v26, v15;
	v28 =	vld [tilespmem:s15+$0x1B0]  }
0x207: {  	v29 =	vadd.f32 v29, v32;
	v18 =	vadd.f32 v18, v21;
	v15 =	vmul.f32 v36, v15;
	v21 =	vld [tilespmem:s15+$0x220]  }
0x208: {  	v3 =	vadd.f32 v3, v27;
	v0 =	vadd.f32 v24, v0;
	v24 =	vmul.f32 v25, v14;
	v25 =	vld [tilespmem:s15+$0x230]  }
0x209: {  	v26 =	vadd.f32 v26, v29;
	v15 =	vadd.f32 v15, v18;
	v14 =	vmul.f32 v31, v14;
	v18 =	vld [tilespmem:s15+$0x2A0]  }
0x20a: {  	v3 =	vadd.f32 v5, v3;
	v0 =	vadd.f32 v22, v0;
	v5 =	vmul.f32 v23, v13;
	v22 =	vld [tilespmem:s15+$0x2B0]  }
0x20b: {  	v23 =	vadd.f32 v24, v26;
	v14 =	vadd.f32 v14, v15;
	v13 =	vmul.f32 v28, v13;
	v15 =	vld [tilespmem:s15+$0x320]  }
0x20c: {  	v3 =	vadd.f32 v19, v3;
	v0 =	vadd.f32 v20, v0;
	v19 =	vmul.f32 v21, v6;
	v20 =	vld [tilespmem:s15+$0x330]  }
0x20d: {  	v5 =	vadd.f32 v5, v23;
	v13 =	vadd.f32 v13, v14;
	v6 =	vmul.f32 v25, v6;
	v14 =	vld [tilespmem:s15+$0x3A0]  }
0x20e: {  	v3 =	vadd.f32 v16, v3;
	v0 =	vadd.f32 v17, v0;
	v16 =	vmul.f32 v18, v4;
	v17 =	vld [tilespmem:s15+$0x3B0];
	s15 =	sadd.s32 $0x800, s15  }
0x20f: {  	v5 =	vadd.f32 v19, v5;
	v24 =	vld [tilespmem:s15+$0x380];
	v6 =	vadd.f32 v6, v13;
	v4 =	vmul.f32 v22, v4  }
0x210: {  	v3 =	vadd.f32 v9, v3;
	v0 =	vadd.f32 v12, v0;
	v19 =	vld [tilespmem:s15+$0x390];
	v9 =	vmul.f32 v15, v2  }
0x211: {  	v5 =	vadd.f32 v16, v5;
	v12 =	vld [tilespmem:s15+$0x300];
	v4 =	vadd.f32 v4, v6;
	v2 =	vmul.f32 v20, v2  }
0x212: {  	v3 =	vadd.f32 v10, v3;
	v0 =	vadd.f32 v11, v0;
	v16 =	vld [tilespmem:s15+$0x310];
	v6 =	vmul.f32 v14, v1  }
0x213: {  	v5 =	vadd.f32 v9, v5;
	v20 =	vld [tilespmem:s15+$0x280];
	v2 =	vadd.f32 v2, v4;
	v1 =	vmul.f32 v17, v1  }
0x214: {  	v33 =	vadd.f32 v7, v3;
	v34 =	vadd.f32 v8, v0;
	v17 =	vld [tilespmem:s15+$0x290]  }
0x215: {  	v35 =	vadd.f32 v6, v5;
	v0 =	vld [tilespmem:s15+$0x200];
	v36 =	vadd.f32 v1, v2  }
0x216: {  	v3 =	vld [tilespmem:s15+$0x210]  }
0x217: {  	v5 =	vld [tilespmem:s15+$0x180]  }
0x218: {  	s17 =	sand.u32 $0xF0, s16;
	v22 =	vld [tilespmem:s15+$0x190]  }
0x219: {  	v7 =	vld [tilespmem:s17+$0x8300]  }
0x21a: {  	v27 =	vld [tilespmem:s15+$0x100]  }
0x21b: {  	v28 =	vld [tilespmem:s15+$0x110]  }
0x21c: {  	v30 =	vld [tilespmem:s15+$0x80]  }
0x21d: {  	v31 =	vld [tilespmem:s15+$0x90]  }
0x21e: {  	v51 =	vld [tilespmem:s15+$0x0];
	v2 =	vbroadcast v7, $0xE;
	v1 =	vbroadcast v7, $0xF  }
0x21f: {  	v6 =	vbroadcast v7, $0xC;
	v4 =	vbroadcast v7, $0xD;
	v52 =	vld [tilespmem:s15+$0x10]  }
0x220: {  	v14 =	vbroadcast v7, $0xA;
	v13 =	vbroadcast v7, $0xB;
	v53 =	vld [tilespmem:s15+$0xFFFFFF80]  }
0x221: {  	v18 =	vbroadcast v7, $0x8;
	v15 =	vbroadcast v7, $0x9;
	v54 =	vld [tilespmem:s15+$0xFFFFFF90]  }
0x222: {  	v23 =	vbroadcast v7, $0x6;
	v21 =	vbroadcast v7, $0x7;
	v39 =	vld [tilespmem:s15+$0xFFFFFF00]  }
0x223: {  	v26 =	vbroadcast v7, $0x4;
	v25 =	vbroadcast v7, $0x5;
	v40 =	vld [tilespmem:s15+$0xFFFFFF10]  }
0x224: {  	v32 =	vbroadcast v7, $0x2;
	v29 =	vbroadcast v7, $0x3;
	v41 =	vld [tilespmem:s15+$0xFFFFFE80]  }
0x225: {  	v38 =	vbroadcast v7, $0x0;
	v37 =	vbroadcast v7, $0x1;
	v43 =	vld [tilespmem:s15+$0xFFFFFE90]  }
0x226: {  	v7 =	vmul.f32 v24, v1;
	v8 =	vmul.f32 v19, v1;
	v42 =	vld [tilespmem:s15+$0xFFFFFE00]  }
0x227: {  	v10 =	vmul.f32 v12, v2;
	v11 =	vmul.f32 v16, v2;
	v44 =	vld [tilespmem:s15+$0xFFFFFE10]  }
0x228: {  	v9 =	vmul.f32 v20, v4;
	v12 =	vmul.f32 v17, v4;
	v45 =	vld [tilespmem:s15+$0xFFFFFD80]  }
0x229: {  	v16 =	vmul.f32 v0, v6;
	v17 =	vmul.f32 v3, v6;
	v46 =	vld [tilespmem:s15+$0xFFFFFD90]  }
.Ltmp3:
0x22a: {  	v19 =	vmul.f32 v5, v13;
	v20 =	vmul.f32 v22, v13;
	v47 =	vld [tilespmem:s15+$0xFFFFFD00];
	(pc) =	sbr.rel @p0 .LBB2_8-.Ltmp3, $4  }
0x22b: {  	v5 =	vmul.f32 v27, v14;
	v22 =	vmul.f32 v28, v14;
	v48 =	vld [tilespmem:s15+$0xFFFFFD10]  }
0x22c: {  	v3 =	vmul.f32 v30, v15;
	v24 =	vmul.f32 v31, v15;
	v49 =	vld [tilespmem:s15+$0xFFFFFC80]  }
0x22d: {  	v27 =	vmul.f32 v51, v18;
	v28 =	vmul.f32 v52, v18;
	v50 =	vld [tilespmem:s15+$0xFFFFFC90]  }
0x22e: {  	s16 =	sadd.s32 $0x10, s16;
	v30 =	vmul.f32 v53, v21;
	v31 =	vmul.f32 v54, v21;
	v51 =	vld [tilespmem:s15+$0xFFFFFC00]  }
0x22f: {  	v0 =	vld [tilespmem:s15+$0xFFFFFC10];
	v39 =	vmul.f32 v39, v23;
	v40 =	vmul.f32 v40, v23  }
0x230: {  	v52 =	vld [tilespmem:s15+$0xFFFFFC20];
	v41 =	vmul.f32 v41, v25;
	v43 =	vmul.f32 v43, v25  }
0x231: {  	v53 =	vld [tilespmem:s15+$0xFFFFFC30];
	v42 =	vmul.f32 v42, v26;
	v44 =	vmul.f32 v44, v26  }
0x232: {  	v54 =	vld [tilespmem:s15+$0xFFFFFCA0];
	v45 =	vmul.f32 v45, v29;
	v46 =	vmul.f32 v46, v29  }
0x233: {  	v55 =	vld [tilespmem:s15+$0xFFFFFCB0];
	v47 =	vmul.f32 v47, v32;
	v48 =	vmul.f32 v48, v32  }
0x234: {  	v56 =	vld [tilespmem:s15+$0xFFFFFD20];
	v49 =	vmul.f32 v49, v37;
	v50 =	vmul.f32 v50, v37  }
0x235: {  	v57 =	vld [tilespmem:s15+$0xFFFFFD30];
	v51 =	vmul.f32 v51, v38;
	v0 =	vmul.f32 v0, v38  }
0x236: {  	v58 =	vld [tilespmem:s15+$0xFFFFFDB0];
	v52 =	vmul.f32 v52, v38;
	v63 =	vmul.f32 v53, v38  }
0x237: {  	v53 =	vld [tilespmem:s15+$0xFFFFFDA0];
	v54 =	vmul.f32 v54, v37;
	v33 =	vadd.f32 v51, v33;
	v0 =	vadd.f32 v0, v34  }
0x238: {  	v60 =	vld [tilespmem:s15+$0xFFFFFE20];
	v59 =	vmul.f32 v55, v37;
	v35 =	vadd.f32 v52, v35;
	v36 =	vadd.f32 v63, v36  }
0x239: {  	v62 =	vld [tilespmem:s15+$0xFFFFFE30];
	v61 =	vmul.f32 v56, v32;
	v33 =	vadd.f32 v49, v33;
	v0 =	vadd.f32 v50, v0  }
0x23a: {  	v56 =	vld [tilespmem:s15+$0xFFFFFEB0];
	v52 =	vmul.f32 v57, v32;
	v34 =	vadd.f32 v54, v35;
	v63 =	vadd.f32 v59, v36  }
0x23b: {  	v57 =	vmul.f32 v58, v29;
	v54 =	vld [tilespmem:s15+$0xFFFFFEA0];
	v33 =	vadd.f32 v47, v33;
	v0 =	vadd.f32 v48, v0  }
0x23c: {  	v58 =	vld [tilespmem:s15+$0xFFFFFF20];
	v55 =	vmul.f32 v53, v29;
	v34 =	vadd.f32 v61, v34;
	v32 =	vadd.f32 v52, v63  }
0x23d: {  	v38 =	vmul.f32 v60, v26;
	v59 =	vld [tilespmem:s15+$0xFFFFFF30];
	v33 =	vadd.f32 v45, v33;
	v0 =	vadd.f32 v46, v0  }
0x23e: {  	v60 =	vmul.f32 v62, v26;
	v62 =	vld [tilespmem:s15+$0xFFFFFFB0];
	v34 =	vadd.f32 v55, v34;
	v29 =	vadd.f32 v57, v32  }
0x23f: {  	v61 =	vld [tilespmem:s15+$0xFFFFFFA0];
	v63 =	vmul.f32 v56, v25;
	v33 =	vadd.f32 v42, v33;
	v0 =	vadd.f32 v44, v0  }
0x240: {  	v36 =	vmul.f32 v54, v25;
	v42 =	vld [tilespmem:s15+$0x20];
	v34 =	vadd.f32 v38, v34;
	v26 =	vadd.f32 v60, v29  }
0x241: {  	v35 =	vmul.f32 v58, v23;
	v33 =	vadd.f32 v41, v33;
	v0 =	vadd.f32 v43, v0;
	v43 =	vld [tilespmem:s15+$0x30]  }
0x242: {  	v45 =	vld [tilespmem:s15+$0xA0];
	v44 =	vmul.f32 v59, v23;
	v34 =	vadd.f32 v36, v34;
	v25 =	vadd.f32 v63, v26  }
0x243: {  	v47 =	vmul.f32 v62, v21;
	v46 =	vld [tilespmem:s15+$0xB0];
	v33 =	vadd.f32 v39, v33;
	v0 =	vadd.f32 v40, v0  }
0x244: {  	v49 =	vld [tilespmem:s15+$0x130];
	v32 =	vmul.f32 v61, v21;
	v34 =	vadd.f32 v35, v34;
	v23 =	vadd.f32 v44, v25  }
0x245: {  	v48 =	vld [tilespmem:s15+$0x120];
	v29 =	vmul.f32 v42, v18;
	v30 =	vadd.f32 v30, v33;
	v0 =	vadd.f32 v31, v0  }
0x246: {  	v51 =	vld [tilespmem:s15+$0x1A0];
	v32 =	vadd.f32 v32, v34;
	v21 =	vadd.f32 v47, v23;
	v50 =	vmul.f32 v43, v18  }
0x247: {  	v52 =	vld [tilespmem:s15+$0x1B0];
	v26 =	vmul.f32 v45, v15;
	v27 =	vadd.f32 v27, v30;
	v0 =	vadd.f32 v28, v0  }
0x248: {  	v56 =	vld [tilespmem:s15+$0x230];
	v53 =	vmul.f32 v46, v15;
	v29 =	vadd.f32 v29, v32;
	v18 =	vadd.f32 v50, v21  }
0x249: {  	v57 =	vmul.f32 v49, v14;
	v54 =	vld [tilespmem:s15+$0x220];
	v3 =	vadd.f32 v3, v27;
	v0 =	vadd.f32 v24, v0  }
0x24a: {  	v60 =	vld [tilespmem:s15+$0x2B0];
	v55 =	vmul.f32 v48, v14;
	v26 =	vadd.f32 v26, v29;
	v15 =	vadd.f32 v53, v18  }
0x24b: {  	v58 =	vld [tilespmem:s15+$0x2A0];
	v59 =	vmul.f32 v51, v13;
	v3 =	vadd.f32 v5, v3;
	v0 =	vadd.f32 v22, v0  }
0x24c: {  	v62 =	vmul.f32 v52, v13;
	v63 =	vld [tilespmem:s15+$0x320];
	v61 =	vadd.f32 v55, v26;
	v14 =	vadd.f32 v57, v15  }
0x24d: {  	v27 =	vmul.f32 v56, v6;
	v26 =	vld [tilespmem:s15+$0x330];
	v3 =	vadd.f32 v19, v3;
	v0 =	vadd.f32 v20, v0  }
0x24e: {  	v30 =	vld [tilespmem:s15+$0x3B0];
	v24 =	vmul.f32 v54, v6;
	v5 =	vadd.f32 v59, v61;
	v13 =	vadd.f32 v62, v14  }
0x24f: {  	v31 =	vmul.f32 v60, v4;
	v28 =	vld [tilespmem:s15+$0x3A0];
	v3 =	vadd.f32 v16, v3;
	v0 =	vadd.f32 v17, v0  }
0x250: {  	v29 =	vmul.f32 v58, v4;
	v5 =	vadd.f32 v24, v5;
	v6 =	vadd.f32 v27, v13  }
0x251: {  	v32 =	vmul.f32 v63, v2;
	v3 =	vadd.f32 v9, v3;
	v0 =	vadd.f32 v12, v0  }
0x252: {  	v33 =	vmul.f32 v26, v2;
	v5 =	vadd.f32 v29, v5;
	v4 =	vadd.f32 v31, v6  }
0x253: {  	v35 =	vmul.f32 v30, v1;
	v3 =	vadd.f32 v10, v3;
	v0 =	vadd.f32 v11, v0  }
0x254: {  	v34 =	vmul.f32 v28, v1;
	v5 =	vadd.f32 v32, v5;
	v2 =	vadd.f32 v33, v4  }
0x255: {  	v7 =	vadd.f32 v7, v3;
	v36 =	vadd.f32 v8, v0  }
0x256: {  	v5 =	vadd.f32 v34, v5;
	v37 =	vadd.f32 v35, v2;
	_ =	sdelay $0x1  }
0x257: {  	v0 =	vmax.f32 v7, v36;
	v1 =	vmax.f32 v5, v37  }
0x258: {  	v0 =	vmax.f32 v0, v1  }
0x259: {  	(v2sf) =	vpush v0, $0x0  }
0x25a: {  	(v2sf) =	vpush v0, $0x1  }
0x25b: {  	(v2sf) =	vpush v0, $0x2  }
0x25c: {  	(v2sf) =	vpush v0, $0x3  }
0x25d: {  	(v2sf) =	vpush v0, $0x4  }
0x25e: {  	(v2sf) =	vpush v0, $0x5  }
0x25f: {  	(v2sf) =	vpush v0, $0x6  }
0x260: {  	(v2sf) =	vpush v0, $0x7  }
0x261: {  	(v2sf) =	vpush v0, $0x8  }
0x262: {  	(v2sf) =	vpush v0, $0x9  }
0x263: {  	(v2sf) =	vpush v0, $0xA  }
0x264: {  	(v2sf) =	vpush v0, $0xB  }
0x265: {  	(v2sf) =	vpush v0, $0xC  }
0x266: {  	(v2sf) =	vpush v0, $0xD  }
0x267: {  	(v2sf) =	vpush v0, $0xE  }
0x268: {  	s24 =	spop (v2sf);
	(v2sf) =	vpush v0, $0xF  }
0x269: {  	s16 =	spop (v2sf)  }
0x26a: {  	s15 =	smax.f32 s24, s16;
	s25 =	spop (v2sf)  }
0x26b: {  	s15 =	smax.f32 s15, s25;
	s26 =	spop (v2sf)  }
0x26c: {  	s15 =	smax.f32 s15, s26;
	s28 =	spop (v2sf)  }
0x26d: {  	s15 =	smax.f32 s15, s28;
	s29 =	spop (v2sf)  }
0x26e: {  	s15 =	smax.f32 s15, s29;
	s30 =	spop (v2sf)  }
0x26f: {  	s15 =	smax.f32 s15, s30;
	s31 =	spop (v2sf)  }
0x270: {  	s15 =	smax.f32 s15, s31;
	s17 =	spop (v2sf)  }
0x271: {  	s15 =	smax.f32 s15, s17;
	s18 =	spop (v2sf)  }
0x272: {  	s15 =	smax.f32 s15, s18;
	s19 =	spop (v2sf)  }
0x273: {  	s15 =	smax.f32 s15, s19;
	s20 =	spop (v2sf)  }
0x274: {  	s15 =	smax.f32 s15, s20;
	s21 =	spop (v2sf)  }
0x275: {  	s15 =	smax.f32 s15, s21;
	s22 =	spop (v2sf)  }
0x276: {  	s15 =	smax.f32 s15, s22;
	s23 =	spop (v2sf)  }
0x277: {  	s15 =	smax.f32 s15, s23;
	s24 =	spop (v2sf)  }
0x278: {  	v38 =	vlaneseq.u32;
	s15 =	smax.f32 s15, s24  }
0x279: {  	v39 =	vor.u32 $0x30, v38;
	vm0 =	veq.f32 v37, s15  }
0x27a: {  	v41 =	vor.u32 $0x20, v38;
	vm1 =	veq.f32 v5, s15;
	v40 =	vnsel vm0, $0x40, v39  }
0x27b: {  	v42 =	vor.u32 $0x10, v38;
	vm6 =	veq.f32 v36, s15;
	v0 =	vsel vm1, v41, v40  }
0x27c: {  	vm7 =	veq.f32 v7, s15;
	v0 =	vsel vm6, v42, v0  }
0x27d: {  	v0 =	vsel vm7, v38, v0  }
0x27e: {  	(v2sf) =	vpush v0, $0x0  }
0x27f: {  	(v2sf) =	vpush v0, $0x1  }
0x280: {  	(v2sf) =	vpush v0, $0x2;
	_ =	sdelay $0x1  }
0x281: {  	(v2sf) =	vpush v0, $0x3;
	_ =	sdelay $0x1  }
0x282: {  	(v2sf) =	vpush v0, $0x4;
	_ =	sdelay $0x1  }
0x283: {  	(v2sf) =	vpush v0, $0x5;
	_ =	sdelay $0x1  }
0x284: {  	(v2sf) =	vpush v0, $0x6;
	_ =	sdelay $0x1  }
0x285: {  	(v2sf) =	vpush v0, $0x7;
	_ =	sdelay $0x1  }
0x286: {  	(v2sf) =	vpush v0, $0x8  }
0x287: {  	s25 =	spop (v2sf)  }
0x288: {  	(v2sf) =	vpush v0, $0x9;
	s17 =	spop (v2sf)  }
0x289: {  	s16 =	smin.u32 s25, s17;
	s17 =	spop (v2sf)  }
0x28a: {  	(v2sf) =	vpush v0, $0xA;
	p0 =	slt.s32 s16, s17  }
0x28b: {  	s17 =	smov.u32 @p0 s16;
	s16 =	spop (v2sf)  }
0x28c: {  	(v2sf) =	vpush v0, $0xB;
	p0 =	slt.s32 s17, s16  }
0x28d: {  	s16 =	smov.u32 @p0 s17;
	s17 =	spop (v2sf)  }
0x28e: {  	(v2sf) =	vpush v0, $0xC;
	p0 =	slt.s32 s16, s17  }
0x28f: {  	s17 =	smov.u32 @p0 s16;
	s16 =	spop (v2sf)  }
0x290: {  	(v2sf) =	vpush v0, $0xD;
	p0 =	slt.s32 s17, s16  }
0x291: {  	s16 =	smov.u32 @p0 s17;
	s17 =	spop (v2sf)  }
0x292: {  	(v2sf) =	vpush v0, $0xE;
	p0 =	slt.s32 s16, s17  }
0x293: {  	s17 =	smov.u32 @p0 s16;
	s16 =	spop (v2sf)  }
0x294: {  	(v2sf) =	vpush v0, $0xF;
	p0 =	slt.s32 s17, s16  }
0x295: {  	s16 =	smov.u32 @p0 s17;
	s17 =	spop (v2sf)  }
0x296: {  	p0 =	slt.s32 s16, s17  }
0x297: {  	s17 =	smov.u32 @p0 s16;
	s16 =	spop (v2sf)  }
0x298: {  	p0 =	slt.s32 s17, s16  }
0x299: {  	s16 =	smov.u32 @p0 s17;
	s17 =	spop (v2sf)  }
0x29a: {  	p0 =	slt.s32 s16, s17  }
0x29b: {  	s17 =	smov.u32 @p0 s16;
	s16 =	spop (v2sf)  }
0x29c: {  	p0 =	slt.s32 s17, s16  }
0x29d: {  	s16 =	smov.u32 @p0 s17;
	s17 =	spop (v2sf)  }
0x29e: {  	p0 =	slt.s32 s16, s17  }
0x29f: {  	s17 =	smov.u32 @p0 s16;
	s16 =	spop (v2sf)  }
0x2a0: {  	p0 =	slt.s32 s17, s16  }
0x2a1: {  	s16 =	smov.u32 @p0 s17;
	s17 =	spop (v2sf)  }
0x2a2: {  	p0 =	slt.s32 s16, s17  }
0x2a3: {  	s17 =	smov.u32 @p0 s16;
	s16 =	spop (v2sf)  }
0x2a4: {  	p0 =	slt.s32 s17, s16  }
0x2a5: {  	s16 =	smov.u32 @p0 s17  }
0x2a6: {  	v43 =	vmov s16  }
0x2a7: {  	vm3 =	veq.s32 v43, v38;
	vm2 =	veq.s32 v43, v42  }
0x2a8: {  	vm8 =	veq.s32 v43, v41;
	vm9 =	veq.s32 v43, v39;
	v7 =	vsel vm3, $0xFF800000, v7  }
0x2a9: {  	v44 =	vsel vm2, $0xFF800000, v36;
	v45 =	vsel vm8, $0xFF800000, v5;
	v46 =	vsel vm9, $0xFF800000, v37  }
0x2aa: {  	v47 =	vmax.f32 v7, v44;
	v48 =	vmax.f32 v45, v46  }
0x2ab: {  	v6 =	vmax.f32 v47, v48  }
0x2ac: {  	(v2sf) =	vpush v6, $0x0  }
0x2ad: {  	(v2sf) =	vpush v6, $0x1  }
0x2ae: {  	(v2sf) =	vpush v6, $0x2  }
0x2af: {  	(v2sf) =	vpush v6, $0x3  }
0x2b0: {  	(v2sf) =	vpush v6, $0x4  }
0x2b1: {  	(v2sf) =	vpush v6, $0x5  }
0x2b2: {  	(v2sf) =	vpush v6, $0x6  }
0x2b3: {  	(v2sf) =	vpush v6, $0x7  }
0x2b4: {  	(v2sf) =	vpush v6, $0x8  }
0x2b5: {  	(v2sf) =	vpush v6, $0x9  }
0x2b6: {  	(v2sf) =	vpush v6, $0xA  }
0x2b7: {  	(v2sf) =	vpush v6, $0xB  }
0x2b8: {  	(v2sf) =	vpush v6, $0xC  }
0x2b9: {  	(v2sf) =	vpush v6, $0xD  }
0x2ba: {  	(v2sf) =	vpush v6, $0xE  }
0x2bb: {  	s26 =	spop (v2sf);
	(v2sf) =	vpush v6, $0xF  }
0x2bc: {  	s28 =	spop (v2sf)  }
0x2bd: {  	s18 =	spop (v2sf);
	s16 =	smax.f32 s26, s28  }
0x2be: {  	s29 =	spop (v2sf);
	s16 =	smax.f32 s16, s18  }
0x2bf: {  	s30 =	spop (v2sf);
	s16 =	smax.f32 s16, s29  }
0x2c0: {  	s31 =	spop (v2sf);
	s16 =	smax.f32 s16, s30  }
0x2c1: {  	s19 =	spop (v2sf);
	s16 =	smax.f32 s16, s31  }
0x2c2: {  	s16 =	smax.f32 s16, s19;
	s20 =	spop (v2sf)  }
0x2c3: {  	s16 =	smax.f32 s16, s20;
	s21 =	spop (v2sf)  }
0x2c4: {  	s16 =	smax.f32 s16, s21;
	s22 =	spop (v2sf)  }
0x2c5: {  	s16 =	smax.f32 s16, s22;
	s23 =	spop (v2sf)  }
0x2c6: {  	s16 =	smax.f32 s16, s23;
	s24 =	spop (v2sf)  }
0x2c7: {  	s16 =	smax.f32 s16, s24;
	s25 =	spop (v2sf)  }
0x2c8: {  	s16 =	smax.f32 s16, s25;
	s26 =	spop (v2sf)  }
0x2c9: {  	s16 =	smax.f32 s16, s26;
	s28 =	spop (v2sf)  }
0x2ca: {  	s16 =	smax.f32 s16, s28;
	s29 =	spop (v2sf)  }
0x2cb: {  	s16 =	smax.f32 s16, s29  }
0x2cc: {  	vm4 =	veq.f32 v46, s16  }
0x2cd: {  	vm5 =	veq.f32 v45, s16;
	v49 =	vnsel vm4, $0x40, v39  }
0x2ce: {  	vm10 =	veq.f32 v44, s16;
	v50 =	vsel vm5, v41, v49  }
0x2cf: {  	vm11 =	veq.f32 v7, s16;
	v0 =	vsel vm10, v42, v50  }
0x2d0: {  	v0 =	vsel vm11, v38, v0  }
0x2d1: {  	(v2sf) =	vpush v0, $0x0  }
0x2d2: {  	(v2sf) =	vpush v0, $0x1  }
0x2d3: {  	(v2sf) =	vpush v0, $0x2;
	_ =	sdelay $0x1  }
0x2d4: {  	(v2sf) =	vpush v0, $0x3;
	_ =	sdelay $0x1  }
0x2d5: {  	(v2sf) =	vpush v0, $0x4;
	_ =	sdelay $0x1  }
0x2d6: {  	(v2sf) =	vpush v0, $0x5;
	_ =	sdelay $0x1  }
0x2d7: {  	(v2sf) =	vpush v0, $0x6;
	_ =	sdelay $0x1  }
0x2d8: {  	(v2sf) =	vpush v0, $0x7;
	_ =	sdelay $0x1  }
0x2d9: {  	(v2sf) =	vpush v0, $0x8  }
0x2da: {  	s15 =	ssub.f32 s16, s15;
	s30 =	spop (v2sf)  }
0x2db: {  	(v2sf) =	vpush v0, $0x9;
	s31 =	spop (v2sf)  }
0x2dc: {  	v51 =	vmov s15;
	s16 =	smin.u32 s30, s31;
	s17 =	spop (v2sf)  }
0x2dd: {  	v4 =	vadd.f32 $0.0e+00, v51;
	(v2sf) =	vpush v0, $0xA;
	p0 =	slt.s32 s16, s17  }
0x2de: {  	s15 =	spop (v2sf);
	s17 =	smov.u32 @p0 s16  }
0x2df: {  	v4 =	vmul.f32 $1.442695020e+00, v4;
	(v2sf) =	vpush v0, $0xB;
	p0 =	slt.s32 s17, s15  }
0x2e0: {  	s16 =	spop (v2sf);
	s15 =	smov.u32 @p0 s17  }
0x2e1: {  	v4 =	vbroadcast v4, $0x0;
	(v2sf) =	vpush v0, $0xC;
	p0 =	slt.s32 s15, s16  }
0x2e2: {  	s16 =	smov.u32 @p0 s15;
	s15 =	spop (v2sf)  }
0x2e3: {  	(erf) = vpow2.f32 v4;
	(v2sf) =	vpush v0, $0xD;
	p0 =	slt.s32 s16, s15  }
0x2e4: {  	s15 =	smov.u32 @p0 s16;
	s16 =	spop (v2sf)  }
0x2e5: {  	(v2sf) =	vpush v0, $0xE;
	p0 =	slt.s32 s15, s16  }
0x2e6: {  	s16 =	smov.u32 @p0 s15;
	s15 =	spop (v2sf)  }
0x2e7: {  	(v2sf) =	vpush v0, $0xF;
	p0 =	slt.s32 s16, s15  }
0x2e8: {  	s17 =	spop (v2sf);
	s15 =	smov.u32 @p0 s16  }
0x2e9: {  	p0 =	slt.s32 s15, s17  }
0x2ea: {  	s16 =	spop (v2sf);
	s17 =	smov.u32 @p0 s15  }
0x2eb: {  	p0 =	slt.s32 s17, s16  }
0x2ec: {  	v52 =	vpop (erf);
	s15 =	spop (v2sf);
	s16 =	smov.u32 @p0 s17  }
0x2ed: {  	v53 =	vadd.f32 $1.000000000e+00, v52;
	p0 =	slt.s32 s16, s15  }
0x2ee: {  	s17 =	spop (v2sf);
	s15 =	smov.u32 @p0 s16  }
0x2ef: {  	(erf) = vrcp.f32 v53;
	p0 =	slt.s32 s15, s17  }
0x2f0: {  	s16 =	spop (v2sf);
	s17 =	smov.u32 @p0 s15  }
0x2f1: {  	p0 =	slt.s32 s17, s16  }
0x2f2: {  	s15 =	spop (v2sf);
	s16 =	smov.u32 @p0 s17  }
0x2f3: {  	p0 =	slt.s32 s16, s15  }
0x2f4: {  	s17 =	spop (v2sf);
	s15 =	smov.u32 @p0 s16  }
0x2f5: {  	p0 =	slt.s32 s15, s17  }
0x2f6: {  	s17 =	smov.u32 @p0 s15;
	s15 =	spop (v2sf)  }
0x2f7: {  	p0 =	slt.s32 s17, s15  }
0x2f8: {  	v4 =	vpop (erf);
	s15 =	smov.u32 @p0 s17  }
0x2f9: {  	v0 =	vmul.f32 v4, v52;
	v54 =	vmov s15  }
0x2fa: {  	v55 =	vnsel vm3, $0x0, v4;
	v57 =	vnsel vm2, $0x0, v4;
	vm12 =	veq.s32 v54, v38  }
0x2fb: {  	v60 =	vnsel vm8, $0x0, v4;
	vm13 =	veq.s32 v54, v42;
	v56 =	vnsel vm12, $0x0, v0  }
0x2fc: {  	vm14 =	veq.s32 v54, v41;
	v58 =	vnsel vm13, $0x0, v0;
	v3 =	vadd.f32 v56, v55  }
0x2fd: {  	vm15 =	veq.s32 v54, v39;
	v61 =	vnsel vm14, $0x0, v0;
	v59 =	vadd.f32 v58, v57  }
0x2fe: {  	v63 =	vnsel vm9, $0x0, v4;
	v0 =	vnsel vm15, $0x0, v0;
	v62 =	vadd.f32 v61, v60;
	[tilespmem:$0x8400] =	vst v3  }
0x2ff: {  	s14 =	sadd.s32 $0x1, s14;
	v0 =	vadd.f32 v0, v63;
	[tilespmem:$0x8410] =	vst v59  }
0x300: {  	p0 =	sne.s32 s14, s9;
	[tilespmem:$0x8420] =	vst v62  }
.Ltmp4:
0x301: {  	[tilespmem:$0x8430] =	vst v0;
	(pc) =	sbr.rel @p0 .LBB2_1-.Ltmp4, $4  }
0x302: {  	[hbm4b:s8+s2] =	stream.linear.scatter [tilespmem:s13], [sflag:$0x1], $0x80, $0x38;
	[tilespmem:$0x8480] =	vst v63  }
0x303: {  	_ =	swait.ge [sflag:s12], $0x80  }
0x304: {  	[sflag:s12] =	ssyncset.done $0x0  }
0x305: {  	[sflag:s12] =	ssyncadd.s32 $0xFFFFFF80  }
0x306: {  	_ =	sfence.sel $0x180000  }
0x307: {  	[bflag:$0x0] =	sbarrier.arrive $0xFFFF  }
0x308: {  	p0 =	sne.s32 s1, $0x0;
	_ =	strace $0x90000047  }
0x309: {  	s0 =	sadd.s32 @!p0 $0x100000, s0;
	[bflag:$0x2] =	sbarrier.arrive $0xFFFF  }
0x30a: {  	[sflag:s0] =	ssyncadd.tile.s32 @!p0 $0x1;
	_ =	shalt  }
.Lfunc_end2:
_tile_overlayer_lowered:
.L_overlay_start_2:
0x30b: {  	(tag) =	ssettag $0x2  }
0x30c: {  	s0 =	rddreg [dreg:$0x0];
	s2 =	stileid.u32  }
0x30d: {  	s1 =	rddreg [dreg:$0x1];
	p0 =	sne.s32 s2, $0x0  }
0x30e: {  	s3 =	rddreg [dreg:$0x2];
	[bflag:$0x3] =	sbarrier.arrive $0xFFFF;
	s2 =	simm.s32 @!p0 $0x1C01  }
0x30f: {  	[timem:s3], [sflag:s2] =	dma.local @!p0 [hbm:s0], s1  }
0x310: {  	s0 =	simm.s32 @!p0 $0x1  }
0x311: {  	_ =	swait.ge @!p0 [sflag:s0], s1  }
0x312: {  	s1 =	ssub.s32 @!p0 $0x0, s1;
	[sflag:s0] =	ssyncset.done @!p0 $0x0  }
0x313: {  	[sflag:s0] =	ssyncadd.s32 @!p0 s1  }
0x314: {  	[bflag:$0x3] =	sbarrier.arrive $0xFFFF  }
0x315: {  	_ =	shalt  }

</sc_bundles>
